<compile_context>
chip_gen: v7x
topology: tpu7x:2x2x1
jax: 0.10.2.dev20260603
libtpu: 0.0.44.dev20260713+nightly
codegen_flags: <defaults>
</compile_context>

<pallas_src>
import functools

import jax
import jax.numpy as jnp
from jax import lax
from jax.experimental import pallas as pl
from jax.experimental.pallas import tpu as pltpu
from jax.experimental.pallas import tpu_sc as plsc

EPS = 1e-3
F = 128


def _fold_bn(p):
    s = p["gamma"] / jnp.sqrt(1.0 + EPS)
    return p["W"] * s[None, :], (p["b"] * s + p["beta"])[None, :], p["alpha"][None, :]




def _mlp_body(cs, act1, second, act2, rows, *refs):
    g = len(cs)
    feats = refs[:g]
    ws = refs[g:2 * g]
    i = 2 * g
    b1, a1 = refs[i], refs[i + 1]
    i += 2
    if second:
        w2, b2, a2 = refs[i], refs[i + 1], refs[i + 2]
        i += 3
    out = refs[i]

    def dot3(a, w):
        return jnp.dot(a, w, preferred_element_type=jnp.float32,
                       precision=lax.Precision.HIGHEST)

    acc = jnp.zeros((rows, F), jnp.float32)
    for j in range(g):
        w = ws[j][...]
        for c in range(cs[j]):
            acc = acc + dot3(feats[j][c], w)
    y = acc + b1[...]
    if act1:
        y = jnp.where(y >= 0.0, y, a1[...] * y)
    if second:
        y = dot3(y, w2[...]) + b2[...]
        if act2:
            y = jnp.where(y >= 0.0, y, a2[...] * y)
    out[...] = y


def _tc_mlp(n, feats, ws, b1, a1, second=None, act1=True, act2=False):
    rows = 1000 if n % 1000 == 0 else 8 * max(
        r for r in range(1, n // 8 + 1) if n % (8 * r) == 0)
    grid = n // rows
    cs = [int(f.shape[0]) for f in feats]
    in_specs = []
    args = []
    for f in feats:
        in_specs.append(pl.BlockSpec((f.shape[0], rows, F), lambda i: (0, i, 0)))
        args.append(f)
    for w in ws:
        in_specs.append(pl.BlockSpec((F, F), lambda i: (0, 0)))
        args.append(w)
    in_specs.append(pl.BlockSpec((1, F), lambda i: (0, 0)))
    args.append(b1)
    in_specs.append(pl.BlockSpec((1, F), lambda i: (0, 0)))
    args.append(a1)
    if second is not None:
        w2, b2, a2 = second
        for arr in (w2, b2, a2):
            nd = arr.ndim
            in_specs.append(pl.BlockSpec(arr.shape, lambda i, _nd=nd: (0,) * _nd))
            args.append(arr)
    body = functools.partial(_mlp_body, cs, act1, second is not None, act2, rows)
    return pl.pallas_call(
        body,
        grid=(grid,),
        in_specs=in_specs,
        out_specs=pl.BlockSpec((rows, F), lambda i: (i, 0)),
        out_shape=jax.ShapeDtypeStruct((n, F), jnp.float32),
    )(*args)




_NBUF = 2


def _sc_segment_sum(h, src3, dst3, nb, k, npad, nc, ns):
    rows_per_tile = npad // ns
    zr = min(rows_per_tile, 2 * k)
    hb = nb // 2
    mesh = plsc.VectorSubcoreMesh(core_axis_name="c", subcore_axis_name="s")

    @functools.partial(
        pl.kernel,
        out_type=jax.ShapeDtypeStruct((nc, npad, F), jnp.float32),
        mesh=mesh,
        scratch_types=[
            pltpu.VMEM((hb, k), jnp.int32),
            pltpu.VMEM((hb, k), jnp.int32),
        ] + [pltpu.VMEM((k, F), jnp.float32)] * _NBUF + [
            pltpu.VMEM_SHARED((npad, F), jnp.float32),
        ] + [pltpu.SemaphoreType.DMA] * _NBUF,
    )
    def seg(h_hbm, src_hbm, dst_hbm, out_hbm, src_v, dst_v, *rest):
        bufs = rest[:_NBUF]
        acc = rest[_NBUF]
        sems = rest[_NBUF + 1:]
        cid = lax.axis_index("c")
        sid = lax.axis_index("s")
        wid = sid * nc + cid

        def zrow(r, carry):
            for c8 in range(F // 16):
                bufs[0][r, pl.ds(c8 * 16, 16)] = jnp.zeros((16,), jnp.float32)
                bufs[1][r, pl.ds(c8 * 16, 16)] = jnp.zeros((16,), jnp.float32)
            return carry

        lax.fori_loop(0, k, zrow, 0)
        base = sid * rows_per_tile
        off = 0
        while off < rows_per_tile:
            ch = min(zr, rows_per_tile - off)
            if ch > k:
                pltpu.sync_copy(bufs[0], acc.at[pl.ds(base + off, k)])
                pltpu.sync_copy(bufs[1].at[pl.ds(0, ch - k)],
                                acc.at[pl.ds(base + off + k, ch - k)])
            else:
                pltpu.sync_copy(bufs[0].at[pl.ds(0, ch)],
                                acc.at[pl.ds(base + off, ch)])
            off += ch
        plsc.subcore_barrier()

        for p in range(2):
            pltpu.sync_copy(src_hbm.at[wid, pl.ds(p * hb, hb)], src_v)
            pltpu.sync_copy(dst_hbm.at[wid, pl.ds(p * hb, hb)], dst_v)
            for b in range(_NBUF - 1):
                pltpu.async_copy(h_hbm.at[src_v.at[b]], bufs[b], sems[b])

            def body(i, carry):
                j = _NBUF * i
                for b in range(_NBUF):
                    jn = j + b + (_NBUF - 1)

                    @pl.when(jn < hb)
                    def _(b=b, jn=jn):
                        pltpu.async_copy(h_hbm.at[src_v.at[jn]],
                                         bufs[(b + _NBUF - 1) % _NBUF],
                                         sems[(b + _NBUF - 1) % _NBUF])

                    pltpu.make_async_copy(h_hbm.at[src_v.at[j + b]], bufs[b],
                                          sems[b]).wait()
                    pltpu.sync_copy(bufs[b], acc.at[dst_v.at[j + b]], add=True)
                return carry

            lax.fori_loop(0, hb // _NBUF, body, 0)
        plsc.subcore_barrier()
        pltpu.sync_copy(acc.at[pl.ds(base, rows_per_tile)],
                        out_hbm.at[cid, pl.ds(base, rows_per_tile)])

    return seg(h, src3, dst3)




def kernel(x, edge_index, params):
    n = x.shape[0]
    e = edge_index.shape[1]
    info = plsc.get_sparse_core_info()
    nc, ns = info.num_cores, info.num_subcores
    nw = nc * ns
    assert n % ns == 0 and n % 16 == 0

    cdiv = lambda a, b: -(-a // b)
    k = 128
    per_tile = cdiv(e, nw)
    nb = 16 * cdiv(cdiv(per_tile, k), 16)
    epad = nw * nb * k
    npad = ns * 8 * cdiv(n + 1, ns * 8)

    src = edge_index[0].astype(jnp.int32)
    dst = edge_index[1].astype(jnp.int32)
    src3 = jnp.zeros((epad,), jnp.int32).at[:e].set(src).reshape(nw, nb, k)
    dst3 = jnp.full((epad,), npad - 1, jnp.int32).at[:e].set(dst).reshape(nw, nb, k)

    pre = [_fold_bn(p) for p in params["pre"]]
    gnn = [_fold_bn(p) for p in params["gnn"]]
    post = [_fold_bn(p) for p in params["post"]]

    w1, b1, a1 = pre[0]
    w2, b2, a2 = pre[1]
    f0 = _tc_mlp(n, [x[None]], [w1], b1, a1, second=(w2, b2, a2),
                 act1=True, act2=True)

    feats = [f0[None]]
    for li, (w, b, a) in enumerate(gnn):
        wblocks = [w[j * F:(j + 1) * F] for j in range(li + 1)]
        h = _tc_mlp(n, feats, wblocks, b, a, act1=True)
        z = _sc_segment_sum(h, src3, dst3, nb, k, npad, nc, ns)
        feats = [z] + feats

    wp, bp, ap = post[0]
    wq, bq, aq = post[1]
    wblocks = [wp[j * F:(j + 1) * F] for j in range(len(feats))]
    out = _tc_mlp(n, feats, wblocks, bp, ap, second=(wq, bq, aq),
                  act1=True, act2=False)
    return out

# --- scband reference (transcript-rebuilt; emitter-appended) ---
"""Pipeline reference for scband-general-gnn-49005576847638 (READ-ONLY COPY).

The authoritative reference and input builder live on the scoring server;
editing this copy changes nothing except your own understanding.
"""

import jax, jax.numpy as jnp
import numpy as np

N = 10000
E = 320000
D = 128
H = 128
OUT = 128
MP = 4
EPS = 1e-3


def _init_dense(key, din, dout):
    k1, k2, k3 = jax.random.split(key, 3)
    return {
        "W": jax.random.normal(k1, (din, dout), jnp.float32) / np.sqrt(din),
        "b": jnp.zeros((dout,), jnp.float32),
        "gamma": 1.0 + 0.1 * jax.random.normal(k2, (dout,), jnp.float32),
        "beta": 0.1 * jax.random.normal(k3, (dout,), jnp.float32),
        "alpha": 0.25 * jnp.ones((dout,), jnp.float32),
    }


def setup_inputs(seed: int = 0):
    key = jax.random.key(seed)
    ks = jax.random.split(key, 12)
    x = jax.random.normal(ks[0], (N, D), jnp.float32)
    edge_index = jax.random.randint(ks[1], (2, E), 0, N)
    pre = [_init_dense(ks[2], D, H), _init_dense(ks[3], H, H)]
    gnn = [_init_dense(ks[4 + i], (i + 1) * H, H) for i in range(MP)]
    post = [_init_dense(ks[8], (MP + 1) * H, H), _init_dense(ks[9], H, OUT)]
    return {"x": x, "edge_index": edge_index, "params": {"pre": pre, "gnn": gnn, "post": post}}


def _layer(h, p, act):
    # Dense -> BatchNorm (inference mode: moving_mean=0, moving_var=1, eps=1e-3) -> Dropout(0) -> PReLU/linear
    y = h @ p["W"] + p["b"]
    y = p["gamma"] * (y / jnp.sqrt(1.0 + EPS)) + p["beta"]
    if act:
        y = jnp.where(y >= 0.0, y, p["alpha"] * y)
    return y


def _forward(x, params, src, dst):
    out = x
    # pre-processing MLP: 2 x (Dense->BN->Dropout->PReLU), final_activation=prelu
    for p in params["pre"]:
        out = _layer(out, p, True)
    # 4 GeneralConv layers: transform (Dense->BN->Dropout->PReLU) then sum-aggregate over neighbors;
    # skip connection = concatenate([z, out])
    for p in params["gnn"]:
        h = _layer(out, p, True)
        z = jax.ops.segment_sum(h[src], dst, num_segments=N)
        out = jnp.concatenate([z, out], axis=1)
    # post-processing MLP: Dense->BN->PReLU, then Dense->BN->linear (activation=None)
    out = _layer(out, params["post"][0], True)
    out = _layer(out, params["post"][1], False)
    return out


def reference(x, edge_index, params):
    return _forward(x, params, edge_index[0], edge_index[1])

if __name__ == "__main__":
    import jax
    _d = setup_inputs()
    print(jax.jit(kernel)(*tuple(_d.values())))

</pallas_src>

<mosaic_0001>
#map = affine_map<(d0, d1) -> (0, 0)>
#map1 = affine_map<(d0, d1) -> (0, 0, 0)>
module attributes {stable_mosaic.version = 14 : i64} {
  func.func @seg(%arg0: i32, %arg1: i32, %arg2: memref<10000x128xf32, #tpu.memory_space<hbm>>, %arg3: memref<32x80x128xi32, #tpu.memory_space<hbm>>, %arg4: memref<32x80x128xi32, #tpu.memory_space<hbm>>, %arg5: memref<2x10112x128xf32, #tpu.memory_space<hbm>>, %arg6: memref<40x128xi32, #tpu.memory_space<vmem>>, %arg7: memref<40x128xi32, #tpu.memory_space<vmem>>, %arg8: memref<128x128xf32, #tpu.memory_space<vmem>>, %arg9: memref<128x128xf32, #tpu.memory_space<vmem>>, %arg10: memref<10112x128xf32, #tpu.memory_space<vmem_shared>>, %arg11: memref<!tpu.dma_semaphore, #tpu.memory_space<semaphore_mem>>, %arg12: memref<!tpu.dma_semaphore, #tpu.memory_space<semaphore_mem>>) attributes {dimension_semantics = [#tpu.dimension_semantics<core_parallel>, #tpu.dimension_semantics<subcore_parallel>], iteration_bounds = array<i64: 2, 16>, scalar_prefetch = 0 : i64, scratch_operands = 7 : i64, tpu.core_type = #tpu.core_type<sc_vector_subcore>, window_params = [{transform_indices = #map}, {transform_indices = #map1}, {transform_indices = #map1}, {transform_indices = #map1}]} {
    %mul3A = arith.constant 2 : i32
    %mul3A_0 = arith.muli %arg1, %mul3A : i32
    %add3A = arith.addi %mul3A_0, %arg0 : i32
    %scan3A = arith.constant 0 : i32
    %scan3A_1 = arith.constant 0 : i32
    %scan3A_2 = arith.constant 128 : i32
    %scan3A_3 = arith.addi %scan3A_1, %scan3A_2 : i32
    %scan3A_4 = arith.constant 1 : i32
    scf.for %scan3A_48 = %scan3A_1 to %scan3A_3 step %scan3A_4  : i32 {
      %broadcast_in_dim3A = arith.constant 0.000000e+00 : f32
      %broadcast_in_dim3A_49 = vector.broadcast %broadcast_in_dim3A : f32 to vector<16xf32>
      %swap3A = arith.index_cast %scan3A_48 : i32 to index
      %swap3A_50 = arith.constant 0 : index
      %swap3A_51 = tpu.vector_load %arg8[%swap3A, %swap3A_50] {strides = array<i32>} : memref<128x128xf32, #tpu.memory_space<vmem>>, vector<1x16xf32>,
      %swap3A_52 = vector.shape_cast %swap3A_51 : vector<1x16xf32> to vector<16xf32>
      %swap3A_53 = vector.shape_cast %broadcast_in_dim3A_49 : vector<16xf32> to vector<1x16xf32>
      tpu.vector_store %arg8[%swap3A, %swap3A_50], %swap3A_53 {strides = array<i32>} : memref<128x128xf32, #tpu.memory_space<vmem>>, vector<1x16xf32>,
      %broadcast_in_dim3A_54 = arith.constant 0.000000e+00 : f32
      %broadcast_in_dim3A_55 = vector.broadcast %broadcast_in_dim3A_54 : f32 to vector<16xf32>
      %swap3A_56 = arith.index_cast %scan3A_48 : i32 to index
      %swap3A_57 = arith.constant 0 : index
      %swap3A_58 = tpu.vector_load %arg9[%swap3A_56, %swap3A_57] {strides = array<i32>} : memref<128x128xf32, #tpu.memory_space<vmem>>, vector<1x16xf32>,
      %swap3A_59 = vector.shape_cast %swap3A_58 : vector<1x16xf32> to vector<16xf32>
      %swap3A_60 = vector.shape_cast %broadcast_in_dim3A_55 : vector<16xf32> to vector<1x16xf32>
      tpu.vector_store %arg9[%swap3A_56, %swap3A_57], %swap3A_60 {strides = array<i32>} : memref<128x128xf32, #tpu.memory_space<vmem>>, vector<1x16xf32>,
      %broadcast_in_dim3A_61 = arith.constant 0.000000e+00 : f32
      %broadcast_in_dim3A_62 = vector.broadcast %broadcast_in_dim3A_61 : f32 to vector<16xf32>
      %swap3A_63 = arith.index_cast %scan3A_48 : i32 to index
      %swap3A_64 = arith.constant 16 : index
      %swap3A_65 = tpu.vector_load %arg8[%swap3A_63, %swap3A_64] {strides = array<i32>} : memref<128x128xf32, #tpu.memory_space<vmem>>, vector<1x16xf32>,
      %swap3A_66 = vector.shape_cast %swap3A_65 : vector<1x16xf32> to vector<16xf32>
      %swap3A_67 = vector.shape_cast %broadcast_in_dim3A_62 : vector<16xf32> to vector<1x16xf32>
      tpu.vector_store %arg8[%swap3A_63, %swap3A_64], %swap3A_67 {strides = array<i32>} : memref<128x128xf32, #tpu.memory_space<vmem>>, vector<1x16xf32>,
      %broadcast_in_dim3A_68 = arith.constant 0.000000e+00 : f32
      %broadcast_in_dim3A_69 = vector.broadcast %broadcast_in_dim3A_68 : f32 to vector<16xf32>
      %swap3A_70 = arith.index_cast %scan3A_48 : i32 to index
      %swap3A_71 = arith.constant 16 : index
      %swap3A_72 = tpu.vector_load %arg9[%swap3A_70, %swap3A_71] {strides = array<i32>} : memref<128x128xf32, #tpu.memory_space<vmem>>, vector<1x16xf32>,
      %swap3A_73 = vector.shape_cast %swap3A_72 : vector<1x16xf32> to vector<16xf32>
      %swap3A_74 = vector.shape_cast %broadcast_in_dim3A_69 : vector<16xf32> to vector<1x16xf32>
      tpu.vector_store %arg9[%swap3A_70, %swap3A_71], %swap3A_74 {strides = array<i32>} : memref<128x128xf32, #tpu.memory_space<vmem>>, vector<1x16xf32>,
      %broadcast_in_dim3A_75 = arith.constant 0.000000e+00 : f32
      %broadcast_in_dim3A_76 = vector.broadcast %broadcast_in_dim3A_75 : f32 to vector<16xf32>
      %swap3A_77 = arith.index_cast %scan3A_48 : i32 to index
      %swap3A_78 = arith.constant 32 : index
      %swap3A_79 = tpu.vector_load %arg8[%swap3A_77, %swap3A_78] {strides = array<i32>} : memref<128x128xf32, #tpu.memory_space<vmem>>, vector<1x16xf32>,
      %swap3A_80 = vector.shape_cast %swap3A_79 : vector<1x16xf32> to vector<16xf32>
      %swap3A_81 = vector.shape_cast %broadcast_in_dim3A_76 : vector<16xf32> to vector<1x16xf32>
      tpu.vector_store %arg8[%swap3A_77, %swap3A_78], %swap3A_81 {strides = array<i32>} : memref<128x128xf32, #tpu.memory_space<vmem>>, vector<1x16xf32>,
      %broadcast_in_dim3A_82 = arith.constant 0.000000e+00 : f32
      %broadcast_in_dim3A_83 = vector.broadcast %broadcast_in_dim3A_82 : f32 to vector<16xf32>
      %swap3A_84 = arith.index_cast %scan3A_48 : i32 to index
      %swap3A_85 = arith.constant 32 : index
      %swap3A_86 = tpu.vector_load %arg9[%swap3A_84, %swap3A_85] {strides = array<i32>} : memref<128x128xf32, #tpu.memory_space<vmem>>, vector<1x16xf32>,
      %swap3A_87 = vector.shape_cast %swap3A_86 : vector<1x16xf32> to vector<16xf32>
      %swap3A_88 = vector.shape_cast %broadcast_in_dim3A_83 : vector<16xf32> to vector<1x16xf32>
      tpu.vector_store %arg9[%swap3A_84, %swap3A_85], %swap3A_88 {strides = array<i32>} : memref<128x128xf32, #tpu.memory_space<vmem>>, vector<1x16xf32>,
      %broadcast_in_dim3A_89 = arith.constant 0.000000e+00 : f32
      %broadcast_in_dim3A_90 = vector.broadcast %broadcast_in_dim3A_89 : f32 to vector<16xf32>
      %swap3A_91 = arith.index_cast %scan3A_48 : i32 to index
      %swap3A_92 = arith.constant 48 : index
      %swap3A_93 = tpu.vector_load %arg8[%swap3A_91, %swap3A_92] {strides = array<i32>} : memref<128x128xf32, #tpu.memory_space<vmem>>, vector<1x16xf32>,
      %swap3A_94 = vector.shape_cast %swap3A_93 : vector<1x16xf32> to vector<16xf32>
      %swap3A_95 = vector.shape_cast %broadcast_in_dim3A_90 : vector<16xf32> to vector<1x16xf32>
      tpu.vector_store %arg8[%swap3A_91, %swap3A_92], %swap3A_95 {strides = array<i32>} : memref<128x128xf32, #tpu.memory_space<vmem>>, vector<1x16xf32>,
      %broadcast_in_dim3A_96 = arith.constant 0.000000e+00 : f32
      %broadcast_in_dim3A_97 = vector.broadcast %broadcast_in_dim3A_96 : f32 to vector<16xf32>
      %swap3A_98 = arith.index_cast %scan3A_48 : i32 to index
      %swap3A_99 = arith.constant 48 : index
      %swap3A_100 = tpu.vector_load %arg9[%swap3A_98, %swap3A_99] {strides = array<i32>} : memref<128x128xf32, #tpu.memory_space<vmem>>, vector<1x16xf32>,
      %swap3A_101 = vector.shape_cast %swap3A_100 : vector<1x16xf32> to vector<16xf32>
      %swap3A_102 = vector.shape_cast %broadcast_in_dim3A_97 : vector<16xf32> to vector<1x16xf32>
      tpu.vector_store %arg9[%swap3A_98, %swap3A_99], %swap3A_102 {strides = array<i32>} : memref<128x128xf32, #tpu.memory_space<vmem>>, vector<1x16xf32>,
      %broadcast_in_dim3A_103 = arith.constant 0.000000e+00 : f32
      %broadcast_in_dim3A_104 = vector.broadcast %broadcast_in_dim3A_103 : f32 to vector<16xf32>
      %swap3A_105 = arith.index_cast %scan3A_48 : i32 to index
      %swap3A_106 = arith.constant 64 : index
      %swap3A_107 = tpu.vector_load %arg8[%swap3A_105, %swap3A_106] {strides = array<i32>} : memref<128x128xf32, #tpu.memory_space<vmem>>, vector<1x16xf32>,
      %swap3A_108 = vector.shape_cast %swap3A_107 : vector<1x16xf32> to vector<16xf32>
      %swap3A_109 = vector.shape_cast %broadcast_in_dim3A_104 : vector<16xf32> to vector<1x16xf32>
      tpu.vector_store %arg8[%swap3A_105, %swap3A_106], %swap3A_109 {strides = array<i32>} : memref<128x128xf32, #tpu.memory_space<vmem>>, vector<1x16xf32>,
      %broadcast_in_dim3A_110 = arith.constant 0.000000e+00 : f32
      %broadcast_in_dim3A_111 = vector.broadcast %broadcast_in_dim3A_110 : f32 to vector<16xf32>
      %swap3A_112 = arith.index_cast %scan3A_48 : i32 to index
      %swap3A_113 = arith.constant 64 : index
      %swap3A_114 = tpu.vector_load %arg9[%swap3A_112, %swap3A_113] {strides = array<i32>} : memref<128x128xf32, #tpu.memory_space<vmem>>, vector<1x16xf32>,
      %swap3A_115 = vector.shape_cast %swap3A_114 : vector<1x16xf32> to vector<16xf32>
      %swap3A_116 = vector.shape_cast %broadcast_in_dim3A_111 : vector<16xf32> to vector<1x16xf32>
      tpu.vector_store %arg9[%swap3A_112, %swap3A_113], %swap3A_116 {strides = array<i32>} : memref<128x128xf32, #tpu.memory_space<vmem>>, vector<1x16xf32>,
      %broadcast_in_dim3A_117 = arith.constant 0.000000e+00 : f32
      %broadcast_in_dim3A_118 = vector.broadcast %broadcast_in_dim3A_117 : f32 to vector<16xf32>
      %swap3A_119 = arith.index_cast %scan3A_48 : i32 to index
      %swap3A_120 = arith.constant 80 : index
      %swap3A_121 = tpu.vector_load %arg8[%swap3A_119, %swap3A_120] {strides = array<i32>} : memref<128x128xf32, #tpu.memory_space<vmem>>, vector<1x16xf32>,
      %swap3A_122 = vector.shape_cast %swap3A_121 : vector<1x16xf32> to vector<16xf32>
      %swap3A_123 = vector.shape_cast %broadcast_in_dim3A_118 : vector<16xf32> to vector<1x16xf32>
      tpu.vector_store %arg8[%swap3A_119, %swap3A_120], %swap3A_123 {strides = array<i32>} : memref<128x128xf32, #tpu.memory_space<vmem>>, vector<1x16xf32>,
      %broadcast_in_dim3A_124 = arith.constant 0.000000e+00 : f32
      %broadcast_in_dim3A_125 = vector.broadcast %broadcast_in_dim3A_124 : f32 to vector<16xf32>
      %swap3A_126 = arith.index_cast %scan3A_48 : i32 to index
      %swap3A_127 = arith.constant 80 : index
      %swap3A_128 = tpu.vector_load %arg9[%swap3A_126, %swap3A_127] {strides = array<i32>} : memref<128x128xf32, #tpu.memory_space<vmem>>, vector<1x16xf32>,
      %swap3A_129 = vector.shape_cast %swap3A_128 : vector<1x16xf32> to vector<16xf32>
      %swap3A_130 = vector.shape_cast %broadcast_in_dim3A_125 : vector<16xf32> to vector<1x16xf32>
      tpu.vector_store %arg9[%swap3A_126, %swap3A_127], %swap3A_130 {strides = array<i32>} : memref<128x128xf32, #tpu.memory_space<vmem>>, vector<1x16xf32>,
      %broadcast_in_dim3A_131 = arith.constant 0.000000e+00 : f32
      %broadcast_in_dim3A_132 = vector.broadcast %broadcast_in_dim3A_131 : f32 to vector<16xf32>
      %swap3A_133 = arith.index_cast %scan3A_48 : i32 to index
      %swap3A_134 = arith.constant 96 : index
      %swap3A_135 = tpu.vector_load %arg8[%swap3A_133, %swap3A_134] {strides = array<i32>} : memref<128x128xf32, #tpu.memory_space<vmem>>, vector<1x16xf32>,
      %swap3A_136 = vector.shape_cast %swap3A_135 : vector<1x16xf32> to vector<16xf32>
      %swap3A_137 = vector.shape_cast %broadcast_in_dim3A_132 : vector<16xf32> to vector<1x16xf32>
      tpu.vector_store %arg8[%swap3A_133, %swap3A_134], %swap3A_137 {strides = array<i32>} : memref<128x128xf32, #tpu.memory_space<vmem>>, vector<1x16xf32>,
      %broadcast_in_dim3A_138 = arith.constant 0.000000e+00 : f32
      %broadcast_in_dim3A_139 = vector.broadcast %broadcast_in_dim3A_138 : f32 to vector<16xf32>
      %swap3A_140 = arith.index_cast %scan3A_48 : i32 to index
      %swap3A_141 = arith.constant 96 : index
      %swap3A_142 = tpu.vector_load %arg9[%swap3A_140, %swap3A_141] {strides = array<i32>} : memref<128x128xf32, #tpu.memory_space<vmem>>, vector<1x16xf32>,
      %swap3A_143 = vector.shape_cast %swap3A_142 : vector<1x16xf32> to vector<16xf32>
      %swap3A_144 = vector.shape_cast %broadcast_in_dim3A_139 : vector<16xf32> to vector<1x16xf32>
      tpu.vector_store %arg9[%swap3A_140, %swap3A_141], %swap3A_144 {strides = array<i32>} : memref<128x128xf32, #tpu.memory_space<vmem>>, vector<1x16xf32>,
      %broadcast_in_dim3A_145 = arith.constant 0.000000e+00 : f32
      %broadcast_in_dim3A_146 = vector.broadcast %broadcast_in_dim3A_145 : f32 to vector<16xf32>
      %swap3A_147 = arith.index_cast %scan3A_48 : i32 to index
      %swap3A_148 = arith.constant 112 : index
      %swap3A_149 = tpu.vector_load %arg8[%swap3A_147, %swap3A_148] {strides = array<i32>} : memref<128x128xf32, #tpu.memory_space<vmem>>, vector<1x16xf32>,
      %swap3A_150 = vector.shape_cast %swap3A_149 : vector<1x16xf32> to vector<16xf32>
      %swap3A_151 = vector.shape_cast %broadcast_in_dim3A_146 : vector<16xf32> to vector<1x16xf32>
      tpu.vector_store %arg8[%swap3A_147, %swap3A_148], %swap3A_151 {strides = array<i32>} : memref<128x128xf32, #tpu.memory_space<vmem>>, vector<1x16xf32>,
      %broadcast_in_dim3A_152 = arith.constant 0.000000e+00 : f32
      %broadcast_in_dim3A_153 = vector.broadcast %broadcast_in_dim3A_152 : f32 to vector<16xf32>
      %swap3A_154 = arith.index_cast %scan3A_48 : i32 to index
      %swap3A_155 = arith.constant 112 : index
      %swap3A_156 = tpu.vector_load %arg9[%swap3A_154, %swap3A_155] {strides = array<i32>} : memref<128x128xf32, #tpu.memory_space<vmem>>, vector<1x16xf32>,
      %swap3A_157 = vector.shape_cast %swap3A_156 : vector<1x16xf32> to vector<16xf32>
      %swap3A_158 = vector.shape_cast %broadcast_in_dim3A_153 : vector<16xf32> to vector<1x16xf32>
      tpu.vector_store %arg9[%swap3A_154, %swap3A_155], %swap3A_158 {strides = array<i32>} : memref<128x128xf32, #tpu.memory_space<vmem>>, vector<1x16xf32>,
    }
    %scan3A_5 = arith.constant 128 : i32
    %mul3A_6 = arith.constant 632 : i32
    %mul3A_7 = arith.muli %arg1, %mul3A_6 : i32
    %add3A_8 = arith.constant 0 : i32
    %add3A_9 = arith.addi %mul3A_7, %add3A_8 : i32
    "tpu.region"() ({
      %run_scoped3A = tpu.sem_alloc : memref<!tpu.dma_semaphore, #tpu.memory_space<semaphore_mem>>
      %dma_start3A_48 = arith.constant 0 : i32
      %dma_start3A_49 = tpu.memref_slice %arg10[%add3A_9, %dma_start3A_48] : memref<10112x128xf32, #tpu.memory_space<vmem_shared>> -> memref<128x128xf32, #tpu.memory_space<vmem_shared>>
      %dma_start3A_50 = arith.constant 0 : i32
      %dma_start3A_51 = tpu.memref_slice %arg10[%add3A_9, %dma_start3A_50] : memref<10112x128xf32, #tpu.memory_space<vmem_shared>> -> memref<128x128xf32, #tpu.memory_space<vmem_shared>>
      tpu.enqueue_dma source(%arg8 : memref<128x128xf32, #tpu.memory_space<vmem>>) target(%dma_start3A_51 : memref<128x128xf32, #tpu.memory_space<vmem_shared>>) target_semaphore(%run_scoped3A : memref<!tpu.dma_semaphore, #tpu.memory_space<semaphore_mem>>)
      %dma_wait3A = arith.constant 0 : i32
      %dma_wait3A_52 = tpu.memref_slice %arg10[%add3A_9, %dma_wait3A] : memref<10112x128xf32, #tpu.memory_space<vmem_shared>> -> memref<128x128xf32, #tpu.memory_space<vmem_shared>>
      %dma_wait3A_53 = arith.constant 0 : i32
      %dma_wait3A_54 = tpu.memref_slice %arg10[%add3A_9, %dma_wait3A_53] : memref<10112x128xf32, #tpu.memory_space<vmem_shared>> -> memref<128x128xf32, #tpu.memory_space<vmem_shared>>
      tpu.wait_dma2 semaphore(%run_scoped3A : memref<!tpu.dma_semaphore, #tpu.memory_space<semaphore_mem>>) src(%arg8 : memref<128x128xf32, #tpu.memory_space<vmem>>) dst(%dma_wait3A_54 : memref<128x128xf32, #tpu.memory_space<vmem_shared>>)
      tpu.yield
    }) : () -> ()
    %add3A_10 = arith.constant 0 : i32
    %add3A_11 = arith.addi %mul3A_7, %add3A_10 : i32
    %add3A_12 = arith.constant 128 : i32
    %add3A_13 = arith.addi %add3A_11, %add3A_12 : i32
    "tpu.region"() ({
      %run_scoped3A = tpu.sem_alloc : memref<!tpu.dma_semaphore, #tpu.memory_space<semaphore_mem>>
      %dma_start3A_48 = arith.constant 0 : i32
      %dma_start3A_49 = arith.constant 0 : i32
      %dma_start3A_50 = tpu.memref_slice %arg9[%dma_start3A_48, %dma_start3A_49] : memref<128x128xf32, #tpu.memory_space<vmem>> -> memref<128x128xf32, #tpu.memory_space<vmem>>
      %dma_start3A_51 = arith.constant 0 : i32
      %dma_start3A_52 = tpu.memref_slice %arg10[%add3A_13, %dma_start3A_51] : memref<10112x128xf32, #tpu.memory_space<vmem_shared>> -> memref<128x128xf32, #tpu.memory_space<vmem_shared>>
      %dma_start3A_53 = arith.constant 0 : i32
      %dma_start3A_54 = tpu.memref_slice %arg10[%add3A_13, %dma_start3A_53] : memref<10112x128xf32, #tpu.memory_space<vmem_shared>> -> memref<128x128xf32, #tpu.memory_space<vmem_shared>>
      %dma_start3A_55 = arith.constant 0 : i32
      %dma_start3A_56 = arith.constant 0 : i32
      %dma_start3A_57 = tpu.memref_slice %arg9[%dma_start3A_55, %dma_start3A_56] : memref<128x128xf32, #tpu.memory_space<vmem>> -> memref<128x128xf32, #tpu.memory_space<vmem>>
      tpu.enqueue_dma source(%dma_start3A_57 : memref<128x128xf32, #tpu.memory_space<vmem>>) target(%dma_start3A_54 : memref<128x128xf32, #tpu.memory_space<vmem_shared>>) target_semaphore(%run_scoped3A : memref<!tpu.dma_semaphore, #tpu.memory_space<semaphore_mem>>)
      %dma_wait3A = arith.constant 0 : i32
      %dma_wait3A_58 = arith.constant 0 : i32
      %dma_wait3A_59 = tpu.memref_slice %arg9[%dma_wait3A, %dma_wait3A_58] : memref<128x128xf32, #tpu.memory_space<vmem>> -> memref<128x128xf32, #tpu.memory_space<vmem>>
      %dma_wait3A_60 = arith.constant 0 : i32
      %dma_wait3A_61 = tpu.memref_slice %arg10[%add3A_13, %dma_wait3A_60] : memref<10112x128xf32, #tpu.memory_space<vmem_shared>> -> memref<128x128xf32, #tpu.memory_space<vmem_shared>>
      %dma_wait3A_62 = arith.constant 0 : i32
      %dma_wait3A_63 = tpu.memref_slice %arg10[%add3A_13, %dma_wait3A_62] : memref<10112x128xf32, #tpu.memory_space<vmem_shared>> -> memref<128x128xf32, #tpu.memory_space<vmem_shared>>
      %dma_wait3A_64 = arith.constant 0 : i32
      %dma_wait3A_65 = arith.constant 0 : i32
      %dma_wait3A_66 = tpu.memref_slice %arg9[%dma_wait3A_64, %dma_wait3A_65] : memref<128x128xf32, #tpu.memory_space<vmem>> -> memref<128x128xf32, #tpu.memory_space<vmem>>
      tpu.wait_dma2 semaphore(%run_scoped3A : memref<!tpu.dma_semaphore, #tpu.memory_space<semaphore_mem>>) src(%dma_wait3A_66 : memref<128x128xf32, #tpu.memory_space<vmem>>) dst(%dma_wait3A_63 : memref<128x128xf32, #tpu.memory_space<vmem_shared>>)
      tpu.yield
    }) : () -> ()
    %add3A_14 = arith.constant 256 : i32
    %add3A_15 = arith.addi %mul3A_7, %add3A_14 : i32
    "tpu.region"() ({
      %run_scoped3A = tpu.sem_alloc : memref<!tpu.dma_semaphore, #tpu.memory_space<semaphore_mem>>
      %dma_start3A_48 = arith.constant 0 : i32
      %dma_start3A_49 = tpu.memref_slice %arg10[%add3A_15, %dma_start3A_48] : memref<10112x128xf32, #tpu.memory_space<vmem_shared>> -> memref<128x128xf32, #tpu.memory_space<vmem_shared>>
      %dma_start3A_50 = arith.constant 0 : i32
      %dma_start3A_51 = tpu.memref_slice %arg10[%add3A_15, %dma_start3A_50] : memref<10112x128xf32, #tpu.memory_space<vmem_shared>> -> memref<128x128xf32, #tpu.memory_space<vmem_shared>>
      tpu.enqueue_dma source(%arg8 : memref<128x128xf32, #tpu.memory_space<vmem>>) target(%dma_start3A_51 : memref<128x128xf32, #tpu.memory_space<vmem_shared>>) target_semaphore(%run_scoped3A : memref<!tpu.dma_semaphore, #tpu.memory_space<semaphore_mem>>)
      %dma_wait3A = arith.constant 0 : i32
      %dma_wait3A_52 = tpu.memref_slice %arg10[%add3A_15, %dma_wait3A] : memref<10112x128xf32, #tpu.memory_space<vmem_shared>> -> memref<128x128xf32, #tpu.memory_space<vmem_shared>>
      %dma_wait3A_53 = arith.constant 0 : i32
      %dma_wait3A_54 = tpu.memref_slice %arg10[%add3A_15, %dma_wait3A_53] : memref<10112x128xf32, #tpu.memory_space<vmem_shared>> -> memref<128x128xf32, #tpu.memory_space<vmem_shared>>
      tpu.wait_dma2 semaphore(%run_scoped3A : memref<!tpu.dma_semaphore, #tpu.memory_space<semaphore_mem>>) src(%arg8 : memref<128x128xf32, #tpu.memory_space<vmem>>) dst(%dma_wait3A_54 : memref<128x128xf32, #tpu.memory_space<vmem_shared>>)
      tpu.yield
    }) : () -> ()
    %add3A_16 = arith.constant 256 : i32
    %add3A_17 = arith.addi %mul3A_7, %add3A_16 : i32
    %add3A_18 = arith.constant 128 : i32
    %add3A_19 = arith.addi %add3A_17, %add3A_18 : i32
    "tpu.region"() ({
      %run_scoped3A = tpu.sem_alloc : memref<!tpu.dma_semaphore, #tpu.memory_space<semaphore_mem>>
      %dma_start3A_48 = arith.constant 0 : i32
      %dma_start3A_49 = arith.constant 0 : i32
      %dma_start3A_50 = tpu.memref_slice %arg9[%dma_start3A_48, %dma_start3A_49] : memref<128x128xf32, #tpu.memory_space<vmem>> -> memref<128x128xf32, #tpu.memory_space<vmem>>
      %dma_start3A_51 = arith.constant 0 : i32
      %dma_start3A_52 = tpu.memref_slice %arg10[%add3A_19, %dma_start3A_51] : memref<10112x128xf32, #tpu.memory_space<vmem_shared>> -> memref<128x128xf32, #tpu.memory_space<vmem_shared>>
      %dma_start3A_53 = arith.constant 0 : i32
      %dma_start3A_54 = tpu.memref_slice %arg10[%add3A_19, %dma_start3A_53] : memref<10112x128xf32, #tpu.memory_space<vmem_shared>> -> memref<128x128xf32, #tpu.memory_space<vmem_shared>>
      %dma_start3A_55 = arith.constant 0 : i32
      %dma_start3A_56 = arith.constant 0 : i32
      %dma_start3A_57 = tpu.memref_slice %arg9[%dma_start3A_55, %dma_start3A_56] : memref<128x128xf32, #tpu.memory_space<vmem>> -> memref<128x128xf32, #tpu.memory_space<vmem>>
      tpu.enqueue_dma source(%dma_start3A_57 : memref<128x128xf32, #tpu.memory_space<vmem>>) target(%dma_start3A_54 : memref<128x128xf32, #tpu.memory_space<vmem_shared>>) target_semaphore(%run_scoped3A : memref<!tpu.dma_semaphore, #tpu.memory_space<semaphore_mem>>)
      %dma_wait3A = arith.constant 0 : i32
      %dma_wait3A_58 = arith.constant 0 : i32
      %dma_wait3A_59 = tpu.memref_slice %arg9[%dma_wait3A, %dma_wait3A_58] : memref<128x128xf32, #tpu.memory_space<vmem>> -> memref<128x128xf32, #tpu.memory_space<vmem>>
      %dma_wait3A_60 = arith.constant 0 : i32
      %dma_wait3A_61 = tpu.memref_slice %arg10[%add3A_19, %dma_wait3A_60] : memref<10112x128xf32, #tpu.memory_space<vmem_shared>> -> memref<128x128xf32, #tpu.memory_space<vmem_shared>>
      %dma_wait3A_62 = arith.constant 0 : i32
      %dma_wait3A_63 = tpu.memref_slice %arg10[%add3A_19, %dma_wait3A_62] : memref<10112x128xf32, #tpu.memory_space<vmem_shared>> -> memref<128x128xf32, #tpu.memory_space<vmem_shared>>
      %dma_wait3A_64 = arith.constant 0 : i32
      %dma_wait3A_65 = arith.constant 0 : i32
      %dma_wait3A_66 = tpu.memref_slice %arg9[%dma_wait3A_64, %dma_wait3A_65] : memref<128x128xf32, #tpu.memory_space<vmem>> -> memref<128x128xf32, #tpu.memory_space<vmem>>
      tpu.wait_dma2 semaphore(%run_scoped3A : memref<!tpu.dma_semaphore, #tpu.memory_space<semaphore_mem>>) src(%dma_wait3A_66 : memref<128x128xf32, #tpu.memory_space<vmem>>) dst(%dma_wait3A_63 : memref<128x128xf32, #tpu.memory_space<vmem_shared>>)
      tpu.yield
    }) : () -> ()
    %add3A_20 = arith.constant 512 : i32
    %add3A_21 = arith.addi %mul3A_7, %add3A_20 : i32
    "tpu.region"() ({
      %run_scoped3A = tpu.sem_alloc : memref<!tpu.dma_semaphore, #tpu.memory_space<semaphore_mem>>
      %dma_start3A_48 = arith.constant 0 : i32
      %dma_start3A_49 = arith.constant 0 : i32
      %dma_start3A_50 = tpu.memref_slice %arg8[%dma_start3A_48, %dma_start3A_49] : memref<128x128xf32, #tpu.memory_space<vmem>> -> memref<120x128xf32, #tpu.memory_space<vmem>>
      %dma_start3A_51 = arith.constant 0 : i32
      %dma_start3A_52 = tpu.memref_slice %arg10[%add3A_21, %dma_start3A_51] : memref<10112x128xf32, #tpu.memory_space<vmem_shared>> -> memref<120x128xf32, #tpu.memory_space<vmem_shared>>
      %dma_start3A_53 = arith.constant 0 : i32
      %dma_start3A_54 = tpu.memref_slice %arg10[%add3A_21, %dma_start3A_53] : memref<10112x128xf32, #tpu.memory_space<vmem_shared>> -> memref<120x128xf32, #tpu.memory_space<vmem_shared>>
      %dma_start3A_55 = arith.constant 0 : i32
      %dma_start3A_56 = arith.constant 0 : i32
      %dma_start3A_57 = tpu.memref_slice %arg8[%dma_start3A_55, %dma_start3A_56] : memref<128x128xf32, #tpu.memory_space<vmem>> -> memref<120x128xf32, #tpu.memory_space<vmem>>
      tpu.enqueue_dma source(%dma_start3A_57 : memref<120x128xf32, #tpu.memory_space<vmem>>) target(%dma_start3A_54 : memref<120x128xf32, #tpu.memory_space<vmem_shared>>) target_semaphore(%run_scoped3A : memref<!tpu.dma_semaphore, #tpu.memory_space<semaphore_mem>>)
      %dma_wait3A = arith.constant 0 : i32
      %dma_wait3A_58 = arith.constant 0 : i32
      %dma_wait3A_59 = tpu.memref_slice %arg8[%dma_wait3A, %dma_wait3A_58] : memref<128x128xf32, #tpu.memory_space<vmem>> -> memref<120x128xf32, #tpu.memory_space<vmem>>
      %dma_wait3A_60 = arith.constant 0 : i32
      %dma_wait3A_61 = tpu.memref_slice %arg10[%add3A_21, %dma_wait3A_60] : memref<10112x128xf32, #tpu.memory_space<vmem_shared>> -> memref<120x128xf32, #tpu.memory_space<vmem_shared>>
      %dma_wait3A_62 = arith.constant 0 : i32
      %dma_wait3A_63 = tpu.memref_slice %arg10[%add3A_21, %dma_wait3A_62] : memref<10112x128xf32, #tpu.memory_space<vmem_shared>> -> memref<120x128xf32, #tpu.memory_space<vmem_shared>>
      %dma_wait3A_64 = arith.constant 0 : i32
      %dma_wait3A_65 = arith.constant 0 : i32
      %dma_wait3A_66 = tpu.memref_slice %arg8[%dma_wait3A_64, %dma_wait3A_65] : memref<128x128xf32, #tpu.memory_space<vmem>> -> memref<120x128xf32, #tpu.memory_space<vmem>>
      tpu.wait_dma2 semaphore(%run_scoped3A : memref<!tpu.dma_semaphore, #tpu.memory_space<semaphore_mem>>) src(%dma_wait3A_66 : memref<120x128xf32, #tpu.memory_space<vmem>>) dst(%dma_wait3A_63 : memref<120x128xf32, #tpu.memory_space<vmem_shared>>)
      tpu.yield
    }) : () -> ()
    %barrier3A = arith.constant 0 : index
    tpu.barrier barrier_id(%barrier3A)
    "tpu.region"() ({
      %run_scoped3A = tpu.sem_alloc : memref<!tpu.dma_semaphore, #tpu.memory_space<semaphore_mem>>
      %dma_start3A_48 = arith.constant 0 : i32
      %dma_start3A_49 = arith.constant 0 : i32
      %dma_start3A_50 = tpu.memref_slice %arg3[%add3A, %dma_start3A_48, %dma_start3A_49] : memref<32x80x128xi32, #tpu.memory_space<hbm>> -> memref<1x40x128xi32, #tpu.memory_space<hbm>>
      %dma_start3A_51 = tpu.memref_squeeze %dma_start3A_50 : memref<1x40x128xi32, #tpu.memory_space<hbm>> -> memref<40x128xi32, #tpu.memory_space<hbm>>
      %dma_start3A_52 = arith.constant 0 : i32
      %dma_start3A_53 = arith.constant 0 : i32
      %dma_start3A_54 = tpu.memref_slice %arg3[%add3A, %dma_start3A_52, %dma_start3A_53] : memref<32x80x128xi32, #tpu.memory_space<hbm>> -> memref<1x40x128xi32, #tpu.memory_space<hbm>>
      %dma_start3A_55 = tpu.memref_squeeze %dma_start3A_54 : memref<1x40x128xi32, #tpu.memory_space<hbm>> -> memref<40x128xi32, #tpu.memory_space<hbm>>
      tpu.enqueue_dma source(%dma_start3A_55 : memref<40x128xi32, #tpu.memory_space<hbm>>) target(%arg6 : memref<40x128xi32, #tpu.memory_space<vmem>>) target_semaphore(%run_scoped3A : memref<!tpu.dma_semaphore, #tpu.memory_space<semaphore_mem>>)
      %dma_wait3A = arith.constant 0 : i32
      %dma_wait3A_56 = arith.constant 0 : i32
      %dma_wait3A_57 = tpu.memref_slice %arg3[%add3A, %dma_wait3A, %dma_wait3A_56] : memref<32x80x128xi32, #tpu.memory_space<hbm>> -> memref<1x40x128xi32, #tpu.memory_space<hbm>>
      %dma_wait3A_58 = tpu.memref_squeeze %dma_wait3A_57 : memref<1x40x128xi32, #tpu.memory_space<hbm>> -> memref<40x128xi32, #tpu.memory_space<hbm>>
      %dma_wait3A_59 = arith.constant 0 : i32
      %dma_wait3A_60 = arith.constant 0 : i32
      %dma_wait3A_61 = tpu.memref_slice %arg3[%add3A, %dma_wait3A_59, %dma_wait3A_60] : memref<32x80x128xi32, #tpu.memory_space<hbm>> -> memref<1x40x128xi32, #tpu.memory_space<hbm>>
      %dma_wait3A_62 = tpu.memref_squeeze %dma_wait3A_61 : memref<1x40x128xi32, #tpu.memory_space<hbm>> -> memref<40x128xi32, #tpu.memory_space<hbm>>
      tpu.wait_dma2 semaphore(%run_scoped3A : memref<!tpu.dma_semaphore, #tpu.memory_space<semaphore_mem>>) src(%dma_wait3A_62 : memref<40x128xi32, #tpu.memory_space<hbm>>) dst(%arg6 : memref<40x128xi32, #tpu.memory_space<vmem>>)
      tpu.yield
    }) : () -> ()
    "tpu.region"() ({
      %run_scoped3A = tpu.sem_alloc : memref<!tpu.dma_semaphore, #tpu.memory_space<semaphore_mem>>
      %dma_start3A_48 = arith.constant 0 : i32
      %dma_start3A_49 = arith.constant 0 : i32
      %dma_start3A_50 = tpu.memref_slice %arg4[%add3A, %dma_start3A_48, %dma_start3A_49] : memref<32x80x128xi32, #tpu.memory_space<hbm>> -> memref<1x40x128xi32, #tpu.memory_space<hbm>>
      %dma_start3A_51 = tpu.memref_squeeze %dma_start3A_50 : memref<1x40x128xi32, #tpu.memory_space<hbm>> -> memref<40x128xi32, #tpu.memory_space<hbm>>
      %dma_start3A_52 = arith.constant 0 : i32
      %dma_start3A_53 = arith.constant 0 : i32
      %dma_start3A_54 = tpu.memref_slice %arg4[%add3A, %dma_start3A_52, %dma_start3A_53] : memref<32x80x128xi32, #tpu.memory_space<hbm>> -> memref<1x40x128xi32, #tpu.memory_space<hbm>>
      %dma_start3A_55 = tpu.memref_squeeze %dma_start3A_54 : memref<1x40x128xi32, #tpu.memory_space<hbm>> -> memref<40x128xi32, #tpu.memory_space<hbm>>
      tpu.enqueue_dma source(%dma_start3A_55 : memref<40x128xi32, #tpu.memory_space<hbm>>) target(%arg7 : memref<40x128xi32, #tpu.memory_space<vmem>>) target_semaphore(%run_scoped3A : memref<!tpu.dma_semaphore, #tpu.memory_space<semaphore_mem>>)
      %dma_wait3A = arith.constant 0 : i32
      %dma_wait3A_56 = arith.constant 0 : i32
      %dma_wait3A_57 = tpu.memref_slice %arg4[%add3A, %dma_wait3A, %dma_wait3A_56] : memref<32x80x128xi32, #tpu.memory_space<hbm>> -> memref<1x40x128xi32, #tpu.memory_space<hbm>>
      %dma_wait3A_58 = tpu.memref_squeeze %dma_wait3A_57 : memref<1x40x128xi32, #tpu.memory_space<hbm>> -> memref<40x128xi32, #tpu.memory_space<hbm>>
      %dma_wait3A_59 = arith.constant 0 : i32
      %dma_wait3A_60 = arith.constant 0 : i32
      %dma_wait3A_61 = tpu.memref_slice %arg4[%add3A, %dma_wait3A_59, %dma_wait3A_60] : memref<32x80x128xi32, #tpu.memory_space<hbm>> -> memref<1x40x128xi32, #tpu.memory_space<hbm>>
      %dma_wait3A_62 = tpu.memref_squeeze %dma_wait3A_61 : memref<1x40x128xi32, #tpu.memory_space<hbm>> -> memref<40x128xi32, #tpu.memory_space<hbm>>
      tpu.wait_dma2 semaphore(%run_scoped3A : memref<!tpu.dma_semaphore, #tpu.memory_space<semaphore_mem>>) src(%dma_wait3A_62 : memref<40x128xi32, #tpu.memory_space<hbm>>) dst(%arg7 : memref<40x128xi32, #tpu.memory_space<vmem>>)
      tpu.yield
    }) : () -> ()
    %dma_start3A = arith.constant 0 : i32
    %dma_start3A_22 = arith.constant 0 : i32
    %dma_start3A_23 = tpu.memref_slice %arg6[%dma_start3A, %dma_start3A_22] : memref<40x128xi32, #tpu.memory_space<vmem>> -> memref<1x128xi32, #tpu.memory_space<vmem>>
    %dma_start3A_24 = tpu.memref_squeeze %dma_start3A_23 : memref<1x128xi32, #tpu.memory_space<vmem>> -> memref<128xi32, #tpu.memory_space<vmem>>
    %dma_start3A_25 = arith.constant 0 : i32
    %dma_start3A_26 = arith.constant 0 : i32
    %dma_start3A_27 = tpu.memref_slice %arg2[%dma_start3A_25, %dma_start3A_26] : memref<10000x128xf32, #tpu.memory_space<hbm>> -> memref<10000x128xf32, #tpu.memory_space<hbm>>
    tpu.enqueue_indirect_dma source(%dma_start3A_27 : memref<10000x128xf32, #tpu.memory_space<hbm>>) target(%arg8 : memref<128x128xf32, #tpu.memory_space<vmem>>) offsets(%dma_start3A_24 : memref<128xi32, #tpu.memory_space<vmem>>) semaphore(%arg11 : memref<!tpu.dma_semaphore, #tpu.memory_space<semaphore_mem>>)
    %scan3A_28 = arith.constant 0 : i32
    %scan3A_29 = arith.constant 0 : i32
    %scan3A_30 = arith.constant 20 : i32
    %scan3A_31 = arith.addi %scan3A_29, %scan3A_30 : i32
    %scan3A_32 = arith.constant 1 : i32
    scf.for %scan3A_48 = %scan3A_29 to %scan3A_31 step %scan3A_32  : i32 {
      %mul3A_49 = arith.constant 2 : i32
      %mul3A_50 = arith.muli %mul3A_49, %scan3A_48 : i32
      %add3A_51 = arith.constant 0 : i32
      %add3A_52 = arith.addi %mul3A_50, %add3A_51 : i32
      %add3A_53 = arith.constant 1 : i32
      %add3A_54 = arith.addi %add3A_52, %add3A_53 : i32
      %lt3A = arith.constant 40 : i32
      %lt3A_55 = arith.cmpi slt, %add3A_54, %lt3A : i32
      %convert_element_type3A = arith.extui %lt3A_55 : i1 to i32
      %cond3A = arith.constant 0 : i32
      %cond3A_56 = arith.cmpi ne, %convert_element_type3A, %cond3A : i32
      scf.if %cond3A_56 {
        %dma_start3A_85 = arith.constant 0 : i32
        %dma_start3A_86 = tpu.memref_slice %arg6[%add3A_54, %dma_start3A_85] : memref<40x128xi32, #tpu.memory_space<vmem>> -> memref<1x128xi32, #tpu.memory_space<vmem>>
        %dma_start3A_87 = tpu.memref_squeeze %dma_start3A_86 : memref<1x128xi32, #tpu.memory_space<vmem>> -> memref<128xi32, #tpu.memory_space<vmem>>
        %dma_start3A_88 = arith.constant 0 : i32
        %dma_start3A_89 = arith.constant 0 : i32
        %dma_start3A_90 = tpu.memref_slice %arg2[%dma_start3A_88, %dma_start3A_89] : memref<10000x128xf32, #tpu.memory_space<hbm>> -> memref<10000x128xf32, #tpu.memory_space<hbm>>
        tpu.enqueue_indirect_dma source(%dma_start3A_90 : memref<10000x128xf32, #tpu.memory_space<hbm>>) target(%arg9 : memref<128x128xf32, #tpu.memory_space<vmem>>) offsets(%dma_start3A_87 : memref<128xi32, #tpu.memory_space<vmem>>) semaphore(%arg12 : memref<!tpu.dma_semaphore, #tpu.memory_space<semaphore_mem>>)
      } else {
      }
      %add3A_57 = arith.constant 0 : i32
      %add3A_58 = arith.addi %mul3A_50, %add3A_57 : i32
      %dma_wait3A = arith.constant 0 : i32
      %dma_wait3A_59 = tpu.memref_slice %arg6[%add3A_58, %dma_wait3A] : memref<40x128xi32, #tpu.memory_space<vmem>> -> memref<1x128xi32, #tpu.memory_space<vmem>>
      %dma_wait3A_60 = tpu.memref_squeeze %dma_wait3A_59 : memref<1x128xi32, #tpu.memory_space<vmem>> -> memref<128xi32, #tpu.memory_space<vmem>>
      %dma_wait3A_61 = arith.constant 0 : i32
      %dma_wait3A_62 = arith.constant 0 : i32
      %dma_wait3A_63 = tpu.memref_slice %arg2[%dma_wait3A_61, %dma_wait3A_62] : memref<10000x128xf32, #tpu.memory_space<hbm>> -> memref<10000x128xf32, #tpu.memory_space<hbm>>
      tpu.wait_indirect_dma semaphore(%arg11 : memref<!tpu.dma_semaphore, #tpu.memory_space<semaphore_mem>>) src(%dma_wait3A_63 : memref<10000x128xf32, #tpu.memory_space<hbm>>) dst(%arg8 : memref<128x128xf32, #tpu.memory_space<vmem>>)
      %add3A_64 = arith.constant 0 : i32
      %add3A_65 = arith.addi %mul3A_50, %add3A_64 : i32
      "tpu.region"() ({
        %run_scoped3A = tpu.sem_alloc : memref<!tpu.dma_semaphore, #tpu.memory_space<semaphore_mem>>
        %dma_start3A_85 = arith.constant 0 : i32
        %dma_start3A_86 = tpu.memref_slice %arg7[%add3A_65, %dma_start3A_85] : memref<40x128xi32, #tpu.memory_space<vmem>> -> memref<1x128xi32, #tpu.memory_space<vmem>>
        %dma_start3A_87 = tpu.memref_squeeze %dma_start3A_86 : memref<1x128xi32, #tpu.memory_space<vmem>> -> memref<128xi32, #tpu.memory_space<vmem>>
        %dma_start3A_88 = arith.constant 0 : i32
        %dma_start3A_89 = arith.constant 0 : i32
        %dma_start3A_90 = tpu.memref_slice %arg10[%dma_start3A_88, %dma_start3A_89] : memref<10112x128xf32, #tpu.memory_space<vmem_shared>> -> memref<10112x128xf32, #tpu.memory_space<vmem_shared>>
        tpu.enqueue_indirect_dma source(%arg8 : memref<128x128xf32, #tpu.memory_space<vmem>>) target(%dma_start3A_90 : memref<10112x128xf32, #tpu.memory_space<vmem_shared>>) offsets(%dma_start3A_87 : memref<128xi32, #tpu.memory_space<vmem>>) semaphore(%run_scoped3A : memref<!tpu.dma_semaphore, #tpu.memory_space<semaphore_mem>>) {add = true}
        %dma_wait3A_91 = arith.constant 0 : i32
        %dma_wait3A_92 = tpu.memref_slice %arg7[%add3A_65, %dma_wait3A_91] : memref<40x128xi32, #tpu.memory_space<vmem>> -> memref<1x128xi32, #tpu.memory_space<vmem>>
        %dma_wait3A_93 = tpu.memref_squeeze %dma_wait3A_92 : memref<1x128xi32, #tpu.memory_space<vmem>> -> memref<128xi32, #tpu.memory_space<vmem>>
        %dma_wait3A_94 = arith.constant 0 : i32
        %dma_wait3A_95 = arith.constant 0 : i32
        %dma_wait3A_96 = tpu.memref_slice %arg10[%dma_wait3A_94, %dma_wait3A_95] : memref<10112x128xf32, #tpu.memory_space<vmem_shared>> -> memref<10112x128xf32, #tpu.memory_space<vmem_shared>>
        tpu.wait_indirect_dma semaphore(%run_scoped3A : memref<!tpu.dma_semaphore, #tpu.memory_space<semaphore_mem>>) src(%arg8 : memref<128x128xf32, #tpu.memory_space<vmem>>) dst(%dma_wait3A_96 : memref<10112x128xf32, #tpu.memory_space<vmem_shared>>)
        tpu.yield
      }) : () -> ()
      %add3A_66 = arith.constant 1 : i32
      %add3A_67 = arith.addi %mul3A_50, %add3A_66 : i32
      %add3A_68 = arith.constant 1 : i32
      %add3A_69 = arith.addi %add3A_67, %add3A_68 : i32
      %lt3A_70 = arith.constant 40 : i32
      %lt3A_71 = arith.cmpi slt, %add3A_69, %lt3A_70 : i32
      %convert_element_type3A_72 = arith.extui %lt3A_71 : i1 to i32
      %cond3A_73 = arith.constant 0 : i32
      %cond3A_74 = arith.cmpi ne, %convert_element_type3A_72, %cond3A_73 : i32
      scf.if %cond3A_74 {
        %dma_start3A_85 = arith.constant 0 : i32
        %dma_start3A_86 = tpu.memref_slice %arg6[%add3A_69, %dma_start3A_85] : memref<40x128xi32, #tpu.memory_space<vmem>> -> memref<1x128xi32, #tpu.memory_space<vmem>>
        %dma_start3A_87 = tpu.memref_squeeze %dma_start3A_86 : memref<1x128xi32, #tpu.memory_space<vmem>> -> memref<128xi32, #tpu.memory_space<vmem>>
        %dma_start3A_88 = arith.constant 0 : i32
        %dma_start3A_89 = arith.constant 0 : i32
        %dma_start3A_90 = tpu.memref_slice %arg2[%dma_start3A_88, %dma_start3A_89] : memref<10000x128xf32, #tpu.memory_space<hbm>> -> memref<10000x128xf32, #tpu.memory_space<hbm>>
        tpu.enqueue_indirect_dma source(%dma_start3A_90 : memref<10000x128xf32, #tpu.memory_space<hbm>>) target(%arg8 : memref<128x128xf32, #tpu.memory_space<vmem>>) offsets(%dma_start3A_87 : memref<128xi32, #tpu.memory_space<vmem>>) semaphore(%arg11 : memref<!tpu.dma_semaphore, #tpu.memory_space<semaphore_mem>>)
      } else {
      }
      %add3A_75 = arith.constant 1 : i32
      %add3A_76 = arith.addi %mul3A_50, %add3A_75 : i32
      %dma_wait3A_77 = arith.constant 0 : i32
      %dma_wait3A_78 = tpu.memref_slice %arg6[%add3A_76, %dma_wait3A_77] : memref<40x128xi32, #tpu.memory_space<vmem>> -> memref<1x128xi32, #tpu.memory_space<vmem>>
      %dma_wait3A_79 = tpu.memref_squeeze %dma_wait3A_78 : memref<1x128xi32, #tpu.memory_space<vmem>> -> memref<128xi32, #tpu.memory_space<vmem>>
      %dma_wait3A_80 = arith.constant 0 : i32
      %dma_wait3A_81 = arith.constant 0 : i32
      %dma_wait3A_82 = tpu.memref_slice %arg2[%dma_wait3A_80, %dma_wait3A_81] : memref<10000x128xf32, #tpu.memory_space<hbm>> -> memref<10000x128xf32, #tpu.memory_space<hbm>>
      tpu.wait_indirect_dma semaphore(%arg12 : memref<!tpu.dma_semaphore, #tpu.memory_space<semaphore_mem>>) src(%dma_wait3A_82 : memref<10000x128xf32, #tpu.memory_space<hbm>>) dst(%arg9 : memref<128x128xf32, #tpu.memory_space<vmem>>)
      %add3A_83 = arith.constant 1 : i32
      %add3A_84 = arith.addi %mul3A_50, %add3A_83 : i32
      "tpu.region"() ({
        %run_scoped3A = tpu.sem_alloc : memref<!tpu.dma_semaphore, #tpu.memory_space<semaphore_mem>>
        %dma_start3A_85 = arith.constant 0 : i32
        %dma_start3A_86 = tpu.memref_slice %arg7[%add3A_84, %dma_start3A_85] : memref<40x128xi32, #tpu.memory_space<vmem>> -> memref<1x128xi32, #tpu.memory_space<vmem>>
        %dma_start3A_87 = tpu.memref_squeeze %dma_start3A_86 : memref<1x128xi32, #tpu.memory_space<vmem>> -> memref<128xi32, #tpu.memory_space<vmem>>
        %dma_start3A_88 = arith.constant 0 : i32
        %dma_start3A_89 = arith.constant 0 : i32
        %dma_start3A_90 = tpu.memref_slice %arg10[%dma_start3A_88, %dma_start3A_89] : memref<10112x128xf32, #tpu.memory_space<vmem_shared>> -> memref<10112x128xf32, #tpu.memory_space<vmem_shared>>
        tpu.enqueue_indirect_dma source(%arg9 : memref<128x128xf32, #tpu.memory_space<vmem>>) target(%dma_start3A_90 : memref<10112x128xf32, #tpu.memory_space<vmem_shared>>) offsets(%dma_start3A_87 : memref<128xi32, #tpu.memory_space<vmem>>) semaphore(%run_scoped3A : memref<!tpu.dma_semaphore, #tpu.memory_space<semaphore_mem>>) {add = true}
        %dma_wait3A_91 = arith.constant 0 : i32
        %dma_wait3A_92 = tpu.memref_slice %arg7[%add3A_84, %dma_wait3A_91] : memref<40x128xi32, #tpu.memory_space<vmem>> -> memref<1x128xi32, #tpu.memory_space<vmem>>
        %dma_wait3A_93 = tpu.memref_squeeze %dma_wait3A_92 : memref<1x128xi32, #tpu.memory_space<vmem>> -> memref<128xi32, #tpu.memory_space<vmem>>
        %dma_wait3A_94 = arith.constant 0 : i32
        %dma_wait3A_95 = arith.constant 0 : i32
        %dma_wait3A_96 = tpu.memref_slice %arg10[%dma_wait3A_94, %dma_wait3A_95] : memref<10112x128xf32, #tpu.memory_space<vmem_shared>> -> memref<10112x128xf32, #tpu.memory_space<vmem_shared>>
        tpu.wait_indirect_dma semaphore(%run_scoped3A : memref<!tpu.dma_semaphore, #tpu.memory_space<semaphore_mem>>) src(%arg9 : memref<128x128xf32, #tpu.memory_space<vmem>>) dst(%dma_wait3A_96 : memref<10112x128xf32, #tpu.memory_space<vmem_shared>>)
        tpu.yield
      }) : () -> ()
    }
    %scan3A_33 = arith.constant 20 : i32
    "tpu.region"() ({
      %run_scoped3A = tpu.sem_alloc : memref<!tpu.dma_semaphore, #tpu.memory_space<semaphore_mem>>
      %dma_start3A_48 = arith.constant 40 : i32
      %dma_start3A_49 = arith.constant 0 : i32
      %dma_start3A_50 = tpu.memref_slice %arg3[%add3A, %dma_start3A_48, %dma_start3A_49] : memref<32x80x128xi32, #tpu.memory_space<hbm>> -> memref<1x40x128xi32, #tpu.memory_space<hbm>>
      %dma_start3A_51 = tpu.memref_squeeze %dma_start3A_50 : memref<1x40x128xi32, #tpu.memory_space<hbm>> -> memref<40x128xi32, #tpu.memory_space<hbm>>
      %dma_start3A_52 = arith.constant 40 : i32
      %dma_start3A_53 = arith.constant 0 : i32
      %dma_start3A_54 = tpu.memref_slice %arg3[%add3A, %dma_start3A_52, %dma_start3A_53] : memref<32x80x128xi32, #tpu.memory_space<hbm>> -> memref<1x40x128xi32, #tpu.memory_space<hbm>>
      %dma_start3A_55 = tpu.memref_squeeze %dma_start3A_54 : memref<1x40x128xi32, #tpu.memory_space<hbm>> -> memref<40x128xi32, #tpu.memory_space<hbm>>
      tpu.enqueue_dma source(%dma_start3A_55 : memref<40x128xi32, #tpu.memory_space<hbm>>) target(%arg6 : memref<40x128xi32, #tpu.memory_space<vmem>>) target_semaphore(%run_scoped3A : memref<!tpu.dma_semaphore, #tpu.memory_space<semaphore_mem>>)
      %dma_wait3A = arith.constant 40 : i32
      %dma_wait3A_56 = arith.constant 0 : i32
      %dma_wait3A_57 = tpu.memref_slice %arg3[%add3A, %dma_wait3A, %dma_wait3A_56] : memref<32x80x128xi32, #tpu.memory_space<hbm>> -> memref<1x40x128xi32, #tpu.memory_space<hbm>>
      %dma_wait3A_58 = tpu.memref_squeeze %dma_wait3A_57 : memref<1x40x128xi32, #tpu.memory_space<hbm>> -> memref<40x128xi32, #tpu.memory_space<hbm>>
      %dma_wait3A_59 = arith.constant 40 : i32
      %dma_wait3A_60 = arith.constant 0 : i32
      %dma_wait3A_61 = tpu.memref_slice %arg3[%add3A, %dma_wait3A_59, %dma_wait3A_60] : memref<32x80x128xi32, #tpu.memory_space<hbm>> -> memref<1x40x128xi32, #tpu.memory_space<hbm>>
      %dma_wait3A_62 = tpu.memref_squeeze %dma_wait3A_61 : memref<1x40x128xi32, #tpu.memory_space<hbm>> -> memref<40x128xi32, #tpu.memory_space<hbm>>
      tpu.wait_dma2 semaphore(%run_scoped3A : memref<!tpu.dma_semaphore, #tpu.memory_space<semaphore_mem>>) src(%dma_wait3A_62 : memref<40x128xi32, #tpu.memory_space<hbm>>) dst(%arg6 : memref<40x128xi32, #tpu.memory_space<vmem>>)
      tpu.yield
    }) : () -> ()
    "tpu.region"() ({
      %run_scoped3A = tpu.sem_alloc : memref<!tpu.dma_semaphore, #tpu.memory_space<semaphore_mem>>
      %dma_start3A_48 = arith.constant 40 : i32
      %dma_start3A_49 = arith.constant 0 : i32
      %dma_start3A_50 = tpu.memref_slice %arg4[%add3A, %dma_start3A_48, %dma_start3A_49] : memref<32x80x128xi32, #tpu.memory_space<hbm>> -> memref<1x40x128xi32, #tpu.memory_space<hbm>>
      %dma_start3A_51 = tpu.memref_squeeze %dma_start3A_50 : memref<1x40x128xi32, #tpu.memory_space<hbm>> -> memref<40x128xi32, #tpu.memory_space<hbm>>
      %dma_start3A_52 = arith.constant 40 : i32
      %dma_start3A_53 = arith.constant 0 : i32
      %dma_start3A_54 = tpu.memref_slice %arg4[%add3A, %dma_start3A_52, %dma_start3A_53] : memref<32x80x128xi32, #tpu.memory_space<hbm>> -> memref<1x40x128xi32, #tpu.memory_space<hbm>>
      %dma_start3A_55 = tpu.memref_squeeze %dma_start3A_54 : memref<1x40x128xi32, #tpu.memory_space<hbm>> -> memref<40x128xi32, #tpu.memory_space<hbm>>
      tpu.enqueue_dma source(%dma_start3A_55 : memref<40x128xi32, #tpu.memory_space<hbm>>) target(%arg7 : memref<40x128xi32, #tpu.memory_space<vmem>>) target_semaphore(%run_scoped3A : memref<!tpu.dma_semaphore, #tpu.memory_space<semaphore_mem>>)
      %dma_wait3A = arith.constant 40 : i32
      %dma_wait3A_56 = arith.constant 0 : i32
      %dma_wait3A_57 = tpu.memref_slice %arg4[%add3A, %dma_wait3A, %dma_wait3A_56] : memref<32x80x128xi32, #tpu.memory_space<hbm>> -> memref<1x40x128xi32, #tpu.memory_space<hbm>>
      %dma_wait3A_58 = tpu.memref_squeeze %dma_wait3A_57 : memref<1x40x128xi32, #tpu.memory_space<hbm>> -> memref<40x128xi32, #tpu.memory_space<hbm>>
      %dma_wait3A_59 = arith.constant 40 : i32
      %dma_wait3A_60 = arith.constant 0 : i32
      %dma_wait3A_61 = tpu.memref_slice %arg4[%add3A, %dma_wait3A_59, %dma_wait3A_60] : memref<32x80x128xi32, #tpu.memory_space<hbm>> -> memref<1x40x128xi32, #tpu.memory_space<hbm>>
      %dma_wait3A_62 = tpu.memref_squeeze %dma_wait3A_61 : memref<1x40x128xi32, #tpu.memory_space<hbm>> -> memref<40x128xi32, #tpu.memory_space<hbm>>
      tpu.wait_dma2 semaphore(%run_scoped3A : memref<!tpu.dma_semaphore, #tpu.memory_space<semaphore_mem>>) src(%dma_wait3A_62 : memref<40x128xi32, #tpu.memory_space<hbm>>) dst(%arg7 : memref<40x128xi32, #tpu.memory_space<vmem>>)
      tpu.yield
    }) : () -> ()
    %dma_start3A_34 = arith.constant 0 : i32
    %dma_start3A_35 = arith.constant 0 : i32
    %dma_start3A_36 = tpu.memref_slice %arg6[%dma_start3A_34, %dma_start3A_35] : memref<40x128xi32, #tpu.memory_space<vmem>> -> memref<1x128xi32, #tpu.memory_space<vmem>>
    %dma_start3A_37 = tpu.memref_squeeze %dma_start3A_36 : memref<1x128xi32, #tpu.memory_space<vmem>> -> memref<128xi32, #tpu.memory_space<vmem>>
    %dma_start3A_38 = arith.constant 0 : i32
    %dma_start3A_39 = arith.constant 0 : i32
    %dma_start3A_40 = tpu.memref_slice %arg2[%dma_start3A_38, %dma_start3A_39] : memref<10000x128xf32, #tpu.memory_space<hbm>> -> memref<10000x128xf32, #tpu.memory_space<hbm>>
    tpu.enqueue_indirect_dma source(%dma_start3A_40 : memref<10000x128xf32, #tpu.memory_space<hbm>>) target(%arg8 : memref<128x128xf32, #tpu.memory_space<vmem>>) offsets(%dma_start3A_37 : memref<128xi32, #tpu.memory_space<vmem>>) semaphore(%arg11 : memref<!tpu.dma_semaphore, #tpu.memory_space<semaphore_mem>>)
    %scan3A_41 = arith.constant 0 : i32
    %scan3A_42 = arith.constant 0 : i32
    %scan3A_43 = arith.constant 20 : i32
    %scan3A_44 = arith.addi %scan3A_42, %scan3A_43 : i32
    %scan3A_45 = arith.constant 1 : i32
    scf.for %scan3A_48 = %scan3A_42 to %scan3A_44 step %scan3A_45  : i32 {
      %mul3A_49 = arith.constant 2 : i32
      %mul3A_50 = arith.muli %mul3A_49, %scan3A_48 : i32
      %add3A_51 = arith.constant 0 : i32
      %add3A_52 = arith.addi %mul3A_50, %add3A_51 : i32
      %add3A_53 = arith.constant 1 : i32
      %add3A_54 = arith.addi %add3A_52, %add3A_53 : i32
      %lt3A = arith.constant 40 : i32
      %lt3A_55 = arith.cmpi slt, %add3A_54, %lt3A : i32
      %convert_element_type3A = arith.extui %lt3A_55 : i1 to i32
      %cond3A = arith.constant 0 : i32
      %cond3A_56 = arith.cmpi ne, %convert_element_type3A, %cond3A : i32
      scf.if %cond3A_56 {
        %dma_start3A_85 = arith.constant 0 : i32
        %dma_start3A_86 = tpu.memref_slice %arg6[%add3A_54, %dma_start3A_85] : memref<40x128xi32, #tpu.memory_space<vmem>> -> memref<1x128xi32, #tpu.memory_space<vmem>>
        %dma_start3A_87 = tpu.memref_squeeze %dma_start3A_86 : memref<1x128xi32, #tpu.memory_space<vmem>> -> memref<128xi32, #tpu.memory_space<vmem>>
        %dma_start3A_88 = arith.constant 0 : i32
        %dma_start3A_89 = arith.constant 0 : i32
        %dma_start3A_90 = tpu.memref_slice %arg2[%dma_start3A_88, %dma_start3A_89] : memref<10000x128xf32, #tpu.memory_space<hbm>> -> memref<10000x128xf32, #tpu.memory_space<hbm>>
        tpu.enqueue_indirect_dma source(%dma_start3A_90 : memref<10000x128xf32, #tpu.memory_space<hbm>>) target(%arg9 : memref<128x128xf32, #tpu.memory_space<vmem>>) offsets(%dma_start3A_87 : memref<128xi32, #tpu.memory_space<vmem>>) semaphore(%arg12 : memref<!tpu.dma_semaphore, #tpu.memory_space<semaphore_mem>>)
      } else {
      }
      %add3A_57 = arith.constant 0 : i32
      %add3A_58 = arith.addi %mul3A_50, %add3A_57 : i32
      %dma_wait3A = arith.constant 0 : i32
      %dma_wait3A_59 = tpu.memref_slice %arg6[%add3A_58, %dma_wait3A] : memref<40x128xi32, #tpu.memory_space<vmem>> -> memref<1x128xi32, #tpu.memory_space<vmem>>
      %dma_wait3A_60 = tpu.memref_squeeze %dma_wait3A_59 : memref<1x128xi32, #tpu.memory_space<vmem>> -> memref<128xi32, #tpu.memory_space<vmem>>
      %dma_wait3A_61 = arith.constant 0 : i32
      %dma_wait3A_62 = arith.constant 0 : i32
      %dma_wait3A_63 = tpu.memref_slice %arg2[%dma_wait3A_61, %dma_wait3A_62] : memref<10000x128xf32, #tpu.memory_space<hbm>> -> memref<10000x128xf32, #tpu.memory_space<hbm>>
      tpu.wait_indirect_dma semaphore(%arg11 : memref<!tpu.dma_semaphore, #tpu.memory_space<semaphore_mem>>) src(%dma_wait3A_63 : memref<10000x128xf32, #tpu.memory_space<hbm>>) dst(%arg8 : memref<128x128xf32, #tpu.memory_space<vmem>>)
      %add3A_64 = arith.constant 0 : i32
      %add3A_65 = arith.addi %mul3A_50, %add3A_64 : i32
      "tpu.region"() ({
        %run_scoped3A = tpu.sem_alloc : memref<!tpu.dma_semaphore, #tpu.memory_space<semaphore_mem>>
        %dma_start3A_85 = arith.constant 0 : i32
        %dma_start3A_86 = tpu.memref_slice %arg7[%add3A_65, %dma_start3A_85] : memref<40x128xi32, #tpu.memory_space<vmem>> -> memref<1x128xi32, #tpu.memory_space<vmem>>
        %dma_start3A_87 = tpu.memref_squeeze %dma_start3A_86 : memref<1x128xi32, #tpu.memory_space<vmem>> -> memref<128xi32, #tpu.memory_space<vmem>>
        %dma_start3A_88 = arith.constant 0 : i32
        %dma_start3A_89 = arith.constant 0 : i32
        %dma_start3A_90 = tpu.memref_slice %arg10[%dma_start3A_88, %dma_start3A_89] : memref<10112x128xf32, #tpu.memory_space<vmem_shared>> -> memref<10112x128xf32, #tpu.memory_space<vmem_shared>>
        tpu.enqueue_indirect_dma source(%arg8 : memref<128x128xf32, #tpu.memory_space<vmem>>) target(%dma_start3A_90 : memref<10112x128xf32, #tpu.memory_space<vmem_shared>>) offsets(%dma_start3A_87 : memref<128xi32, #tpu.memory_space<vmem>>) semaphore(%run_scoped3A : memref<!tpu.dma_semaphore, #tpu.memory_space<semaphore_mem>>) {add = true}
        %dma_wait3A_91 = arith.constant 0 : i32
        %dma_wait3A_92 = tpu.memref_slice %arg7[%add3A_65, %dma_wait3A_91] : memref<40x128xi32, #tpu.memory_space<vmem>> -> memref<1x128xi32, #tpu.memory_space<vmem>>
        %dma_wait3A_93 = tpu.memref_squeeze %dma_wait3A_92 : memref<1x128xi32, #tpu.memory_space<vmem>> -> memref<128xi32, #tpu.memory_space<vmem>>
        %dma_wait3A_94 = arith.constant 0 : i32
        %dma_wait3A_95 = arith.constant 0 : i32
        %dma_wait3A_96 = tpu.memref_slice %arg10[%dma_wait3A_94, %dma_wait3A_95] : memref<10112x128xf32, #tpu.memory_space<vmem_shared>> -> memref<10112x128xf32, #tpu.memory_space<vmem_shared>>
        tpu.wait_indirect_dma semaphore(%run_scoped3A : memref<!tpu.dma_semaphore, #tpu.memory_space<semaphore_mem>>) src(%arg8 : memref<128x128xf32, #tpu.memory_space<vmem>>) dst(%dma_wait3A_96 : memref<10112x128xf32, #tpu.memory_space<vmem_shared>>)
        tpu.yield
      }) : () -> ()
      %add3A_66 = arith.constant 1 : i32
      %add3A_67 = arith.addi %mul3A_50, %add3A_66 : i32
      %add3A_68 = arith.constant 1 : i32
      %add3A_69 = arith.addi %add3A_67, %add3A_68 : i32
      %lt3A_70 = arith.constant 40 : i32
      %lt3A_71 = arith.cmpi slt, %add3A_69, %lt3A_70 : i32
      %convert_element_type3A_72 = arith.extui %lt3A_71 : i1 to i32
      %cond3A_73 = arith.constant 0 : i32
      %cond3A_74 = arith.cmpi ne, %convert_element_type3A_72, %cond3A_73 : i32
      scf.if %cond3A_74 {
        %dma_start3A_85 = arith.constant 0 : i32
        %dma_start3A_86 = tpu.memref_slice %arg6[%add3A_69, %dma_start3A_85] : memref<40x128xi32, #tpu.memory_space<vmem>> -> memref<1x128xi32, #tpu.memory_space<vmem>>
        %dma_start3A_87 = tpu.memref_squeeze %dma_start3A_86 : memref<1x128xi32, #tpu.memory_space<vmem>> -> memref<128xi32, #tpu.memory_space<vmem>>
        %dma_start3A_88 = arith.constant 0 : i32
        %dma_start3A_89 = arith.constant 0 : i32
        %dma_start3A_90 = tpu.memref_slice %arg2[%dma_start3A_88, %dma_start3A_89] : memref<10000x128xf32, #tpu.memory_space<hbm>> -> memref<10000x128xf32, #tpu.memory_space<hbm>>
        tpu.enqueue_indirect_dma source(%dma_start3A_90 : memref<10000x128xf32, #tpu.memory_space<hbm>>) target(%arg8 : memref<128x128xf32, #tpu.memory_space<vmem>>) offsets(%dma_start3A_87 : memref<128xi32, #tpu.memory_space<vmem>>) semaphore(%arg11 : memref<!tpu.dma_semaphore, #tpu.memory_space<semaphore_mem>>)
      } else {
      }
      %add3A_75 = arith.constant 1 : i32
      %add3A_76 = arith.addi %mul3A_50, %add3A_75 : i32
      %dma_wait3A_77 = arith.constant 0 : i32
      %dma_wait3A_78 = tpu.memref_slice %arg6[%add3A_76, %dma_wait3A_77] : memref<40x128xi32, #tpu.memory_space<vmem>> -> memref<1x128xi32, #tpu.memory_space<vmem>>
      %dma_wait3A_79 = tpu.memref_squeeze %dma_wait3A_78 : memref<1x128xi32, #tpu.memory_space<vmem>> -> memref<128xi32, #tpu.memory_space<vmem>>
      %dma_wait3A_80 = arith.constant 0 : i32
      %dma_wait3A_81 = arith.constant 0 : i32
      %dma_wait3A_82 = tpu.memref_slice %arg2[%dma_wait3A_80, %dma_wait3A_81] : memref<10000x128xf32, #tpu.memory_space<hbm>> -> memref<10000x128xf32, #tpu.memory_space<hbm>>
      tpu.wait_indirect_dma semaphore(%arg12 : memref<!tpu.dma_semaphore, #tpu.memory_space<semaphore_mem>>) src(%dma_wait3A_82 : memref<10000x128xf32, #tpu.memory_space<hbm>>) dst(%arg9 : memref<128x128xf32, #tpu.memory_space<vmem>>)
      %add3A_83 = arith.constant 1 : i32
      %add3A_84 = arith.addi %mul3A_50, %add3A_83 : i32
      "tpu.region"() ({
        %run_scoped3A = tpu.sem_alloc : memref<!tpu.dma_semaphore, #tpu.memory_space<semaphore_mem>>
        %dma_start3A_85 = arith.constant 0 : i32
        %dma_start3A_86 = tpu.memref_slice %arg7[%add3A_84, %dma_start3A_85] : memref<40x128xi32, #tpu.memory_space<vmem>> -> memref<1x128xi32, #tpu.memory_space<vmem>>
        %dma_start3A_87 = tpu.memref_squeeze %dma_start3A_86 : memref<1x128xi32, #tpu.memory_space<vmem>> -> memref<128xi32, #tpu.memory_space<vmem>>
        %dma_start3A_88 = arith.constant 0 : i32
        %dma_start3A_89 = arith.constant 0 : i32
        %dma_start3A_90 = tpu.memref_slice %arg10[%dma_start3A_88, %dma_start3A_89] : memref<10112x128xf32, #tpu.memory_space<vmem_shared>> -> memref<10112x128xf32, #tpu.memory_space<vmem_shared>>
        tpu.enqueue_indirect_dma source(%arg9 : memref<128x128xf32, #tpu.memory_space<vmem>>) target(%dma_start3A_90 : memref<10112x128xf32, #tpu.memory_space<vmem_shared>>) offsets(%dma_start3A_87 : memref<128xi32, #tpu.memory_space<vmem>>) semaphore(%run_scoped3A : memref<!tpu.dma_semaphore, #tpu.memory_space<semaphore_mem>>) {add = true}
        %dma_wait3A_91 = arith.constant 0 : i32
        %dma_wait3A_92 = tpu.memref_slice %arg7[%add3A_84, %dma_wait3A_91] : memref<40x128xi32, #tpu.memory_space<vmem>> -> memref<1x128xi32, #tpu.memory_space<vmem>>
        %dma_wait3A_93 = tpu.memref_squeeze %dma_wait3A_92 : memref<1x128xi32, #tpu.memory_space<vmem>> -> memref<128xi32, #tpu.memory_space<vmem>>
        %dma_wait3A_94 = arith.constant 0 : i32
        %dma_wait3A_95 = arith.constant 0 : i32
        %dma_wait3A_96 = tpu.memref_slice %arg10[%dma_wait3A_94, %dma_wait3A_95] : memref<10112x128xf32, #tpu.memory_space<vmem_shared>> -> memref<10112x128xf32, #tpu.memory_space<vmem_shared>>
        tpu.wait_indirect_dma semaphore(%run_scoped3A : memref<!tpu.dma_semaphore, #tpu.memory_space<semaphore_mem>>) src(%arg9 : memref<128x128xf32, #tpu.memory_space<vmem>>) dst(%dma_wait3A_96 : memref<10112x128xf32, #tpu.memory_space<vmem_shared>>)
        tpu.yield
      }) : () -> ()
    }
    %scan3A_46 = arith.constant 20 : i32
    %barrier3A_47 = arith.constant 0 : index
    tpu.barrier barrier_id(%barrier3A_47)
    "tpu.region"() ({
      %run_scoped3A = tpu.sem_alloc : memref<!tpu.dma_semaphore, #tpu.memory_space<semaphore_mem>>
      %dma_start3A_48 = arith.constant 0 : i32
      %dma_start3A_49 = tpu.memref_slice %arg5[%arg0, %mul3A_7, %dma_start3A_48] : memref<2x10112x128xf32, #tpu.memory_space<hbm>> -> memref<1x632x128xf32, #tpu.memory_space<hbm>>
      %dma_start3A_50 = tpu.memref_squeeze %dma_start3A_49 : memref<1x632x128xf32, #tpu.memory_space<hbm>> -> memref<632x128xf32, #tpu.memory_space<hbm>>
      %dma_start3A_51 = arith.constant 0 : i32
      %dma_start3A_52 = tpu.memref_slice %arg10[%mul3A_7, %dma_start3A_51] : memref<10112x128xf32, #tpu.memory_space<vmem_shared>> -> memref<632x128xf32, #tpu.memory_space<vmem_shared>>
      tpu.enqueue_dma source(%dma_start3A_52 : memref<632x128xf32, #tpu.memory_space<vmem_shared>>) target(%dma_start3A_50 : memref<632x128xf32, #tpu.memory_space<hbm>>) target_semaphore(%run_scoped3A : memref<!tpu.dma_semaphore, #tpu.memory_space<semaphore_mem>>)
      %dma_wait3A = arith.constant 0 : i32
      %dma_wait3A_53 = tpu.memref_slice %arg5[%arg0, %mul3A_7, %dma_wait3A] : memref<2x10112x128xf32, #tpu.memory_space<hbm>> -> memref<1x632x128xf32, #tpu.memory_space<hbm>>
      %dma_wait3A_54 = tpu.memref_squeeze %dma_wait3A_53 : memref<1x632x128xf32, #tpu.memory_space<hbm>> -> memref<632x128xf32, #tpu.memory_space<hbm>>
      %dma_wait3A_55 = arith.constant 0 : i32
      %dma_wait3A_56 = tpu.memref_slice %arg10[%mul3A_7, %dma_wait3A_55] : memref<10112x128xf32, #tpu.memory_space<vmem_shared>> -> memref<632x128xf32, #tpu.memory_space<vmem_shared>>
      tpu.wait_dma2 semaphore(%run_scoped3A : memref<!tpu.dma_semaphore, #tpu.memory_space<semaphore_mem>>) src(%dma_wait3A_56 : memref<632x128xf32, #tpu.memory_space<vmem_shared>>) dst(%dma_wait3A_54 : memref<632x128xf32, #tpu.memory_space<hbm>>)
      tpu.yield
    }) : () -> ()
    return
  }
}

#map = affine_map<(d0, d1) -> (0, 0)>
#map1 = affine_map<(d0, d1) -> (0, 0, 0)>
module attributes {stable_mosaic.version = 14 : i64} {
  func.func @seg(%arg0: i32, %arg1: i32, %arg2: memref<10000x128xf32, #tpu.memory_space<hbm>>, %arg3: memref<32x80x128xi32, #tpu.memory_space<hbm>>, %arg4: memref<32x80x128xi32, #tpu.memory_space<hbm>>, %arg5: memref<2x10112x128xf32, #tpu.memory_space<hbm>>, %arg6: memref<40x128xi32, #tpu.memory_space<vmem>>, %arg7: memref<40x128xi32, #tpu.memory_space<vmem>>, %arg8: memref<128x128xf32, #tpu.memory_space<vmem>>, %arg9: memref<128x128xf32, #tpu.memory_space<vmem>>, %arg10: memref<10112x128xf32, #tpu.memory_space<vmem_shared>>, %arg11: memref<!tpu.dma_semaphore, #tpu.memory_space<semaphore_mem>>, %arg12: memref<!tpu.dma_semaphore, #tpu.memory_space<semaphore_mem>>) attributes {dimension_semantics = [#tpu.dimension_semantics<core_parallel>, #tpu.dimension_semantics<subcore_parallel>], iteration_bounds = array<i64: 2, 16>, scalar_prefetch = 0 : i64, scratch_operands = 7 : i64, tpu.core_type = #tpu.core_type<sc_vector_subcore>, window_params = [{transform_indices = #map}, {transform_indices = #map1}, {transform_indices = #map1}, {transform_indices = #map1}]} {
    %mul3A = arith.constant 2 : i32
    %mul3A_0 = arith.muli %arg1, %mul3A : i32
    %add3A = arith.addi %mul3A_0, %arg0 : i32
    %scan3A = arith.constant 0 : i32
    %scan3A_1 = arith.constant 0 : i32
    %scan3A_2 = arith.constant 128 : i32
    %scan3A_3 = arith.addi %scan3A_1, %scan3A_2 : i32
    %scan3A_4 = arith.constant 1 : i32
    scf.for %scan3A_48 = %scan3A_1 to %scan3A_3 step %scan3A_4  : i32 {
      %broadcast_in_dim3A = arith.constant 0.000000e+00 : f32
      %broadcast_in_dim3A_49 = vector.broadcast %broadcast_in_dim3A : f32 to vector<16xf32>
      %swap3A = arith.index_cast %scan3A_48 : i32 to index
      %swap3A_50 = arith.constant 0 : index
      %swap3A_51 = tpu.vector_load %arg8[%swap3A, %swap3A_50] {strides = array<i32>} : memref<128x128xf32, #tpu.memory_space<vmem>>, vector<1x16xf32>,
      %swap3A_52 = vector.shape_cast %swap3A_51 : vector<1x16xf32> to vector<16xf32>
      %swap3A_53 = vector.shape_cast %broadcast_in_dim3A_49 : vector<16xf32> to vector<1x16xf32>
      tpu.vector_store %arg8[%swap3A, %swap3A_50], %swap3A_53 {strides = array<i32>} : memref<128x128xf32, #tpu.memory_space<vmem>>, vector<1x16xf32>,
      %broadcast_in_dim3A_54 = arith.constant 0.000000e+00 : f32
      %broadcast_in_dim3A_55 = vector.broadcast %broadcast_in_dim3A_54 : f32 to vector<16xf32>
      %swap3A_56 = arith.index_cast %scan3A_48 : i32 to index
      %swap3A_57 = arith.constant 0 : index
      %swap3A_58 = tpu.vector_load %arg9[%swap3A_56, %swap3A_57] {strides = array<i32>} : memref<128x128xf32, #tpu.memory_space<vmem>>, vector<1x16xf32>,
      %swap3A_59 = vector.shape_cast %swap3A_58 : vector<1x16xf32> to vector<16xf32>
      %swap3A_60 = vector.shape_cast %broadcast_in_dim3A_55 : vector<16xf32> to vector<1x16xf32>
      tpu.vector_store %arg9[%swap3A_56, %swap3A_57], %swap3A_60 {strides = array<i32>} : memref<128x128xf32, #tpu.memory_space<vmem>>, vector<1x16xf32>,
      %broadcast_in_dim3A_61 = arith.constant 0.000000e+00 : f32
      %broadcast_in_dim3A_62 = vector.broadcast %broadcast_in_dim3A_61 : f32 to vector<16xf32>
      %swap3A_63 = arith.index_cast %scan3A_48 : i32 to index
      %swap3A_64 = arith.constant 16 : index
      %swap3A_65 = tpu.vector_load %arg8[%swap3A_63, %swap3A_64] {strides = array<i32>} : memref<128x128xf32, #tpu.memory_space<vmem>>, vector<1x16xf32>,
      %swap3A_66 = vector.shape_cast %swap3A_65 : vector<1x16xf32> to vector<16xf32>
      %swap3A_67 = vector.shape_cast %broadcast_in_dim3A_62 : vector<16xf32> to vector<1x16xf32>
      tpu.vector_store %arg8[%swap3A_63, %swap3A_64], %swap3A_67 {strides = array<i32>} : memref<128x128xf32, #tpu.memory_space<vmem>>, vector<1x16xf32>,
      %broadcast_in_dim3A_68 = arith.constant 0.000000e+00 : f32
      %broadcast_in_dim3A_69 = vector.broadcast %broadcast_in_dim3A_68 : f32 to vector<16xf32>
      %swap3A_70 = arith.index_cast %scan3A_48 : i32 to index
      %swap3A_71 = arith.constant 16 : index
      %swap3A_72 = tpu.vector_load %arg9[%swap3A_70, %swap3A_71] {strides = array<i32>} : memref<128x128xf32, #tpu.memory_space<vmem>>, vector<1x16xf32>,
      %swap3A_73 = vector.shape_cast %swap3A_72 : vector<1x16xf32> to vector<16xf32>
      %swap3A_74 = vector.shape_cast %broadcast_in_dim3A_69 : vector<16xf32> to vector<1x16xf32>
      tpu.vector_store %arg9[%swap3A_70, %swap3A_71], %swap3A_74 {strides = array<i32>} : memref<128x128xf32, #tpu.memory_space<vmem>>, vector<1x16xf32>,
      %broadcast_in_dim3A_75 = arith.constant 0.000000e+00 : f32
      %broadcast_in_dim3A_76 = vector.broadcast %broadcast_in_dim3A_75 : f32 to vector<16xf32>
      %swap3A_77 = arith.index_cast %scan3A_48 : i32 to index
      %swap3A_78 = arith.constant 32 : index
      %swap3A_79 = tpu.vector_load %arg8[%swap3A_77, %swap3A_78] {strides = array<i32>} : memref<128x128xf32, #tpu.memory_space<vmem>>, vector<1x16xf32>,
      %swap3A_80 = vector.shape_cast %swap3A_79 : vector<1x16xf32> to vector<16xf32>
      %swap3A_81 = vector.shape_cast %broadcast_in_dim3A_76 : vector<16xf32> to vector<1x16xf32>
      tpu.vector_store %arg8[%swap3A_77, %swap3A_78], %swap3A_81 {strides = array<i32>} : memref<128x128xf32, #tpu.memory_space<vmem>>, vector<1x16xf32>,
      %broadcast_in_dim3A_82 = arith.constant 0.000000e+00 : f32
      %broadcast_in_dim3A_83 = vector.broadcast %broadcast_in_dim3A_82 : f32 to vector<16xf32>
      %swap3A_84 = arith.index_cast %scan3A_48 : i32 to index
      %swap3A_85 = arith.constant 32 : index
      %swap3A_86 = tpu.vector_load %arg9[%swap3A_84, %swap3A_85] {strides = array<i32>} : memref<128x128xf32, #tpu.memory_space<vmem>>, vector<1x16xf32>,
      %swap3A_87 = vector.shape_cast %swap3A_86 : vector<1x16xf32> to vector<16xf32>
      %swap3A_88 = vector.shape_cast %broadcast_in_dim3A_83 : vector<16xf32> to vector<1x16xf32>
      tpu.vector_store %arg9[%swap3A_84, %swap3A_85], %swap3A_88 {strides = array<i32>} : memref<128x128xf32, #tpu.memory_space<vmem>>, vector<1x16xf32>,
      %broadcast_in_dim3A_89 = arith.constant 0.000000e+00 : f32
      %broadcast_in_dim3A_90 = vector.broadcast %broadcast_in_dim3A_89 : f32 to vector<16xf32>
      %swap3A_91 = arith.index_cast %scan3A_48 : i32 to index
      %swap3A_92 = arith.constant 48 : index
      %swap3A_93 = tpu.vector_load %arg8[%swap3A_91, %swap3A_92] {strides = array<i32>} : memref<128x128xf32, #tpu.memory_space<vmem>>, vector<1x16xf32>,
      %swap3A_94 = vector.shape_cast %swap3A_93 : vector<1x16xf32> to vector<16xf32>
      %swap3A_95 = vector.shape_cast %broadcast_in_dim3A_90 : vector<16xf32> to vector<1x16xf32>
      tpu.vector_store %arg8[%swap3A_91, %swap3A_92], %swap3A_95 {strides = array<i32>} : memref<128x128xf32, #tpu.memory_space<vmem>>, vector<1x16xf32>,
      %broadcast_in_dim3A_96 = arith.constant 0.000000e+00 : f32
      %broadcast_in_dim3A_97 = vector.broadcast %broadcast_in_dim3A_96 : f32 to vector<16xf32>
      %swap3A_98 = arith.index_cast %scan3A_48 : i32 to index
      %swap3A_99 = arith.constant 48 : index
      %swap3A_100 = tpu.vector_load %arg9[%swap3A_98, %swap3A_99] {strides = array<i32>} : memref<128x128xf32, #tpu.memory_space<vmem>>, vector<1x16xf32>,
      %swap3A_101 = vector.shape_cast %swap3A_100 : vector<1x16xf32> to vector<16xf32>
      %swap3A_102 = vector.shape_cast %broadcast_in_dim3A_97 : vector<16xf32> to vector<1x16xf32>
      tpu.vector_store %arg9[%swap3A_98, %swap3A_99], %swap3A_102 {strides = array<i32>} : memref<128x128xf32, #tpu.memory_space<vmem>>, vector<1x16xf32>,
      %broadcast_in_dim3A_103 = arith.constant 0.000000e+00 : f32
      %broadcast_in_dim3A_104 = vector.broadcast %broadcast_in_dim3A_103 : f32 to vector<16xf32>
      %swap3A_105 = arith.index_cast %scan3A_48 : i32 to index
      %swap3A_106 = arith.constant 64 : index
      %swap3A_107 = tpu.vector_load %arg8[%swap3A_105, %swap3A_106] {strides = array<i32>} : memref<128x128xf32, #tpu.memory_space<vmem>>, vector<1x16xf32>,
      %swap3A_108 = vector.shape_cast %swap3A_107 : vector<1x16xf32> to vector<16xf32>
      %swap3A_109 = vector.shape_cast %broadcast_in_dim3A_104 : vector<16xf32> to vector<1x16xf32>
      tpu.vector_store %arg8[%swap3A_105, %swap3A_106], %swap3A_109 {strides = array<i32>} : memref<128x128xf32, #tpu.memory_space<vmem>>, vector<1x16xf32>,
      %broadcast_in_dim3A_110 = arith.constant 0.000000e+00 : f32
      %broadcast_in_dim3A_111 = vector.broadcast %broadcast_in_dim3A_110 : f32 to vector<16xf32>
      %swap3A_112 = arith.index_cast %scan3A_48 : i32 to index
      %swap3A_113 = arith.constant 64 : index
      %swap3A_114 = tpu.vector_load %arg9[%swap3A_112, %swap3A_113] {strides = array<i32>} : memref<128x128xf32, #tpu.memory_space<vmem>>, vector<1x16xf32>,
      %swap3A_115 = vector.shape_cast %swap3A_114 : vector<1x16xf32> to vector<16xf32>
      %swap3A_116 = vector.shape_cast %broadcast_in_dim3A_111 : vector<16xf32> to vector<1x16xf32>
      tpu.vector_store %arg9[%swap3A_112, %swap3A_113], %swap3A_116 {strides = array<i32>} : memref<128x128xf32, #tpu.memory_space<vmem>>, vector<1x16xf32>,
      %broadcast_in_dim3A_117 = arith.constant 0.000000e+00 : f32
      %broadcast_in_dim3A_118 = vector.broadcast %broadcast_in_dim3A_117 : f32 to vector<16xf32>
      %swap3A_119 = arith.index_cast %scan3A_48 : i32 to index
      %swap3A_120 = arith.constant 80 : index
      %swap3A_121 = tpu.vector_load %arg8[%swap3A_119, %swap3A_120] {strides = array<i32>} : memref<128x128xf32, #tpu.memory_space<vmem>>, vector<1x16xf32>,
      %swap3A_122 = vector.shape_cast %swap3A_121 : vector<1x16xf32> to vector<16xf32>
      %swap3A_123 = vector.shape_cast %broadcast_in_dim3A_118 : vector<16xf32> to vector<1x16xf32>
      tpu.vector_store %arg8[%swap3A_119, %swap3A_120], %swap3A_123 {strides = array<i32>} : memref<128x128xf32, #tpu.memory_space<vmem>>, vector<1x16xf32>,
      %broadcast_in_dim3A_124 = arith.constant 0.000000e+00 : f32
      %broadcast_in_dim3A_125 = vector.broadcast %broadcast_in_dim3A_124 : f32 to vector<16xf32>
      %swap3A_126 = arith.index_cast %scan3A_48 : i32 to index
      %swap3A_127 = arith.constant 80 : index
      %swap3A_128 = tpu.vector_load %arg9[%swap3A_126, %swap3A_127] {strides = array<i32>} : memref<128x128xf32, #tpu.memory_space<vmem>>, vector<1x16xf32>,
      %swap3A_129 = vector.shape_cast %swap3A_128 : vector<1x16xf32> to vector<16xf32>
      %swap3A_130 = vector.shape_cast %broadcast_in_dim3A_125 : vector<16xf32> to vector<1x16xf32>
      tpu.vector_store %arg9[%swap3A_126, %swap3A_127], %swap3A_130 {strides = array<i32>} : memref<128x128xf32, #tpu.memory_space<vmem>>, vector<1x16xf32>,
      %broadcast_in_dim3A_131 = arith.constant 0.000000e+00 : f32
      %broadcast_in_dim3A_132 = vector.broadcast %broadcast_in_dim3A_131 : f32 to vector<16xf32>
      %swap3A_133 = arith.index_cast %scan3A_48 : i32 to index
      %swap3A_134 = arith.constant 96 : index
      %swap3A_135 = tpu.vector_load %arg8[%swap3A_133, %swap3A_134] {strides = array<i32>} : memref<128x128xf32, #tpu.memory_space<vmem>>, vector<1x16xf32>,
      %swap3A_136 = vector.shape_cast %swap3A_135 : vector<1x16xf32> to vector<16xf32>
      %swap3A_137 = vector.shape_cast %broadcast_in_dim3A_132 : vector<16xf32> to vector<1x16xf32>
      tpu.vector_store %arg8[%swap3A_133, %swap3A_134], %swap3A_137 {strides = array<i32>} : memref<128x128xf32, #tpu.memory_space<vmem>>, vector<1x16xf32>,
      %broadcast_in_dim3A_138 = arith.constant 0.000000e+00 : f32
      %broadcast_in_dim3A_139 = vector.broadcast %broadcast_in_dim3A_138 : f32 to vector<16xf32>
      %swap3A_140 = arith.index_cast %scan3A_48 : i32 to index
      %swap3A_141 = arith.constant 96 : index
      %swap3A_142 = tpu.vector_load %arg9[%swap3A_140, %swap3A_141] {strides = array<i32>} : memref<128x128xf32, #tpu.memory_space<vmem>>, vector<1x16xf32>,
      %swap3A_143 = vector.shape_cast %swap3A_142 : vector<1x16xf32> to vector<16xf32>
      %swap3A_144 = vector.shape_cast %broadcast_in_dim3A_139 : vector<16xf32> to vector<1x16xf32>
      tpu.vector_store %arg9[%swap3A_140, %swap3A_141], %swap3A_144 {strides = array<i32>} : memref<128x128xf32, #tpu.memory_space<vmem>>, vector<1x16xf32>,
      %broadcast_in_dim3A_145 = arith.constant 0.000000e+00 : f32
      %broadcast_in_dim3A_146 = vector.broadcast %broadcast_in_dim3A_145 : f32 to vector<16xf32>
      %swap3A_147 = arith.index_cast %scan3A_48 : i32 to index
      %swap3A_148 = arith.constant 112 : index
      %swap3A_149 = tpu.vector_load %arg8[%swap3A_147, %swap3A_148] {strides = array<i32>} : memref<128x128xf32, #tpu.memory_space<vmem>>, vector<1x16xf32>,
      %swap3A_150 = vector.shape_cast %swap3A_149 : vector<1x16xf32> to vector<16xf32>
      %swap3A_151 = vector.shape_cast %broadcast_in_dim3A_146 : vector<16xf32> to vector<1x16xf32>
      tpu.vector_store %arg8[%swap3A_147, %swap3A_148], %swap3A_151 {strides = array<i32>} : memref<128x128xf32, #tpu.memory_space<vmem>>, vector<1x16xf32>,
      %broadcast_in_dim3A_152 = arith.constant 0.000000e+00 : f32
      %broadcast_in_dim3A_153 = vector.broadcast %broadcast_in_dim3A_152 : f32 to vector<16xf32>
      %swap3A_154 = arith.index_cast %scan3A_48 : i32 to index
      %swap3A_155 = arith.constant 112 : index
      %swap3A_156 = tpu.vector_load %arg9[%swap3A_154, %swap3A_155] {strides = array<i32>} : memref<128x128xf32, #tpu.memory_space<vmem>>, vector<1x16xf32>,
      %swap3A_157 = vector.shape_cast %swap3A_156 : vector<1x16xf32> to vector<16xf32>
      %swap3A_158 = vector.shape_cast %broadcast_in_dim3A_153 : vector<16xf32> to vector<1x16xf32>
      tpu.vector_store %arg9[%swap3A_154, %swap3A_155], %swap3A_158 {strides = array<i32>} : memref<128x128xf32, #tpu.memory_space<vmem>>, vector<1x16xf32>,
    }
    %scan3A_5 = arith.constant 128 : i32
    %mul3A_6 = arith.constant 632 : i32
    %mul3A_7 = arith.muli %arg1, %mul3A_6 : i32
    %add3A_8 = arith.constant 0 : i32
    %add3A_9 = arith.addi %mul3A_7, %add3A_8 : i32
    "tpu.region"() ({
      %run_scoped3A = tpu.sem_alloc : memref<!tpu.dma_semaphore, #tpu.memory_space<semaphore_mem>>
      %dma_start3A_48 = arith.constant 0 : i32
      %dma_start3A_49 = tpu.memref_slice %arg10[%add3A_9, %dma_start3A_48] : memref<10112x128xf32, #tpu.memory_space<vmem_shared>> -> memref<128x128xf32, #tpu.memory_space<vmem_shared>>
      %dma_start3A_50 = arith.constant 0 : i32
      %dma_start3A_51 = tpu.memref_slice %arg10[%add3A_9, %dma_start3A_50] : memref<10112x128xf32, #tpu.memory_space<vmem_shared>> -> memref<128x128xf32, #tpu.memory_space<vmem_shared>>
      tpu.enqueue_dma source(%arg8 : memref<128x128xf32, #tpu.memory_space<vmem>>) target(%dma_start3A_51 : memref<128x128xf32, #tpu.memory_space<vmem_shared>>) target_semaphore(%run_scoped3A : memref<!tpu.dma_semaphore, #tpu.memory_space<semaphore_mem>>)
      %dma_wait3A = arith.constant 0 : i32
      %dma_wait3A_52 = tpu.memref_slice %arg10[%add3A_9, %dma_wait3A] : memref<10112x128xf32, #tpu.memory_space<vmem_shared>> -> memref<128x128xf32, #tpu.memory_space<vmem_shared>>
      %dma_wait3A_53 = arith.constant 0 : i32
      %dma_wait3A_54 = tpu.memref_slice %arg10[%add3A_9, %dma_wait3A_53] : memref<10112x128xf32, #tpu.memory_space<vmem_shared>> -> memref<128x128xf32, #tpu.memory_space<vmem_shared>>
      tpu.wait_dma2 semaphore(%run_scoped3A : memref<!tpu.dma_semaphore, #tpu.memory_space<semaphore_mem>>) src(%arg8 : memref<128x128xf32, #tpu.memory_space<vmem>>) dst(%dma_wait3A_54 : memref<128x128xf32, #tpu.memory_space<vmem_shared>>)
      tpu.yield
    }) : () -> ()
    %add3A_10 = arith.constant 0 : i32
    %add3A_11 = arith.addi %mul3A_7, %add3A_10 : i32
    %add3A_12 = arith.constant 128 : i32
    %add3A_13 = arith.addi %add3A_11, %add3A_12 : i32
    "tpu.region"() ({
      %run_scoped3A = tpu.sem_alloc : memref<!tpu.dma_semaphore, #tpu.memory_space<semaphore_mem>>
      %dma_start3A_48 = arith.constant 0 : i32
      %dma_start3A_49 = arith.constant 0 : i32
      %dma_start3A_50 = tpu.memref_slice %arg9[%dma_start3A_48, %dma_start3A_49] : memref<128x128xf32, #tpu.memory_space<vmem>> -> memref<128x128xf32, #tpu.memory_space<vmem>>
      %dma_start3A_51 = arith.constant 0 : i32
      %dma_start3A_52 = tpu.memref_slice %arg10[%add3A_13, %dma_start3A_51] : memref<10112x128xf32, #tpu.memory_space<vmem_shared>> -> memref<128x128xf32, #tpu.memory_space<vmem_shared>>
      %dma_start3A_53 = arith.constant 0 : i32
      %dma_start3A_54 = tpu.memref_slice %arg10[%add3A_13, %dma_start3A_53] : memref<10112x128xf32, #tpu.memory_space<vmem_shared>> -> memref<128x128xf32, #tpu.memory_space<vmem_shared>>
      %dma_start3A_55 = arith.constant 0 : i32
      %dma_start3A_56 = arith.constant 0 : i32
      %dma_start3A_57 = tpu.memref_slice %arg9[%dma_start3A_55, %dma_start3A_56] : memref<128x128xf32, #tpu.memory_space<vmem>> -> memref<128x128xf32, #tpu.memory_space<vmem>>
      tpu.enqueue_dma source(%dma_start3A_57 : memref<128x128xf32, #tpu.memory_space<vmem>>) target(%dma_start3A_54 : memref<128x128xf32, #tpu.memory_space<vmem_shared>>) target_semaphore(%run_scoped3A : memref<!tpu.dma_semaphore, #tpu.memory_space<semaphore_mem>>)
      %dma_wait3A = arith.constant 0 : i32
      %dma_wait3A_58 = arith.constant 0 : i32
      %dma_wait3A_59 = tpu.memref_slice %arg9[%dma_wait3A, %dma_wait3A_58] : memref<128x128xf32, #tpu.memory_space<vmem>> -> memref<128x128xf32, #tpu.memory_space<vmem>>
      %dma_wait3A_60 = arith.constant 0 : i32
      %dma_wait3A_61 = tpu.memref_slice %arg10[%add3A_13, %dma_wait3A_60] : memref<10112x128xf32, #tpu.memory_space<vmem_shared>> -> memref<128x128xf32, #tpu.memory_space<vmem_shared>>
      %dma_wait3A_62 = arith.constant 0 : i32
      %dma_wait3A_63 = tpu.memref_slice %arg10[%add3A_13, %dma_wait3A_62] : memref<10112x128xf32, #tpu.memory_space<vmem_shared>> -> memref<128x128xf32, #tpu.memory_space<vmem_shared>>
      %dma_wait3A_64 = arith.constant 0 : i32
      %dma_wait3A_65 = arith.constant 0 : i32
      %dma_wait3A_66 = tpu.memref_slice %arg9[%dma_wait3A_64, %dma_wait3A_65] : memref<128x128xf32, #tpu.memory_space<vmem>> -> memref<128x128xf32, #tpu.memory_space<vmem>>
      tpu.wait_dma2 semaphore(%run_scoped3A : memref<!tpu.dma_semaphore, #tpu.memory_space<semaphore_mem>>) src(%dma_wait3A_66 : memref<128x128xf32, #tpu.memory_space<vmem>>) dst(%dma_wait3A_63 : memref<128x128xf32, #tpu.memory_space<vmem_shared>>)
      tpu.yield
    }) : () -> ()
    %add3A_14 = arith.constant 256 : i32
    %add3A_15 = arith.addi %mul3A_7, %add3A_14 : i32
    "tpu.region"() ({
      %run_scoped3A = tpu.sem_alloc : memref<!tpu.dma_semaphore, #tpu.memory_space<semaphore_mem>>
      %dma_start3A_48 = arith.constant 0 : i32
      %dma_start3A_49 = tpu.memref_slice %arg10[%add3A_15, %dma_start3A_48] : memref<10112x128xf32, #tpu.memory_space<vmem_shared>> -> memref<128x128xf32, #tpu.memory_space<vmem_shared>>
      %dma_start3A_50 = arith.constant 0 : i32
      %dma_start3A_51 = tpu.memref_slice %arg10[%add3A_15, %dma_start3A_50] : memref<10112x128xf32, #tpu.memory_space<vmem_shared>> -> memref<128x128xf32, #tpu.memory_space<vmem_shared>>
      tpu.enqueue_dma source(%arg8 : memref<128x128xf32, #tpu.memory_space<vmem>>) target(%dma_start3A_51 : memref<128x128xf32, #tpu.memory_space<vmem_shared>>) target_semaphore(%run_scoped3A : memref<!tpu.dma_semaphore, #tpu.memory_space<semaphore_mem>>)
      %dma_wait3A = arith.constant 0 : i32
      %dma_wait3A_52 = tpu.memref_slice %arg10[%add3A_15, %dma_wait3A] : memref<10112x128xf32, #tpu.memory_space<vmem_shared>> -> memref<128x128xf32, #tpu.memory_space<vmem_shared>>
      %dma_wait3A_53 = arith.constant 0 : i32
      %dma_wait3A_54 = tpu.memref_slice %arg10[%add3A_15, %dma_wait3A_53] : memref<10112x128xf32, #tpu.memory_space<vmem_shared>> -> memref<128x128xf32, #tpu.memory_space<vmem_shared>>
      tpu.wait_dma2 semaphore(%run_scoped3A : memref<!tpu.dma_semaphore, #tpu.memory_space<semaphore_mem>>) src(%arg8 : memref<128x128xf32, #tpu.memory_space<vmem>>) dst(%dma_wait3A_54 : memref<128x128xf32, #tpu.memory_space<vmem_shared>>)
      tpu.yield
    }) : () -> ()
    %add3A_16 = arith.constant 256 : i32
    %add3A_17 = arith.addi %mul3A_7, %add3A_16 : i32
    %add3A_18 = arith.constant 128 : i32
    %add3A_19 = arith.addi %add3A_17, %add3A_18 : i32
    "tpu.region"() ({
      %run_scoped3A = tpu.sem_alloc : memref<!tpu.dma_semaphore, #tpu.memory_space<semaphore_mem>>
      %dma_start3A_48 = arith.constant 0 : i32
      %dma_start3A_49 = arith.constant 0 : i32
      %dma_start3A_50 = tpu.memref_slice %arg9[%dma_start3A_48, %dma_start3A_49] : memref<128x128xf32, #tpu.memory_space<vmem>> -> memref<128x128xf32, #tpu.memory_space<vmem>>
      %dma_start3A_51 = arith.constant 0 : i32
      %dma_start3A_52 = tpu.memref_slice %arg10[%add3A_19, %dma_start3A_51] : memref<10112x128xf32, #tpu.memory_space<vmem_shared>> -> memref<128x128xf32, #tpu.memory_space<vmem_shared>>
      %dma_start3A_53 = arith.constant 0 : i32
      %dma_start3A_54 = tpu.memref_slice %arg10[%add3A_19, %dma_start3A_53] : memref<10112x128xf32, #tpu.memory_space<vmem_shared>> -> memref<128x128xf32, #tpu.memory_space<vmem_shared>>
      %dma_start3A_55 = arith.constant 0 : i32
      %dma_start3A_56 = arith.constant 0 : i32
      %dma_start3A_57 = tpu.memref_slice %arg9[%dma_start3A_55, %dma_start3A_56] : memref<128x128xf32, #tpu.memory_space<vmem>> -> memref<128x128xf32, #tpu.memory_space<vmem>>
      tpu.enqueue_dma source(%dma_start3A_57 : memref<128x128xf32, #tpu.memory_space<vmem>>) target(%dma_start3A_54 : memref<128x128xf32, #tpu.memory_space<vmem_shared>>) target_semaphore(%run_scoped3A : memref<!tpu.dma_semaphore, #tpu.memory_space<semaphore_mem>>)
      %dma_wait3A = arith.constant 0 : i32
      %dma_wait3A_58 = arith.constant 0 : i32
      %dma_wait3A_59 = tpu.memref_slice %arg9[%dma_wait3A, %dma_wait3A_58] : memref<128x128xf32, #tpu.memory_space<vmem>> -> memref<128x128xf32, #tpu.memory_space<vmem>>
      %dma_wait3A_60 = arith.constant 0 : i32
      %dma_wait3A_61 = tpu.memref_slice %arg10[%add3A_19, %dma_wait3A_60] : memref<10112x128xf32, #tpu.memory_space<vmem_shared>> -> memref<128x128xf32, #tpu.memory_space<vmem_shared>>
      %dma_wait3A_62 = arith.constant 0 : i32
      %dma_wait3A_63 = tpu.memref_slice %arg10[%add3A_19, %dma_wait3A_62] : memref<10112x128xf32, #tpu.memory_space<vmem_shared>> -> memref<128x128xf32, #tpu.memory_space<vmem_shared>>
      %dma_wait3A_64 = arith.constant 0 : i32
      %dma_wait3A_65 = arith.constant 0 : i32
      %dma_wait3A_66 = tpu.memref_slice %arg9[%dma_wait3A_64, %dma_wait3A_65] : memref<128x128xf32, #tpu.memory_space<vmem>> -> memref<128x128xf32, #tpu.memory_space<vmem>>
      tpu.wait_dma2 semaphore(%run_scoped3A : memref<!tpu.dma_semaphore, #tpu.memory_space<semaphore_mem>>) src(%dma_wait3A_66 : memref<128x128xf32, #tpu.memory_space<vmem>>) dst(%dma_wait3A_63 : memref<128x128xf32, #tpu.memory_space<vmem_shared>>)
      tpu.yield
    }) : () -> ()
    %add3A_20 = arith.constant 512 : i32
    %add3A_21 = arith.addi %mul3A_7, %add3A_20 : i32
    "tpu.region"() ({
      %run_scoped3A = tpu.sem_alloc : memref<!tpu.dma_semaphore, #tpu.memory_space<semaphore_mem>>
      %dma_start3A_48 = arith.constant 0 : i32
      %dma_start3A_49 = arith.constant 0 : i32
      %dma_start3A_50 = tpu.memref_slice %arg8[%dma_start3A_48, %dma_start3A_49] : memref<128x128xf32, #tpu.memory_space<vmem>> -> memref<120x128xf32, #tpu.memory_space<vmem>>
      %dma_start3A_51 = arith.constant 0 : i32
      %dma_start3A_52 = tpu.memref_slice %arg10[%add3A_21, %dma_start3A_51] : memref<10112x128xf32, #tpu.memory_space<vmem_shared>> -> memref<120x128xf32, #tpu.memory_space<vmem_shared>>
      %dma_start3A_53 = arith.constant 0 : i32
      %dma_start3A_54 = tpu.memref_slice %arg10[%add3A_21, %dma_start3A_53] : memref<10112x128xf32, #tpu.memory_space<vmem_shared>> -> memref<120x128xf32, #tpu.memory_space<vmem_shared>>
      %dma_start3A_55 = arith.constant 0 : i32
      %dma_start3A_56 = arith.constant 0 : i32
      %dma_start3A_57 = tpu.memref_slice %arg8[%dma_start3A_55, %dma_start3A_56] : memref<128x128xf32, #tpu.memory_space<vmem>> -> memref<120x128xf32, #tpu.memory_space<vmem>>
      tpu.enqueue_dma source(%dma_start3A_57 : memref<120x128xf32, #tpu.memory_space<vmem>>) target(%dma_start3A_54 : memref<120x128xf32, #tpu.memory_space<vmem_shared>>) target_semaphore(%run_scoped3A : memref<!tpu.dma_semaphore, #tpu.memory_space<semaphore_mem>>)
      %dma_wait3A = arith.constant 0 : i32
      %dma_wait3A_58 = arith.constant 0 : i32
      %dma_wait3A_59 = tpu.memref_slice %arg8[%dma_wait3A, %dma_wait3A_58] : memref<128x128xf32, #tpu.memory_space<vmem>> -> memref<120x128xf32, #tpu.memory_space<vmem>>
      %dma_wait3A_60 = arith.constant 0 : i32
      %dma_wait3A_61 = tpu.memref_slice %arg10[%add3A_21, %dma_wait3A_60] : memref<10112x128xf32, #tpu.memory_space<vmem_shared>> -> memref<120x128xf32, #tpu.memory_space<vmem_shared>>
      %dma_wait3A_62 = arith.constant 0 : i32
      %dma_wait3A_63 = tpu.memref_slice %arg10[%add3A_21, %dma_wait3A_62] : memref<10112x128xf32, #tpu.memory_space<vmem_shared>> -> memref<120x128xf32, #tpu.memory_space<vmem_shared>>
      %dma_wait3A_64 = arith.constant 0 : i32
      %dma_wait3A_65 = arith.constant 0 : i32
      %dma_wait3A_66 = tpu.memref_slice %arg8[%dma_wait3A_64, %dma_wait3A_65] : memref<128x128xf32, #tpu.memory_space<vmem>> -> memref<120x128xf32, #tpu.memory_space<vmem>>
      tpu.wait_dma2 semaphore(%run_scoped3A : memref<!tpu.dma_semaphore, #tpu.memory_space<semaphore_mem>>) src(%dma_wait3A_66 : memref<120x128xf32, #tpu.memory_space<vmem>>) dst(%dma_wait3A_63 : memref<120x128xf32, #tpu.memory_space<vmem_shared>>)
      tpu.yield
    }) : () -> ()
    %barrier3A = arith.constant 0 : index
    tpu.barrier barrier_id(%barrier3A)
    "tpu.region"() ({
      %run_scoped3A = tpu.sem_alloc : memref<!tpu.dma_semaphore, #tpu.memory_space<semaphore_mem>>
      %dma_start3A_48 = arith.constant 0 : i32
      %dma_start3A_49 = arith.constant 0 : i32
      %dma_start3A_50 = tpu.memref_slice %arg3[%add3A, %dma_start3A_48, %dma_start3A_49] : memref<32x80x128xi32, #tpu.memory_space<hbm>> -> memref<1x40x128xi32, #tpu.memory_space<hbm>>
      %dma_start3A_51 = tpu.memref_squeeze %dma_start3A_50 : memref<1x40x128xi32, #tpu.memory_space<hbm>> -> memref<40x128xi32, #tpu.memory_space<hbm>>
      %dma_start3A_52 = arith.constant 0 : i32
      %dma_start3A_53 = arith.constant 0 : i32
      %dma_start3A_54 = tpu.memref_slice %arg3[%add3A, %dma_start3A_52, %dma_start3A_53] : memref<32x80x128xi32, #tpu.memory_space<hbm>> -> memref<1x40x128xi32, #tpu.memory_space<hbm>>
      %dma_start3A_55 = tpu.memref_squeeze %dma_start3A_54 : memref<1x40x128xi32, #tpu.memory_space<hbm>> -> memref<40x128xi32, #tpu.memory_space<hbm>>
      tpu.enqueue_dma source(%dma_start3A_55 : memref<40x128xi32, #tpu.memory_space<hbm>>) target(%arg6 : memref<40x128xi32, #tpu.memory_space<vmem>>) target_semaphore(%run_scoped3A : memref<!tpu.dma_semaphore, #tpu.memory_space<semaphore_mem>>)
      %dma_wait3A = arith.constant 0 : i32
      %dma_wait3A_56 = arith.constant 0 : i32
      %dma_wait3A_57 = tpu.memref_slice %arg3[%add3A, %dma_wait3A, %dma_wait3A_56] : memref<32x80x128xi32, #tpu.memory_space<hbm>> -> memref<1x40x128xi32, #tpu.memory_space<hbm>>
      %dma_wait3A_58 = tpu.memref_squeeze %dma_wait3A_57 : memref<1x40x128xi32, #tpu.memory_space<hbm>> -> memref<40x128xi32, #tpu.memory_space<hbm>>
      %dma_wait3A_59 = arith.constant 0 : i32
      %dma_wait3A_60 = arith.constant 0 : i32
      %dma_wait3A_61 = tpu.memref_slice %arg3[%add3A, %dma_wait3A_59, %dma_wait3A_60] : memref<32x80x128xi32, #tpu.memory_space<hbm>> -> memref<1x40x128xi32, #tpu.memory_space<hbm>>
      %dma_wait3A_62 = tpu.memref_squeeze %dma_wait3A_61 : memref<1x40x128xi32, #tpu.memory_space<hbm>> -> memref<40x128xi32, #tpu.memory_space<hbm>>
      tpu.wait_dma2 semaphore(%run_scoped3A : memref<!tpu.dma_semaphore, #tpu.memory_space<semaphore_mem>>) src(%dma_wait3A_62 : memref<40x128xi32, #tpu.memory_space<hbm>>) dst(%arg6 : memref<40x128xi32, #tpu.memory_space<vmem>>)
      tpu.yield
    }) : () -> ()
    "tpu.region"() ({
      %run_scoped3A = tpu.sem_alloc : memref<!tpu.dma_semaphore, #tpu.memory_space<semaphore_mem>>
      %dma_start3A_48 = arith.constant 0 : i32
      %dma_start3A_49 = arith.constant 0 : i32
      %dma_start3A_50 = tpu.memref_slice %arg4[%add3A, %dma_start3A_48, %dma_start3A_49] : memref<32x80x128xi32, #tpu.memory_space<hbm>> -> memref<1x40x128xi32, #tpu.memory_space<hbm>>
      %dma_start3A_51 = tpu.memref_squeeze %dma_start3A_50 : memref<1x40x128xi32, #tpu.memory_space<hbm>> -> memref<40x128xi32, #tpu.memory_space<hbm>>
      %dma_start3A_52 = arith.constant 0 : i32
      %dma_start3A_53 = arith.constant 0 : i32
      %dma_start3A_54 = tpu.memref_slice %arg4[%add3A, %dma_start3A_52, %dma_start3A_53] : memref<32x80x128xi32, #tpu.memory_space<hbm>> -> memref<1x40x128xi32, #tpu.memory_space<hbm>>
      %dma_start3A_55 = tpu.memref_squeeze %dma_start3A_54 : memref<1x40x128xi32, #tpu.memory_space<hbm>> -> memref<40x128xi32, #tpu.memory_space<hbm>>
      tpu.enqueue_dma source(%dma_start3A_55 : memref<40x128xi32, #tpu.memory_space<hbm>>) target(%arg7 : memref<40x128xi32, #tpu.memory_space<vmem>>) target_semaphore(%run_scoped3A : memref<!tpu.dma_semaphore, #tpu.memory_space<semaphore_mem>>)
      %dma_wait3A = arith.constant 0 : i32
      %dma_wait3A_56 = arith.constant 0 : i32
      %dma_wait3A_57 = tpu.memref_slice %arg4[%add3A, %dma_wait3A, %dma_wait3A_56] : memref<32x80x128xi32, #tpu.memory_space<hbm>> -> memref<1x40x128xi32, #tpu.memory_space<hbm>>
      %dma_wait3A_58 = tpu.memref_squeeze %dma_wait3A_57 : memref<1x40x128xi32, #tpu.memory_space<hbm>> -> memref<40x128xi32, #tpu.memory_space<hbm>>
      %dma_wait3A_59 = arith.constant 0 : i32
      %dma_wait3A_60 = arith.constant 0 : i32
      %dma_wait3A_61 = tpu.memref_slice %arg4[%add3A, %dma_wait3A_59, %dma_wait3A_60] : memref<32x80x128xi32, #tpu.memory_space<hbm>> -> memref<1x40x128xi32, #tpu.memory_space<hbm>>
      %dma_wait3A_62 = tpu.memref_squeeze %dma_wait3A_61 : memref<1x40x128xi32, #tpu.memory_space<hbm>> -> memref<40x128xi32, #tpu.memory_space<hbm>>
      tpu.wait_dma2 semaphore(%run_scoped3A : memref<!tpu.dma_semaphore, #tpu.memory_space<semaphore_mem>>) src(%dma_wait3A_62 : memref<40x128xi32, #tpu.memory_space<hbm>>) dst(%arg7 : memref<40x128xi32, #tpu.memory_space<vmem>>)
      tpu.yield
    }) : () -> ()
    %dma_start3A = arith.constant 0 : i32
    %dma_start3A_22 = arith.constant 0 : i32
    %dma_start3A_23 = tpu.memref_slice %arg6[%dma_start3A, %dma_start3A_22] : memref<40x128xi32, #tpu.memory_space<vmem>> -> memref<1x128xi32, #tpu.memory_space<vmem>>
    %dma_start3A_24 = tpu.memref_squeeze %dma_start3A_23 : memref<1x128xi32, #tpu.memory_space<vmem>> -> memref<128xi32, #tpu.memory_space<vmem>>
    %dma_start3A_25 = arith.constant 0 : i32
    %dma_start3A_26 = arith.constant 0 : i32
    %dma_start3A_27 = tpu.memref_slice %arg2[%dma_start3A_25, %dma_start3A_26] : memref<10000x128xf32, #tpu.memory_space<hbm>> -> memref<10000x128xf32, #tpu.memory_space<hbm>>
    tpu.enqueue_indirect_dma source(%dma_start3A_27 : memref<10000x128xf32, #tpu.memory_space<hbm>>) target(%arg8 : memref<128x128xf32, #tpu.memory_space<vmem>>) offsets(%dma_start3A_24 : memref<128xi32, #tpu.memory_space<vmem>>) semaphore(%arg11 : memref<!tpu.dma_semaphore, #tpu.memory_space<semaphore_mem>>)
    %scan3A_28 = arith.constant 0 : i32
    %scan3A_29 = arith.constant 0 : i32
    %scan3A_30 = arith.constant 20 : i32
    %scan3A_31 = arith.addi %scan3A_29, %scan3A_30 : i32
    %scan3A_32 = arith.constant 1 : i32
    scf.for %scan3A_48 = %scan3A_29 to %scan3A_31 step %scan3A_32  : i32 {
      %mul3A_49 = arith.constant 2 : i32
      %mul3A_50 = arith.muli %mul3A_49, %scan3A_48 : i32
      %add3A_51 = arith.constant 0 : i32
      %add3A_52 = arith.addi %mul3A_50, %add3A_51 : i32
      %add3A_53 = arith.constant 1 : i32
      %add3A_54 = arith.addi %add3A_52, %add3A_53 : i32
      %lt3A = arith.constant 40 : i32
      %lt3A_55 = arith.cmpi slt, %add3A_54, %lt3A : i32
      %convert_element_type3A = arith.extui %lt3A_55 : i1 to i32
      %cond3A = arith.constant 0 : i32
      %cond3A_56 = arith.cmpi ne, %convert_element_type3A, %cond3A : i32
      scf.if %cond3A_56 {
        %dma_start3A_85 = arith.constant 0 : i32
        %dma_start3A_86 = tpu.memref_slice %arg6[%add3A_54, %dma_start3A_85] : memref<40x128xi32, #tpu.memory_space<vmem>> -> memref<1x128xi32, #tpu.memory_space<vmem>>
        %dma_start3A_87 = tpu.memref_squeeze %dma_start3A_86 : memref<1x128xi32, #tpu.memory_space<vmem>> -> memref<128xi32, #tpu.memory_space<vmem>>
        %dma_start3A_88 = arith.constant 0 : i32
        %dma_start3A_89 = arith.constant 0 : i32
        %dma_start3A_90 = tpu.memref_slice %arg2[%dma_start3A_88, %dma_start3A_89] : memref<10000x128xf32, #tpu.memory_space<hbm>> -> memref<10000x128xf32, #tpu.memory_space<hbm>>
        tpu.enqueue_indirect_dma source(%dma_start3A_90 : memref<10000x128xf32, #tpu.memory_space<hbm>>) target(%arg9 : memref<128x128xf32, #tpu.memory_space<vmem>>) offsets(%dma_start3A_87 : memref<128xi32, #tpu.memory_space<vmem>>) semaphore(%arg12 : memref<!tpu.dma_semaphore, #tpu.memory_space<semaphore_mem>>)
      } else {
      }
      %add3A_57 = arith.constant 0 : i32
      %add3A_58 = arith.addi %mul3A_50, %add3A_57 : i32
      %dma_wait3A = arith.constant 0 : i32
      %dma_wait3A_59 = tpu.memref_slice %arg6[%add3A_58, %dma_wait3A] : memref<40x128xi32, #tpu.memory_space<vmem>> -> memref<1x128xi32, #tpu.memory_space<vmem>>
      %dma_wait3A_60 = tpu.memref_squeeze %dma_wait3A_59 : memref<1x128xi32, #tpu.memory_space<vmem>> -> memref<128xi32, #tpu.memory_space<vmem>>
      %dma_wait3A_61 = arith.constant 0 : i32
      %dma_wait3A_62 = arith.constant 0 : i32
      %dma_wait3A_63 = tpu.memref_slice %arg2[%dma_wait3A_61, %dma_wait3A_62] : memref<10000x128xf32, #tpu.memory_space<hbm>> -> memref<10000x128xf32, #tpu.memory_space<hbm>>
      tpu.wait_indirect_dma semaphore(%arg11 : memref<!tpu.dma_semaphore, #tpu.memory_space<semaphore_mem>>) src(%dma_wait3A_63 : memref<10000x128xf32, #tpu.memory_space<hbm>>) dst(%arg8 : memref<128x128xf32, #tpu.memory_space<vmem>>)
      %add3A_64 = arith.constant 0 : i32
      %add3A_65 = arith.addi %mul3A_50, %add3A_64 : i32
      "tpu.region"() ({
        %run_scoped3A = tpu.sem_alloc : memref<!tpu.dma_semaphore, #tpu.memory_space<semaphore_mem>>
        %dma_start3A_85 = arith.constant 0 : i32
        %dma_start3A_86 = tpu.memref_slice %arg7[%add3A_65, %dma_start3A_85] : memref<40x128xi32, #tpu.memory_space<vmem>> -> memref<1x128xi32, #tpu.memory_space<vmem>>
        %dma_start3A_87 = tpu.memref_squeeze %dma_start3A_86 : memref<1x128xi32, #tpu.memory_space<vmem>> -> memref<128xi32, #tpu.memory_space<vmem>>
        %dma_start3A_88 = arith.constant 0 : i32
        %dma_start3A_89 = arith.constant 0 : i32
        %dma_start3A_90 = tpu.memref_slice %arg10[%dma_start3A_88, %dma_start3A_89] : memref<10112x128xf32, #tpu.memory_space<vmem_shared>> -> memref<10112x128xf32, #tpu.memory_space<vmem_shared>>
        tpu.enqueue_indirect_dma source(%arg8 : memref<128x128xf32, #tpu.memory_space<vmem>>) target(%dma_start3A_90 : memref<10112x128xf32, #tpu.memory_space<vmem_shared>>) offsets(%dma_start3A_87 : memref<128xi32, #tpu.memory_space<vmem>>) semaphore(%run_scoped3A : memref<!tpu.dma_semaphore, #tpu.memory_space<semaphore_mem>>) {add = true}
        %dma_wait3A_91 = arith.constant 0 : i32
        %dma_wait3A_92 = tpu.memref_slice %arg7[%add3A_65, %dma_wait3A_91] : memref<40x128xi32, #tpu.memory_space<vmem>> -> memref<1x128xi32, #tpu.memory_space<vmem>>
        %dma_wait3A_93 = tpu.memref_squeeze %dma_wait3A_92 : memref<1x128xi32, #tpu.memory_space<vmem>> -> memref<128xi32, #tpu.memory_space<vmem>>
        %dma_wait3A_94 = arith.constant 0 : i32
        %dma_wait3A_95 = arith.constant 0 : i32
        %dma_wait3A_96 = tpu.memref_slice %arg10[%dma_wait3A_94, %dma_wait3A_95] : memref<10112x128xf32, #tpu.memory_space<vmem_shared>> -> memref<10112x128xf32, #tpu.memory_space<vmem_shared>>
        tpu.wait_indirect_dma semaphore(%run_scoped3A : memref<!tpu.dma_semaphore, #tpu.memory_space<semaphore_mem>>) src(%arg8 : memref<128x128xf32, #tpu.memory_space<vmem>>) dst(%dma_wait3A_96 : memref<10112x128xf32, #tpu.memory_space<vmem_shared>>)
        tpu.yield
      }) : () -> ()
      %add3A_66 = arith.constant 1 : i32
      %add3A_67 = arith.addi %mul3A_50, %add3A_66 : i32
      %add3A_68 = arith.constant 1 : i32
      %add3A_69 = arith.addi %add3A_67, %add3A_68 : i32
      %lt3A_70 = arith.constant 40 : i32
      %lt3A_71 = arith.cmpi slt, %add3A_69, %lt3A_70 : i32
      %convert_element_type3A_72 = arith.extui %lt3A_71 : i1 to i32
      %cond3A_73 = arith.constant 0 : i32
      %cond3A_74 = arith.cmpi ne, %convert_element_type3A_72, %cond3A_73 : i32
      scf.if %cond3A_74 {
        %dma_start3A_85 = arith.constant 0 : i32
        %dma_start3A_86 = tpu.memref_slice %arg6[%add3A_69, %dma_start3A_85] : memref<40x128xi32, #tpu.memory_space<vmem>> -> memref<1x128xi32, #tpu.memory_space<vmem>>
        %dma_start3A_87 = tpu.memref_squeeze %dma_start3A_86 : memref<1x128xi32, #tpu.memory_space<vmem>> -> memref<128xi32, #tpu.memory_space<vmem>>
        %dma_start3A_88 = arith.constant 0 : i32
        %dma_start3A_89 = arith.constant 0 : i32
        %dma_start3A_90 = tpu.memref_slice %arg2[%dma_start3A_88, %dma_start3A_89] : memref<10000x128xf32, #tpu.memory_space<hbm>> -> memref<10000x128xf32, #tpu.memory_space<hbm>>
        tpu.enqueue_indirect_dma source(%dma_start3A_90 : memref<10000x128xf32, #tpu.memory_space<hbm>>) target(%arg8 : memref<128x128xf32, #tpu.memory_space<vmem>>) offsets(%dma_start3A_87 : memref<128xi32, #tpu.memory_space<vmem>>) semaphore(%arg11 : memref<!tpu.dma_semaphore, #tpu.memory_space<semaphore_mem>>)
      } else {
      }
      %add3A_75 = arith.constant 1 : i32
      %add3A_76 = arith.addi %mul3A_50, %add3A_75 : i32
      %dma_wait3A_77 = arith.constant 0 : i32
      %dma_wait3A_78 = tpu.memref_slice %arg6[%add3A_76, %dma_wait3A_77] : memref<40x128xi32, #tpu.memory_space<vmem>> -> memref<1x128xi32, #tpu.memory_space<vmem>>
      %dma_wait3A_79 = tpu.memref_squeeze %dma_wait3A_78 : memref<1x128xi32, #tpu.memory_space<vmem>> -> memref<128xi32, #tpu.memory_space<vmem>>
      %dma_wait3A_80 = arith.constant 0 : i32
      %dma_wait3A_81 = arith.constant 0 : i32
      %dma_wait3A_82 = tpu.memref_slice %arg2[%dma_wait3A_80, %dma_wait3A_81] : memref<10000x128xf32, #tpu.memory_space<hbm>> -> memref<10000x128xf32, #tpu.memory_space<hbm>>
      tpu.wait_indirect_dma semaphore(%arg12 : memref<!tpu.dma_semaphore, #tpu.memory_space<semaphore_mem>>) src(%dma_wait3A_82 : memref<10000x128xf32, #tpu.memory_space<hbm>>) dst(%arg9 : memref<128x128xf32, #tpu.memory_space<vmem>>)
      %add3A_83 = arith.constant 1 : i32
      %add3A_84 = arith.addi %mul3A_50, %add3A_83 : i32
      "tpu.region"() ({
        %run_scoped3A = tpu.sem_alloc : memref<!tpu.dma_semaphore, #tpu.memory_space<semaphore_mem>>
        %dma_start3A_85 = arith.constant 0 : i32
        %dma_start3A_86 = tpu.memref_slice %arg7[%add3A_84, %dma_start3A_85] : memref<40x128xi32, #tpu.memory_space<vmem>> -> memref<1x128xi32, #tpu.memory_space<vmem>>
        %dma_start3A_87 = tpu.memref_squeeze %dma_start3A_86 : memref<1x128xi32, #tpu.memory_space<vmem>> -> memref<128xi32, #tpu.memory_space<vmem>>
        %dma_start3A_88 = arith.constant 0 : i32
        %dma_start3A_89 = arith.constant 0 : i32
        %dma_start3A_90 = tpu.memref_slice %arg10[%dma_start3A_88, %dma_start3A_89] : memref<10112x128xf32, #tpu.memory_space<vmem_shared>> -> memref<10112x128xf32, #tpu.memory_space<vmem_shared>>
        tpu.enqueue_indirect_dma source(%arg9 : memref<128x128xf32, #tpu.memory_space<vmem>>) target(%dma_start3A_90 : memref<10112x128xf32, #tpu.memory_space<vmem_shared>>) offsets(%dma_start3A_87 : memref<128xi32, #tpu.memory_space<vmem>>) semaphore(%run_scoped3A : memref<!tpu.dma_semaphore, #tpu.memory_space<semaphore_mem>>) {add = true}
        %dma_wait3A_91 = arith.constant 0 : i32
        %dma_wait3A_92 = tpu.memref_slice %arg7[%add3A_84, %dma_wait3A_91] : memref<40x128xi32, #tpu.memory_space<vmem>> -> memref<1x128xi32, #tpu.memory_space<vmem>>
        %dma_wait3A_93 = tpu.memref_squeeze %dma_wait3A_92 : memref<1x128xi32, #tpu.memory_space<vmem>> -> memref<128xi32, #tpu.memory_space<vmem>>
        %dma_wait3A_94 = arith.constant 0 : i32
        %dma_wait3A_95 = arith.constant 0 : i32
        %dma_wait3A_96 = tpu.memref_slice %arg10[%dma_wait3A_94, %dma_wait3A_95] : memref<10112x128xf32, #tpu.memory_space<vmem_shared>> -> memref<10112x128xf32, #tpu.memory_space<vmem_shared>>
        tpu.wait_indirect_dma semaphore(%run_scoped3A : memref<!tpu.dma_semaphore, #tpu.memory_space<semaphore_mem>>) src(%arg9 : memref<128x128xf32, #tpu.memory_space<vmem>>) dst(%dma_wait3A_96 : memref<10112x128xf32, #tpu.memory_space<vmem_shared>>)
        tpu.yield
      }) : () -> ()
    }
    %scan3A_33 = arith.constant 20 : i32
    "tpu.region"() ({
      %run_scoped3A = tpu.sem_alloc : memref<!tpu.dma_semaphore, #tpu.memory_space<semaphore_mem>>
      %dma_start3A_48 = arith.constant 40 : i32
      %dma_start3A_49 = arith.constant 0 : i32
      %dma_start3A_50 = tpu.memref_slice %arg3[%add3A, %dma_start3A_48, %dma_start3A_49] : memref<32x80x128xi32, #tpu.memory_space<hbm>> -> memref<1x40x128xi32, #tpu.memory_space<hbm>>
      %dma_start3A_51 = tpu.memref_squeeze %dma_start3A_50 : memref<1x40x128xi32, #tpu.memory_space<hbm>> -> memref<40x128xi32, #tpu.memory_space<hbm>>
      %dma_start3A_52 = arith.constant 40 : i32
      %dma_start3A_53 = arith.constant 0 : i32
      %dma_start3A_54 = tpu.memref_slice %arg3[%add3A, %dma_start3A_52, %dma_start3A_53] : memref<32x80x128xi32, #tpu.memory_space<hbm>> -> memref<1x40x128xi32, #tpu.memory_space<hbm>>
      %dma_start3A_55 = tpu.memref_squeeze %dma_start3A_54 : memref<1x40x128xi32, #tpu.memory_space<hbm>> -> memref<40x128xi32, #tpu.memory_space<hbm>>
      tpu.enqueue_dma source(%dma_start3A_55 : memref<40x128xi32, #tpu.memory_space<hbm>>) target(%arg6 : memref<40x128xi32, #tpu.memory_space<vmem>>) target_semaphore(%run_scoped3A : memref<!tpu.dma_semaphore, #tpu.memory_space<semaphore_mem>>)
      %dma_wait3A = arith.constant 40 : i32
      %dma_wait3A_56 = arith.constant 0 : i32
      %dma_wait3A_57 = tpu.memref_slice %arg3[%add3A, %dma_wait3A, %dma_wait3A_56] : memref<32x80x128xi32, #tpu.memory_space<hbm>> -> memref<1x40x128xi32, #tpu.memory_space<hbm>>
      %dma_wait3A_58 = tpu.memref_squeeze %dma_wait3A_57 : memref<1x40x128xi32, #tpu.memory_space<hbm>> -> memref<40x128xi32, #tpu.memory_space<hbm>>
      %dma_wait3A_59 = arith.constant 40 : i32
      %dma_wait3A_60 = arith.constant 0 : i32
      %dma_wait3A_61 = tpu.memref_slice %arg3[%add3A, %dma_wait3A_59, %dma_wait3A_60] : memref<32x80x128xi32, #tpu.memory_space<hbm>> -> memref<1x40x128xi32, #tpu.memory_space<hbm>>
      %dma_wait3A_62 = tpu.memref_squeeze %dma_wait3A_61 : memref<1x40x128xi32, #tpu.memory_space<hbm>> -> memref<40x128xi32, #tpu.memory_space<hbm>>
      tpu.wait_dma2 semaphore(%run_scoped3A : memref<!tpu.dma_semaphore, #tpu.memory_space<semaphore_mem>>) src(%dma_wait3A_62 : memref<40x128xi32, #tpu.memory_space<hbm>>) dst(%arg6 : memref<40x128xi32, #tpu.memory_space<vmem>>)
      tpu.yield
    }) : () -> ()
    "tpu.region"() ({
      %run_scoped3A = tpu.sem_alloc : memref<!tpu.dma_semaphore, #tpu.memory_space<semaphore_mem>>
      %dma_start3A_48 = arith.constant 40 : i32
      %dma_start3A_49 = arith.constant 0 : i32
      %dma_start3A_50 = tpu.memref_slice %arg4[%add3A, %dma_start3A_48, %dma_start3A_49] : memref<32x80x128xi32, #tpu.memory_space<hbm>> -> memref<1x40x128xi32, #tpu.memory_space<hbm>>
      %dma_start3A_51 = tpu.memref_squeeze %dma_start3A_50 : memref<1x40x128xi32, #tpu.memory_space<hbm>> -> memref<40x128xi32, #tpu.memory_space<hbm>>
      %dma_start3A_52 = arith.constant 40 : i32
      %dma_start3A_53 = arith.constant 0 : i32
      %dma_start3A_54 = tpu.memref_slice %arg4[%add3A, %dma_start3A_52, %dma_start3A_53] : memref<32x80x128xi32, #tpu.memory_space<hbm>> -> memref<1x40x128xi32, #tpu.memory_space<hbm>>
      %dma_start3A_55 = tpu.memref_squeeze %dma_start3A_54 : memref<1x40x128xi32, #tpu.memory_space<hbm>> -> memref<40x128xi32, #tpu.memory_space<hbm>>
      tpu.enqueue_dma source(%dma_start3A_55 : memref<40x128xi32, #tpu.memory_space<hbm>>) target(%arg7 : memref<40x128xi32, #tpu.memory_space<vmem>>) target_semaphore(%run_scoped3A : memref<!tpu.dma_semaphore, #tpu.memory_space<semaphore_mem>>)
      %dma_wait3A = arith.constant 40 : i32
      %dma_wait3A_56 = arith.constant 0 : i32
      %dma_wait3A_57 = tpu.memref_slice %arg4[%add3A, %dma_wait3A, %dma_wait3A_56] : memref<32x80x128xi32, #tpu.memory_space<hbm>> -> memref<1x40x128xi32, #tpu.memory_space<hbm>>
      %dma_wait3A_58 = tpu.memref_squeeze %dma_wait3A_57 : memref<1x40x128xi32, #tpu.memory_space<hbm>> -> memref<40x128xi32, #tpu.memory_space<hbm>>
      %dma_wait3A_59 = arith.constant 40 : i32
      %dma_wait3A_60 = arith.constant 0 : i32
      %dma_wait3A_61 = tpu.memref_slice %arg4[%add3A, %dma_wait3A_59, %dma_wait3A_60] : memref<32x80x128xi32, #tpu.memory_space<hbm>> -> memref<1x40x128xi32, #tpu.memory_space<hbm>>
      %dma_wait3A_62 = tpu.memref_squeeze %dma_wait3A_61 : memref<1x40x128xi32, #tpu.memory_space<hbm>> -> memref<40x128xi32, #tpu.memory_space<hbm>>
      tpu.wait_dma2 semaphore(%run_scoped3A : memref<!tpu.dma_semaphore, #tpu.memory_space<semaphore_mem>>) src(%dma_wait3A_62 : memref<40x128xi32, #tpu.memory_space<hbm>>) dst(%arg7 : memref<40x128xi32, #tpu.memory_space<vmem>>)
      tpu.yield
    }) : () -> ()
    %dma_start3A_34 = arith.constant 0 : i32
    %dma_start3A_35 = arith.constant 0 : i32
    %dma_start3A_36 = tpu.memref_slice %arg6[%dma_start3A_34, %dma_start3A_35] : memref<40x128xi32, #tpu.memory_space<vmem>> -> memref<1x128xi32, #tpu.memory_space<vmem>>
    %dma_start3A_37 = tpu.memref_squeeze %dma_start3A_36 : memref<1x128xi32, #tpu.memory_space<vmem>> -> memref<128xi32, #tpu.memory_space<vmem>>
    %dma_start3A_38 = arith.constant 0 : i32
    %dma_start3A_39 = arith.constant 0 : i32
    %dma_start3A_40 = tpu.memref_slice %arg2[%dma_start3A_38, %dma_start3A_39] : memref<10000x128xf32, #tpu.memory_space<hbm>> -> memref<10000x128xf32, #tpu.memory_space<hbm>>
    tpu.enqueue_indirect_dma source(%dma_start3A_40 : memref<10000x128xf32, #tpu.memory_space<hbm>>) target(%arg8 : memref<128x128xf32, #tpu.memory_space<vmem>>) offsets(%dma_start3A_37 : memref<128xi32, #tpu.memory_space<vmem>>) semaphore(%arg11 : memref<!tpu.dma_semaphore, #tpu.memory_space<semaphore_mem>>)
    %scan3A_41 = arith.constant 0 : i32
    %scan3A_42 = arith.constant 0 : i32
    %scan3A_43 = arith.constant 20 : i32
    %scan3A_44 = arith.addi %scan3A_42, %scan3A_43 : i32
    %scan3A_45 = arith.constant 1 : i32
    scf.for %scan3A_48 = %scan3A_42 to %scan3A_44 step %scan3A_45  : i32 {
      %mul3A_49 = arith.constant 2 : i32
      %mul3A_50 = arith.muli %mul3A_49, %scan3A_48 : i32
      %add3A_51 = arith.constant 0 : i32
      %add3A_52 = arith.addi %mul3A_50, %add3A_51 : i32
      %add3A_53 = arith.constant 1 : i32
      %add3A_54 = arith.addi %add3A_52, %add3A_53 : i32
      %lt3A = arith.constant 40 : i32
      %lt3A_55 = arith.cmpi slt, %add3A_54, %lt3A : i32
      %convert_element_type3A = arith.extui %lt3A_55 : i1 to i32
      %cond3A = arith.constant 0 : i32
      %cond3A_56 = arith.cmpi ne, %convert_element_type3A, %cond3A : i32
      scf.if %cond3A_56 {
        %dma_start3A_85 = arith.constant 0 : i32
        %dma_start3A_86 = tpu.memref_slice %arg6[%add3A_54, %dma_start3A_85] : memref<40x128xi32, #tpu.memory_space<vmem>> -> memref<1x128xi32, #tpu.memory_space<vmem>>
        %dma_start3A_87 = tpu.memref_squeeze %dma_start3A_86 : memref<1x128xi32, #tpu.memory_space<vmem>> -> memref<128xi32, #tpu.memory_space<vmem>>
        %dma_start3A_88 = arith.constant 0 : i32
        %dma_start3A_89 = arith.constant 0 : i32
        %dma_start3A_90 = tpu.memref_slice %arg2[%dma_start3A_88, %dma_start3A_89] : memref<10000x128xf32, #tpu.memory_space<hbm>> -> memref<10000x128xf32, #tpu.memory_space<hbm>>
        tpu.enqueue_indirect_dma source(%dma_start3A_90 : memref<10000x128xf32, #tpu.memory_space<hbm>>) target(%arg9 : memref<128x128xf32, #tpu.memory_space<vmem>>) offsets(%dma_start3A_87 : memref<128xi32, #tpu.memory_space<vmem>>) semaphore(%arg12 : memref<!tpu.dma_semaphore, #tpu.memory_space<semaphore_mem>>)
      } else {
      }
      %add3A_57 = arith.constant 0 : i32
      %add3A_58 = arith.addi %mul3A_50, %add3A_57 : i32
      %dma_wait3A = arith.constant 0 : i32
      %dma_wait3A_59 = tpu.memref_slice %arg6[%add3A_58, %dma_wait3A] : memref<40x128xi32, #tpu.memory_space<vmem>> -> memref<1x128xi32, #tpu.memory_space<vmem>>
      %dma_wait3A_60 = tpu.memref_squeeze %dma_wait3A_59 : memref<1x128xi32, #tpu.memory_space<vmem>> -> memref<128xi32, #tpu.memory_space<vmem>>
      %dma_wait3A_61 = arith.constant 0 : i32
      %dma_wait3A_62 = arith.constant 0 : i32
      %dma_wait3A_63 = tpu.memref_slice %arg2[%dma_wait3A_61, %dma_wait3A_62] : memref<10000x128xf32, #tpu.memory_space<hbm>> -> memref<10000x128xf32, #tpu.memory_space<hbm>>
      tpu.wait_indirect_dma semaphore(%arg11 : memref<!tpu.dma_semaphore, #tpu.memory_space<semaphore_mem>>) src(%dma_wait3A_63 : memref<10000x128xf32, #tpu.memory_space<hbm>>) dst(%arg8 : memref<128x128xf32, #tpu.memory_space<vmem>>)
      %add3A_64 = arith.constant 0 : i32
      %add3A_65 = arith.addi %mul3A_50, %add3A_64 : i32
      "tpu.region"() ({
        %run_scoped3A = tpu.sem_alloc : memref<!tpu.dma_semaphore, #tpu.memory_space<semaphore_mem>>
        %dma_start3A_85 = arith.constant 0 : i32
        %dma_start3A_86 = tpu.memref_slice %arg7[%add3A_65, %dma_start3A_85] : memref<40x128xi32, #tpu.memory_space<vmem>> -> memref<1x128xi32, #tpu.memory_space<vmem>>
        %dma_start3A_87 = tpu.memref_squeeze %dma_start3A_86 : memref<1x128xi32, #tpu.memory_space<vmem>> -> memref<128xi32, #tpu.memory_space<vmem>>
        %dma_start3A_88 = arith.constant 0 : i32
        %dma_start3A_89 = arith.constant 0 : i32
        %dma_start3A_90 = tpu.memref_slice %arg10[%dma_start3A_88, %dma_start3A_89] : memref<10112x128xf32, #tpu.memory_space<vmem_shared>> -> memref<10112x128xf32, #tpu.memory_space<vmem_shared>>
        tpu.enqueue_indirect_dma source(%arg8 : memref<128x128xf32, #tpu.memory_space<vmem>>) target(%dma_start3A_90 : memref<10112x128xf32, #tpu.memory_space<vmem_shared>>) offsets(%dma_start3A_87 : memref<128xi32, #tpu.memory_space<vmem>>) semaphore(%run_scoped3A : memref<!tpu.dma_semaphore, #tpu.memory_space<semaphore_mem>>) {add = true}
        %dma_wait3A_91 = arith.constant 0 : i32
        %dma_wait3A_92 = tpu.memref_slice %arg7[%add3A_65, %dma_wait3A_91] : memref<40x128xi32, #tpu.memory_space<vmem>> -> memref<1x128xi32, #tpu.memory_space<vmem>>
        %dma_wait3A_93 = tpu.memref_squeeze %dma_wait3A_92 : memref<1x128xi32, #tpu.memory_space<vmem>> -> memref<128xi32, #tpu.memory_space<vmem>>
        %dma_wait3A_94 = arith.constant 0 : i32
        %dma_wait3A_95 = arith.constant 0 : i32
        %dma_wait3A_96 = tpu.memref_slice %arg10[%dma_wait3A_94, %dma_wait3A_95] : memref<10112x128xf32, #tpu.memory_space<vmem_shared>> -> memref<10112x128xf32, #tpu.memory_space<vmem_shared>>
        tpu.wait_indirect_dma semaphore(%run_scoped3A : memref<!tpu.dma_semaphore, #tpu.memory_space<semaphore_mem>>) src(%arg8 : memref<128x128xf32, #tpu.memory_space<vmem>>) dst(%dma_wait3A_96 : memref<10112x128xf32, #tpu.memory_space<vmem_shared>>)
        tpu.yield
      }) : () -> ()
      %add3A_66 = arith.constant 1 : i32
      %add3A_67 = arith.addi %mul3A_50, %add3A_66 : i32
      %add3A_68 = arith.constant 1 : i32
      %add3A_69 = arith.addi %add3A_67, %add3A_68 : i32
      %lt3A_70 = arith.constant 40 : i32
      %lt3A_71 = arith.cmpi slt, %add3A_69, %lt3A_70 : i32
      %convert_element_type3A_72 = arith.extui %lt3A_71 : i1 to i32
      %cond3A_73 = arith.constant 0 : i32
      %cond3A_74 = arith.cmpi ne, %convert_element_type3A_72, %cond3A_73 : i32
      scf.if %cond3A_74 {
        %dma_start3A_85 = arith.constant 0 : i32
        %dma_start3A_86 = tpu.memref_slice %arg6[%add3A_69, %dma_start3A_85] : memref<40x128xi32, #tpu.memory_space<vmem>> -> memref<1x128xi32, #tpu.memory_space<vmem>>
        %dma_start3A_87 = tpu.memref_squeeze %dma_start3A_86 : memref<1x128xi32, #tpu.memory_space<vmem>> -> memref<128xi32, #tpu.memory_space<vmem>>
        %dma_start3A_88 = arith.constant 0 : i32
        %dma_start3A_89 = arith.constant 0 : i32
        %dma_start3A_90 = tpu.memref_slice %arg2[%dma_start3A_88, %dma_start3A_89] : memref<10000x128xf32, #tpu.memory_space<hbm>> -> memref<10000x128xf32, #tpu.memory_space<hbm>>
        tpu.enqueue_indirect_dma source(%dma_start3A_90 : memref<10000x128xf32, #tpu.memory_space<hbm>>) target(%arg8 : memref<128x128xf32, #tpu.memory_space<vmem>>) offsets(%dma_start3A_87 : memref<128xi32, #tpu.memory_space<vmem>>) semaphore(%arg11 : memref<!tpu.dma_semaphore, #tpu.memory_space<semaphore_mem>>)
      } else {
      }
      %add3A_75 = arith.constant 1 : i32
      %add3A_76 = arith.addi %mul3A_50, %add3A_75 : i32
      %dma_wait3A_77 = arith.constant 0 : i32
      %dma_wait3A_78 = tpu.memref_slice %arg6[%add3A_76, %dma_wait3A_77] : memref<40x128xi32, #tpu.memory_space<vmem>> -> memref<1x128xi32, #tpu.memory_space<vmem>>
      %dma_wait3A_79 = tpu.memref_squeeze %dma_wait3A_78 : memref<1x128xi32, #tpu.memory_space<vmem>> -> memref<128xi32, #tpu.memory_space<vmem>>
      %dma_wait3A_80 = arith.constant 0 : i32
      %dma_wait3A_81 = arith.constant 0 : i32
      %dma_wait3A_82 = tpu.memref_slice %arg2[%dma_wait3A_80, %dma_wait3A_81] : memref<10000x128xf32, #tpu.memory_space<hbm>> -> memref<10000x128xf32, #tpu.memory_space<hbm>>
      tpu.wait_indirect_dma semaphore(%arg12 : memref<!tpu.dma_semaphore, #tpu.memory_space<semaphore_mem>>) src(%dma_wait3A_82 : memref<10000x128xf32, #tpu.memory_space<hbm>>) dst(%arg9 : memref<128x128xf32, #tpu.memory_space<vmem>>)
      %add3A_83 = arith.constant 1 : i32
      %add3A_84 = arith.addi %mul3A_50, %add3A_83 : i32
      "tpu.region"() ({
        %run_scoped3A = tpu.sem_alloc : memref<!tpu.dma_semaphore, #tpu.memory_space<semaphore_mem>>
        %dma_start3A_85 = arith.constant 0 : i32
        %dma_start3A_86 = tpu.memref_slice %arg7[%add3A_84, %dma_start3A_85] : memref<40x128xi32, #tpu.memory_space<vmem>> -> memref<1x128xi32, #tpu.memory_space<vmem>>
        %dma_start3A_87 = tpu.memref_squeeze %dma_start3A_86 : memref<1x128xi32, #tpu.memory_space<vmem>> -> memref<128xi32, #tpu.memory_space<vmem>>
        %dma_start3A_88 = arith.constant 0 : i32
        %dma_start3A_89 = arith.constant 0 : i32
        %dma_start3A_90 = tpu.memref_slice %arg10[%dma_start3A_88, %dma_start3A_89] : memref<10112x128xf32, #tpu.memory_space<vmem_shared>> -> memref<10112x128xf32, #tpu.memory_space<vmem_shared>>
        tpu.enqueue_indirect_dma source(%arg9 : memref<128x128xf32, #tpu.memory_space<vmem>>) target(%dma_start3A_90 : memref<10112x128xf32, #tpu.memory_space<vmem_shared>>) offsets(%dma_start3A_87 : memref<128xi32, #tpu.memory_space<vmem>>) semaphore(%run_scoped3A : memref<!tpu.dma_semaphore, #tpu.memory_space<semaphore_mem>>) {add = true}
        %dma_wait3A_91 = arith.constant 0 : i32
        %dma_wait3A_92 = tpu.memref_slice %arg7[%add3A_84, %dma_wait3A_91] : memref<40x128xi32, #tpu.memory_space<vmem>> -> memref<1x128xi32, #tpu.memory_space<vmem>>
        %dma_wait3A_93 = tpu.memref_squeeze %dma_wait3A_92 : memref<1x128xi32, #tpu.memory_space<vmem>> -> memref<128xi32, #tpu.memory_space<vmem>>
        %dma_wait3A_94 = arith.constant 0 : i32
        %dma_wait3A_95 = arith.constant 0 : i32
        %dma_wait3A_96 = tpu.memref_slice %arg10[%dma_wait3A_94, %dma_wait3A_95] : memref<10112x128xf32, #tpu.memory_space<vmem_shared>> -> memref<10112x128xf32, #tpu.memory_space<vmem_shared>>
        tpu.wait_indirect_dma semaphore(%run_scoped3A : memref<!tpu.dma_semaphore, #tpu.memory_space<semaphore_mem>>) src(%arg9 : memref<128x128xf32, #tpu.memory_space<vmem>>) dst(%dma_wait3A_96 : memref<10112x128xf32, #tpu.memory_space<vmem_shared>>)
        tpu.yield
      }) : () -> ()
    }
    %scan3A_46 = arith.constant 20 : i32
    %barrier3A_47 = arith.constant 0 : index
    tpu.barrier barrier_id(%barrier3A_47)
    "tpu.region"() ({
      %run_scoped3A = tpu.sem_alloc : memref<!tpu.dma_semaphore, #tpu.memory_space<semaphore_mem>>
      %dma_start3A_48 = arith.constant 0 : i32
      %dma_start3A_49 = tpu.memref_slice %arg5[%arg0, %mul3A_7, %dma_start3A_48] : memref<2x10112x128xf32, #tpu.memory_space<hbm>> -> memref<1x632x128xf32, #tpu.memory_space<hbm>>
      %dma_start3A_50 = tpu.memref_squeeze %dma_start3A_49 : memref<1x632x128xf32, #tpu.memory_space<hbm>> -> memref<632x128xf32, #tpu.memory_space<hbm>>
      %dma_start3A_51 = arith.constant 0 : i32
      %dma_start3A_52 = tpu.memref_slice %arg10[%mul3A_7, %dma_start3A_51] : memref<10112x128xf32, #tpu.memory_space<vmem_shared>> -> memref<632x128xf32, #tpu.memory_space<vmem_shared>>
      tpu.enqueue_dma source(%dma_start3A_52 : memref<632x128xf32, #tpu.memory_space<vmem_shared>>) target(%dma_start3A_50 : memref<632x128xf32, #tpu.memory_space<hbm>>) target_semaphore(%run_scoped3A : memref<!tpu.dma_semaphore, #tpu.memory_space<semaphore_mem>>)
      %dma_wait3A = arith.constant 0 : i32
      %dma_wait3A_53 = tpu.memref_slice %arg5[%arg0, %mul3A_7, %dma_wait3A] : memref<2x10112x128xf32, #tpu.memory_space<hbm>> -> memref<1x632x128xf32, #tpu.memory_space<hbm>>
      %dma_wait3A_54 = tpu.memref_squeeze %dma_wait3A_53 : memref<1x632x128xf32, #tpu.memory_space<hbm>> -> memref<632x128xf32, #tpu.memory_space<hbm>>
      %dma_wait3A_55 = arith.constant 0 : i32
      %dma_wait3A_56 = tpu.memref_slice %arg10[%mul3A_7, %dma_wait3A_55] : memref<10112x128xf32, #tpu.memory_space<vmem_shared>> -> memref<632x128xf32, #tpu.memory_space<vmem_shared>>
      tpu.wait_dma2 semaphore(%run_scoped3A : memref<!tpu.dma_semaphore, #tpu.memory_space<semaphore_mem>>) src(%dma_wait3A_56 : memref<632x128xf32, #tpu.memory_space<vmem_shared>>) dst(%dma_wait3A_54 : memref<632x128xf32, #tpu.memory_space<hbm>>)
      tpu.yield
    }) : () -> ()
    return
  }
}

#map = affine_map<(d0, d1) -> (0, 0)>
#map1 = affine_map<(d0, d1) -> (0, 0, 0)>
module attributes {stable_mosaic.version = 14 : i64} {
  func.func @seg(%arg0: i32, %arg1: i32, %arg2: memref<10000x128xf32, #tpu.memory_space<hbm>>, %arg3: memref<32x80x128xi32, #tpu.memory_space<hbm>>, %arg4: memref<32x80x128xi32, #tpu.memory_space<hbm>>, %arg5: memref<2x10112x128xf32, #tpu.memory_space<hbm>>, %arg6: memref<40x128xi32, #tpu.memory_space<vmem>>, %arg7: memref<40x128xi32, #tpu.memory_space<vmem>>, %arg8: memref<128x128xf32, #tpu.memory_space<vmem>>, %arg9: memref<128x128xf32, #tpu.memory_space<vmem>>, %arg10: memref<10112x128xf32, #tpu.memory_space<vmem_shared>>, %arg11: memref<!tpu.dma_semaphore, #tpu.memory_space<semaphore_mem>>, %arg12: memref<!tpu.dma_semaphore, #tpu.memory_space<semaphore_mem>>) attributes {dimension_semantics = [#tpu.dimension_semantics<core_parallel>, #tpu.dimension_semantics<subcore_parallel>], iteration_bounds = array<i64: 2, 16>, scalar_prefetch = 0 : i64, scratch_operands = 7 : i64, tpu.core_type = #tpu.core_type<sc_vector_subcore>, window_params = [{transform_indices = #map}, {transform_indices = #map1}, {transform_indices = #map1}, {transform_indices = #map1}]} {
    %mul3A = arith.constant 2 : i32
    %mul3A_0 = arith.muli %arg1, %mul3A : i32
    %add3A = arith.addi %mul3A_0, %arg0 : i32
    %scan3A = arith.constant 0 : i32
    %scan3A_1 = arith.constant 0 : i32
    %scan3A_2 = arith.constant 128 : i32
    %scan3A_3 = arith.addi %scan3A_1, %scan3A_2 : i32
    %scan3A_4 = arith.constant 1 : i32
    scf.for %scan3A_48 = %scan3A_1 to %scan3A_3 step %scan3A_4  : i32 {
      %broadcast_in_dim3A = arith.constant 0.000000e+00 : f32
      %broadcast_in_dim3A_49 = vector.broadcast %broadcast_in_dim3A : f32 to vector<16xf32>
      %swap3A = arith.index_cast %scan3A_48 : i32 to index
      %swap3A_50 = arith.constant 0 : index
      %swap3A_51 = tpu.vector_load %arg8[%swap3A, %swap3A_50] {strides = array<i32>} : memref<128x128xf32, #tpu.memory_space<vmem>>, vector<1x16xf32>,
      %swap3A_52 = vector.shape_cast %swap3A_51 : vector<1x16xf32> to vector<16xf32>
      %swap3A_53 = vector.shape_cast %broadcast_in_dim3A_49 : vector<16xf32> to vector<1x16xf32>
      tpu.vector_store %arg8[%swap3A, %swap3A_50], %swap3A_53 {strides = array<i32>} : memref<128x128xf32, #tpu.memory_space<vmem>>, vector<1x16xf32>,
      %broadcast_in_dim3A_54 = arith.constant 0.000000e+00 : f32
      %broadcast_in_dim3A_55 = vector.broadcast %broadcast_in_dim3A_54 : f32 to vector<16xf32>
      %swap3A_56 = arith.index_cast %scan3A_48 : i32 to index
      %swap3A_57 = arith.constant 0 : index
      %swap3A_58 = tpu.vector_load %arg9[%swap3A_56, %swap3A_57] {strides = array<i32>} : memref<128x128xf32, #tpu.memory_space<vmem>>, vector<1x16xf32>,
      %swap3A_59 = vector.shape_cast %swap3A_58 : vector<1x16xf32> to vector<16xf32>
      %swap3A_60 = vector.shape_cast %broadcast_in_dim3A_55 : vector<16xf32> to vector<1x16xf32>
      tpu.vector_store %arg9[%swap3A_56, %swap3A_57], %swap3A_60 {strides = array<i32>} : memref<128x128xf32, #tpu.memory_space<vmem>>, vector<1x16xf32>,
      %broadcast_in_dim3A_61 = arith.constant 0.000000e+00 : f32
      %broadcast_in_dim3A_62 = vector.broadcast %broadcast_in_dim3A_61 : f32 to vector<16xf32>
      %swap3A_63 = arith.index_cast %scan3A_48 : i32 to index
      %swap3A_64 = arith.constant 16 : index
      %swap3A_65 = tpu.vector_load %arg8[%swap3A_63, %swap3A_64] {strides = array<i32>} : memref<128x128xf32, #tpu.memory_space<vmem>>, vector<1x16xf32>,
      %swap3A_66 = vector.shape_cast %swap3A_65 : vector<1x16xf32> to vector<16xf32>
      %swap3A_67 = vector.shape_cast %broadcast_in_dim3A_62 : vector<16xf32> to vector<1x16xf32>
      tpu.vector_store %arg8[%swap3A_63, %swap3A_64], %swap3A_67 {strides = array<i32>} : memref<128x128xf32, #tpu.memory_space<vmem>>, vector<1x16xf32>,
      %broadcast_in_dim3A_68 = arith.constant 0.000000e+00 : f32
      %broadcast_in_dim3A_69 = vector.broadcast %broadcast_in_dim3A_68 : f32 to vector<16xf32>
      %swap3A_70 = arith.index_cast %scan3A_48 : i32 to index
      %swap3A_71 = arith.constant 16 : index
      %swap3A_72 = tpu.vector_load %arg9[%swap3A_70, %swap3A_71] {strides = array<i32>} : memref<128x128xf32, #tpu.memory_space<vmem>>, vector<1x16xf32>,
      %swap3A_73 = vector.shape_cast %swap3A_72 : vector<1x16xf32> to vector<16xf32>
      %swap3A_74 = vector.shape_cast %broadcast_in_dim3A_69 : vector<16xf32> to vector<1x16xf32>
      tpu.vector_store %arg9[%swap3A_70, %swap3A_71], %swap3A_74 {strides = array<i32>} : memref<128x128xf32, #tpu.memory_space<vmem>>, vector<1x16xf32>,
      %broadcast_in_dim3A_75 = arith.constant 0.000000e+00 : f32
      %broadcast_in_dim3A_76 = vector.broadcast %broadcast_in_dim3A_75 : f32 to vector<16xf32>
      %swap3A_77 = arith.index_cast %scan3A_48 : i32 to index
      %swap3A_78 = arith.constant 32 : index
      %swap3A_79 = tpu.vector_load %arg8[%swap3A_77, %swap3A_78] {strides = array<i32>} : memref<128x128xf32, #tpu.memory_space<vmem>>, vector<1x16xf32>,
      %swap3A_80 = vector.shape_cast %swap3A_79 : vector<1x16xf32> to vector<16xf32>
      %swap3A_81 = vector.shape_cast %broadcast_in_dim3A_76 : vector<16xf32> to vector<1x16xf32>
      tpu.vector_store %arg8[%swap3A_77, %swap3A_78], %swap3A_81 {strides = array<i32>} : memref<128x128xf32, #tpu.memory_space<vmem>>, vector<1x16xf32>,
      %broadcast_in_dim3A_82 = arith.constant 0.000000e+00 : f32
      %broadcast_in_dim3A_83 = vector.broadcast %broadcast_in_dim3A_82 : f32 to vector<16xf32>
      %swap3A_84 = arith.index_cast %scan3A_48 : i32 to index
      %swap3A_85 = arith.constant 32 : index
      %swap3A_86 = tpu.vector_load %arg9[%swap3A_84, %swap3A_85] {strides = array<i32>} : memref<128x128xf32, #tpu.memory_space<vmem>>, vector<1x16xf32>,
      %swap3A_87 = vector.shape_cast %swap3A_86 : vector<1x16xf32> to vector<16xf32>
      %swap3A_88 = vector.shape_cast %broadcast_in_dim3A_83 : vector<16xf32> to vector<1x16xf32>
      tpu.vector_store %arg9[%swap3A_84, %swap3A_85], %swap3A_88 {strides = array<i32>} : memref<128x128xf32, #tpu.memory_space<vmem>>, vector<1x16xf32>,
      %broadcast_in_dim3A_89 = arith.constant 0.000000e+00 : f32
      %broadcast_in_dim3A_90 = vector.broadcast %broadcast_in_dim3A_89 : f32 to vector<16xf32>
      %swap3A_91 = arith.index_cast %scan3A_48 : i32 to index
      %swap3A_92 = arith.constant 48 : index
      %swap3A_93 = tpu.vector_load %arg8[%swap3A_91, %swap3A_92] {strides = array<i32>} : memref<128x128xf32, #tpu.memory_space<vmem>>, vector<1x16xf32>,
      %swap3A_94 = vector.shape_cast %swap3A_93 : vector<1x16xf32> to vector<16xf32>
      %swap3A_95 = vector.shape_cast %broadcast_in_dim3A_90 : vector<16xf32> to vector<1x16xf32>
      tpu.vector_store %arg8[%swap3A_91, %swap3A_92], %swap3A_95 {strides = array<i32>} : memref<128x128xf32, #tpu.memory_space<vmem>>, vector<1x16xf32>,
      %broadcast_in_dim3A_96 = arith.constant 0.000000e+00 : f32
      %broadcast_in_dim3A_97 = vector.broadcast %broadcast_in_dim3A_96 : f32 to vector<16xf32>
      %swap3A_98 = arith.index_cast %scan3A_48 : i32 to index
      %swap3A_99 = arith.constant 48 : index
      %swap3A_100 = tpu.vector_load %arg9[%swap3A_98, %swap3A_99] {strides = array<i32>} : memref<128x128xf32, #tpu.memory_space<vmem>>, vector<1x16xf32>,
      %swap3A_101 = vector.shape_cast %swap3A_100 : vector<1x16xf32> to vector<16xf32>
      %swap3A_102 = vector.shape_cast %broadcast_in_dim3A_97 : vector<16xf32> to vector<1x16xf32>
      tpu.vector_store %arg9[%swap3A_98, %swap3A_99], %swap3A_102 {strides = array<i32>} : memref<128x128xf32, #tpu.memory_space<vmem>>, vector<1x16xf32>,
      %broadcast_in_dim3A_103 = arith.constant 0.000000e+00 : f32
      %broadcast_in_dim3A_104 = vector.broadcast %broadcast_in_dim3A_103 : f32 to vector<16xf32>
      %swap3A_105 = arith.index_cast %scan3A_48 : i32 to index
      %swap3A_106 = arith.constant 64 : index
      %swap3A_107 = tpu.vector_load %arg8[%swap3A_105, %swap3A_106] {strides = array<i32>} : memref<128x128xf32, #tpu.memory_space<vmem>>, vector<1x16xf32>,
      %swap3A_108 = vector.shape_cast %swap3A_107 : vector<1x16xf32> to vector<16xf32>
      %swap3A_109 = vector.shape_cast %broadcast_in_dim3A_104 : vector<16xf32> to vector<1x16xf32>
      tpu.vector_store %arg8[%swap3A_105, %swap3A_106], %swap3A_109 {strides = array<i32>} : memref<128x128xf32, #tpu.memory_space<vmem>>, vector<1x16xf32>,
      %broadcast_in_dim3A_110 = arith.constant 0.000000e+00 : f32
      %broadcast_in_dim3A_111 = vector.broadcast %broadcast_in_dim3A_110 : f32 to vector<16xf32>
      %swap3A_112 = arith.index_cast %scan3A_48 : i32 to index
      %swap3A_113 = arith.constant 64 : index
      %swap3A_114 = tpu.vector_load %arg9[%swap3A_112, %swap3A_113] {strides = array<i32>} : memref<128x128xf32, #tpu.memory_space<vmem>>, vector<1x16xf32>,
      %swap3A_115 = vector.shape_cast %swap3A_114 : vector<1x16xf32> to vector<16xf32>
      %swap3A_116 = vector.shape_cast %broadcast_in_dim3A_111 : vector<16xf32> to vector<1x16xf32>
      tpu.vector_store %arg9[%swap3A_112, %swap3A_113], %swap3A_116 {strides = array<i32>} : memref<128x128xf32, #tpu.memory_space<vmem>>, vector<1x16xf32>,
      %broadcast_in_dim3A_117 = arith.constant 0.000000e+00 : f32
      %broadcast_in_dim3A_118 = vector.broadcast %broadcast_in_dim3A_117 : f32 to vector<16xf32>
      %swap3A_119 = arith.index_cast %scan3A_48 : i32 to index
      %swap3A_120 = arith.constant 80 : index
      %swap3A_121 = tpu.vector_load %arg8[%swap3A_119, %swap3A_120] {strides = array<i32>} : memref<128x128xf32, #tpu.memory_space<vmem>>, vector<1x16xf32>,
      %swap3A_122 = vector.shape_cast %swap3A_121 : vector<1x16xf32> to vector<16xf32>
      %swap3A_123 = vector.shape_cast %broadcast_in_dim3A_118 : vector<16xf32> to vector<1x16xf32>
      tpu.vector_store %arg8[%swap3A_119, %swap3A_120], %swap3A_123 {strides = array<i32>} : memref<128x128xf32, #tpu.memory_space<vmem>>, vector<1x16xf32>,
      %broadcast_in_dim3A_124 = arith.constant 0.000000e+00 : f32
      %broadcast_in_dim3A_125 = vector.broadcast %broadcast_in_dim3A_124 : f32 to vector<16xf32>
      %swap3A_126 = arith.index_cast %scan3A_48 : i32 to index
      %swap3A_127 = arith.constant 80 : index
      %swap3A_128 = tpu.vector_load %arg9[%swap3A_126, %swap3A_127] {strides = array<i32>} : memref<128x128xf32, #tpu.memory_space<vmem>>, vector<1x16xf32>,
      %swap3A_129 = vector.shape_cast %swap3A_128 : vector<1x16xf32> to vector<16xf32>
      %swap3A_130 = vector.shape_cast %broadcast_in_dim3A_125 : vector<16xf32> to vector<1x16xf32>
      tpu.vector_store %arg9[%swap3A_126, %swap3A_127], %swap3A_130 {strides = array<i32>} : memref<128x128xf32, #tpu.memory_space<vmem>>, vector<1x16xf32>,
      %broadcast_in_dim3A_131 = arith.constant 0.000000e+00 : f32
      %broadcast_in_dim3A_132 = vector.broadcast %broadcast_in_dim3A_131 : f32 to vector<16xf32>
      %swap3A_133 = arith.index_cast %scan3A_48 : i32 to index
      %swap3A_134 = arith.constant 96 : index
      %swap3A_135 = tpu.vector_load %arg8[%swap3A_133, %swap3A_134] {strides = array<i32>} : memref<128x128xf32, #tpu.memory_space<vmem>>, vector<1x16xf32>,
      %swap3A_136 = vector.shape_cast %swap3A_135 : vector<1x16xf32> to vector<16xf32>
      %swap3A_137 = vector.shape_cast %broadcast_in_dim3A_132 : vector<16xf32> to vector<1x16xf32>
      tpu.vector_store %arg8[%swap3A_133, %swap3A_134], %swap3A_137 {strides = array<i32>} : memref<128x128xf32, #tpu.memory_space<vmem>>, vector<1x16xf32>,
      %broadcast_in_dim3A_138 = arith.constant 0.000000e+00 : f32
      %broadcast_in_dim3A_139 = vector.broadcast %broadcast_in_dim3A_138 : f32 to vector<16xf32>
      %swap3A_140 = arith.index_cast %scan3A_48 : i32 to index
      %swap3A_141 = arith.constant 96 : index
      %swap3A_142 = tpu.vector_load %arg9[%swap3A_140, %swap3A_141] {strides = array<i32>} : memref<128x128xf32, #tpu.memory_space<vmem>>, vector<1x16xf32>,
      %swap3A_143 = vector.shape_cast %swap3A_142 : vector<1x16xf32> to vector<16xf32>
      %swap3A_144 = vector.shape_cast %broadcast_in_dim3A_139 : vector<16xf32> to vector<1x16xf32>
      tpu.vector_store %arg9[%swap3A_140, %swap3A_141], %swap3A_144 {strides = array<i32>} : memref<128x128xf32, #tpu.memory_space<vmem>>, vector<1x16xf32>,
      %broadcast_in_dim3A_145 = arith.constant 0.000000e+00 : f32
      %broadcast_in_dim3A_146 = vector.broadcast %broadcast_in_dim3A_145 : f32 to vector<16xf32>
      %swap3A_147 = arith.index_cast %scan3A_48 : i32 to index
      %swap3A_148 = arith.constant 112 : index
      %swap3A_149 = tpu.vector_load %arg8[%swap3A_147, %swap3A_148] {strides = array<i32>} : memref<128x128xf32, #tpu.memory_space<vmem>>, vector<1x16xf32>,
      %swap3A_150 = vector.shape_cast %swap3A_149 : vector<1x16xf32> to vector<16xf32>
      %swap3A_151 = vector.shape_cast %broadcast_in_dim3A_146 : vector<16xf32> to vector<1x16xf32>
      tpu.vector_store %arg8[%swap3A_147, %swap3A_148], %swap3A_151 {strides = array<i32>} : memref<128x128xf32, #tpu.memory_space<vmem>>, vector<1x16xf32>,
      %broadcast_in_dim3A_152 = arith.constant 0.000000e+00 : f32
      %broadcast_in_dim3A_153 = vector.broadcast %broadcast_in_dim3A_152 : f32 to vector<16xf32>
      %swap3A_154 = arith.index_cast %scan3A_48 : i32 to index
      %swap3A_155 = arith.constant 112 : index
      %swap3A_156 = tpu.vector_load %arg9[%swap3A_154, %swap3A_155] {strides = array<i32>} : memref<128x128xf32, #tpu.memory_space<vmem>>, vector<1x16xf32>,
      %swap3A_157 = vector.shape_cast %swap3A_156 : vector<1x16xf32> to vector<16xf32>
      %swap3A_158 = vector.shape_cast %broadcast_in_dim3A_153 : vector<16xf32> to vector<1x16xf32>
      tpu.vector_store %arg9[%swap3A_154, %swap3A_155], %swap3A_158 {strides = array<i32>} : memref<128x128xf32, #tpu.memory_space<vmem>>, vector<1x16xf32>,
    }
    %scan3A_5 = arith.constant 128 : i32
    %mul3A_6 = arith.constant 632 : i32
    %mul3A_7 = arith.muli %arg1, %mul3A_6 : i32
    %add3A_8 = arith.constant 0 : i32
    %add3A_9 = arith.addi %mul3A_7, %add3A_8 : i32
    "tpu.region"() ({
      %run_scoped3A = tpu.sem_alloc : memref<!tpu.dma_semaphore, #tpu.memory_space<semaphore_mem>>
      %dma_start3A_48 = arith.constant 0 : i32
      %dma_start3A_49 = tpu.memref_slice %arg10[%add3A_9, %dma_start3A_48] : memref<10112x128xf32, #tpu.memory_space<vmem_shared>> -> memref<128x128xf32, #tpu.memory_space<vmem_shared>>
      %dma_start3A_50 = arith.constant 0 : i32
      %dma_start3A_51 = tpu.memref_slice %arg10[%add3A_9, %dma_start3A_50] : memref<10112x128xf32, #tpu.memory_space<vmem_shared>> -> memref<128x128xf32, #tpu.memory_space<vmem_shared>>
      tpu.enqueue_dma source(%arg8 : memref<128x128xf32, #tpu.memory_space<vmem>>) target(%dma_start3A_51 : memref<128x128xf32, #tpu.memory_space<vmem_shared>>) target_semaphore(%run_scoped3A : memref<!tpu.dma_semaphore, #tpu.memory_space<semaphore_mem>>)
      %dma_wait3A = arith.constant 0 : i32
      %dma_wait3A_52 = tpu.memref_slice %arg10[%add3A_9, %dma_wait3A] : memref<10112x128xf32, #tpu.memory_space<vmem_shared>> -> memref<128x128xf32, #tpu.memory_space<vmem_shared>>
      %dma_wait3A_53 = arith.constant 0 : i32
      %dma_wait3A_54 = tpu.memref_slice %arg10[%add3A_9, %dma_wait3A_53] : memref<10112x128xf32, #tpu.memory_space<vmem_shared>> -> memref<128x128xf32, #tpu.memory_space<vmem_shared>>
      tpu.wait_dma2 semaphore(%run_scoped3A : memref<!tpu.dma_semaphore, #tpu.memory_space<semaphore_mem>>) src(%arg8 : memref<128x128xf32, #tpu.memory_space<vmem>>) dst(%dma_wait3A_54 : memref<128x128xf32, #tpu.memory_space<vmem_shared>>)
      tpu.yield
    }) : () -> ()
    %add3A_10 = arith.constant 0 : i32
    %add3A_11 = arith.addi %mul3A_7, %add3A_10 : i32
    %add3A_12 = arith.constant 128 : i32
    %add3A_13 = arith.addi %add3A_11, %add3A_12 : i32
    "tpu.region"() ({
      %run_scoped3A = tpu.sem_alloc : memref<!tpu.dma_semaphore, #tpu.memory_space<semaphore_mem>>
      %dma_start3A_48 = arith.constant 0 : i32
      %dma_start3A_49 = arith.constant 0 : i32
      %dma_start3A_50 = tpu.memref_slice %arg9[%dma_start3A_48, %dma_start3A_49] : memref<128x128xf32, #tpu.memory_space<vmem>> -> memref<128x128xf32, #tpu.memory_space<vmem>>
      %dma_start3A_51 = arith.constant 0 : i32
      %dma_start3A_52 = tpu.memref_slice %arg10[%add3A_13, %dma_start3A_51] : memref<10112x128xf32, #tpu.memory_space<vmem_shared>> -> memref<128x128xf32, #tpu.memory_space<vmem_shared>>
      %dma_start3A_53 = arith.constant 0 : i32
      %dma_start3A_54 = tpu.memref_slice %arg10[%add3A_13, %dma_start3A_53] : memref<10112x128xf32, #tpu.memory_space<vmem_shared>> -> memref<128x128xf32, #tpu.memory_space<vmem_shared>>
      %dma_start3A_55 = arith.constant 0 : i32
      %dma_start3A_56 = arith.constant 0 : i32
      %dma_start3A_57 = tpu.memref_slice %arg9[%dma_start3A_55, %dma_start3A_56] : memref<128x128xf32, #tpu.memory_space<vmem>> -> memref<128x128xf32, #tpu.memory_space<vmem>>
      tpu.enqueue_dma source(%dma_start3A_57 : memref<128x128xf32, #tpu.memory_space<vmem>>) target(%dma_start3A_54 : memref<128x128xf32, #tpu.memory_space<vmem_shared>>) target_semaphore(%run_scoped3A : memref<!tpu.dma_semaphore, #tpu.memory_space<semaphore_mem>>)
      %dma_wait3A = arith.constant 0 : i32
      %dma_wait3A_58 = arith.constant 0 : i32
      %dma_wait3A_59 = tpu.memref_slice %arg9[%dma_wait3A, %dma_wait3A_58] : memref<128x128xf32, #tpu.memory_space<vmem>> -> memref<128x128xf32, #tpu.memory_space<vmem>>
      %dma_wait3A_60 = arith.constant 0 : i32
      %dma_wait3A_61 = tpu.memref_slice %arg10[%add3A_13, %dma_wait3A_60] : memref<10112x128xf32, #tpu.memory_space<vmem_shared>> -> memref<128x128xf32, #tpu.memory_space<vmem_shared>>
      %dma_wait3A_62 = arith.constant 0 : i32
      %dma_wait3A_63 = tpu.memref_slice %arg10[%add3A_13, %dma_wait3A_62] : memref<10112x128xf32, #tpu.memory_space<vmem_shared>> -> memref<128x128xf32, #tpu.memory_space<vmem_shared>>
      %dma_wait3A_64 = arith.constant 0 : i32
      %dma_wait3A_65 = arith.constant 0 : i32
      %dma_wait3A_66 = tpu.memref_slice %arg9[%dma_wait3A_64, %dma_wait3A_65] : memref<128x128xf32, #tpu.memory_space<vmem>> -> memref<128x128xf32, #tpu.memory_space<vmem>>
      tpu.wait_dma2 semaphore(%run_scoped3A : memref<!tpu.dma_semaphore, #tpu.memory_space<semaphore_mem>>) src(%dma_wait3A_66 : memref<128x128xf32, #tpu.memory_space<vmem>>) dst(%dma_wait3A_63 : memref<128x128xf32, #tpu.memory_space<vmem_shared>>)
      tpu.yield
    }) : () -> ()
    %add3A_14 = arith.constant 256 : i32
    %add3A_15 = arith.addi %mul3A_7, %add3A_14 : i32
    "tpu.region"() ({
      %run_scoped3A = tpu.sem_alloc : memref<!tpu.dma_semaphore, #tpu.memory_space<semaphore_mem>>
      %dma_start3A_48 = arith.constant 0 : i32
      %dma_start3A_49 = tpu.memref_slice %arg10[%add3A_15, %dma_start3A_48] : memref<10112x128xf32, #tpu.memory_space<vmem_shared>> -> memref<128x128xf32, #tpu.memory_space<vmem_shared>>
      %dma_start3A_50 = arith.constant 0 : i32
      %dma_start3A_51 = tpu.memref_slice %arg10[%add3A_15, %dma_start3A_50] : memref<10112x128xf32, #tpu.memory_space<vmem_shared>> -> memref<128x128xf32, #tpu.memory_space<vmem_shared>>
      tpu.enqueue_dma source(%arg8 : memref<128x128xf32, #tpu.memory_space<vmem>>) target(%dma_start3A_51 : memref<128x128xf32, #tpu.memory_space<vmem_shared>>) target_semaphore(%run_scoped3A : memref<!tpu.dma_semaphore, #tpu.memory_space<semaphore_mem>>)
      %dma_wait3A = arith.constant 0 : i32
      %dma_wait3A_52 = tpu.memref_slice %arg10[%add3A_15, %dma_wait3A] : memref<10112x128xf32, #tpu.memory_space<vmem_shared>> -> memref<128x128xf32, #tpu.memory_space<vmem_shared>>
      %dma_wait3A_53 = arith.constant 0 : i32
      %dma_wait3A_54 = tpu.memref_slice %arg10[%add3A_15, %dma_wait3A_53] : memref<10112x128xf32, #tpu.memory_space<vmem_shared>> -> memref<128x128xf32, #tpu.memory_space<vmem_shared>>
      tpu.wait_dma2 semaphore(%run_scoped3A : memref<!tpu.dma_semaphore, #tpu.memory_space<semaphore_mem>>) src(%arg8 : memref<128x128xf32, #tpu.memory_space<vmem>>) dst(%dma_wait3A_54 : memref<128x128xf32, #tpu.memory_space<vmem_shared>>)
      tpu.yield
    }) : () -> ()
    %add3A_16 = arith.constant 256 : i32
    %add3A_17 = arith.addi %mul3A_7, %add3A_16 : i32
    %add3A_18 = arith.constant 128 : i32
    %add3A_19 = arith.addi %add3A_17, %add3A_18 : i32
    "tpu.region"() ({
      %run_scoped3A = tpu.sem_alloc : memref<!tpu.dma_semaphore, #tpu.memory_space<semaphore_mem>>
      %dma_start3A_48 = arith.constant 0 : i32
      %dma_start3A_49 = arith.constant 0 : i32
      %dma_start3A_50 = tpu.memref_slice %arg9[%dma_start3A_48, %dma_start3A_49] : memref<128x128xf32, #tpu.memory_space<vmem>> -> memref<128x128xf32, #tpu.memory_space<vmem>>
      %dma_start3A_51 = arith.constant 0 : i32
      %dma_start3A_52 = tpu.memref_slice %arg10[%add3A_19, %dma_start3A_51] : memref<10112x128xf32, #tpu.memory_space<vmem_shared>> -> memref<128x128xf32, #tpu.memory_space<vmem_shared>>
      %dma_start3A_53 = arith.constant 0 : i32
      %dma_start3A_54 = tpu.memref_slice %arg10[%add3A_19, %dma_start3A_53] : memref<10112x128xf32, #tpu.memory_space<vmem_shared>> -> memref<128x128xf32, #tpu.memory_space<vmem_shared>>
      %dma_start3A_55 = arith.constant 0 : i32
      %dma_start3A_56 = arith.constant 0 : i32
      %dma_start3A_57 = tpu.memref_slice %arg9[%dma_start3A_55, %dma_start3A_56] : memref<128x128xf32, #tpu.memory_space<vmem>> -> memref<128x128xf32, #tpu.memory_space<vmem>>
      tpu.enqueue_dma source(%dma_start3A_57 : memref<128x128xf32, #tpu.memory_space<vmem>>) target(%dma_start3A_54 : memref<128x128xf32, #tpu.memory_space<vmem_shared>>) target_semaphore(%run_scoped3A : memref<!tpu.dma_semaphore, #tpu.memory_space<semaphore_mem>>)
      %dma_wait3A = arith.constant 0 : i32
      %dma_wait3A_58 = arith.constant 0 : i32
      %dma_wait3A_59 = tpu.memref_slice %arg9[%dma_wait3A, %dma_wait3A_58] : memref<128x128xf32, #tpu.memory_space<vmem>> -> memref<128x128xf32, #tpu.memory_space<vmem>>
      %dma_wait3A_60 = arith.constant 0 : i32
      %dma_wait3A_61 = tpu.memref_slice %arg10[%add3A_19, %dma_wait3A_60] : memref<10112x128xf32, #tpu.memory_space<vmem_shared>> -> memref<128x128xf32, #tpu.memory_space<vmem_shared>>
      %dma_wait3A_62 = arith.constant 0 : i32
      %dma_wait3A_63 = tpu.memref_slice %arg10[%add3A_19, %dma_wait3A_62] : memref<10112x128xf32, #tpu.memory_space<vmem_shared>> -> memref<128x128xf32, #tpu.memory_space<vmem_shared>>
      %dma_wait3A_64 = arith.constant 0 : i32
      %dma_wait3A_65 = arith.constant 0 : i32
      %dma_wait3A_66 = tpu.memref_slice %arg9[%dma_wait3A_64, %dma_wait3A_65] : memref<128x128xf32, #tpu.memory_space<vmem>> -> memref<128x128xf32, #tpu.memory_space<vmem>>
      tpu.wait_dma2 semaphore(%run_scoped3A : memref<!tpu.dma_semaphore, #tpu.memory_space<semaphore_mem>>) src(%dma_wait3A_66 : memref<128x128xf32, #tpu.memory_space<vmem>>) dst(%dma_wait3A_63 : memref<128x128xf32, #tpu.memory_space<vmem_shared>>)
      tpu.yield
    }) : () -> ()
    %add3A_20 = arith.constant 512 : i32
    %add3A_21 = arith.addi %mul3A_7, %add3A_20 : i32
    "tpu.region"() ({
      %run_scoped3A = tpu.sem_alloc : memref<!tpu.dma_semaphore, #tpu.memory_space<semaphore_mem>>
      %dma_start3A_48 = arith.constant 0 : i32
      %dma_start3A_49 = arith.constant 0 : i32
      %dma_start3A_50 = tpu.memref_slice %arg8[%dma_start3A_48, %dma_start3A_49] : memref<128x128xf32, #tpu.memory_space<vmem>> -> memref<120x128xf32, #tpu.memory_space<vmem>>
      %dma_start3A_51 = arith.constant 0 : i32
      %dma_start3A_52 = tpu.memref_slice %arg10[%add3A_21, %dma_start3A_51] : memref<10112x128xf32, #tpu.memory_space<vmem_shared>> -> memref<120x128xf32, #tpu.memory_space<vmem_shared>>
      %dma_start3A_53 = arith.constant 0 : i32
      %dma_start3A_54 = tpu.memref_slice %arg10[%add3A_21, %dma_start3A_53] : memref<10112x128xf32, #tpu.memory_space<vmem_shared>> -> memref<120x128xf32, #tpu.memory_space<vmem_shared>>
      %dma_start3A_55 = arith.constant 0 : i32
      %dma_start3A_56 = arith.constant 0 : i32
      %dma_start3A_57 = tpu.memref_slice %arg8[%dma_start3A_55, %dma_start3A_56] : memref<128x128xf32, #tpu.memory_space<vmem>> -> memref<120x128xf32, #tpu.memory_space<vmem>>
      tpu.enqueue_dma source(%dma_start3A_57 : memref<120x128xf32, #tpu.memory_space<vmem>>) target(%dma_start3A_54 : memref<120x128xf32, #tpu.memory_space<vmem_shared>>) target_semaphore(%run_scoped3A : memref<!tpu.dma_semaphore, #tpu.memory_space<semaphore_mem>>)
      %dma_wait3A = arith.constant 0 : i32
      %dma_wait3A_58 = arith.constant 0 : i32
      %dma_wait3A_59 = tpu.memref_slice %arg8[%dma_wait3A, %dma_wait3A_58] : memref<128x128xf32, #tpu.memory_space<vmem>> -> memref<120x128xf32, #tpu.memory_space<vmem>>
      %dma_wait3A_60 = arith.constant 0 : i32
      %dma_wait3A_61 = tpu.memref_slice %arg10[%add3A_21, %dma_wait3A_60] : memref<10112x128xf32, #tpu.memory_space<vmem_shared>> -> memref<120x128xf32, #tpu.memory_space<vmem_shared>>
      %dma_wait3A_62 = arith.constant 0 : i32
      %dma_wait3A_63 = tpu.memref_slice %arg10[%add3A_21, %dma_wait3A_62] : memref<10112x128xf32, #tpu.memory_space<vmem_shared>> -> memref<120x128xf32, #tpu.memory_space<vmem_shared>>
      %dma_wait3A_64 = arith.constant 0 : i32
      %dma_wait3A_65 = arith.constant 0 : i32
      %dma_wait3A_66 = tpu.memref_slice %arg8[%dma_wait3A_64, %dma_wait3A_65] : memref<128x128xf32, #tpu.memory_space<vmem>> -> memref<120x128xf32, #tpu.memory_space<vmem>>
      tpu.wait_dma2 semaphore(%run_scoped3A : memref<!tpu.dma_semaphore, #tpu.memory_space<semaphore_mem>>) src(%dma_wait3A_66 : memref<120x128xf32, #tpu.memory_space<vmem>>) dst(%dma_wait3A_63 : memref<120x128xf32, #tpu.memory_space<vmem_shared>>)
      tpu.yield
    }) : () -> ()
    %barrier3A = arith.constant 0 : index
    tpu.barrier barrier_id(%barrier3A)
    "tpu.region"() ({
      %run_scoped3A = tpu.sem_alloc : memref<!tpu.dma_semaphore, #tpu.memory_space<semaphore_mem>>
      %dma_start3A_48 = arith.constant 0 : i32
      %dma_start3A_49 = arith.constant 0 : i32
      %dma_start3A_50 = tpu.memref_slice %arg3[%add3A, %dma_start3A_48, %dma_start3A_49] : memref<32x80x128xi32, #tpu.memory_space<hbm>> -> memref<1x40x128xi32, #tpu.memory_space<hbm>>
      %dma_start3A_51 = tpu.memref_squeeze %dma_start3A_50 : memref<1x40x128xi32, #tpu.memory_space<hbm>> -> memref<40x128xi32, #tpu.memory_space<hbm>>
      %dma_start3A_52 = arith.constant 0 : i32
      %dma_start3A_53 = arith.constant 0 : i32
      %dma_start3A_54 = tpu.memref_slice %arg3[%add3A, %dma_start3A_52, %dma_start3A_53] : memref<32x80x128xi32, #tpu.memory_space<hbm>> -> memref<1x40x128xi32, #tpu.memory_space<hbm>>
      %dma_start3A_55 = tpu.memref_squeeze %dma_start3A_54 : memref<1x40x128xi32, #tpu.memory_space<hbm>> -> memref<40x128xi32, #tpu.memory_space<hbm>>
      tpu.enqueue_dma source(%dma_start3A_55 : memref<40x128xi32, #tpu.memory_space<hbm>>) target(%arg6 : memref<40x128xi32, #tpu.memory_space<vmem>>) target_semaphore(%run_scoped3A : memref<!tpu.dma_semaphore, #tpu.memory_space<semaphore_mem>>)
      %dma_wait3A = arith.constant 0 : i32
      %dma_wait3A_56 = arith.constant 0 : i32
      %dma_wait3A_57 = tpu.memref_slice %arg3[%add3A, %dma_wait3A, %dma_wait3A_56] : memref<32x80x128xi32, #tpu.memory_space<hbm>> -> memref<1x40x128xi32, #tpu.memory_space<hbm>>
      %dma_wait3A_58 = tpu.memref_squeeze %dma_wait3A_57 : memref<1x40x128xi32, #tpu.memory_space<hbm>> -> memref<40x128xi32, #tpu.memory_space<hbm>>
      %dma_wait3A_59 = arith.constant 0 : i32
      %dma_wait3A_60 = arith.constant 0 : i32
      %dma_wait3A_61 = tpu.memref_slice %arg3[%add3A, %dma_wait3A_59, %dma_wait3A_60] : memref<32x80x128xi32, #tpu.memory_space<hbm>> -> memref<1x40x128xi32, #tpu.memory_space<hbm>>
      %dma_wait3A_62 = tpu.memref_squeeze %dma_wait3A_61 : memref<1x40x128xi32, #tpu.memory_space<hbm>> -> memref<40x128xi32, #tpu.memory_space<hbm>>
      tpu.wait_dma2 semaphore(%run_scoped3A : memref<!tpu.dma_semaphore, #tpu.memory_space<semaphore_mem>>) src(%dma_wait3A_62 : memref<40x128xi32, #tpu.memory_space<hbm>>) dst(%arg6 : memref<40x128xi32, #tpu.memory_space<vmem>>)
      tpu.yield
    }) : () -> ()
    "tpu.region"() ({
      %run_scoped3A = tpu.sem_alloc : memref<!tpu.dma_semaphore, #tpu.memory_space<semaphore_mem>>
      %dma_start3A_48 = arith.constant 0 : i32
      %dma_start3A_49 = arith.constant 0 : i32
      %dma_start3A_50 = tpu.memref_slice %arg4[%add3A, %dma_start3A_48, %dma_start3A_49] : memref<32x80x128xi32, #tpu.memory_space<hbm>> -> memref<1x40x128xi32, #tpu.memory_space<hbm>>
      %dma_start3A_51 = tpu.memref_squeeze %dma_start3A_50 : memref<1x40x128xi32, #tpu.memory_space<hbm>> -> memref<40x128xi32, #tpu.memory_space<hbm>>
      %dma_start3A_52 = arith.constant 0 : i32
      %dma_start3A_53 = arith.constant 0 : i32
      %dma_start3A_54 = tpu.memref_slice %arg4[%add3A, %dma_start3A_52, %dma_start3A_53] : memref<32x80x128xi32, #tpu.memory_space<hbm>> -> memref<1x40x128xi32, #tpu.memory_space<hbm>>
      %dma_start3A_55 = tpu.memref_squeeze %dma_start3A_54 : memref<1x40x128xi32, #tpu.memory_space<hbm>> -> memref<40x128xi32, #tpu.memory_space<hbm>>
      tpu.enqueue_dma source(%dma_start3A_55 : memref<40x128xi32, #tpu.memory_space<hbm>>) target(%arg7 : memref<40x128xi32, #tpu.memory_space<vmem>>) target_semaphore(%run_scoped3A : memref<!tpu.dma_semaphore, #tpu.memory_space<semaphore_mem>>)
      %dma_wait3A = arith.constant 0 : i32
      %dma_wait3A_56 = arith.constant 0 : i32
      %dma_wait3A_57 = tpu.memref_slice %arg4[%add3A, %dma_wait3A, %dma_wait3A_56] : memref<32x80x128xi32, #tpu.memory_space<hbm>> -> memref<1x40x128xi32, #tpu.memory_space<hbm>>
      %dma_wait3A_58 = tpu.memref_squeeze %dma_wait3A_57 : memref<1x40x128xi32, #tpu.memory_space<hbm>> -> memref<40x128xi32, #tpu.memory_space<hbm>>
      %dma_wait3A_59 = arith.constant 0 : i32
      %dma_wait3A_60 = arith.constant 0 : i32
      %dma_wait3A_61 = tpu.memref_slice %arg4[%add3A, %dma_wait3A_59, %dma_wait3A_60] : memref<32x80x128xi32, #tpu.memory_space<hbm>> -> memref<1x40x128xi32, #tpu.memory_space<hbm>>
      %dma_wait3A_62 = tpu.memref_squeeze %dma_wait3A_61 : memref<1x40x128xi32, #tpu.memory_space<hbm>> -> memref<40x128xi32, #tpu.memory_space<hbm>>
      tpu.wait_dma2 semaphore(%run_scoped3A : memref<!tpu.dma_semaphore, #tpu.memory_space<semaphore_mem>>) src(%dma_wait3A_62 : memref<40x128xi32, #tpu.memory_space<hbm>>) dst(%arg7 : memref<40x128xi32, #tpu.memory_space<vmem>>)
      tpu.yield
    }) : () -> ()
    %dma_start3A = arith.constant 0 : i32
    %dma_start3A_22 = arith.constant 0 : i32
    %dma_start3A_23 = tpu.memref_slice %arg6[%dma_start3A, %dma_start3A_22] : memref<40x128xi32, #tpu.memory_space<vmem>> -> memref<1x128xi32, #tpu.memory_space<vmem>>
    %dma_start3A_24 = tpu.memref_squeeze %dma_start3A_23 : memref<1x128xi32, #tpu.memory_space<vmem>> -> memref<128xi32, #tpu.memory_space<vmem>>
    %dma_start3A_25 = arith.constant 0 : i32
    %dma_start3A_26 = arith.constant 0 : i32
    %dma_start3A_27 = tpu.memref_slice %arg2[%dma_start3A_25, %dma_start3A_26] : memref<10000x128xf32, #tpu.memory_space<hbm>> -> memref<10000x128xf32, #tpu.memory_space<hbm>>
    tpu.enqueue_indirect_dma source(%dma_start3A_27 : memref<10000x128xf32, #tpu.memory_space<hbm>>) target(%arg8 : memref<128x128xf32, #tpu.memory_space<vmem>>) offsets(%dma_start3A_24 : memref<128xi32, #tpu.memory_space<vmem>>) semaphore(%arg11 : memref<!tpu.dma_semaphore, #tpu.memory_space<semaphore_mem>>)
    %scan3A_28 = arith.constant 0 : i32
    %scan3A_29 = arith.constant 0 : i32
    %scan3A_30 = arith.constant 20 : i32
    %scan3A_31 = arith.addi %scan3A_29, %scan3A_30 : i32
    %scan3A_32 = arith.constant 1 : i32
    scf.for %scan3A_48 = %scan3A_29 to %scan3A_31 step %scan3A_32  : i32 {
      %mul3A_49 = arith.constant 2 : i32
      %mul3A_50 = arith.muli %mul3A_49, %scan3A_48 : i32
      %add3A_51 = arith.constant 0 : i32
      %add3A_52 = arith.addi %mul3A_50, %add3A_51 : i32
      %add3A_53 = arith.constant 1 : i32
      %add3A_54 = arith.addi %add3A_52, %add3A_53 : i32
      %lt3A = arith.constant 40 : i32
      %lt3A_55 = arith.cmpi slt, %add3A_54, %lt3A : i32
      %convert_element_type3A = arith.extui %lt3A_55 : i1 to i32
      %cond3A = arith.constant 0 : i32
      %cond3A_56 = arith.cmpi ne, %convert_element_type3A, %cond3A : i32
      scf.if %cond3A_56 {
        %dma_start3A_85 = arith.constant 0 : i32
        %dma_start3A_86 = tpu.memref_slice %arg6[%add3A_54, %dma_start3A_85] : memref<40x128xi32, #tpu.memory_space<vmem>> -> memref<1x128xi32, #tpu.memory_space<vmem>>
        %dma_start3A_87 = tpu.memref_squeeze %dma_start3A_86 : memref<1x128xi32, #tpu.memory_space<vmem>> -> memref<128xi32, #tpu.memory_space<vmem>>
        %dma_start3A_88 = arith.constant 0 : i32
        %dma_start3A_89 = arith.constant 0 : i32
        %dma_start3A_90 = tpu.memref_slice %arg2[%dma_start3A_88, %dma_start3A_89] : memref<10000x128xf32, #tpu.memory_space<hbm>> -> memref<10000x128xf32, #tpu.memory_space<hbm>>
        tpu.enqueue_indirect_dma source(%dma_start3A_90 : memref<10000x128xf32, #tpu.memory_space<hbm>>) target(%arg9 : memref<128x128xf32, #tpu.memory_space<vmem>>) offsets(%dma_start3A_87 : memref<128xi32, #tpu.memory_space<vmem>>) semaphore(%arg12 : memref<!tpu.dma_semaphore, #tpu.memory_space<semaphore_mem>>)
      } else {
      }
      %add3A_57 = arith.constant 0 : i32
      %add3A_58 = arith.addi %mul3A_50, %add3A_57 : i32
      %dma_wait3A = arith.constant 0 : i32
      %dma_wait3A_59 = tpu.memref_slice %arg6[%add3A_58, %dma_wait3A] : memref<40x128xi32, #tpu.memory_space<vmem>> -> memref<1x128xi32, #tpu.memory_space<vmem>>
      %dma_wait3A_60 = tpu.memref_squeeze %dma_wait3A_59 : memref<1x128xi32, #tpu.memory_space<vmem>> -> memref<128xi32, #tpu.memory_space<vmem>>
      %dma_wait3A_61 = arith.constant 0 : i32
      %dma_wait3A_62 = arith.constant 0 : i32
      %dma_wait3A_63 = tpu.memref_slice %arg2[%dma_wait3A_61, %dma_wait3A_62] : memref<10000x128xf32, #tpu.memory_space<hbm>> -> memref<10000x128xf32, #tpu.memory_space<hbm>>
      tpu.wait_indirect_dma semaphore(%arg11 : memref<!tpu.dma_semaphore, #tpu.memory_space<semaphore_mem>>) src(%dma_wait3A_63 : memref<10000x128xf32, #tpu.memory_space<hbm>>) dst(%arg8 : memref<128x128xf32, #tpu.memory_space<vmem>>)
      %add3A_64 = arith.constant 0 : i32
      %add3A_65 = arith.addi %mul3A_50, %add3A_64 : i32
      "tpu.region"() ({
        %run_scoped3A = tpu.sem_alloc : memref<!tpu.dma_semaphore, #tpu.memory_space<semaphore_mem>>
        %dma_start3A_85 = arith.constant 0 : i32
        %dma_start3A_86 = tpu.memref_slice %arg7[%add3A_65, %dma_start3A_85] : memref<40x128xi32, #tpu.memory_space<vmem>> -> memref<1x128xi32, #tpu.memory_space<vmem>>
        %dma_start3A_87 = tpu.memref_squeeze %dma_start3A_86 : memref<1x128xi32, #tpu.memory_space<vmem>> -> memref<128xi32, #tpu.memory_space<vmem>>
        %dma_start3A_88 = arith.constant 0 : i32
        %dma_start3A_89 = arith.constant 0 : i32
        %dma_start3A_90 = tpu.memref_slice %arg10[%dma_start3A_88, %dma_start3A_89] : memref<10112x128xf32, #tpu.memory_space<vmem_shared>> -> memref<10112x128xf32, #tpu.memory_space<vmem_shared>>
        tpu.enqueue_indirect_dma source(%arg8 : memref<128x128xf32, #tpu.memory_space<vmem>>) target(%dma_start3A_90 : memref<10112x128xf32, #tpu.memory_space<vmem_shared>>) offsets(%dma_start3A_87 : memref<128xi32, #tpu.memory_space<vmem>>) semaphore(%run_scoped3A : memref<!tpu.dma_semaphore, #tpu.memory_space<semaphore_mem>>) {add = true}
        %dma_wait3A_91 = arith.constant 0 : i32
        %dma_wait3A_92 = tpu.memref_slice %arg7[%add3A_65, %dma_wait3A_91] : memref<40x128xi32, #tpu.memory_space<vmem>> -> memref<1x128xi32, #tpu.memory_space<vmem>>
        %dma_wait3A_93 = tpu.memref_squeeze %dma_wait3A_92 : memref<1x128xi32, #tpu.memory_space<vmem>> -> memref<128xi32, #tpu.memory_space<vmem>>
        %dma_wait3A_94 = arith.constant 0 : i32
        %dma_wait3A_95 = arith.constant 0 : i32
        %dma_wait3A_96 = tpu.memref_slice %arg10[%dma_wait3A_94, %dma_wait3A_95] : memref<10112x128xf32, #tpu.memory_space<vmem_shared>> -> memref<10112x128xf32, #tpu.memory_space<vmem_shared>>
        tpu.wait_indirect_dma semaphore(%run_scoped3A : memref<!tpu.dma_semaphore, #tpu.memory_space<semaphore_mem>>) src(%arg8 : memref<128x128xf32, #tpu.memory_space<vmem>>) dst(%dma_wait3A_96 : memref<10112x128xf32, #tpu.memory_space<vmem_shared>>)
        tpu.yield
      }) : () -> ()
      %add3A_66 = arith.constant 1 : i32
      %add3A_67 = arith.addi %mul3A_50, %add3A_66 : i32
      %add3A_68 = arith.constant 1 : i32
      %add3A_69 = arith.addi %add3A_67, %add3A_68 : i32
      %lt3A_70 = arith.constant 40 : i32
      %lt3A_71 = arith.cmpi slt, %add3A_69, %lt3A_70 : i32
      %convert_element_type3A_72 = arith.extui %lt3A_71 : i1 to i32
      %cond3A_73 = arith.constant 0 : i32
      %cond3A_74 = arith.cmpi ne, %convert_element_type3A_72, %cond3A_73 : i32
      scf.if %cond3A_74 {
        %dma_start3A_85 = arith.constant 0 : i32
        %dma_start3A_86 = tpu.memref_slice %arg6[%add3A_69, %dma_start3A_85] : memref<40x128xi32, #tpu.memory_space<vmem>> -> memref<1x128xi32, #tpu.memory_space<vmem>>
        %dma_start3A_87 = tpu.memref_squeeze %dma_start3A_86 : memref<1x128xi32, #tpu.memory_space<vmem>> -> memref<128xi32, #tpu.memory_space<vmem>>
        %dma_start3A_88 = arith.constant 0 : i32
        %dma_start3A_89 = arith.constant 0 : i32
        %dma_start3A_90 = tpu.memref_slice %arg2[%dma_start3A_88, %dma_start3A_89] : memref<10000x128xf32, #tpu.memory_space<hbm>> -> memref<10000x128xf32, #tpu.memory_space<hbm>>
        tpu.enqueue_indirect_dma source(%dma_start3A_90 : memref<10000x128xf32, #tpu.memory_space<hbm>>) target(%arg8 : memref<128x128xf32, #tpu.memory_space<vmem>>) offsets(%dma_start3A_87 : memref<128xi32, #tpu.memory_space<vmem>>) semaphore(%arg11 : memref<!tpu.dma_semaphore, #tpu.memory_space<semaphore_mem>>)
      } else {
      }
      %add3A_75 = arith.constant 1 : i32
      %add3A_76 = arith.addi %mul3A_50, %add3A_75 : i32
      %dma_wait3A_77 = arith.constant 0 : i32
      %dma_wait3A_78 = tpu.memref_slice %arg6[%add3A_76, %dma_wait3A_77] : memref<40x128xi32, #tpu.memory_space<vmem>> -> memref<1x128xi32, #tpu.memory_space<vmem>>
      %dma_wait3A_79 = tpu.memref_squeeze %dma_wait3A_78 : memref<1x128xi32, #tpu.memory_space<vmem>> -> memref<128xi32, #tpu.memory_space<vmem>>
      %dma_wait3A_80 = arith.constant 0 : i32
      %dma_wait3A_81 = arith.constant 0 : i32
      %dma_wait3A_82 = tpu.memref_slice %arg2[%dma_wait3A_80, %dma_wait3A_81] : memref<10000x128xf32, #tpu.memory_space<hbm>> -> memref<10000x128xf32, #tpu.memory_space<hbm>>
      tpu.wait_indirect_dma semaphore(%arg12 : memref<!tpu.dma_semaphore, #tpu.memory_space<semaphore_mem>>) src(%dma_wait3A_82 : memref<10000x128xf32, #tpu.memory_space<hbm>>) dst(%arg9 : memref<128x128xf32, #tpu.memory_space<vmem>>)
      %add3A_83 = arith.constant 1 : i32
      %add3A_84 = arith.addi %mul3A_50, %add3A_83 : i32
      "tpu.region"() ({
        %run_scoped3A = tpu.sem_alloc : memref<!tpu.dma_semaphore, #tpu.memory_space<semaphore_mem>>
        %dma_start3A_85 = arith.constant 0 : i32
        %dma_start3A_86 = tpu.memref_slice %arg7[%add3A_84, %dma_start3A_85] : memref<40x128xi32, #tpu.memory_space<vmem>> -> memref<1x128xi32, #tpu.memory_space<vmem>>
        %dma_start3A_87 = tpu.memref_squeeze %dma_start3A_86 : memref<1x128xi32, #tpu.memory_space<vmem>> -> memref<128xi32, #tpu.memory_space<vmem>>
        %dma_start3A_88 = arith.constant 0 : i32
        %dma_start3A_89 = arith.constant 0 : i32
        %dma_start3A_90 = tpu.memref_slice %arg10[%dma_start3A_88, %dma_start3A_89] : memref<10112x128xf32, #tpu.memory_space<vmem_shared>> -> memref<10112x128xf32, #tpu.memory_space<vmem_shared>>
        tpu.enqueue_indirect_dma source(%arg9 : memref<128x128xf32, #tpu.memory_space<vmem>>) target(%dma_start3A_90 : memref<10112x128xf32, #tpu.memory_space<vmem_shared>>) offsets(%dma_start3A_87 : memref<128xi32, #tpu.memory_space<vmem>>) semaphore(%run_scoped3A : memref<!tpu.dma_semaphore, #tpu.memory_space<semaphore_mem>>) {add = true}
        %dma_wait3A_91 = arith.constant 0 : i32
        %dma_wait3A_92 = tpu.memref_slice %arg7[%add3A_84, %dma_wait3A_91] : memref<40x128xi32, #tpu.memory_space<vmem>> -> memref<1x128xi32, #tpu.memory_space<vmem>>
        %dma_wait3A_93 = tpu.memref_squeeze %dma_wait3A_92 : memref<1x128xi32, #tpu.memory_space<vmem>> -> memref<128xi32, #tpu.memory_space<vmem>>
        %dma_wait3A_94 = arith.constant 0 : i32
        %dma_wait3A_95 = arith.constant 0 : i32
        %dma_wait3A_96 = tpu.memref_slice %arg10[%dma_wait3A_94, %dma_wait3A_95] : memref<10112x128xf32, #tpu.memory_space<vmem_shared>> -> memref<10112x128xf32, #tpu.memory_space<vmem_shared>>
        tpu.wait_indirect_dma semaphore(%run_scoped3A : memref<!tpu.dma_semaphore, #tpu.memory_space<semaphore_mem>>) src(%arg9 : memref<128x128xf32, #tpu.memory_space<vmem>>) dst(%dma_wait3A_96 : memref<10112x128xf32, #tpu.memory_space<vmem_shared>>)
        tpu.yield
      }) : () -> ()
    }
    %scan3A_33 = arith.constant 20 : i32
    "tpu.region"() ({
      %run_scoped3A = tpu.sem_alloc : memref<!tpu.dma_semaphore, #tpu.memory_space<semaphore_mem>>
      %dma_start3A_48 = arith.constant 40 : i32
      %dma_start3A_49 = arith.constant 0 : i32
      %dma_start3A_50 = tpu.memref_slice %arg3[%add3A, %dma_start3A_48, %dma_start3A_49] : memref<32x80x128xi32, #tpu.memory_space<hbm>> -> memref<1x40x128xi32, #tpu.memory_space<hbm>>
      %dma_start3A_51 = tpu.memref_squeeze %dma_start3A_50 : memref<1x40x128xi32, #tpu.memory_space<hbm>> -> memref<40x128xi32, #tpu.memory_space<hbm>>
      %dma_start3A_52 = arith.constant 40 : i32
      %dma_start3A_53 = arith.constant 0 : i32
      %dma_start3A_54 = tpu.memref_slice %arg3[%add3A, %dma_start3A_52, %dma_start3A_53] : memref<32x80x128xi32, #tpu.memory_space<hbm>> -> memref<1x40x128xi32, #tpu.memory_space<hbm>>
      %dma_start3A_55 = tpu.memref_squeeze %dma_start3A_54 : memref<1x40x128xi32, #tpu.memory_space<hbm>> -> memref<40x128xi32, #tpu.memory_space<hbm>>
      tpu.enqueue_dma source(%dma_start3A_55 : memref<40x128xi32, #tpu.memory_space<hbm>>) target(%arg6 : memref<40x128xi32, #tpu.memory_space<vmem>>) target_semaphore(%run_scoped3A : memref<!tpu.dma_semaphore, #tpu.memory_space<semaphore_mem>>)
      %dma_wait3A = arith.constant 40 : i32
      %dma_wait3A_56 = arith.constant 0 : i32
      %dma_wait3A_57 = tpu.memref_slice %arg3[%add3A, %dma_wait3A, %dma_wait3A_56] : memref<32x80x128xi32, #tpu.memory_space<hbm>> -> memref<1x40x128xi32, #tpu.memory_space<hbm>>
      %dma_wait3A_58 = tpu.memref_squeeze %dma_wait3A_57 : memref<1x40x128xi32, #tpu.memory_space<hbm>> -> memref<40x128xi32, #tpu.memory_space<hbm>>
      %dma_wait3A_59 = arith.constant 40 : i32
      %dma_wait3A_60 = arith.constant 0 : i32
      %dma_wait3A_61 = tpu.memref_slice %arg3[%add3A, %dma_wait3A_59, %dma_wait3A_60] : memref<32x80x128xi32, #tpu.memory_space<hbm>> -> memref<1x40x128xi32, #tpu.memory_space<hbm>>
      %dma_wait3A_62 = tpu.memref_squeeze %dma_wait3A_61 : memref<1x40x128xi32, #tpu.memory_space<hbm>> -> memref<40x128xi32, #tpu.memory_space<hbm>>
      tpu.wait_dma2 semaphore(%run_scoped3A : memref<!tpu.dma_semaphore, #tpu.memory_space<semaphore_mem>>) src(%dma_wait3A_62 : memref<40x128xi32, #tpu.memory_space<hbm>>) dst(%arg6 : memref<40x128xi32, #tpu.memory_space<vmem>>)
      tpu.yield
    }) : () -> ()
    "tpu.region"() ({
      %run_scoped3A = tpu.sem_alloc : memref<!tpu.dma_semaphore, #tpu.memory_space<semaphore_mem>>
      %dma_start3A_48 = arith.constant 40 : i32
      %dma_start3A_49 = arith.constant 0 : i32
      %dma_start3A_50 = tpu.memref_slice %arg4[%add3A, %dma_start3A_48, %dma_start3A_49] : memref<32x80x128xi32, #tpu.memory_space<hbm>> -> memref<1x40x128xi32, #tpu.memory_space<hbm>>
      %dma_start3A_51 = tpu.memref_squeeze %dma_start3A_50 : memref<1x40x128xi32, #tpu.memory_space<hbm>> -> memref<40x128xi32, #tpu.memory_space<hbm>>
      %dma_start3A_52 = arith.constant 40 : i32
      %dma_start3A_53 = arith.constant 0 : i32
      %dma_start3A_54 = tpu.memref_slice %arg4[%add3A, %dma_start3A_52, %dma_start3A_53] : memref<32x80x128xi32, #tpu.memory_space<hbm>> -> memref<1x40x128xi32, #tpu.memory_space<hbm>>
      %dma_start3A_55 = tpu.memref_squeeze %dma_start3A_54 : memref<1x40x128xi32, #tpu.memory_space<hbm>> -> memref<40x128xi32, #tpu.memory_space<hbm>>
      tpu.enqueue_dma source(%dma_start3A_55 : memref<40x128xi32, #tpu.memory_space<hbm>>) target(%arg7 : memref<40x128xi32, #tpu.memory_space<vmem>>) target_semaphore(%run_scoped3A : memref<!tpu.dma_semaphore, #tpu.memory_space<semaphore_mem>>)
      %dma_wait3A = arith.constant 40 : i32
      %dma_wait3A_56 = arith.constant 0 : i32
      %dma_wait3A_57 = tpu.memref_slice %arg4[%add3A, %dma_wait3A, %dma_wait3A_56] : memref<32x80x128xi32, #tpu.memory_space<hbm>> -> memref<1x40x128xi32, #tpu.memory_space<hbm>>
      %dma_wait3A_58 = tpu.memref_squeeze %dma_wait3A_57 : memref<1x40x128xi32, #tpu.memory_space<hbm>> -> memref<40x128xi32, #tpu.memory_space<hbm>>
      %dma_wait3A_59 = arith.constant 40 : i32
      %dma_wait3A_60 = arith.constant 0 : i32
      %dma_wait3A_61 = tpu.memref_slice %arg4[%add3A, %dma_wait3A_59, %dma_wait3A_60] : memref<32x80x128xi32, #tpu.memory_space<hbm>> -> memref<1x40x128xi32, #tpu.memory_space<hbm>>
      %dma_wait3A_62 = tpu.memref_squeeze %dma_wait3A_61 : memref<1x40x128xi32, #tpu.memory_space<hbm>> -> memref<40x128xi32, #tpu.memory_space<hbm>>
      tpu.wait_dma2 semaphore(%run_scoped3A : memref<!tpu.dma_semaphore, #tpu.memory_space<semaphore_mem>>) src(%dma_wait3A_62 : memref<40x128xi32, #tpu.memory_space<hbm>>) dst(%arg7 : memref<40x128xi32, #tpu.memory_space<vmem>>)
      tpu.yield
    }) : () -> ()
    %dma_start3A_34 = arith.constant 0 : i32
    %dma_start3A_35 = arith.constant 0 : i32
    %dma_start3A_36 = tpu.memref_slice %arg6[%dma_start3A_34, %dma_start3A_35] : memref<40x128xi32, #tpu.memory_space<vmem>> -> memref<1x128xi32, #tpu.memory_space<vmem>>
    %dma_start3A_37 = tpu.memref_squeeze %dma_start3A_36 : memref<1x128xi32, #tpu.memory_space<vmem>> -> memref<128xi32, #tpu.memory_space<vmem>>
    %dma_start3A_38 = arith.constant 0 : i32
    %dma_start3A_39 = arith.constant 0 : i32
    %dma_start3A_40 = tpu.memref_slice %arg2[%dma_start3A_38, %dma_start3A_39] : memref<10000x128xf32, #tpu.memory_space<hbm>> -> memref<10000x128xf32, #tpu.memory_space<hbm>>
    tpu.enqueue_indirect_dma source(%dma_start3A_40 : memref<10000x128xf32, #tpu.memory_space<hbm>>) target(%arg8 : memref<128x128xf32, #tpu.memory_space<vmem>>) offsets(%dma_start3A_37 : memref<128xi32, #tpu.memory_space<vmem>>) semaphore(%arg11 : memref<!tpu.dma_semaphore, #tpu.memory_space<semaphore_mem>>)
    %scan3A_41 = arith.constant 0 : i32
    %scan3A_42 = arith.constant 0 : i32
    %scan3A_43 = arith.constant 20 : i32
    %scan3A_44 = arith.addi %scan3A_42, %scan3A_43 : i32
    %scan3A_45 = arith.constant 1 : i32
    scf.for %scan3A_48 = %scan3A_42 to %scan3A_44 step %scan3A_45  : i32 {
      %mul3A_49 = arith.constant 2 : i32
      %mul3A_50 = arith.muli %mul3A_49, %scan3A_48 : i32
      %add3A_51 = arith.constant 0 : i32
      %add3A_52 = arith.addi %mul3A_50, %add3A_51 : i32
      %add3A_53 = arith.constant 1 : i32
      %add3A_54 = arith.addi %add3A_52, %add3A_53 : i32
      %lt3A = arith.constant 40 : i32
      %lt3A_55 = arith.cmpi slt, %add3A_54, %lt3A : i32
      %convert_element_type3A = arith.extui %lt3A_55 : i1 to i32
      %cond3A = arith.constant 0 : i32
      %cond3A_56 = arith.cmpi ne, %convert_element_type3A, %cond3A : i32
      scf.if %cond3A_56 {
        %dma_start3A_85 = arith.constant 0 : i32
        %dma_start3A_86 = tpu.memref_slice %arg6[%add3A_54, %dma_start3A_85] : memref<40x128xi32, #tpu.memory_space<vmem>> -> memref<1x128xi32, #tpu.memory_space<vmem>>
        %dma_start3A_87 = tpu.memref_squeeze %dma_start3A_86 : memref<1x128xi32, #tpu.memory_space<vmem>> -> memref<128xi32, #tpu.memory_space<vmem>>
        %dma_start3A_88 = arith.constant 0 : i32
        %dma_start3A_89 = arith.constant 0 : i32
        %dma_start3A_90 = tpu.memref_slice %arg2[%dma_start3A_88, %dma_start3A_89] : memref<10000x128xf32, #tpu.memory_space<hbm>> -> memref<10000x128xf32, #tpu.memory_space<hbm>>
        tpu.enqueue_indirect_dma source(%dma_start3A_90 : memref<10000x128xf32, #tpu.memory_space<hbm>>) target(%arg9 : memref<128x128xf32, #tpu.memory_space<vmem>>) offsets(%dma_start3A_87 : memref<128xi32, #tpu.memory_space<vmem>>) semaphore(%arg12 : memref<!tpu.dma_semaphore, #tpu.memory_space<semaphore_mem>>)
      } else {
      }
      %add3A_57 = arith.constant 0 : i32
      %add3A_58 = arith.addi %mul3A_50, %add3A_57 : i32
      %dma_wait3A = arith.constant 0 : i32
      %dma_wait3A_59 = tpu.memref_slice %arg6[%add3A_58, %dma_wait3A] : memref<40x128xi32, #tpu.memory_space<vmem>> -> memref<1x128xi32, #tpu.memory_space<vmem>>
      %dma_wait3A_60 = tpu.memref_squeeze %dma_wait3A_59 : memref<1x128xi32, #tpu.memory_space<vmem>> -> memref<128xi32, #tpu.memory_space<vmem>>
      %dma_wait3A_61 = arith.constant 0 : i32
      %dma_wait3A_62 = arith.constant 0 : i32
      %dma_wait3A_63 = tpu.memref_slice %arg2[%dma_wait3A_61, %dma_wait3A_62] : memref<10000x128xf32, #tpu.memory_space<hbm>> -> memref<10000x128xf32, #tpu.memory_space<hbm>>
      tpu.wait_indirect_dma semaphore(%arg11 : memref<!tpu.dma_semaphore, #tpu.memory_space<semaphore_mem>>) src(%dma_wait3A_63 : memref<10000x128xf32, #tpu.memory_space<hbm>>) dst(%arg8 : memref<128x128xf32, #tpu.memory_space<vmem>>)
      %add3A_64 = arith.constant 0 : i32
      %add3A_65 = arith.addi %mul3A_50, %add3A_64 : i32
      "tpu.region"() ({
        %run_scoped3A = tpu.sem_alloc : memref<!tpu.dma_semaphore, #tpu.memory_space<semaphore_mem>>
        %dma_start3A_85 = arith.constant 0 : i32
        %dma_start3A_86 = tpu.memref_slice %arg7[%add3A_65, %dma_start3A_85] : memref<40x128xi32, #tpu.memory_space<vmem>> -> memref<1x128xi32, #tpu.memory_space<vmem>>
        %dma_start3A_87 = tpu.memref_squeeze %dma_start3A_86 : memref<1x128xi32, #tpu.memory_space<vmem>> -> memref<128xi32, #tpu.memory_space<vmem>>
        %dma_start3A_88 = arith.constant 0 : i32
        %dma_start3A_89 = arith.constant 0 : i32
        %dma_start3A_90 = tpu.memref_slice %arg10[%dma_start3A_88, %dma_start3A_89] : memref<10112x128xf32, #tpu.memory_space<vmem_shared>> -> memref<10112x128xf32, #tpu.memory_space<vmem_shared>>
        tpu.enqueue_indirect_dma source(%arg8 : memref<128x128xf32, #tpu.memory_space<vmem>>) target(%dma_start3A_90 : memref<10112x128xf32, #tpu.memory_space<vmem_shared>>) offsets(%dma_start3A_87 : memref<128xi32, #tpu.memory_space<vmem>>) semaphore(%run_scoped3A : memref<!tpu.dma_semaphore, #tpu.memory_space<semaphore_mem>>) {add = true}
        %dma_wait3A_91 = arith.constant 0 : i32
        %dma_wait3A_92 = tpu.memref_slice %arg7[%add3A_65, %dma_wait3A_91] : memref<40x128xi32, #tpu.memory_space<vmem>> -> memref<1x128xi32, #tpu.memory_space<vmem>>
        %dma_wait3A_93 = tpu.memref_squeeze %dma_wait3A_92 : memref<1x128xi32, #tpu.memory_space<vmem>> -> memref<128xi32, #tpu.memory_space<vmem>>
        %dma_wait3A_94 = arith.constant 0 : i32
        %dma_wait3A_95 = arith.constant 0 : i32
        %dma_wait3A_96 = tpu.memref_slice %arg10[%dma_wait3A_94, %dma_wait3A_95] : memref<10112x128xf32, #tpu.memory_space<vmem_shared>> -> memref<10112x128xf32, #tpu.memory_space<vmem_shared>>
        tpu.wait_indirect_dma semaphore(%run_scoped3A : memref<!tpu.dma_semaphore, #tpu.memory_space<semaphore_mem>>) src(%arg8 : memref<128x128xf32, #tpu.memory_space<vmem>>) dst(%dma_wait3A_96 : memref<10112x128xf32, #tpu.memory_space<vmem_shared>>)
        tpu.yield
      }) : () -> ()
      %add3A_66 = arith.constant 1 : i32
      %add3A_67 = arith.addi %mul3A_50, %add3A_66 : i32
      %add3A_68 = arith.constant 1 : i32
      %add3A_69 = arith.addi %add3A_67, %add3A_68 : i32
      %lt3A_70 = arith.constant 40 : i32
      %lt3A_71 = arith.cmpi slt, %add3A_69, %lt3A_70 : i32
      %convert_element_type3A_72 = arith.extui %lt3A_71 : i1 to i32
      %cond3A_73 = arith.constant 0 : i32
      %cond3A_74 = arith.cmpi ne, %convert_element_type3A_72, %cond3A_73 : i32
      scf.if %cond3A_74 {
        %dma_start3A_85 = arith.constant 0 : i32
        %dma_start3A_86 = tpu.memref_slice %arg6[%add3A_69, %dma_start3A_85] : memref<40x128xi32, #tpu.memory_space<vmem>> -> memref<1x128xi32, #tpu.memory_space<vmem>>
        %dma_start3A_87 = tpu.memref_squeeze %dma_start3A_86 : memref<1x128xi32, #tpu.memory_space<vmem>> -> memref<128xi32, #tpu.memory_space<vmem>>
        %dma_start3A_88 = arith.constant 0 : i32
        %dma_start3A_89 = arith.constant 0 : i32
        %dma_start3A_90 = tpu.memref_slice %arg2[%dma_start3A_88, %dma_start3A_89] : memref<10000x128xf32, #tpu.memory_space<hbm>> -> memref<10000x128xf32, #tpu.memory_space<hbm>>
        tpu.enqueue_indirect_dma source(%dma_start3A_90 : memref<10000x128xf32, #tpu.memory_space<hbm>>) target(%arg8 : memref<128x128xf32, #tpu.memory_space<vmem>>) offsets(%dma_start3A_87 : memref<128xi32, #tpu.memory_space<vmem>>) semaphore(%arg11 : memref<!tpu.dma_semaphore, #tpu.memory_space<semaphore_mem>>)
      } else {
      }
      %add3A_75 = arith.constant 1 : i32
      %add3A_76 = arith.addi %mul3A_50, %add3A_75 : i32
      %dma_wait3A_77 = arith.constant 0 : i32
      %dma_wait3A_78 = tpu.memref_slice %arg6[%add3A_76, %dma_wait3A_77] : memref<40x128xi32, #tpu.memory_space<vmem>> -> memref<1x128xi32, #tpu.memory_space<vmem>>
      %dma_wait3A_79 = tpu.memref_squeeze %dma_wait3A_78 : memref<1x128xi32, #tpu.memory_space<vmem>> -> memref<128xi32, #tpu.memory_space<vmem>>
      %dma_wait3A_80 = arith.constant 0 : i32
      %dma_wait3A_81 = arith.constant 0 : i32
      %dma_wait3A_82 = tpu.memref_slice %arg2[%dma_wait3A_80, %dma_wait3A_81] : memref<10000x128xf32, #tpu.memory_space<hbm>> -> memref<10000x128xf32, #tpu.memory_space<hbm>>
      tpu.wait_indirect_dma semaphore(%arg12 : memref<!tpu.dma_semaphore, #tpu.memory_space<semaphore_mem>>) src(%dma_wait3A_82 : memref<10000x128xf32, #tpu.memory_space<hbm>>) dst(%arg9 : memref<128x128xf32, #tpu.memory_space<vmem>>)
      %add3A_83 = arith.constant 1 : i32
      %add3A_84 = arith.addi %mul3A_50, %add3A_83 : i32
      "tpu.region"() ({
        %run_scoped3A = tpu.sem_alloc : memref<!tpu.dma_semaphore, #tpu.memory_space<semaphore_mem>>
        %dma_start3A_85 = arith.constant 0 : i32
        %dma_start3A_86 = tpu.memref_slice %arg7[%add3A_84, %dma_start3A_85] : memref<40x128xi32, #tpu.memory_space<vmem>> -> memref<1x128xi32, #tpu.memory_space<vmem>>
        %dma_start3A_87 = tpu.memref_squeeze %dma_start3A_86 : memref<1x128xi32, #tpu.memory_space<vmem>> -> memref<128xi32, #tpu.memory_space<vmem>>
        %dma_start3A_88 = arith.constant 0 : i32
        %dma_start3A_89 = arith.constant 0 : i32
        %dma_start3A_90 = tpu.memref_slice %arg10[%dma_start3A_88, %dma_start3A_89] : memref<10112x128xf32, #tpu.memory_space<vmem_shared>> -> memref<10112x128xf32, #tpu.memory_space<vmem_shared>>
        tpu.enqueue_indirect_dma source(%arg9 : memref<128x128xf32, #tpu.memory_space<vmem>>) target(%dma_start3A_90 : memref<10112x128xf32, #tpu.memory_space<vmem_shared>>) offsets(%dma_start3A_87 : memref<128xi32, #tpu.memory_space<vmem>>) semaphore(%run_scoped3A : memref<!tpu.dma_semaphore, #tpu.memory_space<semaphore_mem>>) {add = true}
        %dma_wait3A_91 = arith.constant 0 : i32
        %dma_wait3A_92 = tpu.memref_slice %arg7[%add3A_84, %dma_wait3A_91] : memref<40x128xi32, #tpu.memory_space<vmem>> -> memref<1x128xi32, #tpu.memory_space<vmem>>
        %dma_wait3A_93 = tpu.memref_squeeze %dma_wait3A_92 : memref<1x128xi32, #tpu.memory_space<vmem>> -> memref<128xi32, #tpu.memory_space<vmem>>
        %dma_wait3A_94 = arith.constant 0 : i32
        %dma_wait3A_95 = arith.constant 0 : i32
        %dma_wait3A_96 = tpu.memref_slice %arg10[%dma_wait3A_94, %dma_wait3A_95] : memref<10112x128xf32, #tpu.memory_space<vmem_shared>> -> memref<10112x128xf32, #tpu.memory_space<vmem_shared>>
        tpu.wait_indirect_dma semaphore(%run_scoped3A : memref<!tpu.dma_semaphore, #tpu.memory_space<semaphore_mem>>) src(%arg9 : memref<128x128xf32, #tpu.memory_space<vmem>>) dst(%dma_wait3A_96 : memref<10112x128xf32, #tpu.memory_space<vmem_shared>>)
        tpu.yield
      }) : () -> ()
    }
    %scan3A_46 = arith.constant 20 : i32
    %barrier3A_47 = arith.constant 0 : index
    tpu.barrier barrier_id(%barrier3A_47)
    "tpu.region"() ({
      %run_scoped3A = tpu.sem_alloc : memref<!tpu.dma_semaphore, #tpu.memory_space<semaphore_mem>>
      %dma_start3A_48 = arith.constant 0 : i32
      %dma_start3A_49 = tpu.memref_slice %arg5[%arg0, %mul3A_7, %dma_start3A_48] : memref<2x10112x128xf32, #tpu.memory_space<hbm>> -> memref<1x632x128xf32, #tpu.memory_space<hbm>>
      %dma_start3A_50 = tpu.memref_squeeze %dma_start3A_49 : memref<1x632x128xf32, #tpu.memory_space<hbm>> -> memref<632x128xf32, #tpu.memory_space<hbm>>
      %dma_start3A_51 = arith.constant 0 : i32
      %dma_start3A_52 = tpu.memref_slice %arg10[%mul3A_7, %dma_start3A_51] : memref<10112x128xf32, #tpu.memory_space<vmem_shared>> -> memref<632x128xf32, #tpu.memory_space<vmem_shared>>
      tpu.enqueue_dma source(%dma_start3A_52 : memref<632x128xf32, #tpu.memory_space<vmem_shared>>) target(%dma_start3A_50 : memref<632x128xf32, #tpu.memory_space<hbm>>) target_semaphore(%run_scoped3A : memref<!tpu.dma_semaphore, #tpu.memory_space<semaphore_mem>>)
      %dma_wait3A = arith.constant 0 : i32
      %dma_wait3A_53 = tpu.memref_slice %arg5[%arg0, %mul3A_7, %dma_wait3A] : memref<2x10112x128xf32, #tpu.memory_space<hbm>> -> memref<1x632x128xf32, #tpu.memory_space<hbm>>
      %dma_wait3A_54 = tpu.memref_squeeze %dma_wait3A_53 : memref<1x632x128xf32, #tpu.memory_space<hbm>> -> memref<632x128xf32, #tpu.memory_space<hbm>>
      %dma_wait3A_55 = arith.constant 0 : i32
      %dma_wait3A_56 = tpu.memref_slice %arg10[%mul3A_7, %dma_wait3A_55] : memref<10112x128xf32, #tpu.memory_space<vmem_shared>> -> memref<632x128xf32, #tpu.memory_space<vmem_shared>>
      tpu.wait_dma2 semaphore(%run_scoped3A : memref<!tpu.dma_semaphore, #tpu.memory_space<semaphore_mem>>) src(%dma_wait3A_56 : memref<632x128xf32, #tpu.memory_space<vmem_shared>>) dst(%dma_wait3A_54 : memref<632x128xf32, #tpu.memory_space<hbm>>)
      tpu.yield
    }) : () -> ()
    return
  }
}

#map = affine_map<(d0, d1) -> (0, 0)>
#map1 = affine_map<(d0, d1) -> (0, 0, 0)>
module attributes {stable_mosaic.version = 14 : i64} {
  func.func @seg(%arg0: i32, %arg1: i32, %arg2: memref<10000x128xf32, #tpu.memory_space<hbm>>, %arg3: memref<32x80x128xi32, #tpu.memory_space<hbm>>, %arg4: memref<32x80x128xi32, #tpu.memory_space<hbm>>, %arg5: memref<2x10112x128xf32, #tpu.memory_space<hbm>>, %arg6: memref<40x128xi32, #tpu.memory_space<vmem>>, %arg7: memref<40x128xi32, #tpu.memory_space<vmem>>, %arg8: memref<128x128xf32, #tpu.memory_space<vmem>>, %arg9: memref<128x128xf32, #tpu.memory_space<vmem>>, %arg10: memref<10112x128xf32, #tpu.memory_space<vmem_shared>>, %arg11: memref<!tpu.dma_semaphore, #tpu.memory_space<semaphore_mem>>, %arg12: memref<!tpu.dma_semaphore, #tpu.memory_space<semaphore_mem>>) attributes {dimension_semantics = [#tpu.dimension_semantics<core_parallel>, #tpu.dimension_semantics<subcore_parallel>], iteration_bounds = array<i64: 2, 16>, scalar_prefetch = 0 : i64, scratch_operands = 7 : i64, tpu.core_type = #tpu.core_type<sc_vector_subcore>, window_params = [{transform_indices = #map}, {transform_indices = #map1}, {transform_indices = #map1}, {transform_indices = #map1}]} {
    %mul3A = arith.constant 2 : i32
    %mul3A_0 = arith.muli %arg1, %mul3A : i32
    %add3A = arith.addi %mul3A_0, %arg0 : i32
    %scan3A = arith.constant 0 : i32
    %scan3A_1 = arith.constant 0 : i32
    %scan3A_2 = arith.constant 128 : i32
    %scan3A_3 = arith.addi %scan3A_1, %scan3A_2 : i32
    %scan3A_4 = arith.constant 1 : i32
    scf.for %scan3A_48 = %scan3A_1 to %scan3A_3 step %scan3A_4  : i32 {
      %broadcast_in_dim3A = arith.constant 0.000000e+00 : f32
      %broadcast_in_dim3A_49 = vector.broadcast %broadcast_in_dim3A : f32 to vector<16xf32>
      %swap3A = arith.index_cast %scan3A_48 : i32 to index
      %swap3A_50 = arith.constant 0 : index
      %swap3A_51 = tpu.vector_load %arg8[%swap3A, %swap3A_50] {strides = array<i32>} : memref<128x128xf32, #tpu.memory_space<vmem>>, vector<1x16xf32>,
      %swap3A_52 = vector.shape_cast %swap3A_51 : vector<1x16xf32> to vector<16xf32>
      %swap3A_53 = vector.shape_cast %broadcast_in_dim3A_49 : vector<16xf32> to vector<1x16xf32>
      tpu.vector_store %arg8[%swap3A, %swap3A_50], %swap3A_53 {strides = array<i32>} : memref<128x128xf32, #tpu.memory_space<vmem>>, vector<1x16xf32>,
      %broadcast_in_dim3A_54 = arith.constant 0.000000e+00 : f32
      %broadcast_in_dim3A_55 = vector.broadcast %broadcast_in_dim3A_54 : f32 to vector<16xf32>
      %swap3A_56 = arith.index_cast %scan3A_48 : i32 to index
      %swap3A_57 = arith.constant 0 : index
      %swap3A_58 = tpu.vector_load %arg9[%swap3A_56, %swap3A_57] {strides = array<i32>} : memref<128x128xf32, #tpu.memory_space<vmem>>, vector<1x16xf32>,
      %swap3A_59 = vector.shape_cast %swap3A_58 : vector<1x16xf32> to vector<16xf32>
      %swap3A_60 = vector.shape_cast %broadcast_in_dim3A_55 : vector<16xf32> to vector<1x16xf32>
      tpu.vector_store %arg9[%swap3A_56, %swap3A_57], %swap3A_60 {strides = array<i32>} : memref<128x128xf32, #tpu.memory_space<vmem>>, vector<1x16xf32>,
      %broadcast_in_dim3A_61 = arith.constant 0.000000e+00 : f32
      %broadcast_in_dim3A_62 = vector.broadcast %broadcast_in_dim3A_61 : f32 to vector<16xf32>
      %swap3A_63 = arith.index_cast %scan3A_48 : i32 to index
      %swap3A_64 = arith.constant 16 : index
      %swap3A_65 = tpu.vector_load %arg8[%swap3A_63, %swap3A_64] {strides = array<i32>} : memref<128x128xf32, #tpu.memory_space<vmem>>, vector<1x16xf32>,
      %swap3A_66 = vector.shape_cast %swap3A_65 : vector<1x16xf32> to vector<16xf32>
      %swap3A_67 = vector.shape_cast %broadcast_in_dim3A_62 : vector<16xf32> to vector<1x16xf32>
      tpu.vector_store %arg8[%swap3A_63, %swap3A_64], %swap3A_67 {strides = array<i32>} : memref<128x128xf32, #tpu.memory_space<vmem>>, vector<1x16xf32>,
      %broadcast_in_dim3A_68 = arith.constant 0.000000e+00 : f32
      %broadcast_in_dim3A_69 = vector.broadcast %broadcast_in_dim3A_68 : f32 to vector<16xf32>
      %swap3A_70 = arith.index_cast %scan3A_48 : i32 to index
      %swap3A_71 = arith.constant 16 : index
      %swap3A_72 = tpu.vector_load %arg9[%swap3A_70, %swap3A_71] {strides = array<i32>} : memref<128x128xf32, #tpu.memory_space<vmem>>, vector<1x16xf32>,
      %swap3A_73 = vector.shape_cast %swap3A_72 : vector<1x16xf32> to vector<16xf32>
      %swap3A_74 = vector.shape_cast %broadcast_in_dim3A_69 : vector<16xf32> to vector<1x16xf32>
      tpu.vector_store %arg9[%swap3A_70, %swap3A_71], %swap3A_74 {strides = array<i32>} : memref<128x128xf32, #tpu.memory_space<vmem>>, vector<1x16xf32>,
      %broadcast_in_dim3A_75 = arith.constant 0.000000e+00 : f32
      %broadcast_in_dim3A_76 = vector.broadcast %broadcast_in_dim3A_75 : f32 to vector<16xf32>
      %swap3A_77 = arith.index_cast %scan3A_48 : i32 to index
      %swap3A_78 = arith.constant 32 : index
      %swap3A_79 = tpu.vector_load %arg8[%swap3A_77, %swap3A_78] {strides = array<i32>} : memref<128x128xf32, #tpu.memory_space<vmem>>, vector<1x16xf32>,
      %swap3A_80 = vector.shape_cast %swap3A_79 : vector<1x16xf32> to vector<16xf32>
      %swap3A_81 = vector.shape_cast %broadcast_in_dim3A_76 : vector<16xf32> to vector<1x16xf32>
      tpu.vector_store %arg8[%swap3A_77, %swap3A_78], %swap3A_81 {strides = array<i32>} : memref<128x128xf32, #tpu.memory_space<vmem>>, vector<1x16xf32>,
      %broadcast_in_dim3A_82 = arith.constant 0.000000e+00 : f32
      %broadcast_in_dim3A_83 = vector.broadcast %broadcast_in_dim3A_82 : f32 to vector<16xf32>
      %swap3A_84 = arith.index_cast %scan3A_48 : i32 to index
      %swap3A_85 = arith.constant 32 : index
      %swap3A_86 = tpu.vector_load %arg9[%swap3A_84, %swap3A_85] {strides = array<i32>} : memref<128x128xf32, #tpu.memory_space<vmem>>, vector<1x16xf32>,
      %swap3A_87 = vector.shape_cast %swap3A_86 : vector<1x16xf32> to vector<16xf32>
      %swap3A_88 = vector.shape_cast %broadcast_in_dim3A_83 : vector<16xf32> to vector<1x16xf32>
      tpu.vector_store %arg9[%swap3A_84, %swap3A_85], %swap3A_88 {strides = array<i32>} : memref<128x128xf32, #tpu.memory_space<vmem>>, vector<1x16xf32>,
      %broadcast_in_dim3A_89 = arith.constant 0.000000e+00 : f32
      %broadcast_in_dim3A_90 = vector.broadcast %broadcast_in_dim3A_89 : f32 to vector<16xf32>
      %swap3A_91 = arith.index_cast %scan3A_48 : i32 to index
      %swap3A_92 = arith.constant 48 : index
      %swap3A_93 = tpu.vector_load %arg8[%swap3A_91, %swap3A_92] {strides = array<i32>} : memref<128x128xf32, #tpu.memory_space<vmem>>, vector<1x16xf32>,
      %swap3A_94 = vector.shape_cast %swap3A_93 : vector<1x16xf32> to vector<16xf32>
      %swap3A_95 = vector.shape_cast %broadcast_in_dim3A_90 : vector<16xf32> to vector<1x16xf32>
      tpu.vector_store %arg8[%swap3A_91, %swap3A_92], %swap3A_95 {strides = array<i32>} : memref<128x128xf32, #tpu.memory_space<vmem>>, vector<1x16xf32>,
      %broadcast_in_dim3A_96 = arith.constant 0.000000e+00 : f32
      %broadcast_in_dim3A_97 = vector.broadcast %broadcast_in_dim3A_96 : f32 to vector<16xf32>
      %swap3A_98 = arith.index_cast %scan3A_48 : i32 to index
      %swap3A_99 = arith.constant 48 : index
      %swap3A_100 = tpu.vector_load %arg9[%swap3A_98, %swap3A_99] {strides = array<i32>} : memref<128x128xf32, #tpu.memory_space<vmem>>, vector<1x16xf32>,
      %swap3A_101 = vector.shape_cast %swap3A_100 : vector<1x16xf32> to vector<16xf32>
      %swap3A_102 = vector.shape_cast %broadcast_in_dim3A_97 : vector<16xf32> to vector<1x16xf32>
      tpu.vector_store %arg9[%swap3A_98, %swap3A_99], %swap3A_102 {strides = array<i32>} : memref<128x128xf32, #tpu.memory_space<vmem>>, vector<1x16xf32>,
      %broadcast_in_dim3A_103 = arith.constant 0.000000e+00 : f32
      %broadcast_in_dim3A_104 = vector.broadcast %broadcast_in_dim3A_103 : f32 to vector<16xf32>
      %swap3A_105 = arith.index_cast %scan3A_48 : i32 to index
      %swap3A_106 = arith.constant 64 : index
      %swap3A_107 = tpu.vector_load %arg8[%swap3A_105, %swap3A_106] {strides = array<i32>} : memref<128x128xf32, #tpu.memory_space<vmem>>, vector<1x16xf32>,
      %swap3A_108 = vector.shape_cast %swap3A_107 : vector<1x16xf32> to vector<16xf32>
      %swap3A_109 = vector.shape_cast %broadcast_in_dim3A_104 : vector<16xf32> to vector<1x16xf32>
      tpu.vector_store %arg8[%swap3A_105, %swap3A_106], %swap3A_109 {strides = array<i32>} : memref<128x128xf32, #tpu.memory_space<vmem>>, vector<1x16xf32>,
      %broadcast_in_dim3A_110 = arith.constant 0.000000e+00 : f32
      %broadcast_in_dim3A_111 = vector.broadcast %broadcast_in_dim3A_110 : f32 to vector<16xf32>
      %swap3A_112 = arith.index_cast %scan3A_48 : i32 to index
      %swap3A_113 = arith.constant 64 : index
      %swap3A_114 = tpu.vector_load %arg9[%swap3A_112, %swap3A_113] {strides = array<i32>} : memref<128x128xf32, #tpu.memory_space<vmem>>, vector<1x16xf32>,
      %swap3A_115 = vector.shape_cast %swap3A_114 : vector<1x16xf32> to vector<16xf32>
      %swap3A_116 = vector.shape_cast %broadcast_in_dim3A_111 : vector<16xf32> to vector<1x16xf32>
      tpu.vector_store %arg9[%swap3A_112, %swap3A_113], %swap3A_116 {strides = array<i32>} : memref<128x128xf32, #tpu.memory_space<vmem>>, vector<1x16xf32>,
      %broadcast_in_dim3A_117 = arith.constant 0.000000e+00 : f32
      %broadcast_in_dim3A_118 = vector.broadcast %broadcast_in_dim3A_117 : f32 to vector<16xf32>
      %swap3A_119 = arith.index_cast %scan3A_48 : i32 to index
      %swap3A_120 = arith.constant 80 : index
      %swap3A_121 = tpu.vector_load %arg8[%swap3A_119, %swap3A_120] {strides = array<i32>} : memref<128x128xf32, #tpu.memory_space<vmem>>, vector<1x16xf32>,
      %swap3A_122 = vector.shape_cast %swap3A_121 : vector<1x16xf32> to vector<16xf32>
      %swap3A_123 = vector.shape_cast %broadcast_in_dim3A_118 : vector<16xf32> to vector<1x16xf32>
      tpu.vector_store %arg8[%swap3A_119, %swap3A_120], %swap3A_123 {strides = array<i32>} : memref<128x128xf32, #tpu.memory_space<vmem>>, vector<1x16xf32>,
      %broadcast_in_dim3A_124 = arith.constant 0.000000e+00 : f32
      %broadcast_in_dim3A_125 = vector.broadcast %broadcast_in_dim3A_124 : f32 to vector<16xf32>
      %swap3A_126 = arith.index_cast %scan3A_48 : i32 to index
      %swap3A_127 = arith.constant 80 : index
      %swap3A_128 = tpu.vector_load %arg9[%swap3A_126, %swap3A_127] {strides = array<i32>} : memref<128x128xf32, #tpu.memory_space<vmem>>, vector<1x16xf32>,
      %swap3A_129 = vector.shape_cast %swap3A_128 : vector<1x16xf32> to vector<16xf32>
      %swap3A_130 = vector.shape_cast %broadcast_in_dim3A_125 : vector<16xf32> to vector<1x16xf32>
      tpu.vector_store %arg9[%swap3A_126, %swap3A_127], %swap3A_130 {strides = array<i32>} : memref<128x128xf32, #tpu.memory_space<vmem>>, vector<1x16xf32>,
      %broadcast_in_dim3A_131 = arith.constant 0.000000e+00 : f32
      %broadcast_in_dim3A_132 = vector.broadcast %broadcast_in_dim3A_131 : f32 to vector<16xf32>
      %swap3A_133 = arith.index_cast %scan3A_48 : i32 to index
      %swap3A_134 = arith.constant 96 : index
      %swap3A_135 = tpu.vector_load %arg8[%swap3A_133, %swap3A_134] {strides = array<i32>} : memref<128x128xf32, #tpu.memory_space<vmem>>, vector<1x16xf32>,
      %swap3A_136 = vector.shape_cast %swap3A_135 : vector<1x16xf32> to vector<16xf32>
      %swap3A_137 = vector.shape_cast %broadcast_in_dim3A_132 : vector<16xf32> to vector<1x16xf32>
      tpu.vector_store %arg8[%swap3A_133, %swap3A_134], %swap3A_137 {strides = array<i32>} : memref<128x128xf32, #tpu.memory_space<vmem>>, vector<1x16xf32>,
      %broadcast_in_dim3A_138 = arith.constant 0.000000e+00 : f32
      %broadcast_in_dim3A_139 = vector.broadcast %broadcast_in_dim3A_138 : f32 to vector<16xf32>
      %swap3A_140 = arith.index_cast %scan3A_48 : i32 to index
      %swap3A_141 = arith.constant 96 : index
      %swap3A_142 = tpu.vector_load %arg9[%swap3A_140, %swap3A_141] {strides = array<i32>} : memref<128x128xf32, #tpu.memory_space<vmem>>, vector<1x16xf32>,
      %swap3A_143 = vector.shape_cast %swap3A_142 : vector<1x16xf32> to vector<16xf32>
      %swap3A_144 = vector.shape_cast %broadcast_in_dim3A_139 : vector<16xf32> to vector<1x16xf32>
      tpu.vector_store %arg9[%swap3A_140, %swap3A_141], %swap3A_144 {strides = array<i32>} : memref<128x128xf32, #tpu.memory_space<vmem>>, vector<1x16xf32>,
      %broadcast_in_dim3A_145 = arith.constant 0.000000e+00 : f32
      %broadcast_in_dim3A_146 = vector.broadcast %broadcast_in_dim3A_145 : f32 to vector<16xf32>
      %swap3A_147 = arith.index_cast %scan3A_48 : i32 to index
      %swap3A_148 = arith.constant 112 : index
      %swap3A_149 = tpu.vector_load %arg8[%swap3A_147, %swap3A_148] {strides = array<i32>} : memref<128x128xf32, #tpu.memory_space<vmem>>, vector<1x16xf32>,
      %swap3A_150 = vector.shape_cast %swap3A_149 : vector<1x16xf32> to vector<16xf32>
      %swap3A_151 = vector.shape_cast %broadcast_in_dim3A_146 : vector<16xf32> to vector<1x16xf32>
      tpu.vector_store %arg8[%swap3A_147, %swap3A_148], %swap3A_151 {strides = array<i32>} : memref<128x128xf32, #tpu.memory_space<vmem>>, vector<1x16xf32>,
      %broadcast_in_dim3A_152 = arith.constant 0.000000e+00 : f32
      %broadcast_in_dim3A_153 = vector.broadcast %broadcast_in_dim3A_152 : f32 to vector<16xf32>
      %swap3A_154 = arith.index_cast %scan3A_48 : i32 to index
      %swap3A_155 = arith.constant 112 : index
      %swap3A_156 = tpu.vector_load %arg9[%swap3A_154, %swap3A_155] {strides = array<i32>} : memref<128x128xf32, #tpu.memory_space<vmem>>, vector<1x16xf32>,
      %swap3A_157 = vector.shape_cast %swap3A_156 : vector<1x16xf32> to vector<16xf32>
      %swap3A_158 = vector.shape_cast %broadcast_in_dim3A_153 : vector<16xf32> to vector<1x16xf32>
      tpu.vector_store %arg9[%swap3A_154, %swap3A_155], %swap3A_158 {strides = array<i32>} : memref<128x128xf32, #tpu.memory_space<vmem>>, vector<1x16xf32>,
    }
    %scan3A_5 = arith.constant 128 : i32
    %mul3A_6 = arith.constant 632 : i32
    %mul3A_7 = arith.muli %arg1, %mul3A_6 : i32
    %add3A_8 = arith.constant 0 : i32
    %add3A_9 = arith.addi %mul3A_7, %add3A_8 : i32
    "tpu.region"() ({
      %run_scoped3A = tpu.sem_alloc : memref<!tpu.dma_semaphore, #tpu.memory_space<semaphore_mem>>
      %dma_start3A_48 = arith.constant 0 : i32
      %dma_start3A_49 = tpu.memref_slice %arg10[%add3A_9, %dma_start3A_48] : memref<10112x128xf32, #tpu.memory_space<vmem_shared>> -> memref<128x128xf32, #tpu.memory_space<vmem_shared>>
      %dma_start3A_50 = arith.constant 0 : i32
      %dma_start3A_51 = tpu.memref_slice %arg10[%add3A_9, %dma_start3A_50] : memref<10112x128xf32, #tpu.memory_space<vmem_shared>> -> memref<128x128xf32, #tpu.memory_space<vmem_shared>>
      tpu.enqueue_dma source(%arg8 : memref<128x128xf32, #tpu.memory_space<vmem>>) target(%dma_start3A_51 : memref<128x128xf32, #tpu.memory_space<vmem_shared>>) target_semaphore(%run_scoped3A : memref<!tpu.dma_semaphore, #tpu.memory_space<semaphore_mem>>)
      %dma_wait3A = arith.constant 0 : i32
      %dma_wait3A_52 = tpu.memref_slice %arg10[%add3A_9, %dma_wait3A] : memref<10112x128xf32, #tpu.memory_space<vmem_shared>> -> memref<128x128xf32, #tpu.memory_space<vmem_shared>>
      %dma_wait3A_53 = arith.constant 0 : i32
      %dma_wait3A_54 = tpu.memref_slice %arg10[%add3A_9, %dma_wait3A_53] : memref<10112x128xf32, #tpu.memory_space<vmem_shared>> -> memref<128x128xf32, #tpu.memory_space<vmem_shared>>
      tpu.wait_dma2 semaphore(%run_scoped3A : memref<!tpu.dma_semaphore, #tpu.memory_space<semaphore_mem>>) src(%arg8 : memref<128x128xf32, #tpu.memory_space<vmem>>) dst(%dma_wait3A_54 : memref<128x128xf32, #tpu.memory_space<vmem_shared>>)
      tpu.yield
    }) : () -> ()
    %add3A_10 = arith.constant 0 : i32
    %add3A_11 = arith.addi %mul3A_7, %add3A_10 : i32
    %add3A_12 = arith.constant 128 : i32
    %add3A_13 = arith.addi %add3A_11, %add3A_12 : i32
    "tpu.region"() ({
      %run_scoped3A = tpu.sem_alloc : memref<!tpu.dma_semaphore, #tpu.memory_space<semaphore_mem>>
      %dma_start3A_48 = arith.constant 0 : i32
      %dma_start3A_49 = arith.constant 0 : i32
      %dma_start3A_50 = tpu.memref_slice %arg9[%dma_start3A_48, %dma_start3A_49] : memref<128x128xf32, #tpu.memory_space<vmem>> -> memref<128x128xf32, #tpu.memory_space<vmem>>
      %dma_start3A_51 = arith.constant 0 : i32
      %dma_start3A_52 = tpu.memref_slice %arg10[%add3A_13, %dma_start3A_51] : memref<10112x128xf32, #tpu.memory_space<vmem_shared>> -> memref<128x128xf32, #tpu.memory_space<vmem_shared>>
      %dma_start3A_53 = arith.constant 0 : i32
      %dma_start3A_54 = tpu.memref_slice %arg10[%add3A_13, %dma_start3A_53] : memref<10112x128xf32, #tpu.memory_space<vmem_shared>> -> memref<128x128xf32, #tpu.memory_space<vmem_shared>>
      %dma_start3A_55 = arith.constant 0 : i32
      %dma_start3A_56 = arith.constant 0 : i32
      %dma_start3A_57 = tpu.memref_slice %arg9[%dma_start3A_55, %dma_start3A_56] : memref<128x128xf32, #tpu.memory_space<vmem>> -> memref<128x128xf32, #tpu.memory_space<vmem>>
      tpu.enqueue_dma source(%dma_start3A_57 : memref<128x128xf32, #tpu.memory_space<vmem>>) target(%dma_start3A_54 : memref<128x128xf32, #tpu.memory_space<vmem_shared>>) target_semaphore(%run_scoped3A : memref<!tpu.dma_semaphore, #tpu.memory_space<semaphore_mem>>)
      %dma_wait3A = arith.constant 0 : i32
      %dma_wait3A_58 = arith.constant 0 : i32
      %dma_wait3A_59 = tpu.memref_slice %arg9[%dma_wait3A, %dma_wait3A_58] : memref<128x128xf32, #tpu.memory_space<vmem>> -> memref<128x128xf32, #tpu.memory_space<vmem>>
      %dma_wait3A_60 = arith.constant 0 : i32
      %dma_wait3A_61 = tpu.memref_slice %arg10[%add3A_13, %dma_wait3A_60] : memref<10112x128xf32, #tpu.memory_space<vmem_shared>> -> memref<128x128xf32, #tpu.memory_space<vmem_shared>>
      %dma_wait3A_62 = arith.constant 0 : i32
      %dma_wait3A_63 = tpu.memref_slice %arg10[%add3A_13, %dma_wait3A_62] : memref<10112x128xf32, #tpu.memory_space<vmem_shared>> -> memref<128x128xf32, #tpu.memory_space<vmem_shared>>
      %dma_wait3A_64 = arith.constant 0 : i32
      %dma_wait3A_65 = arith.constant 0 : i32
      %dma_wait3A_66 = tpu.memref_slice %arg9[%dma_wait3A_64, %dma_wait3A_65] : memref<128x128xf32, #tpu.memory_space<vmem>> -> memref<128x128xf32, #tpu.memory_space<vmem>>
      tpu.wait_dma2 semaphore(%run_scoped3A : memref<!tpu.dma_semaphore, #tpu.memory_space<semaphore_mem>>) src(%dma_wait3A_66 : memref<128x128xf32, #tpu.memory_space<vmem>>) dst(%dma_wait3A_63 : memref<128x128xf32, #tpu.memory_space<vmem_shared>>)
      tpu.yield
    }) : () -> ()
    %add3A_14 = arith.constant 256 : i32
    %add3A_15 = arith.addi %mul3A_7, %add3A_14 : i32
    "tpu.region"() ({
      %run_scoped3A = tpu.sem_alloc : memref<!tpu.dma_semaphore, #tpu.memory_space<semaphore_mem>>
      %dma_start3A_48 = arith.constant 0 : i32
      %dma_start3A_49 = tpu.memref_slice %arg10[%add3A_15, %dma_start3A_48] : memref<10112x128xf32, #tpu.memory_space<vmem_shared>> -> memref<128x128xf32, #tpu.memory_space<vmem_shared>>
      %dma_start3A_50 = arith.constant 0 : i32
      %dma_start3A_51 = tpu.memref_slice %arg10[%add3A_15, %dma_start3A_50] : memref<10112x128xf32, #tpu.memory_space<vmem_shared>> -> memref<128x128xf32, #tpu.memory_space<vmem_shared>>
      tpu.enqueue_dma source(%arg8 : memref<128x128xf32, #tpu.memory_space<vmem>>) target(%dma_start3A_51 : memref<128x128xf32, #tpu.memory_space<vmem_shared>>) target_semaphore(%run_scoped3A : memref<!tpu.dma_semaphore, #tpu.memory_space<semaphore_mem>>)
      %dma_wait3A = arith.constant 0 : i32
      %dma_wait3A_52 = tpu.memref_slice %arg10[%add3A_15, %dma_wait3A] : memref<10112x128xf32, #tpu.memory_space<vmem_shared>> -> memref<128x128xf32, #tpu.memory_space<vmem_shared>>
      %dma_wait3A_53 = arith.constant 0 : i32
      %dma_wait3A_54 = tpu.memref_slice %arg10[%add3A_15, %dma_wait3A_53] : memref<10112x128xf32, #tpu.memory_space<vmem_shared>> -> memref<128x128xf32, #tpu.memory_space<vmem_shared>>
      tpu.wait_dma2 semaphore(%run_scoped3A : memref<!tpu.dma_semaphore, #tpu.memory_space<semaphore_mem>>) src(%arg8 : memref<128x128xf32, #tpu.memory_space<vmem>>) dst(%dma_wait3A_54 : memref<128x128xf32, #tpu.memory_space<vmem_shared>>)
      tpu.yield
    }) : () -> ()
    %add3A_16 = arith.constant 256 : i32
    %add3A_17 = arith.addi %mul3A_7, %add3A_16 : i32
    %add3A_18 = arith.constant 128 : i32
    %add3A_19 = arith.addi %add3A_17, %add3A_18 : i32
    "tpu.region"() ({
      %run_scoped3A = tpu.sem_alloc : memref<!tpu.dma_semaphore, #tpu.memory_space<semaphore_mem>>
      %dma_start3A_48 = arith.constant 0 : i32
      %dma_start3A_49 = arith.constant 0 : i32
      %dma_start3A_50 = tpu.memref_slice %arg9[%dma_start3A_48, %dma_start3A_49] : memref<128x128xf32, #tpu.memory_space<vmem>> -> memref<128x128xf32, #tpu.memory_space<vmem>>
      %dma_start3A_51 = arith.constant 0 : i32
      %dma_start3A_52 = tpu.memref_slice %arg10[%add3A_19, %dma_start3A_51] : memref<10112x128xf32, #tpu.memory_space<vmem_shared>> -> memref<128x128xf32, #tpu.memory_space<vmem_shared>>
      %dma_start3A_53 = arith.constant 0 : i32
      %dma_start3A_54 = tpu.memref_slice %arg10[%add3A_19, %dma_start3A_53] : memref<10112x128xf32, #tpu.memory_space<vmem_shared>> -> memref<128x128xf32, #tpu.memory_space<vmem_shared>>
      %dma_start3A_55 = arith.constant 0 : i32
      %dma_start3A_56 = arith.constant 0 : i32
      %dma_start3A_57 = tpu.memref_slice %arg9[%dma_start3A_55, %dma_start3A_56] : memref<128x128xf32, #tpu.memory_space<vmem>> -> memref<128x128xf32, #tpu.memory_space<vmem>>
      tpu.enqueue_dma source(%dma_start3A_57 : memref<128x128xf32, #tpu.memory_space<vmem>>) target(%dma_start3A_54 : memref<128x128xf32, #tpu.memory_space<vmem_shared>>) target_semaphore(%run_scoped3A : memref<!tpu.dma_semaphore, #tpu.memory_space<semaphore_mem>>)
      %dma_wait3A = arith.constant 0 : i32
      %dma_wait3A_58 = arith.constant 0 : i32
      %dma_wait3A_59 = tpu.memref_slice %arg9[%dma_wait3A, %dma_wait3A_58] : memref<128x128xf32, #tpu.memory_space<vmem>> -> memref<128x128xf32, #tpu.memory_space<vmem>>
      %dma_wait3A_60 = arith.constant 0 : i32
      %dma_wait3A_61 = tpu.memref_slice %arg10[%add3A_19, %dma_wait3A_60] : memref<10112x128xf32, #tpu.memory_space<vmem_shared>> -> memref<128x128xf32, #tpu.memory_space<vmem_shared>>
      %dma_wait3A_62 = arith.constant 0 : i32
      %dma_wait3A_63 = tpu.memref_slice %arg10[%add3A_19, %dma_wait3A_62] : memref<10112x128xf32, #tpu.memory_space<vmem_shared>> -> memref<128x128xf32, #tpu.memory_space<vmem_shared>>
      %dma_wait3A_64 = arith.constant 0 : i32
      %dma_wait3A_65 = arith.constant 0 : i32
      %dma_wait3A_66 = tpu.memref_slice %arg9[%dma_wait3A_64, %dma_wait3A_65] : memref<128x128xf32, #tpu.memory_space<vmem>> -> memref<128x128xf32, #tpu.memory_space<vmem>>
      tpu.wait_dma2 semaphore(%run_scoped3A : memref<!tpu.dma_semaphore, #tpu.memory_space<semaphore_mem>>) src(%dma_wait3A_66 : memref<128x128xf32, #tpu.memory_space<vmem>>) dst(%dma_wait3A_63 : memref<128x128xf32, #tpu.memory_space<vmem_shared>>)
      tpu.yield
    }) : () -> ()
    %add3A_20 = arith.constant 512 : i32
    %add3A_21 = arith.addi %mul3A_7, %add3A_20 : i32
    "tpu.region"() ({
      %run_scoped3A = tpu.sem_alloc : memref<!tpu.dma_semaphore, #tpu.memory_space<semaphore_mem>>
      %dma_start3A_48 = arith.constant 0 : i32
      %dma_start3A_49 = arith.constant 0 : i32
      %dma_start3A_50 = tpu.memref_slice %arg8[%dma_start3A_48, %dma_start3A_49] : memref<128x128xf32, #tpu.memory_space<vmem>> -> memref<120x128xf32, #tpu.memory_space<vmem>>
      %dma_start3A_51 = arith.constant 0 : i32
      %dma_start3A_52 = tpu.memref_slice %arg10[%add3A_21, %dma_start3A_51] : memref<10112x128xf32, #tpu.memory_space<vmem_shared>> -> memref<120x128xf32, #tpu.memory_space<vmem_shared>>
      %dma_start3A_53 = arith.constant 0 : i32
      %dma_start3A_54 = tpu.memref_slice %arg10[%add3A_21, %dma_start3A_53] : memref<10112x128xf32, #tpu.memory_space<vmem_shared>> -> memref<120x128xf32, #tpu.memory_space<vmem_shared>>
      %dma_start3A_55 = arith.constant 0 : i32
      %dma_start3A_56 = arith.constant 0 : i32
      %dma_start3A_57 = tpu.memref_slice %arg8[%dma_start3A_55, %dma_start3A_56] : memref<128x128xf32, #tpu.memory_space<vmem>> -> memref<120x128xf32, #tpu.memory_space<vmem>>
      tpu.enqueue_dma source(%dma_start3A_57 : memref<120x128xf32, #tpu.memory_space<vmem>>) target(%dma_start3A_54 : memref<120x128xf32, #tpu.memory_space<vmem_shared>>) target_semaphore(%run_scoped3A : memref<!tpu.dma_semaphore, #tpu.memory_space<semaphore_mem>>)
      %dma_wait3A = arith.constant 0 : i32
      %dma_wait3A_58 = arith.constant 0 : i32
      %dma_wait3A_59 = tpu.memref_slice %arg8[%dma_wait3A, %dma_wait3A_58] : memref<128x128xf32, #tpu.memory_space<vmem>> -> memref<120x128xf32, #tpu.memory_space<vmem>>
      %dma_wait3A_60 = arith.constant 0 : i32
      %dma_wait3A_61 = tpu.memref_slice %arg10[%add3A_21, %dma_wait3A_60] : memref<10112x128xf32, #tpu.memory_space<vmem_shared>> -> memref<120x128xf32, #tpu.memory_space<vmem_shared>>
      %dma_wait3A_62 = arith.constant 0 : i32
      %dma_wait3A_63 = tpu.memref_slice %arg10[%add3A_21, %dma_wait3A_62] : memref<10112x128xf32, #tpu.memory_space<vmem_shared>> -> memref<120x128xf32, #tpu.memory_space<vmem_shared>>
      %dma_wait3A_64 = arith.constant 0 : i32
      %dma_wait3A_65 = arith.constant 0 : i32
      %dma_wait3A_66 = tpu.memref_slice %arg8[%dma_wait3A_64, %dma_wait3A_65] : memref<128x128xf32, #tpu.memory_space<vmem>> -> memref<120x128xf32, #tpu.memory_space<vmem>>
      tpu.wait_dma2 semaphore(%run_scoped3A : memref<!tpu.dma_semaphore, #tpu.memory_space<semaphore_mem>>) src(%dma_wait3A_66 : memref<120x128xf32, #tpu.memory_space<vmem>>) dst(%dma_wait3A_63 : memref<120x128xf32, #tpu.memory_space<vmem_shared>>)
      tpu.yield
    }) : () -> ()
    %barrier3A = arith.constant 0 : index
    tpu.barrier barrier_id(%barrier3A)
    "tpu.region"() ({
      %run_scoped3A = tpu.sem_alloc : memref<!tpu.dma_semaphore, #tpu.memory_space<semaphore_mem>>
      %dma_start3A_48 = arith.constant 0 : i32
      %dma_start3A_49 = arith.constant 0 : i32
      %dma_start3A_50 = tpu.memref_slice %arg3[%add3A, %dma_start3A_48, %dma_start3A_49] : memref<32x80x128xi32, #tpu.memory_space<hbm>> -> memref<1x40x128xi32, #tpu.memory_space<hbm>>
      %dma_start3A_51 = tpu.memref_squeeze %dma_start3A_50 : memref<1x40x128xi32, #tpu.memory_space<hbm>> -> memref<40x128xi32, #tpu.memory_space<hbm>>
      %dma_start3A_52 = arith.constant 0 : i32
      %dma_start3A_53 = arith.constant 0 : i32
      %dma_start3A_54 = tpu.memref_slice %arg3[%add3A, %dma_start3A_52, %dma_start3A_53] : memref<32x80x128xi32, #tpu.memory_space<hbm>> -> memref<1x40x128xi32, #tpu.memory_space<hbm>>
      %dma_start3A_55 = tpu.memref_squeeze %dma_start3A_54 : memref<1x40x128xi32, #tpu.memory_space<hbm>> -> memref<40x128xi32, #tpu.memory_space<hbm>>
      tpu.enqueue_dma source(%dma_start3A_55 : memref<40x128xi32, #tpu.memory_space<hbm>>) target(%arg6 : memref<40x128xi32, #tpu.memory_space<vmem>>) target_semaphore(%run_scoped3A : memref<!tpu.dma_semaphore, #tpu.memory_space<semaphore_mem>>)
      %dma_wait3A = arith.constant 0 : i32
      %dma_wait3A_56 = arith.constant 0 : i32
      %dma_wait3A_57 = tpu.memref_slice %arg3[%add3A, %dma_wait3A, %dma_wait3A_56] : memref<32x80x128xi32, #tpu.memory_space<hbm>> -> memref<1x40x128xi32, #tpu.memory_space<hbm>>
      %dma_wait3A_58 = tpu.memref_squeeze %dma_wait3A_57 : memref<1x40x128xi32, #tpu.memory_space<hbm>> -> memref<40x128xi32, #tpu.memory_space<hbm>>
      %dma_wait3A_59 = arith.constant 0 : i32
      %dma_wait3A_60 = arith.constant 0 : i32
      %dma_wait3A_61 = tpu.memref_slice %arg3[%add3A, %dma_wait3A_59, %dma_wait3A_60] : memref<32x80x128xi32, #tpu.memory_space<hbm>> -> memref<1x40x128xi32, #tpu.memory_space<hbm>>
      %dma_wait3A_62 = tpu.memref_squeeze %dma_wait3A_61 : memref<1x40x128xi32, #tpu.memory_space<hbm>> -> memref<40x128xi32, #tpu.memory_space<hbm>>
      tpu.wait_dma2 semaphore(%run_scoped3A : memref<!tpu.dma_semaphore, #tpu.memory_space<semaphore_mem>>) src(%dma_wait3A_62 : memref<40x128xi32, #tpu.memory_space<hbm>>) dst(%arg6 : memref<40x128xi32, #tpu.memory_space<vmem>>)
      tpu.yield
    }) : () -> ()
    "tpu.region"() ({
      %run_scoped3A = tpu.sem_alloc : memref<!tpu.dma_semaphore, #tpu.memory_space<semaphore_mem>>
      %dma_start3A_48 = arith.constant 0 : i32
      %dma_start3A_49 = arith.constant 0 : i32
      %dma_start3A_50 = tpu.memref_slice %arg4[%add3A, %dma_start3A_48, %dma_start3A_49] : memref<32x80x128xi32, #tpu.memory_space<hbm>> -> memref<1x40x128xi32, #tpu.memory_space<hbm>>
      %dma_start3A_51 = tpu.memref_squeeze %dma_start3A_50 : memref<1x40x128xi32, #tpu.memory_space<hbm>> -> memref<40x128xi32, #tpu.memory_space<hbm>>
      %dma_start3A_52 = arith.constant 0 : i32
      %dma_start3A_53 = arith.constant 0 : i32
      %dma_start3A_54 = tpu.memref_slice %arg4[%add3A, %dma_start3A_52, %dma_start3A_53] : memref<32x80x128xi32, #tpu.memory_space<hbm>> -> memref<1x40x128xi32, #tpu.memory_space<hbm>>
      %dma_start3A_55 = tpu.memref_squeeze %dma_start3A_54 : memref<1x40x128xi32, #tpu.memory_space<hbm>> -> memref<40x128xi32, #tpu.memory_space<hbm>>
      tpu.enqueue_dma source(%dma_start3A_55 : memref<40x128xi32, #tpu.memory_space<hbm>>) target(%arg7 : memref<40x128xi32, #tpu.memory_space<vmem>>) target_semaphore(%run_scoped3A : memref<!tpu.dma_semaphore, #tpu.memory_space<semaphore_mem>>)
      %dma_wait3A = arith.constant 0 : i32
      %dma_wait3A_56 = arith.constant 0 : i32
      %dma_wait3A_57 = tpu.memref_slice %arg4[%add3A, %dma_wait3A, %dma_wait3A_56] : memref<32x80x128xi32, #tpu.memory_space<hbm>> -> memref<1x40x128xi32, #tpu.memory_space<hbm>>
      %dma_wait3A_58 = tpu.memref_squeeze %dma_wait3A_57 : memref<1x40x128xi32, #tpu.memory_space<hbm>> -> memref<40x128xi32, #tpu.memory_space<hbm>>
      %dma_wait3A_59 = arith.constant 0 : i32
      %dma_wait3A_60 = arith.constant 0 : i32
      %dma_wait3A_61 = tpu.memref_slice %arg4[%add3A, %dma_wait3A_59, %dma_wait3A_60] : memref<32x80x128xi32, #tpu.memory_space<hbm>> -> memref<1x40x128xi32, #tpu.memory_space<hbm>>
      %dma_wait3A_62 = tpu.memref_squeeze %dma_wait3A_61 : memref<1x40x128xi32, #tpu.memory_space<hbm>> -> memref<40x128xi32, #tpu.memory_space<hbm>>
      tpu.wait_dma2 semaphore(%run_scoped3A : memref<!tpu.dma_semaphore, #tpu.memory_space<semaphore_mem>>) src(%dma_wait3A_62 : memref<40x128xi32, #tpu.memory_space<hbm>>) dst(%arg7 : memref<40x128xi32, #tpu.memory_space<vmem>>)
      tpu.yield
    }) : () -> ()
    %dma_start3A = arith.constant 0 : i32
    %dma_start3A_22 = arith.constant 0 : i32
    %dma_start3A_23 = tpu.memref_slice %arg6[%dma_start3A, %dma_start3A_22] : memref<40x128xi32, #tpu.memory_space<vmem>> -> memref<1x128xi32, #tpu.memory_space<vmem>>
    %dma_start3A_24 = tpu.memref_squeeze %dma_start3A_23 : memref<1x128xi32, #tpu.memory_space<vmem>> -> memref<128xi32, #tpu.memory_space<vmem>>
    %dma_start3A_25 = arith.constant 0 : i32
    %dma_start3A_26 = arith.constant 0 : i32
    %dma_start3A_27 = tpu.memref_slice %arg2[%dma_start3A_25, %dma_start3A_26] : memref<10000x128xf32, #tpu.memory_space<hbm>> -> memref<10000x128xf32, #tpu.memory_space<hbm>>
    tpu.enqueue_indirect_dma source(%dma_start3A_27 : memref<10000x128xf32, #tpu.memory_space<hbm>>) target(%arg8 : memref<128x128xf32, #tpu.memory_space<vmem>>) offsets(%dma_start3A_24 : memref<128xi32, #tpu.memory_space<vmem>>) semaphore(%arg11 : memref<!tpu.dma_semaphore, #tpu.memory_space<semaphore_mem>>)
    %scan3A_28 = arith.constant 0 : i32
    %scan3A_29 = arith.constant 0 : i32
    %scan3A_30 = arith.constant 20 : i32
    %scan3A_31 = arith.addi %scan3A_29, %scan3A_30 : i32
    %scan3A_32 = arith.constant 1 : i32
    scf.for %scan3A_48 = %scan3A_29 to %scan3A_31 step %scan3A_32  : i32 {
      %mul3A_49 = arith.constant 2 : i32
      %mul3A_50 = arith.muli %mul3A_49, %scan3A_48 : i32
      %add3A_51 = arith.constant 0 : i32
      %add3A_52 = arith.addi %mul3A_50, %add3A_51 : i32
      %add3A_53 = arith.constant 1 : i32
      %add3A_54 = arith.addi %add3A_52, %add3A_53 : i32
      %lt3A = arith.constant 40 : i32
      %lt3A_55 = arith.cmpi slt, %add3A_54, %lt3A : i32
      %convert_element_type3A = arith.extui %lt3A_55 : i1 to i32
      %cond3A = arith.constant 0 : i32
      %cond3A_56 = arith.cmpi ne, %convert_element_type3A, %cond3A : i32
      scf.if %cond3A_56 {
        %dma_start3A_85 = arith.constant 0 : i32
        %dma_start3A_86 = tpu.memref_slice %arg6[%add3A_54, %dma_start3A_85] : memref<40x128xi32, #tpu.memory_space<vmem>> -> memref<1x128xi32, #tpu.memory_space<vmem>>
        %dma_start3A_87 = tpu.memref_squeeze %dma_start3A_86 : memref<1x128xi32, #tpu.memory_space<vmem>> -> memref<128xi32, #tpu.memory_space<vmem>>
        %dma_start3A_88 = arith.constant 0 : i32
        %dma_start3A_89 = arith.constant 0 : i32
        %dma_start3A_90 = tpu.memref_slice %arg2[%dma_start3A_88, %dma_start3A_89] : memref<10000x128xf32, #tpu.memory_space<hbm>> -> memref<10000x128xf32, #tpu.memory_space<hbm>>
        tpu.enqueue_indirect_dma source(%dma_start3A_90 : memref<10000x128xf32, #tpu.memory_space<hbm>>) target(%arg9 : memref<128x128xf32, #tpu.memory_space<vmem>>) offsets(%dma_start3A_87 : memref<128xi32, #tpu.memory_space<vmem>>) semaphore(%arg12 : memref<!tpu.dma_semaphore, #tpu.memory_space<semaphore_mem>>)
      } else {
      }
      %add3A_57 = arith.constant 0 : i32
      %add3A_58 = arith.addi %mul3A_50, %add3A_57 : i32
      %dma_wait3A = arith.constant 0 : i32
      %dma_wait3A_59 = tpu.memref_slice %arg6[%add3A_58, %dma_wait3A] : memref<40x128xi32, #tpu.memory_space<vmem>> -> memref<1x128xi32, #tpu.memory_space<vmem>>
      %dma_wait3A_60 = tpu.memref_squeeze %dma_wait3A_59 : memref<1x128xi32, #tpu.memory_space<vmem>> -> memref<128xi32, #tpu.memory_space<vmem>>
      %dma_wait3A_61 = arith.constant 0 : i32
      %dma_wait3A_62 = arith.constant 0 : i32
      %dma_wait3A_63 = tpu.memref_slice %arg2[%dma_wait3A_61, %dma_wait3A_62] : memref<10000x128xf32, #tpu.memory_space<hbm>> -> memref<10000x128xf32, #tpu.memory_space<hbm>>
      tpu.wait_indirect_dma semaphore(%arg11 : memref<!tpu.dma_semaphore, #tpu.memory_space<semaphore_mem>>) src(%dma_wait3A_63 : memref<10000x128xf32, #tpu.memory_space<hbm>>) dst(%arg8 : memref<128x128xf32, #tpu.memory_space<vmem>>)
      %add3A_64 = arith.constant 0 : i32
      %add3A_65 = arith.addi %mul3A_50, %add3A_64 : i32
      "tpu.region"() ({
        %run_scoped3A = tpu.sem_alloc : memref<!tpu.dma_semaphore, #tpu.memory_space<semaphore_mem>>
        %dma_start3A_85 = arith.constant 0 : i32
        %dma_start3A_86 = tpu.memref_slice %arg7[%add3A_65, %dma_start3A_85] : memref<40x128xi32, #tpu.memory_space<vmem>> -> memref<1x128xi32, #tpu.memory_space<vmem>>
        %dma_start3A_87 = tpu.memref_squeeze %dma_start3A_86 : memref<1x128xi32, #tpu.memory_space<vmem>> -> memref<128xi32, #tpu.memory_space<vmem>>
        %dma_start3A_88 = arith.constant 0 : i32
        %dma_start3A_89 = arith.constant 0 : i32
        %dma_start3A_90 = tpu.memref_slice %arg10[%dma_start3A_88, %dma_start3A_89] : memref<10112x128xf32, #tpu.memory_space<vmem_shared>> -> memref<10112x128xf32, #tpu.memory_space<vmem_shared>>
        tpu.enqueue_indirect_dma source(%arg8 : memref<128x128xf32, #tpu.memory_space<vmem>>) target(%dma_start3A_90 : memref<10112x128xf32, #tpu.memory_space<vmem_shared>>) offsets(%dma_start3A_87 : memref<128xi32, #tpu.memory_space<vmem>>) semaphore(%run_scoped3A : memref<!tpu.dma_semaphore, #tpu.memory_space<semaphore_mem>>) {add = true}
        %dma_wait3A_91 = arith.constant 0 : i32
        %dma_wait3A_92 = tpu.memref_slice %arg7[%add3A_65, %dma_wait3A_91] : memref<40x128xi32, #tpu.memory_space<vmem>> -> memref<1x128xi32, #tpu.memory_space<vmem>>
        %dma_wait3A_93 = tpu.memref_squeeze %dma_wait3A_92 : memref<1x128xi32, #tpu.memory_space<vmem>> -> memref<128xi32, #tpu.memory_space<vmem>>
        %dma_wait3A_94 = arith.constant 0 : i32
        %dma_wait3A_95 = arith.constant 0 : i32
        %dma_wait3A_96 = tpu.memref_slice %arg10[%dma_wait3A_94, %dma_wait3A_95] : memref<10112x128xf32, #tpu.memory_space<vmem_shared>> -> memref<10112x128xf32, #tpu.memory_space<vmem_shared>>
        tpu.wait_indirect_dma semaphore(%run_scoped3A : memref<!tpu.dma_semaphore, #tpu.memory_space<semaphore_mem>>) src(%arg8 : memref<128x128xf32, #tpu.memory_space<vmem>>) dst(%dma_wait3A_96 : memref<10112x128xf32, #tpu.memory_space<vmem_shared>>)
        tpu.yield
      }) : () -> ()
      %add3A_66 = arith.constant 1 : i32
      %add3A_67 = arith.addi %mul3A_50, %add3A_66 : i32
      %add3A_68 = arith.constant 1 : i32
      %add3A_69 = arith.addi %add3A_67, %add3A_68 : i32
      %lt3A_70 = arith.constant 40 : i32
      %lt3A_71 = arith.cmpi slt, %add3A_69, %lt3A_70 : i32
      %convert_element_type3A_72 = arith.extui %lt3A_71 : i1 to i32
      %cond3A_73 = arith.constant 0 : i32
      %cond3A_74 = arith.cmpi ne, %convert_element_type3A_72, %cond3A_73 : i32
      scf.if %cond3A_74 {
        %dma_start3A_85 = arith.constant 0 : i32
        %dma_start3A_86 = tpu.memref_slice %arg6[%add3A_69, %dma_start3A_85] : memref<40x128xi32, #tpu.memory_space<vmem>> -> memref<1x128xi32, #tpu.memory_space<vmem>>
        %dma_start3A_87 = tpu.memref_squeeze %dma_start3A_86 : memref<1x128xi32, #tpu.memory_space<vmem>> -> memref<128xi32, #tpu.memory_space<vmem>>
        %dma_start3A_88 = arith.constant 0 : i32
        %dma_start3A_89 = arith.constant 0 : i32
        %dma_start3A_90 = tpu.memref_slice %arg2[%dma_start3A_88, %dma_start3A_89] : memref<10000x128xf32, #tpu.memory_space<hbm>> -> memref<10000x128xf32, #tpu.memory_space<hbm>>
        tpu.enqueue_indirect_dma source(%dma_start3A_90 : memref<10000x128xf32, #tpu.memory_space<hbm>>) target(%arg8 : memref<128x128xf32, #tpu.memory_space<vmem>>) offsets(%dma_start3A_87 : memref<128xi32, #tpu.memory_space<vmem>>) semaphore(%arg11 : memref<!tpu.dma_semaphore, #tpu.memory_space<semaphore_mem>>)
      } else {
      }
      %add3A_75 = arith.constant 1 : i32
      %add3A_76 = arith.addi %mul3A_50, %add3A_75 : i32
      %dma_wait3A_77 = arith.constant 0 : i32
      %dma_wait3A_78 = tpu.memref_slice %arg6[%add3A_76, %dma_wait3A_77] : memref<40x128xi32, #tpu.memory_space<vmem>> -> memref<1x128xi32, #tpu.memory_space<vmem>>
      %dma_wait3A_79 = tpu.memref_squeeze %dma_wait3A_78 : memref<1x128xi32, #tpu.memory_space<vmem>> -> memref<128xi32, #tpu.memory_space<vmem>>
      %dma_wait3A_80 = arith.constant 0 : i32
      %dma_wait3A_81 = arith.constant 0 : i32
      %dma_wait3A_82 = tpu.memref_slice %arg2[%dma_wait3A_80, %dma_wait3A_81] : memref<10000x128xf32, #tpu.memory_space<hbm>> -> memref<10000x128xf32, #tpu.memory_space<hbm>>
      tpu.wait_indirect_dma semaphore(%arg12 : memref<!tpu.dma_semaphore, #tpu.memory_space<semaphore_mem>>) src(%dma_wait3A_82 : memref<10000x128xf32, #tpu.memory_space<hbm>>) dst(%arg9 : memref<128x128xf32, #tpu.memory_space<vmem>>)
      %add3A_83 = arith.constant 1 : i32
      %add3A_84 = arith.addi %mul3A_50, %add3A_83 : i32
      "tpu.region"() ({
        %run_scoped3A = tpu.sem_alloc : memref<!tpu.dma_semaphore, #tpu.memory_space<semaphore_mem>>
        %dma_start3A_85 = arith.constant 0 : i32
        %dma_start3A_86 = tpu.memref_slice %arg7[%add3A_84, %dma_start3A_85] : memref<40x128xi32, #tpu.memory_space<vmem>> -> memref<1x128xi32, #tpu.memory_space<vmem>>
        %dma_start3A_87 = tpu.memref_squeeze %dma_start3A_86 : memref<1x128xi32, #tpu.memory_space<vmem>> -> memref<128xi32, #tpu.memory_space<vmem>>
        %dma_start3A_88 = arith.constant 0 : i32
        %dma_start3A_89 = arith.constant 0 : i32
        %dma_start3A_90 = tpu.memref_slice %arg10[%dma_start3A_88, %dma_start3A_89] : memref<10112x128xf32, #tpu.memory_space<vmem_shared>> -> memref<10112x128xf32, #tpu.memory_space<vmem_shared>>
        tpu.enqueue_indirect_dma source(%arg9 : memref<128x128xf32, #tpu.memory_space<vmem>>) target(%dma_start3A_90 : memref<10112x128xf32, #tpu.memory_space<vmem_shared>>) offsets(%dma_start3A_87 : memref<128xi32, #tpu.memory_space<vmem>>) semaphore(%run_scoped3A : memref<!tpu.dma_semaphore, #tpu.memory_space<semaphore_mem>>) {add = true}
        %dma_wait3A_91 = arith.constant 0 : i32
        %dma_wait3A_92 = tpu.memref_slice %arg7[%add3A_84, %dma_wait3A_91] : memref<40x128xi32, #tpu.memory_space<vmem>> -> memref<1x128xi32, #tpu.memory_space<vmem>>
        %dma_wait3A_93 = tpu.memref_squeeze %dma_wait3A_92 : memref<1x128xi32, #tpu.memory_space<vmem>> -> memref<128xi32, #tpu.memory_space<vmem>>
        %dma_wait3A_94 = arith.constant 0 : i32
        %dma_wait3A_95 = arith.constant 0 : i32
        %dma_wait3A_96 = tpu.memref_slice %arg10[%dma_wait3A_94, %dma_wait3A_95] : memref<10112x128xf32, #tpu.memory_space<vmem_shared>> -> memref<10112x128xf32, #tpu.memory_space<vmem_shared>>
        tpu.wait_indirect_dma semaphore(%run_scoped3A : memref<!tpu.dma_semaphore, #tpu.memory_space<semaphore_mem>>) src(%arg9 : memref<128x128xf32, #tpu.memory_space<vmem>>) dst(%dma_wait3A_96 : memref<10112x128xf32, #tpu.memory_space<vmem_shared>>)
        tpu.yield
      }) : () -> ()
    }
    %scan3A_33 = arith.constant 20 : i32
    "tpu.region"() ({
      %run_scoped3A = tpu.sem_alloc : memref<!tpu.dma_semaphore, #tpu.memory_space<semaphore_mem>>
      %dma_start3A_48 = arith.constant 40 : i32
      %dma_start3A_49 = arith.constant 0 : i32
      %dma_start3A_50 = tpu.memref_slice %arg3[%add3A, %dma_start3A_48, %dma_start3A_49] : memref<32x80x128xi32, #tpu.memory_space<hbm>> -> memref<1x40x128xi32, #tpu.memory_space<hbm>>
      %dma_start3A_51 = tpu.memref_squeeze %dma_start3A_50 : memref<1x40x128xi32, #tpu.memory_space<hbm>> -> memref<40x128xi32, #tpu.memory_space<hbm>>
      %dma_start3A_52 = arith.constant 40 : i32
      %dma_start3A_53 = arith.constant 0 : i32
      %dma_start3A_54 = tpu.memref_slice %arg3[%add3A, %dma_start3A_52, %dma_start3A_53] : memref<32x80x128xi32, #tpu.memory_space<hbm>> -> memref<1x40x128xi32, #tpu.memory_space<hbm>>
      %dma_start3A_55 = tpu.memref_squeeze %dma_start3A_54 : memref<1x40x128xi32, #tpu.memory_space<hbm>> -> memref<40x128xi32, #tpu.memory_space<hbm>>
      tpu.enqueue_dma source(%dma_start3A_55 : memref<40x128xi32, #tpu.memory_space<hbm>>) target(%arg6 : memref<40x128xi32, #tpu.memory_space<vmem>>) target_semaphore(%run_scoped3A : memref<!tpu.dma_semaphore, #tpu.memory_space<semaphore_mem>>)
      %dma_wait3A = arith.constant 40 : i32
      %dma_wait3A_56 = arith.constant 0 : i32
      %dma_wait3A_57 = tpu.memref_slice %arg3[%add3A, %dma_wait3A, %dma_wait3A_56] : memref<32x80x128xi32, #tpu.memory_space<hbm>> -> memref<1x40x128xi32, #tpu.memory_space<hbm>>
      %dma_wait3A_58 = tpu.memref_squeeze %dma_wait3A_57 : memref<1x40x128xi32, #tpu.memory_space<hbm>> -> memref<40x128xi32, #tpu.memory_space<hbm>>
      %dma_wait3A_59 = arith.constant 40 : i32
      %dma_wait3A_60 = arith.constant 0 : i32
      %dma_wait3A_61 = tpu.memref_slice %arg3[%add3A, %dma_wait3A_59, %dma_wait3A_60] : memref<32x80x128xi32, #tpu.memory_space<hbm>> -> memref<1x40x128xi32, #tpu.memory_space<hbm>>
      %dma_wait3A_62 = tpu.memref_squeeze %dma_wait3A_61 : memref<1x40x128xi32, #tpu.memory_space<hbm>> -> memref<40x128xi32, #tpu.memory_space<hbm>>
      tpu.wait_dma2 semaphore(%run_scoped3A : memref<!tpu.dma_semaphore, #tpu.memory_space<semaphore_mem>>) src(%dma_wait3A_62 : memref<40x128xi32, #tpu.memory_space<hbm>>) dst(%arg6 : memref<40x128xi32, #tpu.memory_space<vmem>>)
      tpu.yield
    }) : () -> ()
    "tpu.region"() ({
      %run_scoped3A = tpu.sem_alloc : memref<!tpu.dma_semaphore, #tpu.memory_space<semaphore_mem>>
      %dma_start3A_48 = arith.constant 40 : i32
      %dma_start3A_49 = arith.constant 0 : i32
      %dma_start3A_50 = tpu.memref_slice %arg4[%add3A, %dma_start3A_48, %dma_start3A_49] : memref<32x80x128xi32, #tpu.memory_space<hbm>> -> memref<1x40x128xi32, #tpu.memory_space<hbm>>
      %dma_start3A_51 = tpu.memref_squeeze %dma_start3A_50 : memref<1x40x128xi32, #tpu.memory_space<hbm>> -> memref<40x128xi32, #tpu.memory_space<hbm>>
      %dma_start3A_52 = arith.constant 40 : i32
      %dma_start3A_53 = arith.constant 0 : i32
      %dma_start3A_54 = tpu.memref_slice %arg4[%add3A, %dma_start3A_52, %dma_start3A_53] : memref<32x80x128xi32, #tpu.memory_space<hbm>> -> memref<1x40x128xi32, #tpu.memory_space<hbm>>
      %dma_start3A_55 = tpu.memref_squeeze %dma_start3A_54 : memref<1x40x128xi32, #tpu.memory_space<hbm>> -> memref<40x128xi32, #tpu.memory_space<hbm>>
      tpu.enqueue_dma source(%dma_start3A_55 : memref<40x128xi32, #tpu.memory_space<hbm>>) target(%arg7 : memref<40x128xi32, #tpu.memory_space<vmem>>) target_semaphore(%run_scoped3A : memref<!tpu.dma_semaphore, #tpu.memory_space<semaphore_mem>>)
      %dma_wait3A = arith.constant 40 : i32
      %dma_wait3A_56 = arith.constant 0 : i32
      %dma_wait3A_57 = tpu.memref_slice %arg4[%add3A, %dma_wait3A, %dma_wait3A_56] : memref<32x80x128xi32, #tpu.memory_space<hbm>> -> memref<1x40x128xi32, #tpu.memory_space<hbm>>
      %dma_wait3A_58 = tpu.memref_squeeze %dma_wait3A_57 : memref<1x40x128xi32, #tpu.memory_space<hbm>> -> memref<40x128xi32, #tpu.memory_space<hbm>>
      %dma_wait3A_59 = arith.constant 40 : i32
      %dma_wait3A_60 = arith.constant 0 : i32
      %dma_wait3A_61 = tpu.memref_slice %arg4[%add3A, %dma_wait3A_59, %dma_wait3A_60] : memref<32x80x128xi32, #tpu.memory_space<hbm>> -> memref<1x40x128xi32, #tpu.memory_space<hbm>>
      %dma_wait3A_62 = tpu.memref_squeeze %dma_wait3A_61 : memref<1x40x128xi32, #tpu.memory_space<hbm>> -> memref<40x128xi32, #tpu.memory_space<hbm>>
      tpu.wait_dma2 semaphore(%run_scoped3A : memref<!tpu.dma_semaphore, #tpu.memory_space<semaphore_mem>>) src(%dma_wait3A_62 : memref<40x128xi32, #tpu.memory_space<hbm>>) dst(%arg7 : memref<40x128xi32, #tpu.memory_space<vmem>>)
      tpu.yield
    }) : () -> ()
    %dma_start3A_34 = arith.constant 0 : i32
    %dma_start3A_35 = arith.constant 0 : i32
    %dma_start3A_36 = tpu.memref_slice %arg6[%dma_start3A_34, %dma_start3A_35] : memref<40x128xi32, #tpu.memory_space<vmem>> -> memref<1x128xi32, #tpu.memory_space<vmem>>
    %dma_start3A_37 = tpu.memref_squeeze %dma_start3A_36 : memref<1x128xi32, #tpu.memory_space<vmem>> -> memref<128xi32, #tpu.memory_space<vmem>>
    %dma_start3A_38 = arith.constant 0 : i32
    %dma_start3A_39 = arith.constant 0 : i32
    %dma_start3A_40 = tpu.memref_slice %arg2[%dma_start3A_38, %dma_start3A_39] : memref<10000x128xf32, #tpu.memory_space<hbm>> -> memref<10000x128xf32, #tpu.memory_space<hbm>>
    tpu.enqueue_indirect_dma source(%dma_start3A_40 : memref<10000x128xf32, #tpu.memory_space<hbm>>) target(%arg8 : memref<128x128xf32, #tpu.memory_space<vmem>>) offsets(%dma_start3A_37 : memref<128xi32, #tpu.memory_space<vmem>>) semaphore(%arg11 : memref<!tpu.dma_semaphore, #tpu.memory_space<semaphore_mem>>)
    %scan3A_41 = arith.constant 0 : i32
    %scan3A_42 = arith.constant 0 : i32
    %scan3A_43 = arith.constant 20 : i32
    %scan3A_44 = arith.addi %scan3A_42, %scan3A_43 : i32
    %scan3A_45 = arith.constant 1 : i32
    scf.for %scan3A_48 = %scan3A_42 to %scan3A_44 step %scan3A_45  : i32 {
      %mul3A_49 = arith.constant 2 : i32
      %mul3A_50 = arith.muli %mul3A_49, %scan3A_48 : i32
      %add3A_51 = arith.constant 0 : i32
      %add3A_52 = arith.addi %mul3A_50, %add3A_51 : i32
      %add3A_53 = arith.constant 1 : i32
      %add3A_54 = arith.addi %add3A_52, %add3A_53 : i32
      %lt3A = arith.constant 40 : i32
      %lt3A_55 = arith.cmpi slt, %add3A_54, %lt3A : i32
      %convert_element_type3A = arith.extui %lt3A_55 : i1 to i32
      %cond3A = arith.constant 0 : i32
      %cond3A_56 = arith.cmpi ne, %convert_element_type3A, %cond3A : i32
      scf.if %cond3A_56 {
        %dma_start3A_85 = arith.constant 0 : i32
        %dma_start3A_86 = tpu.memref_slice %arg6[%add3A_54, %dma_start3A_85] : memref<40x128xi32, #tpu.memory_space<vmem>> -> memref<1x128xi32, #tpu.memory_space<vmem>>
        %dma_start3A_87 = tpu.memref_squeeze %dma_start3A_86 : memref<1x128xi32, #tpu.memory_space<vmem>> -> memref<128xi32, #tpu.memory_space<vmem>>
        %dma_start3A_88 = arith.constant 0 : i32
        %dma_start3A_89 = arith.constant 0 : i32
        %dma_start3A_90 = tpu.memref_slice %arg2[%dma_start3A_88, %dma_start3A_89] : memref<10000x128xf32, #tpu.memory_space<hbm>> -> memref<10000x128xf32, #tpu.memory_space<hbm>>
        tpu.enqueue_indirect_dma source(%dma_start3A_90 : memref<10000x128xf32, #tpu.memory_space<hbm>>) target(%arg9 : memref<128x128xf32, #tpu.memory_space<vmem>>) offsets(%dma_start3A_87 : memref<128xi32, #tpu.memory_space<vmem>>) semaphore(%arg12 : memref<!tpu.dma_semaphore, #tpu.memory_space<semaphore_mem>>)
      } else {
      }
      %add3A_57 = arith.constant 0 : i32
      %add3A_58 = arith.addi %mul3A_50, %add3A_57 : i32
      %dma_wait3A = arith.constant 0 : i32
      %dma_wait3A_59 = tpu.memref_slice %arg6[%add3A_58, %dma_wait3A] : memref<40x128xi32, #tpu.memory_space<vmem>> -> memref<1x128xi32, #tpu.memory_space<vmem>>
      %dma_wait3A_60 = tpu.memref_squeeze %dma_wait3A_59 : memref<1x128xi32, #tpu.memory_space<vmem>> -> memref<128xi32, #tpu.memory_space<vmem>>
      %dma_wait3A_61 = arith.constant 0 : i32
      %dma_wait3A_62 = arith.constant 0 : i32
      %dma_wait3A_63 = tpu.memref_slice %arg2[%dma_wait3A_61, %dma_wait3A_62] : memref<10000x128xf32, #tpu.memory_space<hbm>> -> memref<10000x128xf32, #tpu.memory_space<hbm>>
      tpu.wait_indirect_dma semaphore(%arg11 : memref<!tpu.dma_semaphore, #tpu.memory_space<semaphore_mem>>) src(%dma_wait3A_63 : memref<10000x128xf32, #tpu.memory_space<hbm>>) dst(%arg8 : memref<128x128xf32, #tpu.memory_space<vmem>>)
      %add3A_64 = arith.constant 0 : i32
      %add3A_65 = arith.addi %mul3A_50, %add3A_64 : i32
      "tpu.region"() ({
        %run_scoped3A = tpu.sem_alloc : memref<!tpu.dma_semaphore, #tpu.memory_space<semaphore_mem>>
        %dma_start3A_85 = arith.constant 0 : i32
        %dma_start3A_86 = tpu.memref_slice %arg7[%add3A_65, %dma_start3A_85] : memref<40x128xi32, #tpu.memory_space<vmem>> -> memref<1x128xi32, #tpu.memory_space<vmem>>
        %dma_start3A_87 = tpu.memref_squeeze %dma_start3A_86 : memref<1x128xi32, #tpu.memory_space<vmem>> -> memref<128xi32, #tpu.memory_space<vmem>>
        %dma_start3A_88 = arith.constant 0 : i32
        %dma_start3A_89 = arith.constant 0 : i32
        %dma_start3A_90 = tpu.memref_slice %arg10[%dma_start3A_88, %dma_start3A_89] : memref<10112x128xf32, #tpu.memory_space<vmem_shared>> -> memref<10112x128xf32, #tpu.memory_space<vmem_shared>>
        tpu.enqueue_indirect_dma source(%arg8 : memref<128x128xf32, #tpu.memory_space<vmem>>) target(%dma_start3A_90 : memref<10112x128xf32, #tpu.memory_space<vmem_shared>>) offsets(%dma_start3A_87 : memref<128xi32, #tpu.memory_space<vmem>>) semaphore(%run_scoped3A : memref<!tpu.dma_semaphore, #tpu.memory_space<semaphore_mem>>) {add = true}
        %dma_wait3A_91 = arith.constant 0 : i32
        %dma_wait3A_92 = tpu.memref_slice %arg7[%add3A_65, %dma_wait3A_91] : memref<40x128xi32, #tpu.memory_space<vmem>> -> memref<1x128xi32, #tpu.memory_space<vmem>>
        %dma_wait3A_93 = tpu.memref_squeeze %dma_wait3A_92 : memref<1x128xi32, #tpu.memory_space<vmem>> -> memref<128xi32, #tpu.memory_space<vmem>>
        %dma_wait3A_94 = arith.constant 0 : i32
        %dma_wait3A_95 = arith.constant 0 : i32
        %dma_wait3A_96 = tpu.memref_slice %arg10[%dma_wait3A_94, %dma_wait3A_95] : memref<10112x128xf32, #tpu.memory_space<vmem_shared>> -> memref<10112x128xf32, #tpu.memory_space<vmem_shared>>
        tpu.wait_indirect_dma semaphore(%run_scoped3A : memref<!tpu.dma_semaphore, #tpu.memory_space<semaphore_mem>>) src(%arg8 : memref<128x128xf32, #tpu.memory_space<vmem>>) dst(%dma_wait3A_96 : memref<10112x128xf32, #tpu.memory_space<vmem_shared>>)
        tpu.yield
      }) : () -> ()
      %add3A_66 = arith.constant 1 : i32
      %add3A_67 = arith.addi %mul3A_50, %add3A_66 : i32
      %add3A_68 = arith.constant 1 : i32
      %add3A_69 = arith.addi %add3A_67, %add3A_68 : i32
      %lt3A_70 = arith.constant 40 : i32
      %lt3A_71 = arith.cmpi slt, %add3A_69, %lt3A_70 : i32
      %convert_element_type3A_72 = arith.extui %lt3A_71 : i1 to i32
      %cond3A_73 = arith.constant 0 : i32
      %cond3A_74 = arith.cmpi ne, %convert_element_type3A_72, %cond3A_73 : i32
      scf.if %cond3A_74 {
        %dma_start3A_85 = arith.constant 0 : i32
        %dma_start3A_86 = tpu.memref_slice %arg6[%add3A_69, %dma_start3A_85] : memref<40x128xi32, #tpu.memory_space<vmem>> -> memref<1x128xi32, #tpu.memory_space<vmem>>
        %dma_start3A_87 = tpu.memref_squeeze %dma_start3A_86 : memref<1x128xi32, #tpu.memory_space<vmem>> -> memref<128xi32, #tpu.memory_space<vmem>>
        %dma_start3A_88 = arith.constant 0 : i32
        %dma_start3A_89 = arith.constant 0 : i32
        %dma_start3A_90 = tpu.memref_slice %arg2[%dma_start3A_88, %dma_start3A_89] : memref<10000x128xf32, #tpu.memory_space<hbm>> -> memref<10000x128xf32, #tpu.memory_space<hbm>>
        tpu.enqueue_indirect_dma source(%dma_start3A_90 : memref<10000x128xf32, #tpu.memory_space<hbm>>) target(%arg8 : memref<128x128xf32, #tpu.memory_space<vmem>>) offsets(%dma_start3A_87 : memref<128xi32, #tpu.memory_space<vmem>>) semaphore(%arg11 : memref<!tpu.dma_semaphore, #tpu.memory_space<semaphore_mem>>)
      } else {
      }
      %add3A_75 = arith.constant 1 : i32
      %add3A_76 = arith.addi %mul3A_50, %add3A_75 : i32
      %dma_wait3A_77 = arith.constant 0 : i32
      %dma_wait3A_78 = tpu.memref_slice %arg6[%add3A_76, %dma_wait3A_77] : memref<40x128xi32, #tpu.memory_space<vmem>> -> memref<1x128xi32, #tpu.memory_space<vmem>>
      %dma_wait3A_79 = tpu.memref_squeeze %dma_wait3A_78 : memref<1x128xi32, #tpu.memory_space<vmem>> -> memref<128xi32, #tpu.memory_space<vmem>>
      %dma_wait3A_80 = arith.constant 0 : i32
      %dma_wait3A_81 = arith.constant 0 : i32
      %dma_wait3A_82 = tpu.memref_slice %arg2[%dma_wait3A_80, %dma_wait3A_81] : memref<10000x128xf32, #tpu.memory_space<hbm>> -> memref<10000x128xf32, #tpu.memory_space<hbm>>
      tpu.wait_indirect_dma semaphore(%arg12 : memref<!tpu.dma_semaphore, #tpu.memory_space<semaphore_mem>>) src(%dma_wait3A_82 : memref<10000x128xf32, #tpu.memory_space<hbm>>) dst(%arg9 : memref<128x128xf32, #tpu.memory_space<vmem>>)
      %add3A_83 = arith.constant 1 : i32
      %add3A_84 = arith.addi %mul3A_50, %add3A_83 : i32
      "tpu.region"() ({
        %run_scoped3A = tpu.sem_alloc : memref<!tpu.dma_semaphore, #tpu.memory_space<semaphore_mem>>
        %dma_start3A_85 = arith.constant 0 : i32
        %dma_start3A_86 = tpu.memref_slice %arg7[%add3A_84, %dma_start3A_85] : memref<40x128xi32, #tpu.memory_space<vmem>> -> memref<1x128xi32, #tpu.memory_space<vmem>>
        %dma_start3A_87 = tpu.memref_squeeze %dma_start3A_86 : memref<1x128xi32, #tpu.memory_space<vmem>> -> memref<128xi32, #tpu.memory_space<vmem>>
        %dma_start3A_88 = arith.constant 0 : i32
        %dma_start3A_89 = arith.constant 0 : i32
        %dma_start3A_90 = tpu.memref_slice %arg10[%dma_start3A_88, %dma_start3A_89] : memref<10112x128xf32, #tpu.memory_space<vmem_shared>> -> memref<10112x128xf32, #tpu.memory_space<vmem_shared>>
        tpu.enqueue_indirect_dma source(%arg9 : memref<128x128xf32, #tpu.memory_space<vmem>>) target(%dma_start3A_90 : memref<10112x128xf32, #tpu.memory_space<vmem_shared>>) offsets(%dma_start3A_87 : memref<128xi32, #tpu.memory_space<vmem>>) semaphore(%run_scoped3A : memref<!tpu.dma_semaphore, #tpu.memory_space<semaphore_mem>>) {add = true}
        %dma_wait3A_91 = arith.constant 0 : i32
        %dma_wait3A_92 = tpu.memref_slice %arg7[%add3A_84, %dma_wait3A_91] : memref<40x128xi32, #tpu.memory_space<vmem>> -> memref<1x128xi32, #tpu.memory_space<vmem>>
        %dma_wait3A_93 = tpu.memref_squeeze %dma_wait3A_92 : memref<1x128xi32, #tpu.memory_space<vmem>> -> memref<128xi32, #tpu.memory_space<vmem>>
        %dma_wait3A_94 = arith.constant 0 : i32
        %dma_wait3A_95 = arith.constant 0 : i32
        %dma_wait3A_96 = tpu.memref_slice %arg10[%dma_wait3A_94, %dma_wait3A_95] : memref<10112x128xf32, #tpu.memory_space<vmem_shared>> -> memref<10112x128xf32, #tpu.memory_space<vmem_shared>>
        tpu.wait_indirect_dma semaphore(%run_scoped3A : memref<!tpu.dma_semaphore, #tpu.memory_space<semaphore_mem>>) src(%arg9 : memref<128x128xf32, #tpu.memory_space<vmem>>) dst(%dma_wait3A_96 : memref<10112x128xf32, #tpu.memory_space<vmem_shared>>)
        tpu.yield
      }) : () -> ()
    }
    %scan3A_46 = arith.constant 20 : i32
    %barrier3A_47 = arith.constant 0 : index
    tpu.barrier barrier_id(%barrier3A_47)
    "tpu.region"() ({
      %run_scoped3A = tpu.sem_alloc : memref<!tpu.dma_semaphore, #tpu.memory_space<semaphore_mem>>
      %dma_start3A_48 = arith.constant 0 : i32
      %dma_start3A_49 = tpu.memref_slice %arg5[%arg0, %mul3A_7, %dma_start3A_48] : memref<2x10112x128xf32, #tpu.memory_space<hbm>> -> memref<1x632x128xf32, #tpu.memory_space<hbm>>
      %dma_start3A_50 = tpu.memref_squeeze %dma_start3A_49 : memref<1x632x128xf32, #tpu.memory_space<hbm>> -> memref<632x128xf32, #tpu.memory_space<hbm>>
      %dma_start3A_51 = arith.constant 0 : i32
      %dma_start3A_52 = tpu.memref_slice %arg10[%mul3A_7, %dma_start3A_51] : memref<10112x128xf32, #tpu.memory_space<vmem_shared>> -> memref<632x128xf32, #tpu.memory_space<vmem_shared>>
      tpu.enqueue_dma source(%dma_start3A_52 : memref<632x128xf32, #tpu.memory_space<vmem_shared>>) target(%dma_start3A_50 : memref<632x128xf32, #tpu.memory_space<hbm>>) target_semaphore(%run_scoped3A : memref<!tpu.dma_semaphore, #tpu.memory_space<semaphore_mem>>)
      %dma_wait3A = arith.constant 0 : i32
      %dma_wait3A_53 = tpu.memref_slice %arg5[%arg0, %mul3A_7, %dma_wait3A] : memref<2x10112x128xf32, #tpu.memory_space<hbm>> -> memref<1x632x128xf32, #tpu.memory_space<hbm>>
      %dma_wait3A_54 = tpu.memref_squeeze %dma_wait3A_53 : memref<1x632x128xf32, #tpu.memory_space<hbm>> -> memref<632x128xf32, #tpu.memory_space<hbm>>
      %dma_wait3A_55 = arith.constant 0 : i32
      %dma_wait3A_56 = tpu.memref_slice %arg10[%mul3A_7, %dma_wait3A_55] : memref<10112x128xf32, #tpu.memory_space<vmem_shared>> -> memref<632x128xf32, #tpu.memory_space<vmem_shared>>
      tpu.wait_dma2 semaphore(%run_scoped3A : memref<!tpu.dma_semaphore, #tpu.memory_space<semaphore_mem>>) src(%dma_wait3A_56 : memref<632x128xf32, #tpu.memory_space<vmem_shared>>) dst(%dma_wait3A_54 : memref<632x128xf32, #tpu.memory_space<hbm>>)
      tpu.yield
    }) : () -> ()
    return
  }
}

module attributes {stable_mosaic.version = 14 : i64} {
  func.func @_mlp_body(%arg0: i32, %arg1: memref<1x1000x128xf32, #tpu.memory_space<vmem>>, %arg2: memref<128x128xf32, #tpu.memory_space<vmem>>, %arg3: memref<1x128xf32, #tpu.memory_space<vmem>>, %arg4: memref<1x128xf32, #tpu.memory_space<vmem>>, %arg5: memref<1000x128xf32, #tpu.memory_space<vmem>>) attributes {dimension_semantics = [#tpu.dimension_semantics<arbitrary>], iteration_bounds = array<i64: 10>, scalar_prefetch = 0 : i64, scratch_operands = 0 : i64, tpu.core_type = #tpu.core_type<tc>, window_params = [{transform_indices = @transform_0, window_bounds = array<i64: 1, 1000, 128>}, {pipeline_mode = #tpu.pipeline_mode<synchronous>, transform_indices = @transform_1, window_bounds = array<i64: 128, 128>}, {pipeline_mode = #tpu.pipeline_mode<synchronous>, transform_indices = @transform_2, window_bounds = array<i64: 1, 128>}, {pipeline_mode = #tpu.pipeline_mode<synchronous>, transform_indices = @transform_3, window_bounds = array<i64: 1, 128>}, {transform_indices = @transform_4, window_bounds = array<i64: 1000, 128>}]} {
    %broadcast_in_dim3A = arith.constant 0.000000e+00 : f32
    %broadcast_in_dim3A_0 = vector.broadcast %broadcast_in_dim3A : f32 to vector<1000x128xf32>
    %get3A = arith.constant 0 : index
    %get3A_1 = arith.constant 0 : index
    %get3A_2 = vector.load %arg2[%get3A, %get3A_1] : memref<128x128xf32, #tpu.memory_space<vmem>>, vector<128x128xf32>
    %get3A_3 = arith.constant 0 : index
    %get3A_4 = arith.constant 0 : index
    %get3A_5 = arith.constant 0 : index
    %get3A_6 = vector.load %arg1[%get3A_3, %get3A_4, %get3A_5] : memref<1x1000x128xf32, #tpu.memory_space<vmem>>, vector<1x1000x128xf32>
    %get3A_7 = vector.shape_cast %get3A_6 : vector<1x1000x128xf32> to vector<1000x128xf32>
    %dot_general3A = arith.constant dense<0.000000e+00> : vector<1000x128xf32>
    %dot_general3A_8 = tpu.matmul %get3A_7, %get3A_2, %dot_general3A {dimension_numbers = #tpu.dot_dimension_numbers<[1], [0], [0], [1], [0, 0, 1, 1], [], []>, precision = #tpu.contract_precision<fp32>, transpose_lhs_hint = false} : vector<1000x128xf32>, vector<128x128xf32>, vector<1000x128xf32> -> vector<1000x128xf32>
    %add3A = arith.addf %broadcast_in_dim3A_0, %dot_general3A_8 : vector<1000x128xf32>
    %get3A_9 = arith.constant 0 : index
    %get3A_10 = arith.constant 0 : index
    %get3A_11 = vector.load %arg3[%get3A_9, %get3A_10] : memref<1x128xf32, #tpu.memory_space<vmem>>, vector<1x128xf32>
    %add3A_12 = vector.broadcast %get3A_11 : vector<1x128xf32> to vector<1000x128xf32>
    %add3A_13 = arith.addf %add3A, %add3A_12 : vector<1000x128xf32>
    %ge3A = arith.constant 0.000000e+00 : f32
    %ge3A_14 = vector.broadcast %ge3A : f32 to vector<1000x128xf32>
    %ge3A_15 = arith.cmpf oge, %add3A_13, %ge3A_14 : vector<1000x128xf32>
    %get3A_16 = arith.constant 0 : index
    %get3A_17 = arith.constant 0 : index
    %get3A_18 = vector.load %arg4[%get3A_16, %get3A_17] : memref<1x128xf32, #tpu.memory_space<vmem>>, vector<1x128xf32>
    %mul3A = vector.broadcast %get3A_18 : vector<1x128xf32> to vector<1000x128xf32>
    %mul3A_19 = arith.mulf %mul3A, %add3A_13 : vector<1000x128xf32>
    %select_n3A = arith.select %ge3A_15, %add3A_13, %mul3A_19 : vector<1000x128xi1>, vector<1000x128xf32>
    %swap3A = arith.constant 0 : index
    %swap3A_20 = arith.constant 0 : index
    %swap3A_21 = vector.load %arg5[%swap3A, %swap3A_20] : memref<1000x128xf32, #tpu.memory_space<vmem>>, vector<1000x128xf32>
    tpu.vector_store %arg5[%swap3A, %swap3A_20], %select_n3A {strides = array<i32>} : memref<1000x128xf32, #tpu.memory_space<vmem>>, vector<1000x128xf32>,
    return
  }
  func.func @transform_0(%arg0: i32) -> (i32, i32, i32) {
    %c0_i32 = arith.constant 0 : i32
    %c0_i32_0 = arith.constant 0 : i32
    %c0_i32_1 = arith.constant 0 : i32
    return %c0_i32, %arg0, %c0_i32_0 : i32, i32, i32
  }
  func.func @transform_1(%arg0: i32) -> (i32, i32) {
    %c0_i32 = arith.constant 0 : i32
    %c0_i32_0 = arith.constant 0 : i32
    %c0_i32_1 = arith.constant 0 : i32
    return %c0_i32, %c0_i32_0 : i32, i32
  }
  func.func @transform_2(%arg0: i32) -> (i32, i32) {
    %c0_i32 = arith.constant 0 : i32
    %c0_i32_0 = arith.constant 0 : i32
    %c0_i32_1 = arith.constant 0 : i32
    return %c0_i32, %c0_i32_0 : i32, i32
  }
  func.func @transform_3(%arg0: i32) -> (i32, i32) {
    %c0_i32 = arith.constant 0 : i32
    %c0_i32_0 = arith.constant 0 : i32
    %c0_i32_1 = arith.constant 0 : i32
    return %c0_i32, %c0_i32_0 : i32, i32
  }
  func.func @transform_4(%arg0: i32) -> (i32, i32) {
    %c0_i32 = arith.constant 0 : i32
    %c0_i32_0 = arith.constant 0 : i32
    return %arg0, %c0_i32 : i32, i32
  }
}

module attributes {stable_mosaic.version = 14 : i64} {
  func.func @_mlp_body(%arg0: i32, %arg1: memref<1x1000x128xf32, #tpu.memory_space<vmem>>, %arg2: memref<128x128xf32, #tpu.memory_space<vmem>>, %arg3: memref<1x128xf32, #tpu.memory_space<vmem>>, %arg4: memref<1x128xf32, #tpu.memory_space<vmem>>, %arg5: memref<128x128xf32, #tpu.memory_space<vmem>>, %arg6: memref<1x128xf32, #tpu.memory_space<vmem>>, %arg7: memref<1x128xf32, #tpu.memory_space<vmem>>, %arg8: memref<1000x128xf32, #tpu.memory_space<vmem>>) attributes {dimension_semantics = [#tpu.dimension_semantics<arbitrary>], iteration_bounds = array<i64: 10>, scalar_prefetch = 0 : i64, scratch_operands = 0 : i64, tpu.core_type = #tpu.core_type<tc>, window_params = [{transform_indices = @transform_0, window_bounds = array<i64: 1, 1000, 128>}, {pipeline_mode = #tpu.pipeline_mode<synchronous>, transform_indices = @transform_1, window_bounds = array<i64: 128, 128>}, {pipeline_mode = #tpu.pipeline_mode<synchronous>, transform_indices = @transform_2, window_bounds = array<i64: 1, 128>}, {pipeline_mode = #tpu.pipeline_mode<synchronous>, transform_indices = @transform_3, window_bounds = array<i64: 1, 128>}, {pipeline_mode = #tpu.pipeline_mode<synchronous>, transform_indices = @transform_4, window_bounds = array<i64: 128, 128>}, {pipeline_mode = #tpu.pipeline_mode<synchronous>, transform_indices = @transform_5, window_bounds = array<i64: 1, 128>}, {pipeline_mode = #tpu.pipeline_mode<synchronous>, transform_indices = @transform_6, window_bounds = array<i64: 1, 128>}, {transform_indices = @transform_7, window_bounds = array<i64: 1000, 128>}]} {
    %broadcast_in_dim3A = arith.constant 0.000000e+00 : f32
    %broadcast_in_dim3A_0 = vector.broadcast %broadcast_in_dim3A : f32 to vector<1000x128xf32>
    %get3A = arith.constant 0 : index
    %get3A_1 = arith.constant 0 : index
    %get3A_2 = vector.load %arg2[%get3A, %get3A_1] : memref<128x128xf32, #tpu.memory_space<vmem>>, vector<128x128xf32>
    %get3A_3 = arith.constant 0 : index
    %get3A_4 = arith.constant 0 : index
    %get3A_5 = arith.constant 0 : index
    %get3A_6 = vector.load %arg1[%get3A_3, %get3A_4, %get3A_5] : memref<1x1000x128xf32, #tpu.memory_space<vmem>>, vector<1x1000x128xf32>
    %get3A_7 = vector.shape_cast %get3A_6 : vector<1x1000x128xf32> to vector<1000x128xf32>
    %dot_general3A = arith.constant dense<0.000000e+00> : vector<1000x128xf32>
    %dot_general3A_8 = tpu.matmul %get3A_7, %get3A_2, %dot_general3A {dimension_numbers = #tpu.dot_dimension_numbers<[1], [0], [0], [1], [0, 0, 1, 1], [], []>, precision = #tpu.contract_precision<fp32>, transpose_lhs_hint = false} : vector<1000x128xf32>, vector<128x128xf32>, vector<1000x128xf32> -> vector<1000x128xf32>
    %add3A = arith.addf %broadcast_in_dim3A_0, %dot_general3A_8 : vector<1000x128xf32>
    %get3A_9 = arith.constant 0 : index
    %get3A_10 = arith.constant 0 : index
    %get3A_11 = vector.load %arg3[%get3A_9, %get3A_10] : memref<1x128xf32, #tpu.memory_space<vmem>>, vector<1x128xf32>
    %add3A_12 = vector.broadcast %get3A_11 : vector<1x128xf32> to vector<1000x128xf32>
    %add3A_13 = arith.addf %add3A, %add3A_12 : vector<1000x128xf32>
    %ge3A = arith.constant 0.000000e+00 : f32
    %ge3A_14 = vector.broadcast %ge3A : f32 to vector<1000x128xf32>
    %ge3A_15 = arith.cmpf oge, %add3A_13, %ge3A_14 : vector<1000x128xf32>
    %get3A_16 = arith.constant 0 : index
    %get3A_17 = arith.constant 0 : index
    %get3A_18 = vector.load %arg4[%get3A_16, %get3A_17] : memref<1x128xf32, #tpu.memory_space<vmem>>, vector<1x128xf32>
    %mul3A = vector.broadcast %get3A_18 : vector<1x128xf32> to vector<1000x128xf32>
    %mul3A_19 = arith.mulf %mul3A, %add3A_13 : vector<1000x128xf32>
    %select_n3A = arith.select %ge3A_15, %add3A_13, %mul3A_19 : vector<1000x128xi1>, vector<1000x128xf32>
    %get3A_20 = arith.constant 0 : index
    %get3A_21 = arith.constant 0 : index
    %get3A_22 = vector.load %arg5[%get3A_20, %get3A_21] : memref<128x128xf32, #tpu.memory_space<vmem>>, vector<128x128xf32>
    %dot_general3A_23 = arith.constant dense<0.000000e+00> : vector<1000x128xf32>
    %dot_general3A_24 = tpu.matmul %select_n3A, %get3A_22, %dot_general3A_23 {dimension_numbers = #tpu.dot_dimension_numbers<[1], [0], [0], [1], [0, 0, 1, 1], [], []>, precision = #tpu.contract_precision<fp32>, transpose_lhs_hint = false} : vector<1000x128xf32>, vector<128x128xf32>, vector<1000x128xf32> -> vector<1000x128xf32>
    %get3A_25 = arith.constant 0 : index
    %get3A_26 = arith.constant 0 : index
    %get3A_27 = vector.load %arg6[%get3A_25, %get3A_26] : memref<1x128xf32, #tpu.memory_space<vmem>>, vector<1x128xf32>
    %add3A_28 = vector.broadcast %get3A_27 : vector<1x128xf32> to vector<1000x128xf32>
    %add3A_29 = arith.addf %dot_general3A_24, %add3A_28 : vector<1000x128xf32>
    %ge3A_30 = arith.constant 0.000000e+00 : f32
    %ge3A_31 = vector.broadcast %ge3A_30 : f32 to vector<1000x128xf32>
    %ge3A_32 = arith.cmpf oge, %add3A_29, %ge3A_31 : vector<1000x128xf32>
    %get3A_33 = arith.constant 0 : index
    %get3A_34 = arith.constant 0 : index
    %get3A_35 = vector.load %arg7[%get3A_33, %get3A_34] : memref<1x128xf32, #tpu.memory_space<vmem>>, vector<1x128xf32>
    %mul3A_36 = vector.broadcast %get3A_35 : vector<1x128xf32> to vector<1000x128xf32>
    %mul3A_37 = arith.mulf %mul3A_36, %add3A_29 : vector<1000x128xf32>
    %select_n3A_38 = arith.select %ge3A_32, %add3A_29, %mul3A_37 : vector<1000x128xi1>, vector<1000x128xf32>
    %swap3A = arith.constant 0 : index
    %swap3A_39 = arith.constant 0 : index
    %swap3A_40 = vector.load %arg8[%swap3A, %swap3A_39] : memref<1000x128xf32, #tpu.memory_space<vmem>>, vector<1000x128xf32>
    tpu.vector_store %arg8[%swap3A, %swap3A_39], %select_n3A_38 {strides = array<i32>} : memref<1000x128xf32, #tpu.memory_space<vmem>>, vector<1000x128xf32>,
    return
  }
  func.func @transform_0(%arg0: i32) -> (i32, i32, i32) {
    %c0_i32 = arith.constant 0 : i32
    %c0_i32_0 = arith.constant 0 : i32
    %c0_i32_1 = arith.constant 0 : i32
    return %c0_i32, %arg0, %c0_i32_0 : i32, i32, i32
  }
  func.func @transform_1(%arg0: i32) -> (i32, i32) {
    %c0_i32 = arith.constant 0 : i32
    %c0_i32_0 = arith.constant 0 : i32
    %c0_i32_1 = arith.constant 0 : i32
    return %c0_i32, %c0_i32_0 : i32, i32
  }
  func.func @transform_2(%arg0: i32) -> (i32, i32) {
    %c0_i32 = arith.constant 0 : i32
    %c0_i32_0 = arith.constant 0 : i32
    %c0_i32_1 = arith.constant 0 : i32
    return %c0_i32, %c0_i32_0 : i32, i32
  }
  func.func @transform_3(%arg0: i32) -> (i32, i32) {
    %c0_i32 = arith.constant 0 : i32
    %c0_i32_0 = arith.constant 0 : i32
    %c0_i32_1 = arith.constant 0 : i32
    return %c0_i32, %c0_i32_0 : i32, i32
  }
  func.func @transform_4(%arg0: i32) -> (i32, i32) {
    %c0_i32 = arith.constant 0 : i32
    %c0_i32_0 = arith.constant 0 : i32
    %c0_i32_1 = arith.constant 0 : i32
    return %c0_i32, %c0_i32_0 : i32, i32
  }
  func.func @transform_5(%arg0: i32) -> (i32, i32) {
    %c0_i32 = arith.constant 0 : i32
    %c0_i32_0 = arith.constant 0 : i32
    %c0_i32_1 = arith.constant 0 : i32
    return %c0_i32, %c0_i32_0 : i32, i32
  }
  func.func @transform_6(%arg0: i32) -> (i32, i32) {
    %c0_i32 = arith.constant 0 : i32
    %c0_i32_0 = arith.constant 0 : i32
    %c0_i32_1 = arith.constant 0 : i32
    return %c0_i32, %c0_i32_0 : i32, i32
  }
  func.func @transform_7(%arg0: i32) -> (i32, i32) {
    %c0_i32 = arith.constant 0 : i32
    %c0_i32_0 = arith.constant 0 : i32
    return %arg0, %c0_i32 : i32, i32
  }
}

module attributes {stable_mosaic.version = 14 : i64} {
  func.func @_mlp_body(%arg0: i32, %arg1: memref<2x1000x128xf32, #tpu.memory_space<vmem>>, %arg2: memref<1x1000x128xf32, #tpu.memory_space<vmem>>, %arg3: memref<128x128xf32, #tpu.memory_space<vmem>>, %arg4: memref<128x128xf32, #tpu.memory_space<vmem>>, %arg5: memref<1x128xf32, #tpu.memory_space<vmem>>, %arg6: memref<1x128xf32, #tpu.memory_space<vmem>>, %arg7: memref<1000x128xf32, #tpu.memory_space<vmem>>) attributes {dimension_semantics = [#tpu.dimension_semantics<arbitrary>], iteration_bounds = array<i64: 10>, scalar_prefetch = 0 : i64, scratch_operands = 0 : i64, tpu.core_type = #tpu.core_type<tc>, window_params = [{transform_indices = @transform_0, window_bounds = array<i64: 2, 1000, 128>}, {transform_indices = @transform_1, window_bounds = array<i64: 1, 1000, 128>}, {pipeline_mode = #tpu.pipeline_mode<synchronous>, transform_indices = @transform_2, window_bounds = array<i64: 128, 128>}, {pipeline_mode = #tpu.pipeline_mode<synchronous>, transform_indices = @transform_3, window_bounds = array<i64: 128, 128>}, {pipeline_mode = #tpu.pipeline_mode<synchronous>, transform_indices = @transform_4, window_bounds = array<i64: 1, 128>}, {pipeline_mode = #tpu.pipeline_mode<synchronous>, transform_indices = @transform_5, window_bounds = array<i64: 1, 128>}, {transform_indices = @transform_6, window_bounds = array<i64: 1000, 128>}]} {
    %broadcast_in_dim3A = arith.constant 0.000000e+00 : f32
    %broadcast_in_dim3A_0 = vector.broadcast %broadcast_in_dim3A : f32 to vector<1000x128xf32>
    %get3A = arith.constant 0 : index
    %get3A_1 = arith.constant 0 : index
    %get3A_2 = vector.load %arg3[%get3A, %get3A_1] : memref<128x128xf32, #tpu.memory_space<vmem>>, vector<128x128xf32>
    %get3A_3 = arith.constant 0 : index
    %get3A_4 = arith.constant 0 : index
    %get3A_5 = arith.constant 0 : index
    %get3A_6 = vector.load %arg1[%get3A_3, %get3A_4, %get3A_5] : memref<2x1000x128xf32, #tpu.memory_space<vmem>>, vector<1x1000x128xf32>
    %get3A_7 = vector.shape_cast %get3A_6 : vector<1x1000x128xf32> to vector<1000x128xf32>
    %dot_general3A = arith.constant dense<0.000000e+00> : vector<1000x128xf32>
    %dot_general3A_8 = tpu.matmul %get3A_7, %get3A_2, %dot_general3A {dimension_numbers = #tpu.dot_dimension_numbers<[1], [0], [0], [1], [0, 0, 1, 1], [], []>, precision = #tpu.contract_precision<fp32>, transpose_lhs_hint = false} : vector<1000x128xf32>, vector<128x128xf32>, vector<1000x128xf32> -> vector<1000x128xf32>
    %add3A = arith.addf %broadcast_in_dim3A_0, %dot_general3A_8 : vector<1000x128xf32>
    %get3A_9 = arith.constant 1 : index
    %get3A_10 = arith.constant 0 : index
    %get3A_11 = arith.constant 0 : index
    %get3A_12 = vector.load %arg1[%get3A_9, %get3A_10, %get3A_11] : memref<2x1000x128xf32, #tpu.memory_space<vmem>>, vector<1x1000x128xf32>
    %get3A_13 = vector.shape_cast %get3A_12 : vector<1x1000x128xf32> to vector<1000x128xf32>
    %dot_general3A_14 = arith.constant dense<0.000000e+00> : vector<1000x128xf32>
    %dot_general3A_15 = tpu.matmul %get3A_13, %get3A_2, %dot_general3A_14 {dimension_numbers = #tpu.dot_dimension_numbers<[1], [0], [0], [1], [0, 0, 1, 1], [], []>, precision = #tpu.contract_precision<fp32>, transpose_lhs_hint = false} : vector<1000x128xf32>, vector<128x128xf32>, vector<1000x128xf32> -> vector<1000x128xf32>
    %add3A_16 = arith.addf %add3A, %dot_general3A_15 : vector<1000x128xf32>
    %get3A_17 = arith.constant 0 : index
    %get3A_18 = arith.constant 0 : index
    %get3A_19 = vector.load %arg4[%get3A_17, %get3A_18] : memref<128x128xf32, #tpu.memory_space<vmem>>, vector<128x128xf32>
    %get3A_20 = arith.constant 0 : index
    %get3A_21 = arith.constant 0 : index
    %get3A_22 = arith.constant 0 : index
    %get3A_23 = vector.load %arg2[%get3A_20, %get3A_21, %get3A_22] : memref<1x1000x128xf32, #tpu.memory_space<vmem>>, vector<1x1000x128xf32>
    %get3A_24 = vector.shape_cast %get3A_23 : vector<1x1000x128xf32> to vector<1000x128xf32>
    %dot_general3A_25 = arith.constant dense<0.000000e+00> : vector<1000x128xf32>
    %dot_general3A_26 = tpu.matmul %get3A_24, %get3A_19, %dot_general3A_25 {dimension_numbers = #tpu.dot_dimension_numbers<[1], [0], [0], [1], [0, 0, 1, 1], [], []>, precision = #tpu.contract_precision<fp32>, transpose_lhs_hint = false} : vector<1000x128xf32>, vector<128x128xf32>, vector<1000x128xf32> -> vector<1000x128xf32>
    %add3A_27 = arith.addf %add3A_16, %dot_general3A_26 : vector<1000x128xf32>
    %get3A_28 = arith.constant 0 : index
    %get3A_29 = arith.constant 0 : index
    %get3A_30 = vector.load %arg5[%get3A_28, %get3A_29] : memref<1x128xf32, #tpu.memory_space<vmem>>, vector<1x128xf32>
    %add3A_31 = vector.broadcast %get3A_30 : vector<1x128xf32> to vector<1000x128xf32>
    %add3A_32 = arith.addf %add3A_27, %add3A_31 : vector<1000x128xf32>
    %ge3A = arith.constant 0.000000e+00 : f32
    %ge3A_33 = vector.broadcast %ge3A : f32 to vector<1000x128xf32>
    %ge3A_34 = arith.cmpf oge, %add3A_32, %ge3A_33 : vector<1000x128xf32>
    %get3A_35 = arith.constant 0 : index
    %get3A_36 = arith.constant 0 : index
    %get3A_37 = vector.load %arg6[%get3A_35, %get3A_36] : memref<1x128xf32, #tpu.memory_space<vmem>>, vector<1x128xf32>
    %mul3A = vector.broadcast %get3A_37 : vector<1x128xf32> to vector<1000x128xf32>
    %mul3A_38 = arith.mulf %mul3A, %add3A_32 : vector<1000x128xf32>
    %select_n3A = arith.select %ge3A_34, %add3A_32, %mul3A_38 : vector<1000x128xi1>, vector<1000x128xf32>
    %swap3A = arith.constant 0 : index
    %swap3A_39 = arith.constant 0 : index
    %swap3A_40 = vector.load %arg7[%swap3A, %swap3A_39] : memref<1000x128xf32, #tpu.memory_space<vmem>>, vector<1000x128xf32>
    tpu.vector_store %arg7[%swap3A, %swap3A_39], %select_n3A {strides = array<i32>} : memref<1000x128xf32, #tpu.memory_space<vmem>>, vector<1000x128xf32>,
    return
  }
  func.func @transform_0(%arg0: i32) -> (i32, i32, i32) {
    %c0_i32 = arith.constant 0 : i32
    %c0_i32_0 = arith.constant 0 : i32
    %c0_i32_1 = arith.constant 0 : i32
    return %c0_i32, %arg0, %c0_i32_0 : i32, i32, i32
  }
  func.func @transform_1(%arg0: i32) -> (i32, i32, i32) {
    %c0_i32 = arith.constant 0 : i32
    %c0_i32_0 = arith.constant 0 : i32
    %c0_i32_1 = arith.constant 0 : i32
    return %c0_i32, %arg0, %c0_i32_0 : i32, i32, i32
  }
  func.func @transform_2(%arg0: i32) -> (i32, i32) {
    %c0_i32 = arith.constant 0 : i32
    %c0_i32_0 = arith.constant 0 : i32
    %c0_i32_1 = arith.constant 0 : i32
    return %c0_i32, %c0_i32_0 : i32, i32
  }
  func.func @transform_3(%arg0: i32) -> (i32, i32) {
    %c0_i32 = arith.constant 0 : i32
    %c0_i32_0 = arith.constant 0 : i32
    %c0_i32_1 = arith.constant 0 : i32
    return %c0_i32, %c0_i32_0 : i32, i32
  }
  func.func @transform_4(%arg0: i32) -> (i32, i32) {
    %c0_i32 = arith.constant 0 : i32
    %c0_i32_0 = arith.constant 0 : i32
    %c0_i32_1 = arith.constant 0 : i32
    return %c0_i32, %c0_i32_0 : i32, i32
  }
  func.func @transform_5(%arg0: i32) -> (i32, i32) {
    %c0_i32 = arith.constant 0 : i32
    %c0_i32_0 = arith.constant 0 : i32
    %c0_i32_1 = arith.constant 0 : i32
    return %c0_i32, %c0_i32_0 : i32, i32
  }
  func.func @transform_6(%arg0: i32) -> (i32, i32) {
    %c0_i32 = arith.constant 0 : i32
    %c0_i32_0 = arith.constant 0 : i32
    return %arg0, %c0_i32 : i32, i32
  }
}

module attributes {stable_mosaic.version = 14 : i64} {
  func.func @_mlp_body(%arg0: i32, %arg1: memref<2x1000x128xf32, #tpu.memory_space<vmem>>, %arg2: memref<2x1000x128xf32, #tpu.memory_space<vmem>>, %arg3: memref<1x1000x128xf32, #tpu.memory_space<vmem>>, %arg4: memref<128x128xf32, #tpu.memory_space<vmem>>, %arg5: memref<128x128xf32, #tpu.memory_space<vmem>>, %arg6: memref<128x128xf32, #tpu.memory_space<vmem>>, %arg7: memref<1x128xf32, #tpu.memory_space<vmem>>, %arg8: memref<1x128xf32, #tpu.memory_space<vmem>>, %arg9: memref<1000x128xf32, #tpu.memory_space<vmem>>) attributes {dimension_semantics = [#tpu.dimension_semantics<arbitrary>], iteration_bounds = array<i64: 10>, scalar_prefetch = 0 : i64, scratch_operands = 0 : i64, tpu.core_type = #tpu.core_type<tc>, window_params = [{transform_indices = @transform_0, window_bounds = array<i64: 2, 1000, 128>}, {transform_indices = @transform_1, window_bounds = array<i64: 2, 1000, 128>}, {transform_indices = @transform_2, window_bounds = array<i64: 1, 1000, 128>}, {pipeline_mode = #tpu.pipeline_mode<synchronous>, transform_indices = @transform_3, window_bounds = array<i64: 128, 128>}, {pipeline_mode = #tpu.pipeline_mode<synchronous>, transform_indices = @transform_4, window_bounds = array<i64: 128, 128>}, {pipeline_mode = #tpu.pipeline_mode<synchronous>, transform_indices = @transform_5, window_bounds = array<i64: 128, 128>}, {pipeline_mode = #tpu.pipeline_mode<synchronous>, transform_indices = @transform_6, window_bounds = array<i64: 1, 128>}, {pipeline_mode = #tpu.pipeline_mode<synchronous>, transform_indices = @transform_7, window_bounds = array<i64: 1, 128>}, {transform_indices = @transform_8, window_bounds = array<i64: 1000, 128>}]} {
    %broadcast_in_dim3A = arith.constant 0.000000e+00 : f32
    %broadcast_in_dim3A_0 = vector.broadcast %broadcast_in_dim3A : f32 to vector<1000x128xf32>
    %get3A = arith.constant 0 : index
    %get3A_1 = arith.constant 0 : index
    %get3A_2 = vector.load %arg4[%get3A, %get3A_1] : memref<128x128xf32, #tpu.memory_space<vmem>>, vector<128x128xf32>
    %get3A_3 = arith.constant 0 : index
    %get3A_4 = arith.constant 0 : index
    %get3A_5 = arith.constant 0 : index
    %get3A_6 = vector.load %arg1[%get3A_3, %get3A_4, %get3A_5] : memref<2x1000x128xf32, #tpu.memory_space<vmem>>, vector<1x1000x128xf32>
    %get3A_7 = vector.shape_cast %get3A_6 : vector<1x1000x128xf32> to vector<1000x128xf32>
    %dot_general3A = arith.constant dense<0.000000e+00> : vector<1000x128xf32>
    %dot_general3A_8 = tpu.matmul %get3A_7, %get3A_2, %dot_general3A {dimension_numbers = #tpu.dot_dimension_numbers<[1], [0], [0], [1], [0, 0, 1, 1], [], []>, precision = #tpu.contract_precision<fp32>, transpose_lhs_hint = false} : vector<1000x128xf32>, vector<128x128xf32>, vector<1000x128xf32> -> vector<1000x128xf32>
    %add3A = arith.addf %broadcast_in_dim3A_0, %dot_general3A_8 : vector<1000x128xf32>
    %get3A_9 = arith.constant 1 : index
    %get3A_10 = arith.constant 0 : index
    %get3A_11 = arith.constant 0 : index
    %get3A_12 = vector.load %arg1[%get3A_9, %get3A_10, %get3A_11] : memref<2x1000x128xf32, #tpu.memory_space<vmem>>, vector<1x1000x128xf32>
    %get3A_13 = vector.shape_cast %get3A_12 : vector<1x1000x128xf32> to vector<1000x128xf32>
    %dot_general3A_14 = arith.constant dense<0.000000e+00> : vector<1000x128xf32>
    %dot_general3A_15 = tpu.matmul %get3A_13, %get3A_2, %dot_general3A_14 {dimension_numbers = #tpu.dot_dimension_numbers<[1], [0], [0], [1], [0, 0, 1, 1], [], []>, precision = #tpu.contract_precision<fp32>, transpose_lhs_hint = false} : vector<1000x128xf32>, vector<128x128xf32>, vector<1000x128xf32> -> vector<1000x128xf32>
    %add3A_16 = arith.addf %add3A, %dot_general3A_15 : vector<1000x128xf32>
    %get3A_17 = arith.constant 0 : index
    %get3A_18 = arith.constant 0 : index
    %get3A_19 = vector.load %arg5[%get3A_17, %get3A_18] : memref<128x128xf32, #tpu.memory_space<vmem>>, vector<128x128xf32>
    %get3A_20 = arith.constant 0 : index
    %get3A_21 = arith.constant 0 : index
    %get3A_22 = arith.constant 0 : index
    %get3A_23 = vector.load %arg2[%get3A_20, %get3A_21, %get3A_22] : memref<2x1000x128xf32, #tpu.memory_space<vmem>>, vector<1x1000x128xf32>
    %get3A_24 = vector.shape_cast %get3A_23 : vector<1x1000x128xf32> to vector<1000x128xf32>
    %dot_general3A_25 = arith.constant dense<0.000000e+00> : vector<1000x128xf32>
    %dot_general3A_26 = tpu.matmul %get3A_24, %get3A_19, %dot_general3A_25 {dimension_numbers = #tpu.dot_dimension_numbers<[1], [0], [0], [1], [0, 0, 1, 1], [], []>, precision = #tpu.contract_precision<fp32>, transpose_lhs_hint = false} : vector<1000x128xf32>, vector<128x128xf32>, vector<1000x128xf32> -> vector<1000x128xf32>
    %add3A_27 = arith.addf %add3A_16, %dot_general3A_26 : vector<1000x128xf32>
    %get3A_28 = arith.constant 1 : index
    %get3A_29 = arith.constant 0 : index
    %get3A_30 = arith.constant 0 : index
    %get3A_31 = vector.load %arg2[%get3A_28, %get3A_29, %get3A_30] : memref<2x1000x128xf32, #tpu.memory_space<vmem>>, vector<1x1000x128xf32>
    %get3A_32 = vector.shape_cast %get3A_31 : vector<1x1000x128xf32> to vector<1000x128xf32>
    %dot_general3A_33 = arith.constant dense<0.000000e+00> : vector<1000x128xf32>
    %dot_general3A_34 = tpu.matmul %get3A_32, %get3A_19, %dot_general3A_33 {dimension_numbers = #tpu.dot_dimension_numbers<[1], [0], [0], [1], [0, 0, 1, 1], [], []>, precision = #tpu.contract_precision<fp32>, transpose_lhs_hint = false} : vector<1000x128xf32>, vector<128x128xf32>, vector<1000x128xf32> -> vector<1000x128xf32>
    %add3A_35 = arith.addf %add3A_27, %dot_general3A_34 : vector<1000x128xf32>
    %get3A_36 = arith.constant 0 : index
    %get3A_37 = arith.constant 0 : index
    %get3A_38 = vector.load %arg6[%get3A_36, %get3A_37] : memref<128x128xf32, #tpu.memory_space<vmem>>, vector<128x128xf32>
    %get3A_39 = arith.constant 0 : index
    %get3A_40 = arith.constant 0 : index
    %get3A_41 = arith.constant 0 : index
    %get3A_42 = vector.load %arg3[%get3A_39, %get3A_40, %get3A_41] : memref<1x1000x128xf32, #tpu.memory_space<vmem>>, vector<1x1000x128xf32>
    %get3A_43 = vector.shape_cast %get3A_42 : vector<1x1000x128xf32> to vector<1000x128xf32>
    %dot_general3A_44 = arith.constant dense<0.000000e+00> : vector<1000x128xf32>
    %dot_general3A_45 = tpu.matmul %get3A_43, %get3A_38, %dot_general3A_44 {dimension_numbers = #tpu.dot_dimension_numbers<[1], [0], [0], [1], [0, 0, 1, 1], [], []>, precision = #tpu.contract_precision<fp32>, transpose_lhs_hint = false} : vector<1000x128xf32>, vector<128x128xf32>, vector<1000x128xf32> -> vector<1000x128xf32>
    %add3A_46 = arith.addf %add3A_35, %dot_general3A_45 : vector<1000x128xf32>
    %get3A_47 = arith.constant 0 : index
    %get3A_48 = arith.constant 0 : index
    %get3A_49 = vector.load %arg7[%get3A_47, %get3A_48] : memref<1x128xf32, #tpu.memory_space<vmem>>, vector<1x128xf32>
    %add3A_50 = vector.broadcast %get3A_49 : vector<1x128xf32> to vector<1000x128xf32>
    %add3A_51 = arith.addf %add3A_46, %add3A_50 : vector<1000x128xf32>
    %ge3A = arith.constant 0.000000e+00 : f32
    %ge3A_52 = vector.broadcast %ge3A : f32 to vector<1000x128xf32>
    %ge3A_53 = arith.cmpf oge, %add3A_51, %ge3A_52 : vector<1000x128xf32>
    %get3A_54 = arith.constant 0 : index
    %get3A_55 = arith.constant 0 : index
    %get3A_56 = vector.load %arg8[%get3A_54, %get3A_55] : memref<1x128xf32, #tpu.memory_space<vmem>>, vector<1x128xf32>
    %mul3A = vector.broadcast %get3A_56 : vector<1x128xf32> to vector<1000x128xf32>
    %mul3A_57 = arith.mulf %mul3A, %add3A_51 : vector<1000x128xf32>
    %select_n3A = arith.select %ge3A_53, %add3A_51, %mul3A_57 : vector<1000x128xi1>, vector<1000x128xf32>
    %swap3A = arith.constant 0 : index
    %swap3A_58 = arith.constant 0 : index
    %swap3A_59 = vector.load %arg9[%swap3A, %swap3A_58] : memref<1000x128xf32, #tpu.memory_space<vmem>>, vector<1000x128xf32>
    tpu.vector_store %arg9[%swap3A, %swap3A_58], %select_n3A {strides = array<i32>} : memref<1000x128xf32, #tpu.memory_space<vmem>>, vector<1000x128xf32>,
    return
  }
  func.func @transform_0(%arg0: i32) -> (i32, i32, i32) {
    %c0_i32 = arith.constant 0 : i32
    %c0_i32_0 = arith.constant 0 : i32
    %c0_i32_1 = arith.constant 0 : i32
    return %c0_i32, %arg0, %c0_i32_0 : i32, i32, i32
  }
  func.func @transform_1(%arg0: i32) -> (i32, i32, i32) {
    %c0_i32 = arith.constant 0 : i32
    %c0_i32_0 = arith.constant 0 : i32
    %c0_i32_1 = arith.constant 0 : i32
    return %c0_i32, %arg0, %c0_i32_0 : i32, i32, i32
  }
  func.func @transform_2(%arg0: i32) -> (i32, i32, i32) {
    %c0_i32 = arith.constant 0 : i32
    %c0_i32_0 = arith.constant 0 : i32
    %c0_i32_1 = arith.constant 0 : i32
    return %c0_i32, %arg0, %c0_i32_0 : i32, i32, i32
  }
  func.func @transform_3(%arg0: i32) -> (i32, i32) {
    %c0_i32 = arith.constant 0 : i32
    %c0_i32_0 = arith.constant 0 : i32
    %c0_i32_1 = arith.constant 0 : i32
    return %c0_i32, %c0_i32_0 : i32, i32
  }
  func.func @transform_4(%arg0: i32) -> (i32, i32) {
    %c0_i32 = arith.constant 0 : i32
    %c0_i32_0 = arith.constant 0 : i32
    %c0_i32_1 = arith.constant 0 : i32
    return %c0_i32, %c0_i32_0 : i32, i32
  }
  func.func @transform_5(%arg0: i32) -> (i32, i32) {
    %c0_i32 = arith.constant 0 : i32
    %c0_i32_0 = arith.constant 0 : i32
    %c0_i32_1 = arith.constant 0 : i32
    return %c0_i32, %c0_i32_0 : i32, i32
  }
  func.func @transform_6(%arg0: i32) -> (i32, i32) {
    %c0_i32 = arith.constant 0 : i32
    %c0_i32_0 = arith.constant 0 : i32
    %c0_i32_1 = arith.constant 0 : i32
    return %c0_i32, %c0_i32_0 : i32, i32
  }
  func.func @transform_7(%arg0: i32) -> (i32, i32) {
    %c0_i32 = arith.constant 0 : i32
    %c0_i32_0 = arith.constant 0 : i32
    %c0_i32_1 = arith.constant 0 : i32
    return %c0_i32, %c0_i32_0 : i32, i32
  }
  func.func @transform_8(%arg0: i32) -> (i32, i32) {
    %c0_i32 = arith.constant 0 : i32
    %c0_i32_0 = arith.constant 0 : i32
    return %arg0, %c0_i32 : i32, i32
  }
}

module attributes {stable_mosaic.version = 14 : i64} {
  func.func @_mlp_body(%arg0: i32, %arg1: memref<2x1000x128xf32, #tpu.memory_space<vmem>>, %arg2: memref<2x1000x128xf32, #tpu.memory_space<vmem>>, %arg3: memref<2x1000x128xf32, #tpu.memory_space<vmem>>, %arg4: memref<1x1000x128xf32, #tpu.memory_space<vmem>>, %arg5: memref<128x128xf32, #tpu.memory_space<vmem>>, %arg6: memref<128x128xf32, #tpu.memory_space<vmem>>, %arg7: memref<128x128xf32, #tpu.memory_space<vmem>>, %arg8: memref<128x128xf32, #tpu.memory_space<vmem>>, %arg9: memref<1x128xf32, #tpu.memory_space<vmem>>, %arg10: memref<1x128xf32, #tpu.memory_space<vmem>>, %arg11: memref<1000x128xf32, #tpu.memory_space<vmem>>) attributes {dimension_semantics = [#tpu.dimension_semantics<arbitrary>], iteration_bounds = array<i64: 10>, scalar_prefetch = 0 : i64, scratch_operands = 0 : i64, tpu.core_type = #tpu.core_type<tc>, window_params = [{transform_indices = @transform_0, window_bounds = array<i64: 2, 1000, 128>}, {transform_indices = @transform_1, window_bounds = array<i64: 2, 1000, 128>}, {transform_indices = @transform_2, window_bounds = array<i64: 2, 1000, 128>}, {transform_indices = @transform_3, window_bounds = array<i64: 1, 1000, 128>}, {pipeline_mode = #tpu.pipeline_mode<synchronous>, transform_indices = @transform_4, window_bounds = array<i64: 128, 128>}, {pipeline_mode = #tpu.pipeline_mode<synchronous>, transform_indices = @transform_5, window_bounds = array<i64: 128, 128>}, {pipeline_mode = #tpu.pipeline_mode<synchronous>, transform_indices = @transform_6, window_bounds = array<i64: 128, 128>}, {pipeline_mode = #tpu.pipeline_mode<synchronous>, transform_indices = @transform_7, window_bounds = array<i64: 128, 128>}, {pipeline_mode = #tpu.pipeline_mode<synchronous>, transform_indices = @transform_8, window_bounds = array<i64: 1, 128>}, {pipeline_mode = #tpu.pipeline_mode<synchronous>, transform_indices = @transform_9, window_bounds = array<i64: 1, 128>}, {transform_indices = @transform_10, window_bounds = array<i64: 1000, 128>}]} {
    %broadcast_in_dim3A = arith.constant 0.000000e+00 : f32
    %broadcast_in_dim3A_0 = vector.broadcast %broadcast_in_dim3A : f32 to vector<1000x128xf32>
    %get3A = arith.constant 0 : index
    %get3A_1 = arith.constant 0 : index
    %get3A_2 = vector.load %arg5[%get3A, %get3A_1] : memref<128x128xf32, #tpu.memory_space<vmem>>, vector<128x128xf32>
    %get3A_3 = arith.constant 0 : index
    %get3A_4 = arith.constant 0 : index
    %get3A_5 = arith.constant 0 : index
    %get3A_6 = vector.load %arg1[%get3A_3, %get3A_4, %get3A_5] : memref<2x1000x128xf32, #tpu.memory_space<vmem>>, vector<1x1000x128xf32>
    %get3A_7 = vector.shape_cast %get3A_6 : vector<1x1000x128xf32> to vector<1000x128xf32>
    %dot_general3A = arith.constant dense<0.000000e+00> : vector<1000x128xf32>
    %dot_general3A_8 = tpu.matmul %get3A_7, %get3A_2, %dot_general3A {dimension_numbers = #tpu.dot_dimension_numbers<[1], [0], [0], [1], [0, 0, 1, 1], [], []>, precision = #tpu.contract_precision<fp32>, transpose_lhs_hint = false} : vector<1000x128xf32>, vector<128x128xf32>, vector<1000x128xf32> -> vector<1000x128xf32>
    %add3A = arith.addf %broadcast_in_dim3A_0, %dot_general3A_8 : vector<1000x128xf32>
    %get3A_9 = arith.constant 1 : index
    %get3A_10 = arith.constant 0 : index
    %get3A_11 = arith.constant 0 : index
    %get3A_12 = vector.load %arg1[%get3A_9, %get3A_10, %get3A_11] : memref<2x1000x128xf32, #tpu.memory_space<vmem>>, vector<1x1000x128xf32>
    %get3A_13 = vector.shape_cast %get3A_12 : vector<1x1000x128xf32> to vector<1000x128xf32>
    %dot_general3A_14 = arith.constant dense<0.000000e+00> : vector<1000x128xf32>
    %dot_general3A_15 = tpu.matmul %get3A_13, %get3A_2, %dot_general3A_14 {dimension_numbers = #tpu.dot_dimension_numbers<[1], [0], [0], [1], [0, 0, 1, 1], [], []>, precision = #tpu.contract_precision<fp32>, transpose_lhs_hint = false} : vector<1000x128xf32>, vector<128x128xf32>, vector<1000x128xf32> -> vector<1000x128xf32>
    %add3A_16 = arith.addf %add3A, %dot_general3A_15 : vector<1000x128xf32>
    %get3A_17 = arith.constant 0 : index
    %get3A_18 = arith.constant 0 : index
    %get3A_19 = vector.load %arg6[%get3A_17, %get3A_18] : memref<128x128xf32, #tpu.memory_space<vmem>>, vector<128x128xf32>
    %get3A_20 = arith.constant 0 : index
    %get3A_21 = arith.constant 0 : index
    %get3A_22 = arith.constant 0 : index
    %get3A_23 = vector.load %arg2[%get3A_20, %get3A_21, %get3A_22] : memref<2x1000x128xf32, #tpu.memory_space<vmem>>, vector<1x1000x128xf32>
    %get3A_24 = vector.shape_cast %get3A_23 : vector<1x1000x128xf32> to vector<1000x128xf32>
    %dot_general3A_25 = arith.constant dense<0.000000e+00> : vector<1000x128xf32>
    %dot_general3A_26 = tpu.matmul %get3A_24, %get3A_19, %dot_general3A_25 {dimension_numbers = #tpu.dot_dimension_numbers<[1], [0], [0], [1], [0, 0, 1, 1], [], []>, precision = #tpu.contract_precision<fp32>, transpose_lhs_hint = false} : vector<1000x128xf32>, vector<128x128xf32>, vector<1000x128xf32> -> vector<1000x128xf32>
    %add3A_27 = arith.addf %add3A_16, %dot_general3A_26 : vector<1000x128xf32>
    %get3A_28 = arith.constant 1 : index
    %get3A_29 = arith.constant 0 : index
    %get3A_30 = arith.constant 0 : index
    %get3A_31 = vector.load %arg2[%get3A_28, %get3A_29, %get3A_30] : memref<2x1000x128xf32, #tpu.memory_space<vmem>>, vector<1x1000x128xf32>
    %get3A_32 = vector.shape_cast %get3A_31 : vector<1x1000x128xf32> to vector<1000x128xf32>
    %dot_general3A_33 = arith.constant dense<0.000000e+00> : vector<1000x128xf32>
    %dot_general3A_34 = tpu.matmul %get3A_32, %get3A_19, %dot_general3A_33 {dimension_numbers = #tpu.dot_dimension_numbers<[1], [0], [0], [1], [0, 0, 1, 1], [], []>, precision = #tpu.contract_precision<fp32>, transpose_lhs_hint = false} : vector<1000x128xf32>, vector<128x128xf32>, vector<1000x128xf32> -> vector<1000x128xf32>
    %add3A_35 = arith.addf %add3A_27, %dot_general3A_34 : vector<1000x128xf32>
    %get3A_36 = arith.constant 0 : index
    %get3A_37 = arith.constant 0 : index
    %get3A_38 = vector.load %arg7[%get3A_36, %get3A_37] : memref<128x128xf32, #tpu.memory_space<vmem>>, vector<128x128xf32>
    %get3A_39 = arith.constant 0 : index
    %get3A_40 = arith.constant 0 : index
    %get3A_41 = arith.constant 0 : index
    %get3A_42 = vector.load %arg3[%get3A_39, %get3A_40, %get3A_41] : memref<2x1000x128xf32, #tpu.memory_space<vmem>>, vector<1x1000x128xf32>
    %get3A_43 = vector.shape_cast %get3A_42 : vector<1x1000x128xf32> to vector<1000x128xf32>
    %dot_general3A_44 = arith.constant dense<0.000000e+00> : vector<1000x128xf32>
    %dot_general3A_45 = tpu.matmul %get3A_43, %get3A_38, %dot_general3A_44 {dimension_numbers = #tpu.dot_dimension_numbers<[1], [0], [0], [1], [0, 0, 1, 1], [], []>, precision = #tpu.contract_precision<fp32>, transpose_lhs_hint = false} : vector<1000x128xf32>, vector<128x128xf32>, vector<1000x128xf32> -> vector<1000x128xf32>
    %add3A_46 = arith.addf %add3A_35, %dot_general3A_45 : vector<1000x128xf32>
    %get3A_47 = arith.constant 1 : index
    %get3A_48 = arith.constant 0 : index
    %get3A_49 = arith.constant 0 : index
    %get3A_50 = vector.load %arg3[%get3A_47, %get3A_48, %get3A_49] : memref<2x1000x128xf32, #tpu.memory_space<vmem>>, vector<1x1000x128xf32>
    %get3A_51 = vector.shape_cast %get3A_50 : vector<1x1000x128xf32> to vector<1000x128xf32>
    %dot_general3A_52 = arith.constant dense<0.000000e+00> : vector<1000x128xf32>
    %dot_general3A_53 = tpu.matmul %get3A_51, %get3A_38, %dot_general3A_52 {dimension_numbers = #tpu.dot_dimension_numbers<[1], [0], [0], [1], [0, 0, 1, 1], [], []>, precision = #tpu.contract_precision<fp32>, transpose_lhs_hint = false} : vector<1000x128xf32>, vector<128x128xf32>, vector<1000x128xf32> -> vector<1000x128xf32>
    %add3A_54 = arith.addf %add3A_46, %dot_general3A_53 : vector<1000x128xf32>
    %get3A_55 = arith.constant 0 : index
    %get3A_56 = arith.constant 0 : index
    %get3A_57 = vector.load %arg8[%get3A_55, %get3A_56] : memref<128x128xf32, #tpu.memory_space<vmem>>, vector<128x128xf32>
    %get3A_58 = arith.constant 0 : index
    %get3A_59 = arith.constant 0 : index
    %get3A_60 = arith.constant 0 : index
    %get3A_61 = vector.load %arg4[%get3A_58, %get3A_59, %get3A_60] : memref<1x1000x128xf32, #tpu.memory_space<vmem>>, vector<1x1000x128xf32>
    %get3A_62 = vector.shape_cast %get3A_61 : vector<1x1000x128xf32> to vector<1000x128xf32>
    %dot_general3A_63 = arith.constant dense<0.000000e+00> : vector<1000x128xf32>
    %dot_general3A_64 = tpu.matmul %get3A_62, %get3A_57, %dot_general3A_63 {dimension_numbers = #tpu.dot_dimension_numbers<[1], [0], [0], [1], [0, 0, 1, 1], [], []>, precision = #tpu.contract_precision<fp32>, transpose_lhs_hint = false} : vector<1000x128xf32>, vector<128x128xf32>, vector<1000x128xf32> -> vector<1000x128xf32>
    %add3A_65 = arith.addf %add3A_54, %dot_general3A_64 : vector<1000x128xf32>
    %get3A_66 = arith.constant 0 : index
    %get3A_67 = arith.constant 0 : index
    %get3A_68 = vector.load %arg9[%get3A_66, %get3A_67] : memref<1x128xf32, #tpu.memory_space<vmem>>, vector<1x128xf32>
    %add3A_69 = vector.broadcast %get3A_68 : vector<1x128xf32> to vector<1000x128xf32>
    %add3A_70 = arith.addf %add3A_65, %add3A_69 : vector<1000x128xf32>
    %ge3A = arith.constant 0.000000e+00 : f32
    %ge3A_71 = vector.broadcast %ge3A : f32 to vector<1000x128xf32>
    %ge3A_72 = arith.cmpf oge, %add3A_70, %ge3A_71 : vector<1000x128xf32>
    %get3A_73 = arith.constant 0 : index
    %get3A_74 = arith.constant 0 : index
    %get3A_75 = vector.load %arg10[%get3A_73, %get3A_74] : memref<1x128xf32, #tpu.memory_space<vmem>>, vector<1x128xf32>
    %mul3A = vector.broadcast %get3A_75 : vector<1x128xf32> to vector<1000x128xf32>
    %mul3A_76 = arith.mulf %mul3A, %add3A_70 : vector<1000x128xf32>
    %select_n3A = arith.select %ge3A_72, %add3A_70, %mul3A_76 : vector<1000x128xi1>, vector<1000x128xf32>
    %swap3A = arith.constant 0 : index
    %swap3A_77 = arith.constant 0 : index
    %swap3A_78 = vector.load %arg11[%swap3A, %swap3A_77] : memref<1000x128xf32, #tpu.memory_space<vmem>>, vector<1000x128xf32>
    tpu.vector_store %arg11[%swap3A, %swap3A_77], %select_n3A {strides = array<i32>} : memref<1000x128xf32, #tpu.memory_space<vmem>>, vector<1000x128xf32>,
    return
  }
  func.func @transform_0(%arg0: i32) -> (i32, i32, i32) {
    %c0_i32 = arith.constant 0 : i32
    %c0_i32_0 = arith.constant 0 : i32
    %c0_i32_1 = arith.constant 0 : i32
    return %c0_i32, %arg0, %c0_i32_0 : i32, i32, i32
  }
  func.func @transform_1(%arg0: i32) -> (i32, i32, i32) {
    %c0_i32 = arith.constant 0 : i32
    %c0_i32_0 = arith.constant 0 : i32
    %c0_i32_1 = arith.constant 0 : i32
    return %c0_i32, %arg0, %c0_i32_0 : i32, i32, i32
  }
  func.func @transform_2(%arg0: i32) -> (i32, i32, i32) {
    %c0_i32 = arith.constant 0 : i32
    %c0_i32_0 = arith.constant 0 : i32
    %c0_i32_1 = arith.constant 0 : i32
    return %c0_i32, %arg0, %c0_i32_0 : i32, i32, i32
  }
  func.func @transform_3(%arg0: i32) -> (i32, i32, i32) {
    %c0_i32 = arith.constant 0 : i32
    %c0_i32_0 = arith.constant 0 : i32
    %c0_i32_1 = arith.constant 0 : i32
    return %c0_i32, %arg0, %c0_i32_0 : i32, i32, i32
  }
  func.func @transform_4(%arg0: i32) -> (i32, i32) {
    %c0_i32 = arith.constant 0 : i32
    %c0_i32_0 = arith.constant 0 : i32
    %c0_i32_1 = arith.constant 0 : i32
    return %c0_i32, %c0_i32_0 : i32, i32
  }
  func.func @transform_5(%arg0: i32) -> (i32, i32) {
    %c0_i32 = arith.constant 0 : i32
    %c0_i32_0 = arith.constant 0 : i32
    %c0_i32_1 = arith.constant 0 : i32
    return %c0_i32, %c0_i32_0 : i32, i32
  }
  func.func @transform_6(%arg0: i32) -> (i32, i32) {
    %c0_i32 = arith.constant 0 : i32
    %c0_i32_0 = arith.constant 0 : i32
    %c0_i32_1 = arith.constant 0 : i32
    return %c0_i32, %c0_i32_0 : i32, i32
  }
  func.func @transform_7(%arg0: i32) -> (i32, i32) {
    %c0_i32 = arith.constant 0 : i32
    %c0_i32_0 = arith.constant 0 : i32
    %c0_i32_1 = arith.constant 0 : i32
    return %c0_i32, %c0_i32_0 : i32, i32
  }
  func.func @transform_8(%arg0: i32) -> (i32, i32) {
    %c0_i32 = arith.constant 0 : i32
    %c0_i32_0 = arith.constant 0 : i32
    %c0_i32_1 = arith.constant 0 : i32
    return %c0_i32, %c0_i32_0 : i32, i32
  }
  func.func @transform_9(%arg0: i32) -> (i32, i32) {
    %c0_i32 = arith.constant 0 : i32
    %c0_i32_0 = arith.constant 0 : i32
    %c0_i32_1 = arith.constant 0 : i32
    return %c0_i32, %c0_i32_0 : i32, i32
  }
  func.func @transform_10(%arg0: i32) -> (i32, i32) {
    %c0_i32 = arith.constant 0 : i32
    %c0_i32_0 = arith.constant 0 : i32
    return %arg0, %c0_i32 : i32, i32
  }
}

module attributes {stable_mosaic.version = 14 : i64} {
  func.func @_mlp_body(%arg0: i32, %arg1: memref<2x1000x128xf32, #tpu.memory_space<vmem>>, %arg2: memref<2x1000x128xf32, #tpu.memory_space<vmem>>, %arg3: memref<2x1000x128xf32, #tpu.memory_space<vmem>>, %arg4: memref<2x1000x128xf32, #tpu.memory_space<vmem>>, %arg5: memref<1x1000x128xf32, #tpu.memory_space<vmem>>, %arg6: memref<128x128xf32, #tpu.memory_space<vmem>>, %arg7: memref<128x128xf32, #tpu.memory_space<vmem>>, %arg8: memref<128x128xf32, #tpu.memory_space<vmem>>, %arg9: memref<128x128xf32, #tpu.memory_space<vmem>>, %arg10: memref<128x128xf32, #tpu.memory_space<vmem>>, %arg11: memref<1x128xf32, #tpu.memory_space<vmem>>, %arg12: memref<1x128xf32, #tpu.memory_space<vmem>>, %arg13: memref<128x128xf32, #tpu.memory_space<vmem>>, %arg14: memref<1x128xf32, #tpu.memory_space<vmem>>, %arg15: memref<1x128xf32, #tpu.memory_space<vmem>>, %arg16: memref<1000x128xf32, #tpu.memory_space<vmem>>) attributes {dimension_semantics = [#tpu.dimension_semantics<arbitrary>], iteration_bounds = array<i64: 10>, scalar_prefetch = 0 : i64, scratch_operands = 0 : i64, tpu.core_type = #tpu.core_type<tc>, window_params = [{transform_indices = @transform_0, window_bounds = array<i64: 2, 1000, 128>}, {transform_indices = @transform_1, window_bounds = array<i64: 2, 1000, 128>}, {transform_indices = @transform_2, window_bounds = array<i64: 2, 1000, 128>}, {transform_indices = @transform_3, window_bounds = array<i64: 2, 1000, 128>}, {transform_indices = @transform_4, window_bounds = array<i64: 1, 1000, 128>}, {pipeline_mode = #tpu.pipeline_mode<synchronous>, transform_indices = @transform_5, window_bounds = array<i64: 128, 128>}, {pipeline_mode = #tpu.pipeline_mode<synchronous>, transform_indices = @transform_6, window_bounds = array<i64: 128, 128>}, {pipeline_mode = #tpu.pipeline_mode<synchronous>, transform_indices = @transform_7, window_bounds = array<i64: 128, 128>}, {pipeline_mode = #tpu.pipeline_mode<synchronous>, transform_indices = @transform_8, window_bounds = array<i64: 128, 128>}, {pipeline_mode = #tpu.pipeline_mode<synchronous>, transform_indices = @transform_9, window_bounds = array<i64: 128, 128>}, {pipeline_mode = #tpu.pipeline_mode<synchronous>, transform_indices = @transform_10, window_bounds = array<i64: 1, 128>}, {pipeline_mode = #tpu.pipeline_mode<synchronous>, transform_indices = @transform_11, window_bounds = array<i64: 1, 128>}, {pipeline_mode = #tpu.pipeline_mode<synchronous>, transform_indices = @transform_12, window_bounds = array<i64: 128, 128>}, {pipeline_mode = #tpu.pipeline_mode<synchronous>, transform_indices = @transform_13, window_bounds = array<i64: 1, 128>}, {pipeline_mode = #tpu.pipeline_mode<synchronous>, transform_indices = @transform_14, window_bounds = array<i64: 1, 128>}, {transform_indices = @transform_15, window_bounds = array<i64: 1000, 128>}]} {
    %broadcast_in_dim3A = arith.constant 0.000000e+00 : f32
    %broadcast_in_dim3A_0 = vector.broadcast %broadcast_in_dim3A : f32 to vector<1000x128xf32>
    %get3A = arith.constant 0 : index
    %get3A_1 = arith.constant 0 : index
    %get3A_2 = vector.load %arg6[%get3A, %get3A_1] : memref<128x128xf32, #tpu.memory_space<vmem>>, vector<128x128xf32>
    %get3A_3 = arith.constant 0 : index
    %get3A_4 = arith.constant 0 : index
    %get3A_5 = arith.constant 0 : index
    %get3A_6 = vector.load %arg1[%get3A_3, %get3A_4, %get3A_5] : memref<2x1000x128xf32, #tpu.memory_space<vmem>>, vector<1x1000x128xf32>
    %get3A_7 = vector.shape_cast %get3A_6 : vector<1x1000x128xf32> to vector<1000x128xf32>
    %dot_general3A = arith.constant dense<0.000000e+00> : vector<1000x128xf32>
    %dot_general3A_8 = tpu.matmul %get3A_7, %get3A_2, %dot_general3A {dimension_numbers = #tpu.dot_dimension_numbers<[1], [0], [0], [1], [0, 0, 1, 1], [], []>, precision = #tpu.contract_precision<fp32>, transpose_lhs_hint = false} : vector<1000x128xf32>, vector<128x128xf32>, vector<1000x128xf32> -> vector<1000x128xf32>
    %add3A = arith.addf %broadcast_in_dim3A_0, %dot_general3A_8 : vector<1000x128xf32>
    %get3A_9 = arith.constant 1 : index
    %get3A_10 = arith.constant 0 : index
    %get3A_11 = arith.constant 0 : index
    %get3A_12 = vector.load %arg1[%get3A_9, %get3A_10, %get3A_11] : memref<2x1000x128xf32, #tpu.memory_space<vmem>>, vector<1x1000x128xf32>
    %get3A_13 = vector.shape_cast %get3A_12 : vector<1x1000x128xf32> to vector<1000x128xf32>
    %dot_general3A_14 = arith.constant dense<0.000000e+00> : vector<1000x128xf32>
    %dot_general3A_15 = tpu.matmul %get3A_13, %get3A_2, %dot_general3A_14 {dimension_numbers = #tpu.dot_dimension_numbers<[1], [0], [0], [1], [0, 0, 1, 1], [], []>, precision = #tpu.contract_precision<fp32>, transpose_lhs_hint = false} : vector<1000x128xf32>, vector<128x128xf32>, vector<1000x128xf32> -> vector<1000x128xf32>
    %add3A_16 = arith.addf %add3A, %dot_general3A_15 : vector<1000x128xf32>
    %get3A_17 = arith.constant 0 : index
    %get3A_18 = arith.constant 0 : index
    %get3A_19 = vector.load %arg7[%get3A_17, %get3A_18] : memref<128x128xf32, #tpu.memory_space<vmem>>, vector<128x128xf32>
    %get3A_20 = arith.constant 0 : index
    %get3A_21 = arith.constant 0 : index
    %get3A_22 = arith.constant 0 : index
    %get3A_23 = vector.load %arg2[%get3A_20, %get3A_21, %get3A_22] : memref<2x1000x128xf32, #tpu.memory_space<vmem>>, vector<1x1000x128xf32>
    %get3A_24 = vector.shape_cast %get3A_23 : vector<1x1000x128xf32> to vector<1000x128xf32>
    %dot_general3A_25 = arith.constant dense<0.000000e+00> : vector<1000x128xf32>
    %dot_general3A_26 = tpu.matmul %get3A_24, %get3A_19, %dot_general3A_25 {dimension_numbers = #tpu.dot_dimension_numbers<[1], [0], [0], [1], [0, 0, 1, 1], [], []>, precision = #tpu.contract_precision<fp32>, transpose_lhs_hint = false} : vector<1000x128xf32>, vector<128x128xf32>, vector<1000x128xf32> -> vector<1000x128xf32>
    %add3A_27 = arith.addf %add3A_16, %dot_general3A_26 : vector<1000x128xf32>
    %get3A_28 = arith.constant 1 : index
    %get3A_29 = arith.constant 0 : index
    %get3A_30 = arith.constant 0 : index
    %get3A_31 = vector.load %arg2[%get3A_28, %get3A_29, %get3A_30] : memref<2x1000x128xf32, #tpu.memory_space<vmem>>, vector<1x1000x128xf32>
    %get3A_32 = vector.shape_cast %get3A_31 : vector<1x1000x128xf32> to vector<1000x128xf32>
    %dot_general3A_33 = arith.constant dense<0.000000e+00> : vector<1000x128xf32>
    %dot_general3A_34 = tpu.matmul %get3A_32, %get3A_19, %dot_general3A_33 {dimension_numbers = #tpu.dot_dimension_numbers<[1], [0], [0], [1], [0, 0, 1, 1], [], []>, precision = #tpu.contract_precision<fp32>, transpose_lhs_hint = false} : vector<1000x128xf32>, vector<128x128xf32>, vector<1000x128xf32> -> vector<1000x128xf32>
    %add3A_35 = arith.addf %add3A_27, %dot_general3A_34 : vector<1000x128xf32>
    %get3A_36 = arith.constant 0 : index
    %get3A_37 = arith.constant 0 : index
    %get3A_38 = vector.load %arg8[%get3A_36, %get3A_37] : memref<128x128xf32, #tpu.memory_space<vmem>>, vector<128x128xf32>
    %get3A_39 = arith.constant 0 : index
    %get3A_40 = arith.constant 0 : index
    %get3A_41 = arith.constant 0 : index
    %get3A_42 = vector.load %arg3[%get3A_39, %get3A_40, %get3A_41] : memref<2x1000x128xf32, #tpu.memory_space<vmem>>, vector<1x1000x128xf32>
    %get3A_43 = vector.shape_cast %get3A_42 : vector<1x1000x128xf32> to vector<1000x128xf32>
    %dot_general3A_44 = arith.constant dense<0.000000e+00> : vector<1000x128xf32>
    %dot_general3A_45 = tpu.matmul %get3A_43, %get3A_38, %dot_general3A_44 {dimension_numbers = #tpu.dot_dimension_numbers<[1], [0], [0], [1], [0, 0, 1, 1], [], []>, precision = #tpu.contract_precision<fp32>, transpose_lhs_hint = false} : vector<1000x128xf32>, vector<128x128xf32>, vector<1000x128xf32> -> vector<1000x128xf32>
    %add3A_46 = arith.addf %add3A_35, %dot_general3A_45 : vector<1000x128xf32>
    %get3A_47 = arith.constant 1 : index
    %get3A_48 = arith.constant 0 : index
    %get3A_49 = arith.constant 0 : index
    %get3A_50 = vector.load %arg3[%get3A_47, %get3A_48, %get3A_49] : memref<2x1000x128xf32, #tpu.memory_space<vmem>>, vector<1x1000x128xf32>
    %get3A_51 = vector.shape_cast %get3A_50 : vector<1x1000x128xf32> to vector<1000x128xf32>
    %dot_general3A_52 = arith.constant dense<0.000000e+00> : vector<1000x128xf32>
    %dot_general3A_53 = tpu.matmul %get3A_51, %get3A_38, %dot_general3A_52 {dimension_numbers = #tpu.dot_dimension_numbers<[1], [0], [0], [1], [0, 0, 1, 1], [], []>, precision = #tpu.contract_precision<fp32>, transpose_lhs_hint = false} : vector<1000x128xf32>, vector<128x128xf32>, vector<1000x128xf32> -> vector<1000x128xf32>
    %add3A_54 = arith.addf %add3A_46, %dot_general3A_53 : vector<1000x128xf32>
    %get3A_55 = arith.constant 0 : index
    %get3A_56 = arith.constant 0 : index
    %get3A_57 = vector.load %arg9[%get3A_55, %get3A_56] : memref<128x128xf32, #tpu.memory_space<vmem>>, vector<128x128xf32>
    %get3A_58 = arith.constant 0 : index
    %get3A_59 = arith.constant 0 : index
    %get3A_60 = arith.constant 0 : index
    %get3A_61 = vector.load %arg4[%get3A_58, %get3A_59, %get3A_60] : memref<2x1000x128xf32, #tpu.memory_space<vmem>>, vector<1x1000x128xf32>
    %get3A_62 = vector.shape_cast %get3A_61 : vector<1x1000x128xf32> to vector<1000x128xf32>
    %dot_general3A_63 = arith.constant dense<0.000000e+00> : vector<1000x128xf32>
    %dot_general3A_64 = tpu.matmul %get3A_62, %get3A_57, %dot_general3A_63 {dimension_numbers = #tpu.dot_dimension_numbers<[1], [0], [0], [1], [0, 0, 1, 1], [], []>, precision = #tpu.contract_precision<fp32>, transpose_lhs_hint = false} : vector<1000x128xf32>, vector<128x128xf32>, vector<1000x128xf32> -> vector<1000x128xf32>
    %add3A_65 = arith.addf %add3A_54, %dot_general3A_64 : vector<1000x128xf32>
    %get3A_66 = arith.constant 1 : index
    %get3A_67 = arith.constant 0 : index
    %get3A_68 = arith.constant 0 : index
    %get3A_69 = vector.load %arg4[%get3A_66, %get3A_67, %get3A_68] : memref<2x1000x128xf32, #tpu.memory_space<vmem>>, vector<1x1000x128xf32>
    %get3A_70 = vector.shape_cast %get3A_69 : vector<1x1000x128xf32> to vector<1000x128xf32>
    %dot_general3A_71 = arith.constant dense<0.000000e+00> : vector<1000x128xf32>
    %dot_general3A_72 = tpu.matmul %get3A_70, %get3A_57, %dot_general3A_71 {dimension_numbers = #tpu.dot_dimension_numbers<[1], [0], [0], [1], [0, 0, 1, 1], [], []>, precision = #tpu.contract_precision<fp32>, transpose_lhs_hint = false} : vector<1000x128xf32>, vector<128x128xf32>, vector<1000x128xf32> -> vector<1000x128xf32>
    %add3A_73 = arith.addf %add3A_65, %dot_general3A_72 : vector<1000x128xf32>
    %get3A_74 = arith.constant 0 : index
    %get3A_75 = arith.constant 0 : index
    %get3A_76 = vector.load %arg10[%get3A_74, %get3A_75] : memref<128x128xf32, #tpu.memory_space<vmem>>, vector<128x128xf32>
    %get3A_77 = arith.constant 0 : index
    %get3A_78 = arith.constant 0 : index
    %get3A_79 = arith.constant 0 : index
    %get3A_80 = vector.load %arg5[%get3A_77, %get3A_78, %get3A_79] : memref<1x1000x128xf32, #tpu.memory_space<vmem>>, vector<1x1000x128xf32>
    %get3A_81 = vector.shape_cast %get3A_80 : vector<1x1000x128xf32> to vector<1000x128xf32>
    %dot_general3A_82 = arith.constant dense<0.000000e+00> : vector<1000x128xf32>
    %dot_general3A_83 = tpu.matmul %get3A_81, %get3A_76, %dot_general3A_82 {dimension_numbers = #tpu.dot_dimension_numbers<[1], [0], [0], [1], [0, 0, 1, 1], [], []>, precision = #tpu.contract_precision<fp32>, transpose_lhs_hint = false} : vector<1000x128xf32>, vector<128x128xf32>, vector<1000x128xf32> -> vector<1000x128xf32>
    %add3A_84 = arith.addf %add3A_73, %dot_general3A_83 : vector<1000x128xf32>
    %get3A_85 = arith.constant 0 : index
    %get3A_86 = arith.constant 0 : index
    %get3A_87 = vector.load %arg11[%get3A_85, %get3A_86] : memref<1x128xf32, #tpu.memory_space<vmem>>, vector<1x128xf32>
    %add3A_88 = vector.broadcast %get3A_87 : vector<1x128xf32> to vector<1000x128xf32>
    %add3A_89 = arith.addf %add3A_84, %add3A_88 : vector<1000x128xf32>
    %ge3A = arith.constant 0.000000e+00 : f32
    %ge3A_90 = vector.broadcast %ge3A : f32 to vector<1000x128xf32>
    %ge3A_91 = arith.cmpf oge, %add3A_89, %ge3A_90 : vector<1000x128xf32>
    %get3A_92 = arith.constant 0 : index
    %get3A_93 = arith.constant 0 : index
    %get3A_94 = vector.load %arg12[%get3A_92, %get3A_93] : memref<1x128xf32, #tpu.memory_space<vmem>>, vector<1x128xf32>
    %mul3A = vector.broadcast %get3A_94 : vector<1x128xf32> to vector<1000x128xf32>
    %mul3A_95 = arith.mulf %mul3A, %add3A_89 : vector<1000x128xf32>
    %select_n3A = arith.select %ge3A_91, %add3A_89, %mul3A_95 : vector<1000x128xi1>, vector<1000x128xf32>
    %get3A_96 = arith.constant 0 : index
    %get3A_97 = arith.constant 0 : index
    %get3A_98 = vector.load %arg13[%get3A_96, %get3A_97] : memref<128x128xf32, #tpu.memory_space<vmem>>, vector<128x128xf32>
    %dot_general3A_99 = arith.constant dense<0.000000e+00> : vector<1000x128xf32>
    %dot_general3A_100 = tpu.matmul %select_n3A, %get3A_98, %dot_general3A_99 {dimension_numbers = #tpu.dot_dimension_numbers<[1], [0], [0], [1], [0, 0, 1, 1], [], []>, precision = #tpu.contract_precision<fp32>, transpose_lhs_hint = false} : vector<1000x128xf32>, vector<128x128xf32>, vector<1000x128xf32> -> vector<1000x128xf32>
    %get3A_101 = arith.constant 0 : index
    %get3A_102 = arith.constant 0 : index
    %get3A_103 = vector.load %arg14[%get3A_101, %get3A_102] : memref<1x128xf32, #tpu.memory_space<vmem>>, vector<1x128xf32>
    %add3A_104 = vector.broadcast %get3A_103 : vector<1x128xf32> to vector<1000x128xf32>
    %add3A_105 = arith.addf %dot_general3A_100, %add3A_104 : vector<1000x128xf32>
    %swap3A = arith.constant 0 : index
    %swap3A_106 = arith.constant 0 : index
    %swap3A_107 = vector.load %arg16[%swap3A, %swap3A_106] : memref<1000x128xf32, #tpu.memory_space<vmem>>, vector<1000x128xf32>
    tpu.vector_store %arg16[%swap3A, %swap3A_106], %add3A_105 {strides = array<i32>} : memref<1000x128xf32, #tpu.memory_space<vmem>>, vector<1000x128xf32>,
    return
  }
  func.func @transform_0(%arg0: i32) -> (i32, i32, i32) {
    %c0_i32 = arith.constant 0 : i32
    %c0_i32_0 = arith.constant 0 : i32
    %c0_i32_1 = arith.constant 0 : i32
    return %c0_i32, %arg0, %c0_i32_0 : i32, i32, i32
  }
  func.func @transform_1(%arg0: i32) -> (i32, i32, i32) {
    %c0_i32 = arith.constant 0 : i32
    %c0_i32_0 = arith.constant 0 : i32
    %c0_i32_1 = arith.constant 0 : i32
    return %c0_i32, %arg0, %c0_i32_0 : i32, i32, i32
  }
  func.func @transform_2(%arg0: i32) -> (i32, i32, i32) {
    %c0_i32 = arith.constant 0 : i32
    %c0_i32_0 = arith.constant 0 : i32
    %c0_i32_1 = arith.constant 0 : i32
    return %c0_i32, %arg0, %c0_i32_0 : i32, i32, i32
  }
  func.func @transform_3(%arg0: i32) -> (i32, i32, i32) {
    %c0_i32 = arith.constant 0 : i32
    %c0_i32_0 = arith.constant 0 : i32
    %c0_i32_1 = arith.constant 0 : i32
    return %c0_i32, %arg0, %c0_i32_0 : i32, i32, i32
  }
  func.func @transform_4(%arg0: i32) -> (i32, i32, i32) {
    %c0_i32 = arith.constant 0 : i32
    %c0_i32_0 = arith.constant 0 : i32
    %c0_i32_1 = arith.constant 0 : i32
    return %c0_i32, %arg0, %c0_i32_0 : i32, i32, i32
  }
  func.func @transform_5(%arg0: i32) -> (i32, i32) {
    %c0_i32 = arith.constant 0 : i32
    %c0_i32_0 = arith.constant 0 : i32
    %c0_i32_1 = arith.constant 0 : i32
    return %c0_i32, %c0_i32_0 : i32, i32
  }
  func.func @transform_6(%arg0: i32) -> (i32, i32) {
    %c0_i32 = arith.constant 0 : i32
    %c0_i32_0 = arith.constant 0 : i32
    %c0_i32_1 = arith.constant 0 : i32
    return %c0_i32, %c0_i32_0 : i32, i32
  }
  func.func @transform_7(%arg0: i32) -> (i32, i32) {
    %c0_i32 = arith.constant 0 : i32
    %c0_i32_0 = arith.constant 0 : i32
    %c0_i32_1 = arith.constant 0 : i32
    return %c0_i32, %c0_i32_0 : i32, i32
  }
  func.func @transform_8(%arg0: i32) -> (i32, i32) {
    %c0_i32 = arith.constant 0 : i32
    %c0_i32_0 = arith.constant 0 : i32
    %c0_i32_1 = arith.constant 0 : i32
    return %c0_i32, %c0_i32_0 : i32, i32
  }
  func.func @transform_9(%arg0: i32) -> (i32, i32) {
    %c0_i32 = arith.constant 0 : i32
    %c0_i32_0 = arith.constant 0 : i32
    %c0_i32_1 = arith.constant 0 : i32
    return %c0_i32, %c0_i32_0 : i32, i32
  }
  func.func @transform_10(%arg0: i32) -> (i32, i32) {
    %c0_i32 = arith.constant 0 : i32
    %c0_i32_0 = arith.constant 0 : i32
    %c0_i32_1 = arith.constant 0 : i32
    return %c0_i32, %c0_i32_0 : i32, i32
  }
  func.func @transform_11(%arg0: i32) -> (i32, i32) {
    %c0_i32 = arith.constant 0 : i32
    %c0_i32_0 = arith.constant 0 : i32
    %c0_i32_1 = arith.constant 0 : i32
    return %c0_i32, %c0_i32_0 : i32, i32
  }
  func.func @transform_12(%arg0: i32) -> (i32, i32) {
    %c0_i32 = arith.constant 0 : i32
    %c0_i32_0 = arith.constant 0 : i32
    %c0_i32_1 = arith.constant 0 : i32
    return %c0_i32, %c0_i32_0 : i32, i32
  }
  func.func @transform_13(%arg0: i32) -> (i32, i32) {
    %c0_i32 = arith.constant 0 : i32
    %c0_i32_0 = arith.constant 0 : i32
    %c0_i32_1 = arith.constant 0 : i32
    return %c0_i32, %c0_i32_0 : i32, i32
  }
  func.func @transform_14(%arg0: i32) -> (i32, i32) {
    %c0_i32 = arith.constant 0 : i32
    %c0_i32_0 = arith.constant 0 : i32
    %c0_i32_1 = arith.constant 0 : i32
    return %c0_i32, %c0_i32_0 : i32, i32
  }
  func.func @transform_15(%arg0: i32) -> (i32, i32) {
    %c0_i32 = arith.constant 0 : i32
    %c0_i32_0 = arith.constant 0 : i32
    return %arg0, %c0_i32 : i32, i32
  }
}

</mosaic_0001>

<sc_bundles>
// kernel: kernel.12.cloned.1.call-start
scs
__scs_entry_jumppad:
0x0: {  	(pc) =	sbr.rel $0x88, $3  }
0x1: {  	(tag) =	ssettag $0x0;
	lr =	simm.s32 $0x1  }
0x2: {  	[smem:$0x3F77] =	sst lr;
	_ =	strace $0xD0000000  }
0x3: {  	_ = 	snop  }
0x4: {  	_ = 	snop  }
0x5: {  	_ = 	snop  }
0x6: {  	_ = 	snop  }
0x7: {  	_ = 	snop  }
__scs_overlays_trampoline_lowered:
0x8: {  	[smem:$0x3F86] =	sst s0  }
0x9: {  	[smem:$0x3F87] =	sst s1  }
0xa: {  	[smem:$0x3F88] =	sst s2  }
0xb: {  	[smem:$0x3F89] =	sst s3  }
0xc: {  	[smem:$0x3F8A] =	sst s4  }
0xd: {  	[smem:$0x3F8B] =	sst s5  }
0xe: {  	[smem:$0x3F8C] =	sst s6  }
0xf: {  	[smem:$0x3F8D] =	sst s7  }
0x10: {  	[smem:$0x3F8E] =	sst s8  }
0x11: {  	[smem:$0x3F8F] =	sst s9;
	s0 =	simm.s32 @!p0 $0x0  }
0x12: {  	s1 =	sld [smem:$0x3F75];
	s0 =	simm.s32 @p0 $0x1  }
0x13: {  	[smem:$0x3F90] =	sst s0;
	s0 =	simm.s32 @!p1 $0x0  }
0x14: {  	s2 =	sld [smem:$0x3F74];
	s0 =	simm.s32 @p1 $0x1  }
0x15: {  	[smem:$0x3F91] =	sst s0;
	s0 =	simm.s32 @!p2 $0x0  }
0x16: {  	s3 =	sld [smem:$0x3FDB];
	s0 =	simm.s32 @p2 $0x1  }
0x17: {  	s4 =	simm.s32 $0x1BF5;
	[smem:$0x3F93] =	sst s0  }
0x18: {  	s0 =	sld [smem:$0x3F76];
	_ =	swait.ge [sflag:s4], $0x0  }
0x19: {  	s7 =	sld [smem:$0x3F77]  }
0x1a: {  	s8 =	sadd.s32 $0xFFFFE003, lr  }
0x1b: {  	s9 =	sadd.s32 $0xFFFFFEF7, lr;
	s5 =	simm.s32 $0xFFFFFFFF;
	p2 =	slt.u32 s8, $0xFFFFF086  }
0x1c: {  	p1 =	slt.u32 s9, $0xF7A;
	s5 =	simm.s32 @!p2 $0x0  }
0x1d: {  	s5 =	simm.s32 @p1 $0x1;
	p0 =	seq.s32 s7, s2  }
0x1e: {  	s7 =	smul.u32 @!p0 $0xF7A, s2;
	p2 =	seq.s32 @!p0 s5, $0x0  }
0x1f: {  	s9 =	smul.u32 $0xF7A, s1;
	s8 =	simm.s32 @!p0 $0x1BF5;
	p2 =	por !p2, p0  }
0x20: {  	[sflag:s8] =	ssyncset.s32 @!p0 $0xFFFFF086;
	s6 =	sadd.s32 @!p0 s3, s7;
	s7 =	simm.s32 @!p0 $0x108  }
0x21: {  	s3 =	sadd.s32 s3, s9;
	s6 =	sadd.s32 @!p0 $0x88, s6;
	s7 =	simm.s32 @p2 $0x1082  }
0x22: {  	[simem:s7], [sflag:s8] =	dma.local @!p0 [hbm:s6], $0xF7A  }
0x23: {  	s9 =	sor.u32 $0xD0000000, s2;
	s6 =	simm.s32 $0x108;
	_ =	swait.ge @!p0 [sflag:s8], $0x0  }
0x24: {  	s3 =	sadd.s32 $0x88, s3;
	s6 =	simm.s32 @!p1 $0x1082;
	[sflag:s4] =	ssyncset.s32 $0xFFFFF086  }
0x25: {  	[simem:s6], [sflag:s4] =	dma.local [hbm:s3], $0xF7A  }
0x26: {  	[smem:$0x3F77] =	sst s1;
	(tag) =	ssettag s2;
	_ =	strace s9  }
0x27: {  	s1 =	sld [smem:$0x3F87]  }
0x28: {  	s2 =	sld [smem:$0x3F88]  }
0x29: {  	s4 =	sld [smem:$0x3F8A]  }
0x2a: {  	p0 =	seq.s32 s5, $0x0;
	s5 =	sld [smem:$0x3F8B]  }
0x2b: {  	s6 =	sld [smem:$0x3F8C]  }
0x2c: {  	s7 =	sld [smem:$0x3F8D]  }
0x2d: {  	s3 =	simm.s32 $0x108;
	s8 =	sld [smem:$0x3F8E]  }
0x2e: {  	s3 =	simm.s32 @!p0 $0x1082;
	s9 =	sld [smem:$0x3F8F]  }
0x2f: {  	lr =	sadd.s32 s0, s3;
	s0 =	sld [smem:$0x3F86]  }
0x30: {  	s3 =	sld [smem:$0x3F89]  }
0x31: {  	[smem:$0x3F92] =	sst s10  }
0x32: {  	s10 =	sld [smem:$0x3F90];
	_ =	sdelay $0x3  }
0x33: {  	p0 =	seq.s32 s10, $0x1;
	s10 =	sld [smem:$0x3F92];
	_ =	sdelay $0x3  }
0x34: {  	[smem:$0x3F92] =	sst s10  }
0x35: {  	s10 =	sld [smem:$0x3F91];
	_ =	sdelay $0x3  }
0x36: {  	p1 =	seq.s32 s10, $0x1;
	s10 =	sld [smem:$0x3F92];
	_ =	sdelay $0x3  }
0x37: {  	[smem:$0x3F92] =	sst s10  }
0x38: {  	s10 =	sld [smem:$0x3F93]  }
0x39: {  	_ = 	snop;
	(pc) =	sbr.ind lr, $3  }
0x3a: {  	_ = 	snop  }
0x3b: {  	_ = 	snop  }
0x3c: {  	p2 =	seq.s32 s10, $0x1;
	s10 =	sld [smem:$0x3F92]  }
0x3d: {  	_ =	shalt  }
0x3e: {  	_ =	shalt  }
0x3f: {  	_ =	shalt  }
0x40: {  	_ =	shalt  }
0x41: {  	_ =	shalt  }
0x42: {  	_ =	shalt  }
0x43: {  	_ =	shalt  }
0x44: {  	_ =	shalt  }
0x45: {  	_ =	shalt  }
0x46: {  	_ =	shalt  }
0x47: {  	_ =	shalt  }
0x48: {  	_ =	shalt  }
0x49: {  	_ =	shalt  }
0x4a: {  	_ =	shalt  }
0x4b: {  	_ =	shalt  }
0x4c: {  	_ =	shalt  }
0x4d: {  	_ =	shalt  }
0x4e: {  	_ =	shalt  }
0x4f: {  	_ =	shalt  }
0x50: {  	_ =	shalt  }
0x51: {  	_ =	shalt  }
0x52: {  	_ =	shalt  }
0x53: {  	_ =	shalt  }
0x54: {  	_ =	shalt  }
0x55: {  	_ =	shalt  }
0x56: {  	_ =	shalt  }
0x57: {  	_ =	shalt  }
0x58: {  	_ =	shalt  }
0x59: {  	_ =	shalt  }
0x5a: {  	_ =	shalt  }
0x5b: {  	_ =	shalt  }
0x5c: {  	_ =	shalt  }
0x5d: {  	_ =	shalt  }
0x5e: {  	_ =	shalt  }
0x5f: {  	_ =	shalt  }
0x60: {  	_ =	shalt  }
0x61: {  	_ =	shalt  }
0x62: {  	_ =	shalt  }
0x63: {  	_ =	shalt  }
0x64: {  	_ =	shalt  }
0x65: {  	_ =	shalt  }
0x66: {  	_ =	shalt  }
0x67: {  	_ =	shalt  }
0x68: {  	_ =	shalt  }
0x69: {  	_ =	shalt  }
0x6a: {  	_ =	shalt  }
0x6b: {  	_ =	shalt  }
0x6c: {  	_ =	shalt  }
0x6d: {  	_ =	shalt  }
0x6e: {  	_ =	shalt  }
0x6f: {  	_ =	shalt  }
0x70: {  	_ =	shalt  }
0x71: {  	_ =	shalt  }
0x72: {  	_ =	shalt  }
0x73: {  	_ =	shalt  }
0x74: {  	_ =	shalt  }
0x75: {  	_ =	shalt  }
0x76: {  	_ =	shalt  }
0x77: {  	_ =	shalt  }
0x78: {  	_ =	shalt  }
0x79: {  	_ =	shalt  }
0x7a: {  	_ =	shalt  }
0x7b: {  	_ =	shalt  }
0x7c: {  	_ =	shalt  }
0x7d: {  	_ =	shalt  }
0x7e: {  	_ =	shalt  }
0x7f: {  	_ =	shalt  }
0x80: {  	_ =	shalt  }
0x81: {  	_ =	shalt  }
0x82: {  	_ =	shalt  }
0x83: {  	_ =	shalt  }
0x84: {  	_ =	shalt  }
0x85: {  	_ =	shalt  }
0x86: {  	_ =	shalt  }
0x87: {  	_ =	shalt  }
.Lfunc_end0:
.L_simem_size_0:
called_computation_lowered:
.L_overlay_start_0:
0x88: {  	s2 =	sld [smem:$0x3FD9]  }
0x89: {  	s3 =	sld [smem:$0x3FFE];
	_ =	sdelay $0x1  }
0x8a: {  	s1 =	srdreg.scid  }
0x8b: {  	s0 =	sand.u32 $0x1, s1  }
0x8c: {  	s17 =	sshll.u32 s0, $0xA;
	s2 =	sadd.s32 s3, s2  }
0x8d: {  	s2 =	sadd.s32 s2, s17  }
0x8e: {  	[smem:$0x3F9E] =	sst s2  }
0x8f: {  	_ = 	snop  }
0x90: {  	s2 =	sld [smem:$0x3FD0];
	(tm) =	ssettm $0x1  }
0x91: {  	s18 =	sld [smem:$0x3FFB];
	_ =	sdelay $0x3  }
0x92: {  	_ =	strace s18  }
0x93: {  	s3 =	sld [smem:$0x3FFC];
	_ =	sdelay $0x3  }
0x94: {  	_ =	strace s3  }
0x95: {  	s3 =	sld [smem:$0x3FFD];
	_ =	sdelay $0x3  }
0x96: {  	_ =	strace s3  }
0x97: {  	_ =	strace $0x8FFFFFFF  }
0x98: {  	s19 =	sld [smem:$0x3FDB];
	_ =	sdelay $0x1  }
0x99: {  	s4 =	simm.s32 $_scs_section_size  }
0x9a: {  	s5 =	simm.s32 $_size__tile_overlayer_lowered;
	s6 =	simm.s32 $_tile_overlayer_lowered  }
0x9b: {  	s22 =	simm.s32 $0x1BFF;
	s21 =	sshll.u32 s6, $0x1;
	s3 =	sadd.s32 s4, s19  }
0x9c: {  	s7 =	simm.s32 $0x0;
	s20 =	sshll.u32 s5, $0x1;
	s5 =	sadd.s32 s21, s3  }
0x9d: {  	[timem:s7], [sflag:s22] =	dma.local [hbm:s5], s20  }
0x9e: {  	_ =	swait.ge [sflag:s22], s20  }
0x9f: {  	s4 =	ssub.s32 $0x0, s20;
	[sflag:s22] =	ssyncset.done $0x0  }
0xa0: {  	[sflag:s22] =	ssyncadd.s32 s4;
	_ =	sdelay $0x1  }
0xa1: {  	s23 =	simm.s32 $0x1B8B  }
0xa2: {  	_ =	swait.ge [sflag:s23], $0x1  }
0xa3: {  	[sflag:s23] =	ssyncset.done $0x0  }
0xa4: {  	s25 =	simm.s32 $0x1B8E;
	s24 =	sld [smem:$0x3FFE];
	[sflag:s23] =	ssyncadd.s32 $0xFFFFFFFF  }
0xa5: {  	s26 =	simm.s32 $execute0_lowered;
	[smem:$0x3FD2] =	sst s25  }
0xa6: {  	s5 =	sshll.u32 s26, $0x1;
	_ =	strace $0x80000046;
	[dreg:$0x1] =	wrdreg $0xFFFFFFFF  }
0xa7: {  	s28 =	simm.s32 $_size_execute0_lowered;
	s3 =	sadd.s32 s3, s5;
	[dreg:$0x0] =	wrdreg $0x0  }
0xa8: {  	s5 =	sshll.u32 s28, $0x1;
	[dreg:$0x2] =	wrdreg s3  }
0xa9: {  	[dreg:$0x3] =	wrdreg s5  }
0xaa: {  	[dreg:$0x4] =	wrdreg $0xC0  }
0xab: {  	_ =	task [dreg:s7], $0x5FFFF  }
0xac: {  	[dreg:$0x1] =	wrdreg $0xFFFFFFFF  }
0xad: {  	[dreg:$0x0] =	wrdreg $0x60  }
0xae: {  	[dreg:$0x2] =	wrdreg s2  }
0xaf: {  	[dreg:$0x3] =	wrdreg s24  }
0xb0: {  	[dreg:$0x4] =	wrdreg $0xA8000  }
0xb1: {  	[dreg:$0x5] =	wrdreg $0x9  }
0xb2: {  	_ =	task.clear_ibuf [dreg:s7], $0x6FFFF;
	_ =	strace $0x90000046  }
0xb3: {  	s29 =	simm.s32 $0x9;
	_ =	strace $0x80000048  }
0xb4: {  	_ =	swait.ge [sflag:s29], $0x1  }
0xb5: {  	[sflag:s29] =	ssyncadd.s32 $0xFFFFFFFF  }
0xb6: {  	_ =	strace $0x90000048  }
0xb7: {  	_ =	sfence  }
0xb8: {  	s30 =	sld [smem:$0x0];
	_ =	sdelay $0x2  }
0xb9: {  	s31 =	sshll.u32 s1, $0xD;
	s1 =	sshrl.u32 s1, $0x2  }
0xba: {  	s3 =	sand.u32 $0x4000, s31;
	s1 =	sadd.s32 s1, s30  }
0xbb: {  	s0 =	sor.u32 s3, s0;
	s1 =	sshll.u32 s1, $0x11  }
0xbc: {  	s0 =	sor.u32 s1, s0  }
0xbd: {  	s0 =	sadd.s32 $0x8F2B, s0  }
0xbe: {  	[sflag:s0] =	ssyncadd.remote.s32 $0x1  }
0xbf: {  	_ =	sfence.sel $0xFFFF  }
0xc0: {  	[dreg:$0x0] =	wrdreg $0xFFFFFFFF;
	(pc) =	sbr.abs _section_cstart, $3  }
0xc1: {  	[dreg:$0x1] =	wrdreg $0xFFFFFFFF  }
0xc2: {  	_ =	task.clear_ibuf [dreg:s7], $0x2FFFF;
	_ =	strace $0x9FFFFFFF  }
0xc3: {  	(tm) =	ssettm $0x7FFFFFFF  }
tec
execute0_lowered:
.L_overlay_start_1:
0x0: {  	(tag) =	ssettag $0x1  }
0x1: {  	s1 =	rddreg [dreg:$0x0]  }
0x2: {  	s6 =	rddreg [dreg:$0x1]  }
0x3: {  	s2 =	rddreg [dreg:$0x2]  }
0x4: {  	s3 =	srdreg.scid;
	s0 =	rddreg [dreg:$0x3];
	s4 =	simm.s32 $0x0  }
0x5: {  	s17 =	simm.s32 $0x3;
	s18 =	simm.s32 $0x6800;
	s19 =	simm.s32 $0x1400  }
0x6: {  	s20 =	simm.s32 $0x80;
	s21 =	simm.s32 $0x1;
	s22 =	simm.s32 $0x2  }
0x7: {  	s23 =	simm.s32 $0x1380;
	s24 =	simm.s32 $0x2700;
	s5 =	sand.u32 $0x1, s3  }
0x8: {  	s25 =	simm.s32 $0x2780;
	s3 =	stileid.u32;
	s7 =	smul.u32 $0x13C000, s5  }
0x9: {  	[smem:$0x7FF] =	sst s4;
	s12 =	sadd.s32 $0x8400, s6;
	s8 =	smul.u32 $0x13C00, s3  }
0xa: {  	s13 =	sadd.s32 $0x12400, s6;
	s29 =	smul.u32 $0x4F000, s3;
	s9 =	sshll.u32 s3, $0x1  }
0xb: {  	_ =	strace $0x80000047;
	s10 =	ssub.s32 $0x2, s5;
	s9 =	sor.u32 s5, s9  }
0xc: {  	s31 =	sshrl.u32 s10, $0x1;
	s7 =	sadd.s32 s8, s7;
	s30 =	sshrl.u32 s29, $0x2  }
0xd: {  	s9 =	smul.u32 $0x2800, s9;
	s15 =	ssub.s32 s10, s31;
	s7 =	sshrl.u32 s7, $0x3  }
0xe: {  	s5 =	sadd.s32 s30, s2;
	s15 =	smax.u32 s15, $0x1;
	s14 =	sadd.s32 s7, s6  }
0xf: {  	s6 =	sadd.s32 $0x4000, s5;
	s7 =	sadd.s32 $0x8000, s5;
	s11 =	sshrl.u32 s9, $0x3  }
0x10: {  	s8 =	sadd.s32 $0xC000, s5;
	s9 =	sadd.s32 $0x10000, s5;
	s10 =	sadd.s32 s12, s11  }
0x11: {  	s16 =	sadd.s32 $0x280, s11;
	s11 =	sadd.s32 s13, s11;
	s14 =	sadd.s32 $0x1C400, s14  }
0x12: {  	v0 =	vimm.f32 $0.0e+00;
	s12 =	sadd.s32 s12, s16;
	s13 =	sadd.s32 s13, s16;
	s16 =	simm.s32 $0x2800  }
.LBB2_1:
0x13: {  	s26 =	simm.s32 $0x0;
	s28 =	simm.s32 $0x200  }
.LBB2_2:
0x14: {  	p0 =	sne.s32 s28, $0xFE00;
	[tilespmem:s26+$0x6870] =	vst v0  }
0x15: {  	[tilespmem:s26+$0x2800] =	vst v0  }
0x16: {  	[tilespmem:s26+$0x6800] =	vst v0  }
0x17: {  	[tilespmem:s26+$0x2810] =	vst v0  }
0x18: {  	[tilespmem:s26+$0x6810] =	vst v0  }
0x19: {  	[tilespmem:s26+$0x2820] =	vst v0  }
0x1a: {  	[tilespmem:s26+$0x6820] =	vst v0  }
0x1b: {  	[tilespmem:s26+$0x2830] =	vst v0  }
0x1c: {  	[tilespmem:s26+$0x6830] =	vst v0  }
0x1d: {  	[tilespmem:s26+$0x2840] =	vst v0  }
0x1e: {  	[tilespmem:s26+$0x6840] =	vst v0  }
.Ltmp0:
0x1f: {  	[tilespmem:s26+$0x2850] =	vst v0;
	(pc) =	sbr.rel @p0 .LBB2_2-.Ltmp0, $4  }
0x20: {  	[tilespmem:s26+$0x6850] =	vst v0  }
0x21: {  	[tilespmem:s26+$0x2860] =	vst v0  }
0x22: {  	[tilespmem:s26+$0x6860] =	vst v0  }
0x23: {  	[tilespmem:s26+$0x2870] =	vst v0;
	s26 =	sshra.s32 s28, $0x2;
	s28 =	sadd.s32 $0x200, s28  }
0x24: {  	[tilespmem:s26+$0x6870] =	vst v0  }
0x25: {  	[tilespmem:s26+$0x2800] =	vst v0  }
0x26: {  	[tilespmem:s26+$0x6800] =	vst v0  }
0x27: {  	[tilespmem:s26+$0x2810] =	vst v0  }
0x28: {  	[tilespmem:s26+$0x6810] =	vst v0  }
0x29: {  	[tilespmem:s26+$0x2820] =	vst v0  }
0x2a: {  	[tilespmem:s26+$0x6820] =	vst v0  }
0x2b: {  	[tilespmem:s26+$0x2830] =	vst v0  }
0x2c: {  	[tilespmem:s26+$0x6830] =	vst v0  }
0x2d: {  	[tilespmem:s26+$0x2840] =	vst v0  }
0x2e: {  	[tilespmem:s26+$0x6840] =	vst v0  }
0x2f: {  	[tilespmem:s26+$0x2850] =	vst v0  }
0x30: {  	[tilespmem:s26+$0x6850] =	vst v0  }
0x31: {  	[tilespmem:s26+$0x2860] =	vst v0  }
0x32: {  	[tilespmem:s26+$0x6860] =	vst v0  }
0x33: {  	[tilespmem:s26+$0x2870] =	vst v0  }
0x34: {  	[spmem:s5] =	stream.linear.scatter [tilespmem:s16], [sflag:$0x3], $0x4000, $0x38;
	[tilespmem:$0x1E400] =	vst v63  }
0x35: {  	_ =	swait.ge [sflag:s17], $0x4000  }
0x36: {  	[sflag:s17] =	ssyncset.done $0x0  }
0x37: {  	[sflag:s17] =	ssyncadd.s32 $0xFFFFC000  }
0x38: {  	[spmem:s6] =	stream.linear.scatter [tilespmem:s18], [sflag:$0x3], $0x4000, $0x38;
	[tilespmem:$0x1E400] =	vst v63  }
0x39: {  	_ =	swait.ge [sflag:s17], $0x4000  }
0x3a: {  	[sflag:s17] =	ssyncset.done $0x0  }
0x3b: {  	[sflag:s17] =	ssyncadd.s32 $0xFFFFC000  }
0x3c: {  	[spmem:s7] =	stream.linear.scatter [tilespmem:s16], [sflag:$0x3], $0x4000, $0x38;
	[tilespmem:$0x1E400] =	vst v63  }
0x3d: {  	_ =	swait.ge [sflag:s17], $0x4000  }
0x3e: {  	[sflag:s17] =	ssyncset.done $0x0  }
0x3f: {  	[sflag:s17] =	ssyncadd.s32 $0xFFFFC000  }
0x40: {  	[spmem:s8] =	stream.linear.scatter [tilespmem:s18], [sflag:$0x3], $0x4000, $0x38;
	[tilespmem:$0x1E400] =	vst v63  }
0x41: {  	_ =	swait.ge [sflag:s17], $0x4000  }
0x42: {  	[sflag:s17] =	ssyncset.done $0x0  }
0x43: {  	[sflag:s17] =	ssyncadd.s32 $0xFFFFC000  }
0x44: {  	[spmem:s9] =	stream.linear.scatter [tilespmem:s16], [sflag:$0x3], $0x3C00, $0x38;
	[tilespmem:$0x1E400] =	vst v63  }
0x45: {  	_ =	swait.ge [sflag:s17], $0x3C00  }
0x46: {  	[sflag:s17] =	ssyncset.done $0x0  }
0x47: {  	[sflag:s17] =	ssyncadd.s32 $0xFFFFC400  }
0x48: {  	s30 =	simm.s32 $0x0;
	[bflag:$0x0] =	sbarrier.arrive $0xFFFF  }
0x49: {  	[tilespmem:s30], [sflag:$0x3] =	stream.linear.gather [hbm4b:s10+s30], $0x1400, $0x38;
	[tilespmem:$0x1E400] =	vst v63  }
0x4a: {  	_ =	swait.ge [sflag:s17], $0x1400  }
0x4b: {  	[sflag:s17] =	ssyncset.done $0x0  }
0x4c: {  	[sflag:s17] =	ssyncadd.s32 $0xFFFFEC00  }
0x4d: {  	[tilespmem:s19], [sflag:$0x3] =	stream.linear.gather [hbm4b:s11+s30], $0x1400, $0x38;
	[tilespmem:$0x1E400] =	vst v63  }
0x4e: {  	_ =	swait.ge [sflag:s17], $0x1400  }
0x4f: {  	[sflag:s17] =	ssyncset.done $0x0  }
0x50: {  	[sflag:s17] =	ssyncadd.s32 $0xFFFFEC00  }
0x51: {  	[tilespmem:s16], [sflag:$0x1] =	stream.indirect.gather [hbm4b:s1+s20], $0x80, s30, s20, $0xb8;
	[tilespmem:$0x1E400] =	vst v63  }
0x52: {  	s31 =	simm.s32 $0x80  }
0x53: {  	[tilespmem:s18], [sflag:$0x2] =	stream.indirect.gather [hbm4b:s1+s20], $0x80, s31, s20, $0xb8;
	[tilespmem:$0x1E400] =	vst v63  }
0x54: {  	_ =	swait.ge [sflag:s21], $0x4000  }
0x55: {  	[sflag:s21] =	ssyncset.done $0x0  }
0x56: {  	s29 =	simm.s32 $0x1400;
	[sflag:s21] =	ssyncadd.s32 $0xFFFFC000  }
0x57: {  	[spmem:s2] =	stream.indirect.scatter.add.f32 [tilespmem:s16], [sflag:$0x3], $0x80, s29, s20, $0xb8;
	[tilespmem:$0x1E400] =	vst v63  }
0x58: {  	_ =	swait.ge [sflag:s17], $0x4000  }
0x59: {  	[sflag:s17] =	ssyncset.done $0x0  }
0x5a: {  	s30 =	simm.s32 $0x100;
	[sflag:s17] =	ssyncadd.s32 $0xFFFFC000  }
0x5b: {  	[tilespmem:s16], [sflag:$0x1] =	stream.indirect.gather [hbm4b:s1+s20], $0x80, s30, s20, $0xb8;
	[tilespmem:$0x1E400] =	vst v63  }
0x5c: {  	_ =	swait.ge [sflag:s22], $0x4000  }
0x5d: {  	[sflag:s22] =	ssyncset.done $0x0  }
0x5e: {  	s31 =	simm.s32 $0x1480;
	[sflag:s22] =	ssyncadd.s32 $0xFFFFC000  }
0x5f: {  	[spmem:s2] =	stream.indirect.scatter.add.f32 [tilespmem:s18], [sflag:$0x3], $0x80, s31, s20, $0xb8;
	[tilespmem:$0x1E400] =	vst v63  }
0x60: {  	_ =	swait.ge [sflag:s17], $0x4000  }
0x61: {  	s28 =	simm.s32 $0x800;
	s26 =	simm.s32 $0x100;
	[sflag:s17] =	ssyncset.done $0x0  }
.LBB2_4:
0x62: {  	s29 =	sadd.s32 $0x80, s26  }
0x63: {  	[sflag:s17] =	ssyncadd.s32 $0xFFFFC000;
	s30 =	smov.u32 s28;
	s31 =	sadd.s32 $0x400, s28  }
0x64: {  	[tilespmem:s18], [sflag:$0x2] =	stream.indirect.gather [hbm4b:s1+s20], $0x80, s29, s20, $0xb8;
	[tilespmem:$0x1E400] =	vst v63  }
0x65: {  	p0 =	sne.s32 s28, $0x4800;
	_ =	swait.ge [sflag:s21], $0x4000  }
0x66: {  	[sflag:s21] =	ssyncset.done $0x0  }
0x67: {  	s28 =	sadd.s32 $0x1400, s26;
	[sflag:s21] =	ssyncadd.s32 $0xFFFFC000  }
0x68: {  	[spmem:s2] =	stream.indirect.scatter.add.f32 [tilespmem:s16], [sflag:$0x3], $0x80, s28, s20, $0xb8;
	[tilespmem:$0x1E400] =	vst v63  }
0x69: {  	_ =	swait.ge [sflag:s17], $0x4000  }
0x6a: {  	[sflag:s17] =	ssyncset.done $0x0  }
0x6b: {  	s28 =	sadd.s32 $0x100, s26;
	[sflag:s17] =	ssyncadd.s32 $0xFFFFC000  }
0x6c: {  	[tilespmem:s16], [sflag:$0x1] =	stream.indirect.gather [hbm4b:s1+s20], $0x80, s28, s20, $0xb8;
	[tilespmem:$0x1E400] =	vst v63  }
0x6d: {  	_ =	swait.ge [sflag:s22], $0x4000  }
.Ltmp1:
0x6e: {  	[sflag:s22] =	ssyncset.done $0x0;
	(pc) =	sbr.rel @p0 .LBB2_4-.Ltmp1, $4  }
0x6f: {  	s26 =	sadd.s32 $0x1480, s26;
	[sflag:s22] =	ssyncadd.s32 $0xFFFFC000  }
0x70: {  	[spmem:s2] =	stream.indirect.scatter.add.f32 [tilespmem:s18], [sflag:$0x3], $0x80, s26, s20, $0xb8;
	[tilespmem:$0x1E400] =	vst v63  }
0x71: {  	_ =	swait.ge [sflag:s17], $0x4000  }
0x72: {  	s28 =	smov.u32 s31;
	s26 =	sshra.s32 s30, $0x2;
	[sflag:s17] =	ssyncset.done $0x0  }
0x73: {  	s28 =	sadd.s32 $0x80, s26;
	[sflag:s17] =	ssyncadd.s32 $0xFFFFC000  }
0x74: {  	[tilespmem:s18], [sflag:$0x2] =	stream.indirect.gather [hbm4b:s1+s20], $0x80, s28, s20, $0xb8;
	[tilespmem:$0x1E400] =	vst v63  }
0x75: {  	_ =	swait.ge [sflag:s21], $0x4000  }
0x76: {  	[sflag:s21] =	ssyncset.done $0x0  }
0x77: {  	s28 =	sadd.s32 $0x1400, s26;
	[sflag:s21] =	ssyncadd.s32 $0xFFFFC000  }
0x78: {  	[spmem:s2] =	stream.indirect.scatter.add.f32 [tilespmem:s16], [sflag:$0x3], $0x80, s28, s20, $0xb8;
	[tilespmem:$0x1E400] =	vst v63  }
0x79: {  	_ =	swait.ge [sflag:s17], $0x4000  }
0x7a: {  	[sflag:s17] =	ssyncset.done $0x0  }
0x7b: {  	s28 =	sadd.s32 $0x100, s26;
	[sflag:s17] =	ssyncadd.s32 $0xFFFFC000  }
0x7c: {  	[tilespmem:s16], [sflag:$0x1] =	stream.indirect.gather [hbm4b:s1+s20], $0x80, s28, s20, $0xb8;
	[tilespmem:$0x1E400] =	vst v63  }
0x7d: {  	_ =	swait.ge [sflag:s22], $0x4000  }
0x7e: {  	[sflag:s22] =	ssyncset.done $0x0  }
0x7f: {  	s29 =	sadd.s32 $0x1480, s26;
	[sflag:s22] =	ssyncadd.s32 $0xFFFFC000  }
0x80: {  	[spmem:s2] =	stream.indirect.scatter.add.f32 [tilespmem:s18], [sflag:$0x3], $0x80, s29, s20, $0xb8;
	[tilespmem:$0x1E400] =	vst v63  }
0x81: {  	_ =	swait.ge [sflag:s17], $0x4000  }
0x82: {  	[sflag:s17] =	ssyncset.done $0x0  }
0x83: {  	[sflag:s17] =	ssyncadd.s32 $0xFFFFC000  }
0x84: {  	[tilespmem:s18], [sflag:$0x2] =	stream.indirect.gather [hbm4b:s1+s20], $0x80, s23, s20, $0xb8;
	[tilespmem:$0x1E400] =	vst v63  }
0x85: {  	_ =	swait.ge [sflag:s21], $0x4000  }
0x86: {  	[sflag:s21] =	ssyncset.done $0x0  }
0x87: {  	[sflag:s21] =	ssyncadd.s32 $0xFFFFC000  }
0x88: {  	[spmem:s2] =	stream.indirect.scatter.add.f32 [tilespmem:s16], [sflag:$0x3], $0x80, s24, s20, $0xb8;
	[tilespmem:$0x1E400] =	vst v63  }
0x89: {  	_ =	swait.ge [sflag:s17], $0x4000  }
0x8a: {  	[sflag:s17] =	ssyncset.done $0x0  }
0x8b: {  	[sflag:s17] =	ssyncadd.s32 $0xFFFFC000  }
0x8c: {  	_ =	swait.ge [sflag:s22], $0x4000  }
0x8d: {  	[sflag:s22] =	ssyncset.done $0x0  }
0x8e: {  	[sflag:s22] =	ssyncadd.s32 $0xFFFFC000  }
0x8f: {  	[spmem:s2] =	stream.indirect.scatter.add.f32 [tilespmem:s18], [sflag:$0x3], $0x80, s25, s20, $0xb8;
	[tilespmem:$0x1E400] =	vst v63  }
0x90: {  	_ =	swait.ge [sflag:s17], $0x4000  }
0x91: {  	[sflag:s17] =	ssyncset.done $0x0  }
0x92: {  	s30 =	simm.s32 $0x0;
	[sflag:s17] =	ssyncadd.s32 $0xFFFFC000  }
0x93: {  	[tilespmem:s30], [sflag:$0x3] =	stream.linear.gather [hbm4b:s12+s30], $0x1400, $0x38;
	[tilespmem:$0x1E400] =	vst v63  }
0x94: {  	_ =	swait.ge [sflag:s17], $0x1400  }
0x95: {  	[sflag:s17] =	ssyncset.done $0x0  }
0x96: {  	[sflag:s17] =	ssyncadd.s32 $0xFFFFEC00  }
0x97: {  	[tilespmem:s19], [sflag:$0x3] =	stream.linear.gather [hbm4b:s13+s30], $0x1400, $0x38;
	[tilespmem:$0x1E400] =	vst v63  }
0x98: {  	_ =	swait.ge [sflag:s17], $0x1400  }
0x99: {  	[sflag:s17] =	ssyncset.done $0x0  }
0x9a: {  	[sflag:s17] =	ssyncadd.s32 $0xFFFFEC00  }
0x9b: {  	[tilespmem:s16], [sflag:$0x1] =	stream.indirect.gather [hbm4b:s1+s20], $0x80, s30, s20, $0xb8;
	[tilespmem:$0x1E400] =	vst v63  }
0x9c: {  	s31 =	simm.s32 $0x80  }
0x9d: {  	[tilespmem:s18], [sflag:$0x2] =	stream.indirect.gather [hbm4b:s1+s20], $0x80, s31, s20, $0xb8;
	[tilespmem:$0x1E400] =	vst v63  }
0x9e: {  	_ =	swait.ge [sflag:s21], $0x4000  }
0x9f: {  	[sflag:s21] =	ssyncset.done $0x0  }
0xa0: {  	s29 =	simm.s32 $0x1400;
	[sflag:s21] =	ssyncadd.s32 $0xFFFFC000  }
0xa1: {  	[spmem:s2] =	stream.indirect.scatter.add.f32 [tilespmem:s16], [sflag:$0x3], $0x80, s29, s20, $0xb8;
	[tilespmem:$0x1E400] =	vst v63  }
0xa2: {  	_ =	swait.ge [sflag:s17], $0x4000  }
0xa3: {  	[sflag:s17] =	ssyncset.done $0x0  }
0xa4: {  	s30 =	simm.s32 $0x100;
	[sflag:s17] =	ssyncadd.s32 $0xFFFFC000  }
0xa5: {  	[tilespmem:s16], [sflag:$0x1] =	stream.indirect.gather [hbm4b:s1+s20], $0x80, s30, s20, $0xb8;
	[tilespmem:$0x1E400] =	vst v63  }
0xa6: {  	_ =	swait.ge [sflag:s22], $0x4000  }
0xa7: {  	[sflag:s22] =	ssyncset.done $0x0  }
0xa8: {  	s31 =	simm.s32 $0x1480;
	[sflag:s22] =	ssyncadd.s32 $0xFFFFC000  }
0xa9: {  	[spmem:s2] =	stream.indirect.scatter.add.f32 [tilespmem:s18], [sflag:$0x3], $0x80, s31, s20, $0xb8;
	[tilespmem:$0x1E400] =	vst v63  }
0xaa: {  	_ =	swait.ge [sflag:s17], $0x4000  }
0xab: {  	s26 =	simm.s32 $0x100;
	s28 =	simm.s32 $0x800;
	[sflag:s17] =	ssyncset.done $0x0  }
.LBB2_6:
0xac: {  	s29 =	sadd.s32 $0x80, s26  }
0xad: {  	[sflag:s17] =	ssyncadd.s32 $0xFFFFC000;
	s30 =	smov.u32 s28;
	s31 =	sadd.s32 $0x400, s28  }
0xae: {  	[tilespmem:s18], [sflag:$0x2] =	stream.indirect.gather [hbm4b:s1+s20], $0x80, s29, s20, $0xb8;
	[tilespmem:$0x1E400] =	vst v63  }
0xaf: {  	p0 =	sne.s32 s28, $0x4800;
	_ =	swait.ge [sflag:s21], $0x4000  }
0xb0: {  	[sflag:s21] =	ssyncset.done $0x0  }
0xb1: {  	s28 =	sadd.s32 $0x1400, s26;
	[sflag:s21] =	ssyncadd.s32 $0xFFFFC000  }
0xb2: {  	[spmem:s2] =	stream.indirect.scatter.add.f32 [tilespmem:s16], [sflag:$0x3], $0x80, s28, s20, $0xb8;
	[tilespmem:$0x1E400] =	vst v63  }
0xb3: {  	_ =	swait.ge [sflag:s17], $0x4000  }
0xb4: {  	[sflag:s17] =	ssyncset.done $0x0  }
0xb5: {  	s28 =	sadd.s32 $0x100, s26;
	[sflag:s17] =	ssyncadd.s32 $0xFFFFC000  }
0xb6: {  	[tilespmem:s16], [sflag:$0x1] =	stream.indirect.gather [hbm4b:s1+s20], $0x80, s28, s20, $0xb8;
	[tilespmem:$0x1E400] =	vst v63  }
0xb7: {  	_ =	swait.ge [sflag:s22], $0x4000  }
.Ltmp2:
0xb8: {  	[sflag:s22] =	ssyncset.done $0x0;
	(pc) =	sbr.rel @p0 .LBB2_6-.Ltmp2, $4  }
0xb9: {  	s26 =	sadd.s32 $0x1480, s26;
	[sflag:s22] =	ssyncadd.s32 $0xFFFFC000  }
0xba: {  	[spmem:s2] =	stream.indirect.scatter.add.f32 [tilespmem:s18], [sflag:$0x3], $0x80, s26, s20, $0xb8;
	[tilespmem:$0x1E400] =	vst v63  }
0xbb: {  	_ =	swait.ge [sflag:s17], $0x4000  }
0xbc: {  	s28 =	smov.u32 s31;
	s26 =	sshra.s32 s30, $0x2;
	[sflag:s17] =	ssyncset.done $0x0  }
0xbd: {  	s28 =	sadd.s32 $0x80, s26;
	[sflag:s17] =	ssyncadd.s32 $0xFFFFC000  }
0xbe: {  	[tilespmem:s18], [sflag:$0x2] =	stream.indirect.gather [hbm4b:s1+s20], $0x80, s28, s20, $0xb8;
	[tilespmem:$0x1E400] =	vst v63  }
0xbf: {  	_ =	swait.ge [sflag:s21], $0x4000  }
0xc0: {  	[sflag:s21] =	ssyncset.done $0x0  }
0xc1: {  	s30 =	sadd.s32 $0x1400, s26;
	[sflag:s21] =	ssyncadd.s32 $0xFFFFC000  }
0xc2: {  	[spmem:s2] =	stream.indirect.scatter.add.f32 [tilespmem:s16], [sflag:$0x3], $0x80, s30, s20, $0xb8;
	[tilespmem:$0x1E400] =	vst v63  }
0xc3: {  	_ =	swait.ge [sflag:s17], $0x4000  }
0xc4: {  	[sflag:s17] =	ssyncset.done $0x0  }
0xc5: {  	s31 =	sadd.s32 $0x100, s26;
	[sflag:s17] =	ssyncadd.s32 $0xFFFFC000  }
0xc6: {  	[tilespmem:s16], [sflag:$0x1] =	stream.indirect.gather [hbm4b:s1+s20], $0x80, s31, s20, $0xb8;
	[tilespmem:$0x1E400] =	vst v63  }
0xc7: {  	_ =	swait.ge [sflag:s22], $0x4000  }
0xc8: {  	[sflag:s22] =	ssyncset.done $0x0  }
0xc9: {  	s29 =	sadd.s32 $0x1480, s26;
	[sflag:s22] =	ssyncadd.s32 $0xFFFFC000  }
0xca: {  	[spmem:s2] =	stream.indirect.scatter.add.f32 [tilespmem:s18], [sflag:$0x3], $0x80, s29, s20, $0xb8;
	[tilespmem:$0x1E400] =	vst v63  }
0xcb: {  	_ =	swait.ge [sflag:s17], $0x4000  }
0xcc: {  	[sflag:s17] =	ssyncset.done $0x0  }
0xcd: {  	[sflag:s17] =	ssyncadd.s32 $0xFFFFC000  }
0xce: {  	[tilespmem:s18], [sflag:$0x2] =	stream.indirect.gather [hbm4b:s1+s20], $0x80, s23, s20, $0xb8;
	[tilespmem:$0x1E400] =	vst v63  }
0xcf: {  	_ =	swait.ge [sflag:s21], $0x4000  }
0xd0: {  	[sflag:s21] =	ssyncset.done $0x0  }
0xd1: {  	[sflag:s21] =	ssyncadd.s32 $0xFFFFC000  }
0xd2: {  	[spmem:s2] =	stream.indirect.scatter.add.f32 [tilespmem:s16], [sflag:$0x3], $0x80, s24, s20, $0xb8;
	[tilespmem:$0x1E400] =	vst v63  }
0xd3: {  	_ =	swait.ge [sflag:s17], $0x4000  }
0xd4: {  	[sflag:s17] =	ssyncset.done $0x0  }
0xd5: {  	[sflag:s17] =	ssyncadd.s32 $0xFFFFC000  }
0xd6: {  	_ =	swait.ge [sflag:s22], $0x4000  }
0xd7: {  	[sflag:s22] =	ssyncset.done $0x0  }
0xd8: {  	[sflag:s22] =	ssyncadd.s32 $0xFFFFC000  }
0xd9: {  	[spmem:s2] =	stream.indirect.scatter.add.f32 [tilespmem:s18], [sflag:$0x3], $0x80, s25, s20, $0xb8;
	[tilespmem:$0x1E400] =	vst v63  }
0xda: {  	_ =	swait.ge [sflag:s17], $0x4000  }
0xdb: {  	s4 =	sadd.s32 $0x1, s4;
	s30 =	sshll.u32 s3, $0x6;
	[sflag:s17] =	ssyncset.done $0x0  }
0xdc: {  	p0 =	sne.s32 s4, s15;
	s26 =	sor.u32 $0x1C03, s30;
	[sflag:s17] =	ssyncadd.s32 $0xFFFFC000  }
.Ltmp3:
0xdd: {  	s31 =	sshrl.u32 s5, $0x3;
	[bflag:$0x0] =	sbarrier.arrive $0xFFFF;
	(pc) =	sbr.rel @p0 .LBB2_1-.Ltmp3, $4  }
0xde: {  	[hbm:s14], [sflag:s26] =	dma.local [spmem:s31], $0x2780  }
0xdf: {  	_ =	swait.ge [sflag:s17], $0x2780  }
0xe0: {  	[sflag:s17] =	ssyncset.done $0x0  }
0xe1: {  	[sflag:s17] =	ssyncadd.s32 $0xFFFFD880  }
0xe2: {  	_ =	sfence.sel $0x180000  }
0xe3: {  	[bflag:$0x0] =	sbarrier.arrive $0xFFFF  }
0xe4: {  	p0 =	sne.s32 s3, $0x0;
	_ =	strace $0x90000047  }
0xe5: {  	s0 =	sadd.s32 @!p0 $0x100000, s0;
	[bflag:$0x2] =	sbarrier.arrive $0xFFFF  }
0xe6: {  	[sflag:s0] =	ssyncadd.tile.s32 @!p0 $0x1;
	_ =	shalt  }
.Lfunc_end2:
_tile_overlayer_lowered:
.L_overlay_start_2:
0xe7: {  	(tag) =	ssettag $0x2  }
0xe8: {  	s0 =	rddreg [dreg:$0x0];
	s2 =	stileid.u32  }
0xe9: {  	s1 =	rddreg [dreg:$0x1];
	p0 =	sne.s32 s2, $0x0  }
0xea: {  	s3 =	rddreg [dreg:$0x2];
	[bflag:$0x3] =	sbarrier.arrive $0xFFFF;
	s2 =	simm.s32 @!p0 $0x1C03  }
0xeb: {  	[timem:s3], [sflag:s2] =	dma.local @!p0 [hbm:s0], s1  }
0xec: {  	s0 =	simm.s32 @!p0 $0x3  }
0xed: {  	_ =	swait.ge @!p0 [sflag:s0], s1  }
0xee: {  	s1 =	ssub.s32 @!p0 $0x0, s1;
	[sflag:s0] =	ssyncset.done @!p0 $0x0  }
0xef: {  	[sflag:s0] =	ssyncadd.s32 @!p0 s1  }
0xf0: {  	[bflag:$0x3] =	sbarrier.arrive $0xFFFF  }
0xf1: {  	_ =	shalt  }

// kernel: kernel.15.cloned.1.call-start
scs
__scs_entry_jumppad:
0x0: {  	(pc) =	sbr.rel $0x88, $3  }
0x1: {  	(tag) =	ssettag $0x0;
	lr =	simm.s32 $0x1  }
0x2: {  	[smem:$0x3F77] =	sst lr;
	_ =	strace $0xD0000000  }
0x3: {  	_ = 	snop  }
0x4: {  	_ = 	snop  }
0x5: {  	_ = 	snop  }
0x6: {  	_ = 	snop  }
0x7: {  	_ = 	snop  }
__scs_overlays_trampoline_lowered:
0x8: {  	[smem:$0x3F86] =	sst s0  }
0x9: {  	[smem:$0x3F87] =	sst s1  }
0xa: {  	[smem:$0x3F88] =	sst s2  }
0xb: {  	[smem:$0x3F89] =	sst s3  }
0xc: {  	[smem:$0x3F8A] =	sst s4  }
0xd: {  	[smem:$0x3F8B] =	sst s5  }
0xe: {  	[smem:$0x3F8C] =	sst s6  }
0xf: {  	[smem:$0x3F8D] =	sst s7  }
0x10: {  	[smem:$0x3F8E] =	sst s8  }
0x11: {  	[smem:$0x3F8F] =	sst s9;
	s0 =	simm.s32 @!p0 $0x0  }
0x12: {  	s1 =	sld [smem:$0x3F75];
	s0 =	simm.s32 @p0 $0x1  }
0x13: {  	[smem:$0x3F90] =	sst s0;
	s0 =	simm.s32 @!p1 $0x0  }
0x14: {  	s2 =	sld [smem:$0x3F74];
	s0 =	simm.s32 @p1 $0x1  }
0x15: {  	[smem:$0x3F91] =	sst s0;
	s0 =	simm.s32 @!p2 $0x0  }
0x16: {  	s3 =	sld [smem:$0x3FDB];
	s0 =	simm.s32 @p2 $0x1  }
0x17: {  	s4 =	simm.s32 $0x1BF5;
	[smem:$0x3F93] =	sst s0  }
0x18: {  	s0 =	sld [smem:$0x3F76];
	_ =	swait.ge [sflag:s4], $0x0  }
0x19: {  	s7 =	sld [smem:$0x3F77]  }
0x1a: {  	s8 =	sadd.s32 $0xFFFFE003, lr  }
0x1b: {  	s9 =	sadd.s32 $0xFFFFFEF7, lr;
	s5 =	simm.s32 $0xFFFFFFFF;
	p2 =	slt.u32 s8, $0xFFFFF086  }
0x1c: {  	p1 =	slt.u32 s9, $0xF7A;
	s5 =	simm.s32 @!p2 $0x0  }
0x1d: {  	s5 =	simm.s32 @p1 $0x1;
	p0 =	seq.s32 s7, s2  }
0x1e: {  	s7 =	smul.u32 @!p0 $0xF7A, s2;
	p2 =	seq.s32 @!p0 s5, $0x0  }
0x1f: {  	s9 =	smul.u32 $0xF7A, s1;
	s8 =	simm.s32 @!p0 $0x1BF5;
	p2 =	por !p2, p0  }
0x20: {  	[sflag:s8] =	ssyncset.s32 @!p0 $0xFFFFF086;
	s6 =	sadd.s32 @!p0 s3, s7;
	s7 =	simm.s32 @!p0 $0x108  }
0x21: {  	s3 =	sadd.s32 s3, s9;
	s6 =	sadd.s32 @!p0 $0x88, s6;
	s7 =	simm.s32 @p2 $0x1082  }
0x22: {  	[simem:s7], [sflag:s8] =	dma.local @!p0 [hbm:s6], $0xF7A  }
0x23: {  	s9 =	sor.u32 $0xD0000000, s2;
	s6 =	simm.s32 $0x108;
	_ =	swait.ge @!p0 [sflag:s8], $0x0  }
0x24: {  	s3 =	sadd.s32 $0x88, s3;
	s6 =	simm.s32 @!p1 $0x1082;
	[sflag:s4] =	ssyncset.s32 $0xFFFFF086  }
0x25: {  	[simem:s6], [sflag:s4] =	dma.local [hbm:s3], $0xF7A  }
0x26: {  	[smem:$0x3F77] =	sst s1;
	(tag) =	ssettag s2;
	_ =	strace s9  }
0x27: {  	s1 =	sld [smem:$0x3F87]  }
0x28: {  	s2 =	sld [smem:$0x3F88]  }
0x29: {  	s4 =	sld [smem:$0x3F8A]  }
0x2a: {  	p0 =	seq.s32 s5, $0x0;
	s5 =	sld [smem:$0x3F8B]  }
0x2b: {  	s6 =	sld [smem:$0x3F8C]  }
0x2c: {  	s7 =	sld [smem:$0x3F8D]  }
0x2d: {  	s3 =	simm.s32 $0x108;
	s8 =	sld [smem:$0x3F8E]  }
0x2e: {  	s3 =	simm.s32 @!p0 $0x1082;
	s9 =	sld [smem:$0x3F8F]  }
0x2f: {  	lr =	sadd.s32 s0, s3;
	s0 =	sld [smem:$0x3F86]  }
0x30: {  	s3 =	sld [smem:$0x3F89]  }
0x31: {  	[smem:$0x3F92] =	sst s10  }
0x32: {  	s10 =	sld [smem:$0x3F90];
	_ =	sdelay $0x3  }
0x33: {  	p0 =	seq.s32 s10, $0x1;
	s10 =	sld [smem:$0x3F92];
	_ =	sdelay $0x3  }
0x34: {  	[smem:$0x3F92] =	sst s10  }
0x35: {  	s10 =	sld [smem:$0x3F91];
	_ =	sdelay $0x3  }
0x36: {  	p1 =	seq.s32 s10, $0x1;
	s10 =	sld [smem:$0x3F92];
	_ =	sdelay $0x3  }
0x37: {  	[smem:$0x3F92] =	sst s10  }
0x38: {  	s10 =	sld [smem:$0x3F93]  }
0x39: {  	_ = 	snop;
	(pc) =	sbr.ind lr, $3  }
0x3a: {  	_ = 	snop  }
0x3b: {  	_ = 	snop  }
0x3c: {  	p2 =	seq.s32 s10, $0x1;
	s10 =	sld [smem:$0x3F92]  }
0x3d: {  	_ =	shalt  }
0x3e: {  	_ =	shalt  }
0x3f: {  	_ =	shalt  }
0x40: {  	_ =	shalt  }
0x41: {  	_ =	shalt  }
0x42: {  	_ =	shalt  }
0x43: {  	_ =	shalt  }
0x44: {  	_ =	shalt  }
0x45: {  	_ =	shalt  }
0x46: {  	_ =	shalt  }
0x47: {  	_ =	shalt  }
0x48: {  	_ =	shalt  }
0x49: {  	_ =	shalt  }
0x4a: {  	_ =	shalt  }
0x4b: {  	_ =	shalt  }
0x4c: {  	_ =	shalt  }
0x4d: {  	_ =	shalt  }
0x4e: {  	_ =	shalt  }
0x4f: {  	_ =	shalt  }
0x50: {  	_ =	shalt  }
0x51: {  	_ =	shalt  }
0x52: {  	_ =	shalt  }
0x53: {  	_ =	shalt  }
0x54: {  	_ =	shalt  }
0x55: {  	_ =	shalt  }
0x56: {  	_ =	shalt  }
0x57: {  	_ =	shalt  }
0x58: {  	_ =	shalt  }
0x59: {  	_ =	shalt  }
0x5a: {  	_ =	shalt  }
0x5b: {  	_ =	shalt  }
0x5c: {  	_ =	shalt  }
0x5d: {  	_ =	shalt  }
0x5e: {  	_ =	shalt  }
0x5f: {  	_ =	shalt  }
0x60: {  	_ =	shalt  }
0x61: {  	_ =	shalt  }
0x62: {  	_ =	shalt  }
0x63: {  	_ =	shalt  }
0x64: {  	_ =	shalt  }
0x65: {  	_ =	shalt  }
0x66: {  	_ =	shalt  }
0x67: {  	_ =	shalt  }
0x68: {  	_ =	shalt  }
0x69: {  	_ =	shalt  }
0x6a: {  	_ =	shalt  }
0x6b: {  	_ =	shalt  }
0x6c: {  	_ =	shalt  }
0x6d: {  	_ =	shalt  }
0x6e: {  	_ =	shalt  }
0x6f: {  	_ =	shalt  }
0x70: {  	_ =	shalt  }
0x71: {  	_ =	shalt  }
0x72: {  	_ =	shalt  }
0x73: {  	_ =	shalt  }
0x74: {  	_ =	shalt  }
0x75: {  	_ =	shalt  }
0x76: {  	_ =	shalt  }
0x77: {  	_ =	shalt  }
0x78: {  	_ =	shalt  }
0x79: {  	_ =	shalt  }
0x7a: {  	_ =	shalt  }
0x7b: {  	_ =	shalt  }
0x7c: {  	_ =	shalt  }
0x7d: {  	_ =	shalt  }
0x7e: {  	_ =	shalt  }
0x7f: {  	_ =	shalt  }
0x80: {  	_ =	shalt  }
0x81: {  	_ =	shalt  }
0x82: {  	_ =	shalt  }
0x83: {  	_ =	shalt  }
0x84: {  	_ =	shalt  }
0x85: {  	_ =	shalt  }
0x86: {  	_ =	shalt  }
0x87: {  	_ =	shalt  }
.Lfunc_end0:
.L_simem_size_0:
called_computation.1_lowered:
.L_overlay_start_0:
0x88: {  	s2 =	sld [smem:$0x3FD9]  }
0x89: {  	s3 =	sld [smem:$0x3FFE];
	_ =	sdelay $0x1  }
0x8a: {  	s1 =	srdreg.scid  }
0x8b: {  	s0 =	sand.u32 $0x1, s1  }
0x8c: {  	s17 =	sshll.u32 s0, $0xA;
	s2 =	sadd.s32 s3, s2  }
0x8d: {  	s2 =	sadd.s32 s2, s17  }
0x8e: {  	[smem:$0x3F9E] =	sst s2  }
0x8f: {  	_ = 	snop  }
0x90: {  	s2 =	sld [smem:$0x3FD0];
	(tm) =	ssettm $0x1  }
0x91: {  	s18 =	sld [smem:$0x3FFB];
	_ =	sdelay $0x3  }
0x92: {  	_ =	strace s18  }
0x93: {  	s3 =	sld [smem:$0x3FFC];
	_ =	sdelay $0x3  }
0x94: {  	_ =	strace s3  }
0x95: {  	s3 =	sld [smem:$0x3FFD];
	_ =	sdelay $0x3  }
0x96: {  	_ =	strace s3  }
0x97: {  	_ =	strace $0x8FFFFFFF  }
0x98: {  	s19 =	sld [smem:$0x3FDB];
	_ =	sdelay $0x1  }
0x99: {  	s4 =	simm.s32 $_scs_section_size  }
0x9a: {  	s5 =	simm.s32 $_size__tile_overlayer_lowered;
	s6 =	simm.s32 $_tile_overlayer_lowered  }
0x9b: {  	s22 =	simm.s32 $0x1BFF;
	s21 =	sshll.u32 s6, $0x1;
	s3 =	sadd.s32 s4, s19  }
0x9c: {  	s7 =	simm.s32 $0x0;
	s20 =	sshll.u32 s5, $0x1;
	s5 =	sadd.s32 s21, s3  }
0x9d: {  	[timem:s7], [sflag:s22] =	dma.local [hbm:s5], s20  }
0x9e: {  	_ =	swait.ge [sflag:s22], s20  }
0x9f: {  	s4 =	ssub.s32 $0x0, s20;
	[sflag:s22] =	ssyncset.done $0x0  }
0xa0: {  	[sflag:s22] =	ssyncadd.s32 s4;
	_ =	sdelay $0x1  }
0xa1: {  	s23 =	simm.s32 $0x1B8B  }
0xa2: {  	_ =	swait.ge [sflag:s23], $0x1  }
0xa3: {  	[sflag:s23] =	ssyncset.done $0x0  }
0xa4: {  	s25 =	simm.s32 $0x1B8E;
	s24 =	sld [smem:$0x3FFE];
	[sflag:s23] =	ssyncadd.s32 $0xFFFFFFFF  }
0xa5: {  	s26 =	simm.s32 $execute0_lowered;
	[smem:$0x3FD2] =	sst s25  }
0xa6: {  	s5 =	sshll.u32 s26, $0x1;
	_ =	strace $0x80000049;
	[dreg:$0x1] =	wrdreg $0xFFFFFFFF  }
0xa7: {  	s28 =	simm.s32 $_size_execute0_lowered;
	s3 =	sadd.s32 s3, s5;
	[dreg:$0x0] =	wrdreg $0x0  }
0xa8: {  	s5 =	sshll.u32 s28, $0x1;
	[dreg:$0x2] =	wrdreg s3  }
0xa9: {  	[dreg:$0x3] =	wrdreg s5  }
0xaa: {  	[dreg:$0x4] =	wrdreg $0xC0  }
0xab: {  	_ =	task [dreg:s7], $0x5FFFF  }
0xac: {  	[dreg:$0x1] =	wrdreg $0xFFFFFFFF  }
0xad: {  	[dreg:$0x0] =	wrdreg $0x60  }
0xae: {  	[dreg:$0x2] =	wrdreg s2  }
0xaf: {  	[dreg:$0x3] =	wrdreg s24  }
0xb0: {  	[dreg:$0x4] =	wrdreg $0xA8000  }
0xb1: {  	[dreg:$0x5] =	wrdreg $0x9  }
0xb2: {  	_ =	task.clear_ibuf [dreg:s7], $0x6FFFF;
	_ =	strace $0x90000049  }
0xb3: {  	s29 =	simm.s32 $0x9;
	_ =	strace $0x8000004B  }
0xb4: {  	_ =	swait.ge [sflag:s29], $0x1  }
0xb5: {  	[sflag:s29] =	ssyncadd.s32 $0xFFFFFFFF  }
0xb6: {  	_ =	strace $0x9000004B  }
0xb7: {  	_ =	sfence  }
0xb8: {  	s30 =	sld [smem:$0x0];
	_ =	sdelay $0x2  }
0xb9: {  	s31 =	sshll.u32 s1, $0xD;
	s1 =	sshrl.u32 s1, $0x2  }
0xba: {  	s3 =	sand.u32 $0x4000, s31;
	s1 =	sadd.s32 s1, s30  }
0xbb: {  	s0 =	sor.u32 s3, s0;
	s1 =	sshll.u32 s1, $0x11  }
0xbc: {  	s0 =	sor.u32 s1, s0  }
0xbd: {  	s0 =	sadd.s32 $0x8F2B, s0  }
0xbe: {  	[sflag:s0] =	ssyncadd.remote.s32 $0x1  }
0xbf: {  	_ =	sfence.sel $0xFFFF  }
0xc0: {  	[dreg:$0x0] =	wrdreg $0xFFFFFFFF;
	(pc) =	sbr.abs _section_cstart, $3  }
0xc1: {  	[dreg:$0x1] =	wrdreg $0xFFFFFFFF  }
0xc2: {  	_ =	task.clear_ibuf [dreg:s7], $0x2FFFF;
	_ =	strace $0x9FFFFFFF  }
0xc3: {  	(tm) =	ssettm $0x7FFFFFFF  }
tec
execute0_lowered:
.L_overlay_start_1:
0x0: {  	(tag) =	ssettag $0x1  }
0x1: {  	s1 =	rddreg [dreg:$0x0]  }
0x2: {  	s6 =	rddreg [dreg:$0x1]  }
0x3: {  	s2 =	rddreg [dreg:$0x2]  }
0x4: {  	s3 =	srdreg.scid;
	s0 =	rddreg [dreg:$0x3];
	s4 =	simm.s32 $0x0  }
0x5: {  	s17 =	simm.s32 $0x3;
	s18 =	simm.s32 $0x6800;
	s19 =	simm.s32 $0x1400  }
0x6: {  	s20 =	simm.s32 $0x80;
	s21 =	simm.s32 $0x1;
	s22 =	simm.s32 $0x2  }
0x7: {  	s23 =	simm.s32 $0x1380;
	s24 =	simm.s32 $0x2700;
	s5 =	sand.u32 $0x1, s3  }
0x8: {  	s25 =	simm.s32 $0x2780;
	s3 =	stileid.u32;
	s7 =	smul.u32 $0x13C000, s5  }
0x9: {  	[smem:$0x7FF] =	sst s4;
	s12 =	sadd.s32 $0x8400, s6;
	s8 =	smul.u32 $0x13C00, s3  }
0xa: {  	s13 =	sadd.s32 $0x12400, s6;
	s29 =	smul.u32 $0x4F000, s3;
	s9 =	sshll.u32 s3, $0x1  }
0xb: {  	_ =	strace $0x8000004A;
	s10 =	ssub.s32 $0x2, s5;
	s9 =	sor.u32 s5, s9  }
0xc: {  	s31 =	sshrl.u32 s10, $0x1;
	s7 =	sadd.s32 s8, s7;
	s30 =	sshrl.u32 s29, $0x2  }
0xd: {  	s9 =	smul.u32 $0x2800, s9;
	s15 =	ssub.s32 s10, s31;
	s7 =	sshrl.u32 s7, $0x3  }
0xe: {  	s5 =	sadd.s32 s30, s2;
	s15 =	smax.u32 s15, $0x1;
	s14 =	sadd.s32 s7, s6  }
0xf: {  	s6 =	sadd.s32 $0x4000, s5;
	s7 =	sadd.s32 $0x8000, s5;
	s11 =	sshrl.u32 s9, $0x3  }
0x10: {  	s8 =	sadd.s32 $0xC000, s5;
	s9 =	sadd.s32 $0x10000, s5;
	s10 =	sadd.s32 s12, s11  }
0x11: {  	s16 =	sadd.s32 $0x280, s11;
	s11 =	sadd.s32 s13, s11;
	s14 =	sadd.s32 $0x6B400, s14  }
0x12: {  	v0 =	vimm.f32 $0.0e+00;
	s12 =	sadd.s32 s12, s16;
	s13 =	sadd.s32 s13, s16;
	s16 =	simm.s32 $0x2800  }
.LBB2_1:
0x13: {  	s26 =	simm.s32 $0x0;
	s28 =	simm.s32 $0x200  }
.LBB2_2:
0x14: {  	p0 =	sne.s32 s28, $0xFE00;
	[tilespmem:s26+$0x6870] =	vst v0  }
0x15: {  	[tilespmem:s26+$0x2800] =	vst v0  }
0x16: {  	[tilespmem:s26+$0x6800] =	vst v0  }
0x17: {  	[tilespmem:s26+$0x2810] =	vst v0  }
0x18: {  	[tilespmem:s26+$0x6810] =	vst v0  }
0x19: {  	[tilespmem:s26+$0x2820] =	vst v0  }
0x1a: {  	[tilespmem:s26+$0x6820] =	vst v0  }
0x1b: {  	[tilespmem:s26+$0x2830] =	vst v0  }
0x1c: {  	[tilespmem:s26+$0x6830] =	vst v0  }
0x1d: {  	[tilespmem:s26+$0x2840] =	vst v0  }
0x1e: {  	[tilespmem:s26+$0x6840] =	vst v0  }
.Ltmp0:
0x1f: {  	[tilespmem:s26+$0x2850] =	vst v0;
	(pc) =	sbr.rel @p0 .LBB2_2-.Ltmp0, $4  }
0x20: {  	[tilespmem:s26+$0x6850] =	vst v0  }
0x21: {  	[tilespmem:s26+$0x2860] =	vst v0  }
0x22: {  	[tilespmem:s26+$0x6860] =	vst v0  }
0x23: {  	[tilespmem:s26+$0x2870] =	vst v0;
	s26 =	sshra.s32 s28, $0x2;
	s28 =	sadd.s32 $0x200, s28  }
0x24: {  	[tilespmem:s26+$0x6870] =	vst v0  }
0x25: {  	[tilespmem:s26+$0x2800] =	vst v0  }
0x26: {  	[tilespmem:s26+$0x6800] =	vst v0  }
0x27: {  	[tilespmem:s26+$0x2810] =	vst v0  }
0x28: {  	[tilespmem:s26+$0x6810] =	vst v0  }
0x29: {  	[tilespmem:s26+$0x2820] =	vst v0  }
0x2a: {  	[tilespmem:s26+$0x6820] =	vst v0  }
0x2b: {  	[tilespmem:s26+$0x2830] =	vst v0  }
0x2c: {  	[tilespmem:s26+$0x6830] =	vst v0  }
0x2d: {  	[tilespmem:s26+$0x2840] =	vst v0  }
0x2e: {  	[tilespmem:s26+$0x6840] =	vst v0  }
0x2f: {  	[tilespmem:s26+$0x2850] =	vst v0  }
0x30: {  	[tilespmem:s26+$0x6850] =	vst v0  }
0x31: {  	[tilespmem:s26+$0x2860] =	vst v0  }
0x32: {  	[tilespmem:s26+$0x6860] =	vst v0  }
0x33: {  	[tilespmem:s26+$0x2870] =	vst v0  }
0x34: {  	[spmem:s5] =	stream.linear.scatter [tilespmem:s16], [sflag:$0x3], $0x4000, $0x38;
	[tilespmem:$0x1E400] =	vst v63  }
0x35: {  	_ =	swait.ge [sflag:s17], $0x4000  }
0x36: {  	[sflag:s17] =	ssyncset.done $0x0  }
0x37: {  	[sflag:s17] =	ssyncadd.s32 $0xFFFFC000  }
0x38: {  	[spmem:s6] =	stream.linear.scatter [tilespmem:s18], [sflag:$0x3], $0x4000, $0x38;
	[tilespmem:$0x1E400] =	vst v63  }
0x39: {  	_ =	swait.ge [sflag:s17], $0x4000  }
0x3a: {  	[sflag:s17] =	ssyncset.done $0x0  }
0x3b: {  	[sflag:s17] =	ssyncadd.s32 $0xFFFFC000  }
0x3c: {  	[spmem:s7] =	stream.linear.scatter [tilespmem:s16], [sflag:$0x3], $0x4000, $0x38;
	[tilespmem:$0x1E400] =	vst v63  }
0x3d: {  	_ =	swait.ge [sflag:s17], $0x4000  }
0x3e: {  	[sflag:s17] =	ssyncset.done $0x0  }
0x3f: {  	[sflag:s17] =	ssyncadd.s32 $0xFFFFC000  }
0x40: {  	[spmem:s8] =	stream.linear.scatter [tilespmem:s18], [sflag:$0x3], $0x4000, $0x38;
	[tilespmem:$0x1E400] =	vst v63  }
0x41: {  	_ =	swait.ge [sflag:s17], $0x4000  }
0x42: {  	[sflag:s17] =	ssyncset.done $0x0  }
0x43: {  	[sflag:s17] =	ssyncadd.s32 $0xFFFFC000  }
0x44: {  	[spmem:s9] =	stream.linear.scatter [tilespmem:s16], [sflag:$0x3], $0x3C00, $0x38;
	[tilespmem:$0x1E400] =	vst v63  }
0x45: {  	_ =	swait.ge [sflag:s17], $0x3C00  }
0x46: {  	[sflag:s17] =	ssyncset.done $0x0  }
0x47: {  	[sflag:s17] =	ssyncadd.s32 $0xFFFFC400  }
0x48: {  	s30 =	simm.s32 $0x0;
	[bflag:$0x0] =	sbarrier.arrive $0xFFFF  }
0x49: {  	[tilespmem:s30], [sflag:$0x3] =	stream.linear.gather [hbm4b:s10+s30], $0x1400, $0x38;
	[tilespmem:$0x1E400] =	vst v63  }
0x4a: {  	_ =	swait.ge [sflag:s17], $0x1400  }
0x4b: {  	[sflag:s17] =	ssyncset.done $0x0  }
0x4c: {  	[sflag:s17] =	ssyncadd.s32 $0xFFFFEC00  }
0x4d: {  	[tilespmem:s19], [sflag:$0x3] =	stream.linear.gather [hbm4b:s11+s30], $0x1400, $0x38;
	[tilespmem:$0x1E400] =	vst v63  }
0x4e: {  	_ =	swait.ge [sflag:s17], $0x1400  }
0x4f: {  	[sflag:s17] =	ssyncset.done $0x0  }
0x50: {  	[sflag:s17] =	ssyncadd.s32 $0xFFFFEC00  }
0x51: {  	[tilespmem:s16], [sflag:$0x1] =	stream.indirect.gather [hbm4b:s1+s20], $0x80, s30, s20, $0xb8;
	[tilespmem:$0x1E400] =	vst v63  }
0x52: {  	s31 =	simm.s32 $0x80  }
0x53: {  	[tilespmem:s18], [sflag:$0x2] =	stream.indirect.gather [hbm4b:s1+s20], $0x80, s31, s20, $0xb8;
	[tilespmem:$0x1E400] =	vst v63  }
0x54: {  	_ =	swait.ge [sflag:s21], $0x4000  }
0x55: {  	[sflag:s21] =	ssyncset.done $0x0  }
0x56: {  	s29 =	simm.s32 $0x1400;
	[sflag:s21] =	ssyncadd.s32 $0xFFFFC000  }
0x57: {  	[spmem:s2] =	stream.indirect.scatter.add.f32 [tilespmem:s16], [sflag:$0x3], $0x80, s29, s20, $0xb8;
	[tilespmem:$0x1E400] =	vst v63  }
0x58: {  	_ =	swait.ge [sflag:s17], $0x4000  }
0x59: {  	[sflag:s17] =	ssyncset.done $0x0  }
0x5a: {  	s30 =	simm.s32 $0x100;
	[sflag:s17] =	ssyncadd.s32 $0xFFFFC000  }
0x5b: {  	[tilespmem:s16], [sflag:$0x1] =	stream.indirect.gather [hbm4b:s1+s20], $0x80, s30, s20, $0xb8;
	[tilespmem:$0x1E400] =	vst v63  }
0x5c: {  	_ =	swait.ge [sflag:s22], $0x4000  }
0x5d: {  	[sflag:s22] =	ssyncset.done $0x0  }
0x5e: {  	s31 =	simm.s32 $0x1480;
	[sflag:s22] =	ssyncadd.s32 $0xFFFFC000  }
0x5f: {  	[spmem:s2] =	stream.indirect.scatter.add.f32 [tilespmem:s18], [sflag:$0x3], $0x80, s31, s20, $0xb8;
	[tilespmem:$0x1E400] =	vst v63  }
0x60: {  	_ =	swait.ge [sflag:s17], $0x4000  }
0x61: {  	s28 =	simm.s32 $0x800;
	s26 =	simm.s32 $0x100;
	[sflag:s17] =	ssyncset.done $0x0  }
.LBB2_4:
0x62: {  	s29 =	sadd.s32 $0x80, s26  }
0x63: {  	[sflag:s17] =	ssyncadd.s32 $0xFFFFC000;
	s30 =	smov.u32 s28;
	s31 =	sadd.s32 $0x400, s28  }
0x64: {  	[tilespmem:s18], [sflag:$0x2] =	stream.indirect.gather [hbm4b:s1+s20], $0x80, s29, s20, $0xb8;
	[tilespmem:$0x1E400] =	vst v63  }
0x65: {  	p0 =	sne.s32 s28, $0x4800;
	_ =	swait.ge [sflag:s21], $0x4000  }
0x66: {  	[sflag:s21] =	ssyncset.done $0x0  }
0x67: {  	s28 =	sadd.s32 $0x1400, s26;
	[sflag:s21] =	ssyncadd.s32 $0xFFFFC000  }
0x68: {  	[spmem:s2] =	stream.indirect.scatter.add.f32 [tilespmem:s16], [sflag:$0x3], $0x80, s28, s20, $0xb8;
	[tilespmem:$0x1E400] =	vst v63  }
0x69: {  	_ =	swait.ge [sflag:s17], $0x4000  }
0x6a: {  	[sflag:s17] =	ssyncset.done $0x0  }
0x6b: {  	s28 =	sadd.s32 $0x100, s26;
	[sflag:s17] =	ssyncadd.s32 $0xFFFFC000  }
0x6c: {  	[tilespmem:s16], [sflag:$0x1] =	stream.indirect.gather [hbm4b:s1+s20], $0x80, s28, s20, $0xb8;
	[tilespmem:$0x1E400] =	vst v63  }
0x6d: {  	_ =	swait.ge [sflag:s22], $0x4000  }
.Ltmp1:
0x6e: {  	[sflag:s22] =	ssyncset.done $0x0;
	(pc) =	sbr.rel @p0 .LBB2_4-.Ltmp1, $4  }
0x6f: {  	s26 =	sadd.s32 $0x1480, s26;
	[sflag:s22] =	ssyncadd.s32 $0xFFFFC000  }
0x70: {  	[spmem:s2] =	stream.indirect.scatter.add.f32 [tilespmem:s18], [sflag:$0x3], $0x80, s26, s20, $0xb8;
	[tilespmem:$0x1E400] =	vst v63  }
0x71: {  	_ =	swait.ge [sflag:s17], $0x4000  }
0x72: {  	s28 =	smov.u32 s31;
	s26 =	sshra.s32 s30, $0x2;
	[sflag:s17] =	ssyncset.done $0x0  }
0x73: {  	s28 =	sadd.s32 $0x80, s26;
	[sflag:s17] =	ssyncadd.s32 $0xFFFFC000  }
0x74: {  	[tilespmem:s18], [sflag:$0x2] =	stream.indirect.gather [hbm4b:s1+s20], $0x80, s28, s20, $0xb8;
	[tilespmem:$0x1E400] =	vst v63  }
0x75: {  	_ =	swait.ge [sflag:s21], $0x4000  }
0x76: {  	[sflag:s21] =	ssyncset.done $0x0  }
0x77: {  	s28 =	sadd.s32 $0x1400, s26;
	[sflag:s21] =	ssyncadd.s32 $0xFFFFC000  }
0x78: {  	[spmem:s2] =	stream.indirect.scatter.add.f32 [tilespmem:s16], [sflag:$0x3], $0x80, s28, s20, $0xb8;
	[tilespmem:$0x1E400] =	vst v63  }
0x79: {  	_ =	swait.ge [sflag:s17], $0x4000  }
0x7a: {  	[sflag:s17] =	ssyncset.done $0x0  }
0x7b: {  	s28 =	sadd.s32 $0x100, s26;
	[sflag:s17] =	ssyncadd.s32 $0xFFFFC000  }
0x7c: {  	[tilespmem:s16], [sflag:$0x1] =	stream.indirect.gather [hbm4b:s1+s20], $0x80, s28, s20, $0xb8;
	[tilespmem:$0x1E400] =	vst v63  }
0x7d: {  	_ =	swait.ge [sflag:s22], $0x4000  }
0x7e: {  	[sflag:s22] =	ssyncset.done $0x0  }
0x7f: {  	s29 =	sadd.s32 $0x1480, s26;
	[sflag:s22] =	ssyncadd.s32 $0xFFFFC000  }
0x80: {  	[spmem:s2] =	stream.indirect.scatter.add.f32 [tilespmem:s18], [sflag:$0x3], $0x80, s29, s20, $0xb8;
	[tilespmem:$0x1E400] =	vst v63  }
0x81: {  	_ =	swait.ge [sflag:s17], $0x4000  }
0x82: {  	[sflag:s17] =	ssyncset.done $0x0  }
0x83: {  	[sflag:s17] =	ssyncadd.s32 $0xFFFFC000  }
0x84: {  	[tilespmem:s18], [sflag:$0x2] =	stream.indirect.gather [hbm4b:s1+s20], $0x80, s23, s20, $0xb8;
	[tilespmem:$0x1E400] =	vst v63  }
0x85: {  	_ =	swait.ge [sflag:s21], $0x4000  }
0x86: {  	[sflag:s21] =	ssyncset.done $0x0  }
0x87: {  	[sflag:s21] =	ssyncadd.s32 $0xFFFFC000  }
0x88: {  	[spmem:s2] =	stream.indirect.scatter.add.f32 [tilespmem:s16], [sflag:$0x3], $0x80, s24, s20, $0xb8;
	[tilespmem:$0x1E400] =	vst v63  }
0x89: {  	_ =	swait.ge [sflag:s17], $0x4000  }
0x8a: {  	[sflag:s17] =	ssyncset.done $0x0  }
0x8b: {  	[sflag:s17] =	ssyncadd.s32 $0xFFFFC000  }
0x8c: {  	_ =	swait.ge [sflag:s22], $0x4000  }
0x8d: {  	[sflag:s22] =	ssyncset.done $0x0  }
0x8e: {  	[sflag:s22] =	ssyncadd.s32 $0xFFFFC000  }
0x8f: {  	[spmem:s2] =	stream.indirect.scatter.add.f32 [tilespmem:s18], [sflag:$0x3], $0x80, s25, s20, $0xb8;
	[tilespmem:$0x1E400] =	vst v63  }
0x90: {  	_ =	swait.ge [sflag:s17], $0x4000  }
0x91: {  	[sflag:s17] =	ssyncset.done $0x0  }
0x92: {  	s30 =	simm.s32 $0x0;
	[sflag:s17] =	ssyncadd.s32 $0xFFFFC000  }
0x93: {  	[tilespmem:s30], [sflag:$0x3] =	stream.linear.gather [hbm4b:s12+s30], $0x1400, $0x38;
	[tilespmem:$0x1E400] =	vst v63  }
0x94: {  	_ =	swait.ge [sflag:s17], $0x1400  }
0x95: {  	[sflag:s17] =	ssyncset.done $0x0  }
0x96: {  	[sflag:s17] =	ssyncadd.s32 $0xFFFFEC00  }
0x97: {  	[tilespmem:s19], [sflag:$0x3] =	stream.linear.gather [hbm4b:s13+s30], $0x1400, $0x38;
	[tilespmem:$0x1E400] =	vst v63  }
0x98: {  	_ =	swait.ge [sflag:s17], $0x1400  }
0x99: {  	[sflag:s17] =	ssyncset.done $0x0  }
0x9a: {  	[sflag:s17] =	ssyncadd.s32 $0xFFFFEC00  }
0x9b: {  	[tilespmem:s16], [sflag:$0x1] =	stream.indirect.gather [hbm4b:s1+s20], $0x80, s30, s20, $0xb8;
	[tilespmem:$0x1E400] =	vst v63  }
0x9c: {  	s31 =	simm.s32 $0x80  }
0x9d: {  	[tilespmem:s18], [sflag:$0x2] =	stream.indirect.gather [hbm4b:s1+s20], $0x80, s31, s20, $0xb8;
	[tilespmem:$0x1E400] =	vst v63  }
0x9e: {  	_ =	swait.ge [sflag:s21], $0x4000  }
0x9f: {  	[sflag:s21] =	ssyncset.done $0x0  }
0xa0: {  	s29 =	simm.s32 $0x1400;
	[sflag:s21] =	ssyncadd.s32 $0xFFFFC000  }
0xa1: {  	[spmem:s2] =	stream.indirect.scatter.add.f32 [tilespmem:s16], [sflag:$0x3], $0x80, s29, s20, $0xb8;
	[tilespmem:$0x1E400] =	vst v63  }
0xa2: {  	_ =	swait.ge [sflag:s17], $0x4000  }
0xa3: {  	[sflag:s17] =	ssyncset.done $0x0  }
0xa4: {  	s30 =	simm.s32 $0x100;
	[sflag:s17] =	ssyncadd.s32 $0xFFFFC000  }
0xa5: {  	[tilespmem:s16], [sflag:$0x1] =	stream.indirect.gather [hbm4b:s1+s20], $0x80, s30, s20, $0xb8;
	[tilespmem:$0x1E400] =	vst v63  }
0xa6: {  	_ =	swait.ge [sflag:s22], $0x4000  }
0xa7: {  	[sflag:s22] =	ssyncset.done $0x0  }
0xa8: {  	s31 =	simm.s32 $0x1480;
	[sflag:s22] =	ssyncadd.s32 $0xFFFFC000  }
0xa9: {  	[spmem:s2] =	stream.indirect.scatter.add.f32 [tilespmem:s18], [sflag:$0x3], $0x80, s31, s20, $0xb8;
	[tilespmem:$0x1E400] =	vst v63  }
0xaa: {  	_ =	swait.ge [sflag:s17], $0x4000  }
0xab: {  	s26 =	simm.s32 $0x100;
	s28 =	simm.s32 $0x800;
	[sflag:s17] =	ssyncset.done $0x0  }
.LBB2_6:
0xac: {  	s29 =	sadd.s32 $0x80, s26  }
0xad: {  	[sflag:s17] =	ssyncadd.s32 $0xFFFFC000;
	s30 =	smov.u32 s28;
	s31 =	sadd.s32 $0x400, s28  }
0xae: {  	[tilespmem:s18], [sflag:$0x2] =	stream.indirect.gather [hbm4b:s1+s20], $0x80, s29, s20, $0xb8;
	[tilespmem:$0x1E400] =	vst v63  }
0xaf: {  	p0 =	sne.s32 s28, $0x4800;
	_ =	swait.ge [sflag:s21], $0x4000  }
0xb0: {  	[sflag:s21] =	ssyncset.done $0x0  }
0xb1: {  	s28 =	sadd.s32 $0x1400, s26;
	[sflag:s21] =	ssyncadd.s32 $0xFFFFC000  }
0xb2: {  	[spmem:s2] =	stream.indirect.scatter.add.f32 [tilespmem:s16], [sflag:$0x3], $0x80, s28, s20, $0xb8;
	[tilespmem:$0x1E400] =	vst v63  }
0xb3: {  	_ =	swait.ge [sflag:s17], $0x4000  }
0xb4: {  	[sflag:s17] =	ssyncset.done $0x0  }
0xb5: {  	s28 =	sadd.s32 $0x100, s26;
	[sflag:s17] =	ssyncadd.s32 $0xFFFFC000  }
0xb6: {  	[tilespmem:s16], [sflag:$0x1] =	stream.indirect.gather [hbm4b:s1+s20], $0x80, s28, s20, $0xb8;
	[tilespmem:$0x1E400] =	vst v63  }
0xb7: {  	_ =	swait.ge [sflag:s22], $0x4000  }
.Ltmp2:
0xb8: {  	[sflag:s22] =	ssyncset.done $0x0;
	(pc) =	sbr.rel @p0 .LBB2_6-.Ltmp2, $4  }
0xb9: {  	s26 =	sadd.s32 $0x1480, s26;
	[sflag:s22] =	ssyncadd.s32 $0xFFFFC000  }
0xba: {  	[spmem:s2] =	stream.indirect.scatter.add.f32 [tilespmem:s18], [sflag:$0x3], $0x80, s26, s20, $0xb8;
	[tilespmem:$0x1E400] =	vst v63  }
0xbb: {  	_ =	swait.ge [sflag:s17], $0x4000  }
0xbc: {  	s28 =	smov.u32 s31;
	s26 =	sshra.s32 s30, $0x2;
	[sflag:s17] =	ssyncset.done $0x0  }
0xbd: {  	s28 =	sadd.s32 $0x80, s26;
	[sflag:s17] =	ssyncadd.s32 $0xFFFFC000  }
0xbe: {  	[tilespmem:s18], [sflag:$0x2] =	stream.indirect.gather [hbm4b:s1+s20], $0x80, s28, s20, $0xb8;
	[tilespmem:$0x1E400] =	vst v63  }
0xbf: {  	_ =	swait.ge [sflag:s21], $0x4000  }
0xc0: {  	[sflag:s21] =	ssyncset.done $0x0  }
0xc1: {  	s30 =	sadd.s32 $0x1400, s26;
	[sflag:s21] =	ssyncadd.s32 $0xFFFFC000  }
0xc2: {  	[spmem:s2] =	stream.indirect.scatter.add.f32 [tilespmem:s16], [sflag:$0x3], $0x80, s30, s20, $0xb8;
	[tilespmem:$0x1E400] =	vst v63  }
0xc3: {  	_ =	swait.ge [sflag:s17], $0x4000  }
0xc4: {  	[sflag:s17] =	ssyncset.done $0x0  }
0xc5: {  	s31 =	sadd.s32 $0x100, s26;
	[sflag:s17] =	ssyncadd.s32 $0xFFFFC000  }
0xc6: {  	[tilespmem:s16], [sflag:$0x1] =	stream.indirect.gather [hbm4b:s1+s20], $0x80, s31, s20, $0xb8;
	[tilespmem:$0x1E400] =	vst v63  }
0xc7: {  	_ =	swait.ge [sflag:s22], $0x4000  }
0xc8: {  	[sflag:s22] =	ssyncset.done $0x0  }
0xc9: {  	s29 =	sadd.s32 $0x1480, s26;
	[sflag:s22] =	ssyncadd.s32 $0xFFFFC000  }
0xca: {  	[spmem:s2] =	stream.indirect.scatter.add.f32 [tilespmem:s18], [sflag:$0x3], $0x80, s29, s20, $0xb8;
	[tilespmem:$0x1E400] =	vst v63  }
0xcb: {  	_ =	swait.ge [sflag:s17], $0x4000  }
0xcc: {  	[sflag:s17] =	ssyncset.done $0x0  }
0xcd: {  	[sflag:s17] =	ssyncadd.s32 $0xFFFFC000  }
0xce: {  	[tilespmem:s18], [sflag:$0x2] =	stream.indirect.gather [hbm4b:s1+s20], $0x80, s23, s20, $0xb8;
	[tilespmem:$0x1E400] =	vst v63  }
0xcf: {  	_ =	swait.ge [sflag:s21], $0x4000  }
0xd0: {  	[sflag:s21] =	ssyncset.done $0x0  }
0xd1: {  	[sflag:s21] =	ssyncadd.s32 $0xFFFFC000  }
0xd2: {  	[spmem:s2] =	stream.indirect.scatter.add.f32 [tilespmem:s16], [sflag:$0x3], $0x80, s24, s20, $0xb8;
	[tilespmem:$0x1E400] =	vst v63  }
0xd3: {  	_ =	swait.ge [sflag:s17], $0x4000  }
0xd4: {  	[sflag:s17] =	ssyncset.done $0x0  }
0xd5: {  	[sflag:s17] =	ssyncadd.s32 $0xFFFFC000  }
0xd6: {  	_ =	swait.ge [sflag:s22], $0x4000  }
0xd7: {  	[sflag:s22] =	ssyncset.done $0x0  }
0xd8: {  	[sflag:s22] =	ssyncadd.s32 $0xFFFFC000  }
0xd9: {  	[spmem:s2] =	stream.indirect.scatter.add.f32 [tilespmem:s18], [sflag:$0x3], $0x80, s25, s20, $0xb8;
	[tilespmem:$0x1E400] =	vst v63  }
0xda: {  	_ =	swait.ge [sflag:s17], $0x4000  }
0xdb: {  	s4 =	sadd.s32 $0x1, s4;
	s30 =	sshll.u32 s3, $0x6;
	[sflag:s17] =	ssyncset.done $0x0  }
0xdc: {  	p0 =	sne.s32 s4, s15;
	s26 =	sor.u32 $0x1C03, s30;
	[sflag:s17] =	ssyncadd.s32 $0xFFFFC000  }
.Ltmp3:
0xdd: {  	s31 =	sshrl.u32 s5, $0x3;
	[bflag:$0x0] =	sbarrier.arrive $0xFFFF;
	(pc) =	sbr.rel @p0 .LBB2_1-.Ltmp3, $4  }
0xde: {  	[hbm:s14], [sflag:s26] =	dma.local [spmem:s31], $0x2780  }
0xdf: {  	_ =	swait.ge [sflag:s17], $0x2780  }
0xe0: {  	[sflag:s17] =	ssyncset.done $0x0  }
0xe1: {  	[sflag:s17] =	ssyncadd.s32 $0xFFFFD880  }
0xe2: {  	_ =	sfence.sel $0x180000  }
0xe3: {  	[bflag:$0x0] =	sbarrier.arrive $0xFFFF  }
0xe4: {  	p0 =	sne.s32 s3, $0x0;
	_ =	strace $0x9000004A  }
0xe5: {  	s0 =	sadd.s32 @!p0 $0x100000, s0;
	[bflag:$0x2] =	sbarrier.arrive $0xFFFF  }
0xe6: {  	[sflag:s0] =	ssyncadd.tile.s32 @!p0 $0x1;
	_ =	shalt  }
.Lfunc_end2:
_tile_overlayer_lowered:
.L_overlay_start_2:
0xe7: {  	(tag) =	ssettag $0x2  }
0xe8: {  	s0 =	rddreg [dreg:$0x0];
	s2 =	stileid.u32  }
0xe9: {  	s1 =	rddreg [dreg:$0x1];
	p0 =	sne.s32 s2, $0x0  }
0xea: {  	s3 =	rddreg [dreg:$0x2];
	[bflag:$0x3] =	sbarrier.arrive $0xFFFF;
	s2 =	simm.s32 @!p0 $0x1C03  }
0xeb: {  	[timem:s3], [sflag:s2] =	dma.local @!p0 [hbm:s0], s1  }
0xec: {  	s0 =	simm.s32 @!p0 $0x3  }
0xed: {  	_ =	swait.ge @!p0 [sflag:s0], s1  }
0xee: {  	s1 =	ssub.s32 @!p0 $0x0, s1;
	[sflag:s0] =	ssyncset.done @!p0 $0x0  }
0xef: {  	[sflag:s0] =	ssyncadd.s32 @!p0 s1  }
0xf0: {  	[bflag:$0x3] =	sbarrier.arrive $0xFFFF  }
0xf1: {  	_ =	shalt  }

// kernel: kernel.18.cloned.1.call-start
scs
__scs_entry_jumppad:
0x0: {  	(pc) =	sbr.rel $0x88, $3  }
0x1: {  	(tag) =	ssettag $0x0;
	lr =	simm.s32 $0x1  }
0x2: {  	[smem:$0x3F77] =	sst lr;
	_ =	strace $0xD0000000  }
0x3: {  	_ = 	snop  }
0x4: {  	_ = 	snop  }
0x5: {  	_ = 	snop  }
0x6: {  	_ = 	snop  }
0x7: {  	_ = 	snop  }
__scs_overlays_trampoline_lowered:
0x8: {  	[smem:$0x3F86] =	sst s0  }
0x9: {  	[smem:$0x3F87] =	sst s1  }
0xa: {  	[smem:$0x3F88] =	sst s2  }
0xb: {  	[smem:$0x3F89] =	sst s3  }
0xc: {  	[smem:$0x3F8A] =	sst s4  }
0xd: {  	[smem:$0x3F8B] =	sst s5  }
0xe: {  	[smem:$0x3F8C] =	sst s6  }
0xf: {  	[smem:$0x3F8D] =	sst s7  }
0x10: {  	[smem:$0x3F8E] =	sst s8  }
0x11: {  	[smem:$0x3F8F] =	sst s9;
	s0 =	simm.s32 @!p0 $0x0  }
0x12: {  	s1 =	sld [smem:$0x3F75];
	s0 =	simm.s32 @p0 $0x1  }
0x13: {  	[smem:$0x3F90] =	sst s0;
	s0 =	simm.s32 @!p1 $0x0  }
0x14: {  	s2 =	sld [smem:$0x3F74];
	s0 =	simm.s32 @p1 $0x1  }
0x15: {  	[smem:$0x3F91] =	sst s0;
	s0 =	simm.s32 @!p2 $0x0  }
0x16: {  	s3 =	sld [smem:$0x3FDB];
	s0 =	simm.s32 @p2 $0x1  }
0x17: {  	s4 =	simm.s32 $0x1BF5;
	[smem:$0x3F93] =	sst s0  }
0x18: {  	s0 =	sld [smem:$0x3F76];
	_ =	swait.ge [sflag:s4], $0x0  }
0x19: {  	s7 =	sld [smem:$0x3F77]  }
0x1a: {  	s8 =	sadd.s32 $0xFFFFE003, lr  }
0x1b: {  	s9 =	sadd.s32 $0xFFFFFEF7, lr;
	s5 =	simm.s32 $0xFFFFFFFF;
	p2 =	slt.u32 s8, $0xFFFFF086  }
0x1c: {  	p1 =	slt.u32 s9, $0xF7A;
	s5 =	simm.s32 @!p2 $0x0  }
0x1d: {  	s5 =	simm.s32 @p1 $0x1;
	p0 =	seq.s32 s7, s2  }
0x1e: {  	s7 =	smul.u32 @!p0 $0xF7A, s2;
	p2 =	seq.s32 @!p0 s5, $0x0  }
0x1f: {  	s9 =	smul.u32 $0xF7A, s1;
	s8 =	simm.s32 @!p0 $0x1BF5;
	p2 =	por !p2, p0  }
0x20: {  	[sflag:s8] =	ssyncset.s32 @!p0 $0xFFFFF086;
	s6 =	sadd.s32 @!p0 s3, s7;
	s7 =	simm.s32 @!p0 $0x108  }
0x21: {  	s3 =	sadd.s32 s3, s9;
	s6 =	sadd.s32 @!p0 $0x88, s6;
	s7 =	simm.s32 @p2 $0x1082  }
0x22: {  	[simem:s7], [sflag:s8] =	dma.local @!p0 [hbm:s6], $0xF7A  }
0x23: {  	s9 =	sor.u32 $0xD0000000, s2;
	s6 =	simm.s32 $0x108;
	_ =	swait.ge @!p0 [sflag:s8], $0x0  }
0x24: {  	s3 =	sadd.s32 $0x88, s3;
	s6 =	simm.s32 @!p1 $0x1082;
	[sflag:s4] =	ssyncset.s32 $0xFFFFF086  }
0x25: {  	[simem:s6], [sflag:s4] =	dma.local [hbm:s3], $0xF7A  }
0x26: {  	[smem:$0x3F77] =	sst s1;
	(tag) =	ssettag s2;
	_ =	strace s9  }
0x27: {  	s1 =	sld [smem:$0x3F87]  }
0x28: {  	s2 =	sld [smem:$0x3F88]  }
0x29: {  	s4 =	sld [smem:$0x3F8A]  }
0x2a: {  	p0 =	seq.s32 s5, $0x0;
	s5 =	sld [smem:$0x3F8B]  }
0x2b: {  	s6 =	sld [smem:$0x3F8C]  }
0x2c: {  	s7 =	sld [smem:$0x3F8D]  }
0x2d: {  	s3 =	simm.s32 $0x108;
	s8 =	sld [smem:$0x3F8E]  }
0x2e: {  	s3 =	simm.s32 @!p0 $0x1082;
	s9 =	sld [smem:$0x3F8F]  }
0x2f: {  	lr =	sadd.s32 s0, s3;
	s0 =	sld [smem:$0x3F86]  }
0x30: {  	s3 =	sld [smem:$0x3F89]  }
0x31: {  	[smem:$0x3F92] =	sst s10  }
0x32: {  	s10 =	sld [smem:$0x3F90];
	_ =	sdelay $0x3  }
0x33: {  	p0 =	seq.s32 s10, $0x1;
	s10 =	sld [smem:$0x3F92];
	_ =	sdelay $0x3  }
0x34: {  	[smem:$0x3F92] =	sst s10  }
0x35: {  	s10 =	sld [smem:$0x3F91];
	_ =	sdelay $0x3  }
0x36: {  	p1 =	seq.s32 s10, $0x1;
	s10 =	sld [smem:$0x3F92];
	_ =	sdelay $0x3  }
0x37: {  	[smem:$0x3F92] =	sst s10  }
0x38: {  	s10 =	sld [smem:$0x3F93]  }
0x39: {  	_ = 	snop;
	(pc) =	sbr.ind lr, $3  }
0x3a: {  	_ = 	snop  }
0x3b: {  	_ = 	snop  }
0x3c: {  	p2 =	seq.s32 s10, $0x1;
	s10 =	sld [smem:$0x3F92]  }
0x3d: {  	_ =	shalt  }
0x3e: {  	_ =	shalt  }
0x3f: {  	_ =	shalt  }
0x40: {  	_ =	shalt  }
0x41: {  	_ =	shalt  }
0x42: {  	_ =	shalt  }
0x43: {  	_ =	shalt  }
0x44: {  	_ =	shalt  }
0x45: {  	_ =	shalt  }
0x46: {  	_ =	shalt  }
0x47: {  	_ =	shalt  }
0x48: {  	_ =	shalt  }
0x49: {  	_ =	shalt  }
0x4a: {  	_ =	shalt  }
0x4b: {  	_ =	shalt  }
0x4c: {  	_ =	shalt  }
0x4d: {  	_ =	shalt  }
0x4e: {  	_ =	shalt  }
0x4f: {  	_ =	shalt  }
0x50: {  	_ =	shalt  }
0x51: {  	_ =	shalt  }
0x52: {  	_ =	shalt  }
0x53: {  	_ =	shalt  }
0x54: {  	_ =	shalt  }
0x55: {  	_ =	shalt  }
0x56: {  	_ =	shalt  }
0x57: {  	_ =	shalt  }
0x58: {  	_ =	shalt  }
0x59: {  	_ =	shalt  }
0x5a: {  	_ =	shalt  }
0x5b: {  	_ =	shalt  }
0x5c: {  	_ =	shalt  }
0x5d: {  	_ =	shalt  }
0x5e: {  	_ =	shalt  }
0x5f: {  	_ =	shalt  }
0x60: {  	_ =	shalt  }
0x61: {  	_ =	shalt  }
0x62: {  	_ =	shalt  }
0x63: {  	_ =	shalt  }
0x64: {  	_ =	shalt  }
0x65: {  	_ =	shalt  }
0x66: {  	_ =	shalt  }
0x67: {  	_ =	shalt  }
0x68: {  	_ =	shalt  }
0x69: {  	_ =	shalt  }
0x6a: {  	_ =	shalt  }
0x6b: {  	_ =	shalt  }
0x6c: {  	_ =	shalt  }
0x6d: {  	_ =	shalt  }
0x6e: {  	_ =	shalt  }
0x6f: {  	_ =	shalt  }
0x70: {  	_ =	shalt  }
0x71: {  	_ =	shalt  }
0x72: {  	_ =	shalt  }
0x73: {  	_ =	shalt  }
0x74: {  	_ =	shalt  }
0x75: {  	_ =	shalt  }
0x76: {  	_ =	shalt  }
0x77: {  	_ =	shalt  }
0x78: {  	_ =	shalt  }
0x79: {  	_ =	shalt  }
0x7a: {  	_ =	shalt  }
0x7b: {  	_ =	shalt  }
0x7c: {  	_ =	shalt  }
0x7d: {  	_ =	shalt  }
0x7e: {  	_ =	shalt  }
0x7f: {  	_ =	shalt  }
0x80: {  	_ =	shalt  }
0x81: {  	_ =	shalt  }
0x82: {  	_ =	shalt  }
0x83: {  	_ =	shalt  }
0x84: {  	_ =	shalt  }
0x85: {  	_ =	shalt  }
0x86: {  	_ =	shalt  }
0x87: {  	_ =	shalt  }
.Lfunc_end0:
.L_simem_size_0:
called_computation.2_lowered:
.L_overlay_start_0:
0x88: {  	s2 =	sld [smem:$0x3FD9]  }
0x89: {  	s3 =	sld [smem:$0x3FFE];
	_ =	sdelay $0x1  }
0x8a: {  	s1 =	srdreg.scid  }
0x8b: {  	s0 =	sand.u32 $0x1, s1  }
0x8c: {  	s17 =	sshll.u32 s0, $0xA;
	s2 =	sadd.s32 s3, s2  }
0x8d: {  	s2 =	sadd.s32 s2, s17  }
0x8e: {  	[smem:$0x3F9E] =	sst s2  }
0x8f: {  	_ = 	snop  }
0x90: {  	s2 =	sld [smem:$0x3FD0];
	(tm) =	ssettm $0x1  }
0x91: {  	s18 =	sld [smem:$0x3FFB];
	_ =	sdelay $0x3  }
0x92: {  	_ =	strace s18  }
0x93: {  	s3 =	sld [smem:$0x3FFC];
	_ =	sdelay $0x3  }
0x94: {  	_ =	strace s3  }
0x95: {  	s3 =	sld [smem:$0x3FFD];
	_ =	sdelay $0x3  }
0x96: {  	_ =	strace s3  }
0x97: {  	_ =	strace $0x8FFFFFFF  }
0x98: {  	s19 =	sld [smem:$0x3FDB];
	_ =	sdelay $0x1  }
0x99: {  	s4 =	simm.s32 $_scs_section_size  }
0x9a: {  	s5 =	simm.s32 $_size__tile_overlayer_lowered;
	s6 =	simm.s32 $_tile_overlayer_lowered  }
0x9b: {  	s22 =	simm.s32 $0x1BFF;
	s21 =	sshll.u32 s6, $0x1;
	s3 =	sadd.s32 s4, s19  }
0x9c: {  	s7 =	simm.s32 $0x0;
	s20 =	sshll.u32 s5, $0x1;
	s5 =	sadd.s32 s21, s3  }
0x9d: {  	[timem:s7], [sflag:s22] =	dma.local [hbm:s5], s20  }
0x9e: {  	_ =	swait.ge [sflag:s22], s20  }
0x9f: {  	s4 =	ssub.s32 $0x0, s20;
	[sflag:s22] =	ssyncset.done $0x0  }
0xa0: {  	[sflag:s22] =	ssyncadd.s32 s4;
	_ =	sdelay $0x1  }
0xa1: {  	s23 =	simm.s32 $0x1B8B  }
0xa2: {  	_ =	swait.ge [sflag:s23], $0x1  }
0xa3: {  	[sflag:s23] =	ssyncset.done $0x0  }
0xa4: {  	s25 =	simm.s32 $0x1B8E;
	s24 =	sld [smem:$0x3FFE];
	[sflag:s23] =	ssyncadd.s32 $0xFFFFFFFF  }
0xa5: {  	s26 =	simm.s32 $execute0_lowered;
	[smem:$0x3FD2] =	sst s25  }
0xa6: {  	s5 =	sshll.u32 s26, $0x1;
	_ =	strace $0x8000004C;
	[dreg:$0x1] =	wrdreg $0xFFFFFFFF  }
0xa7: {  	s28 =	simm.s32 $_size_execute0_lowered;
	s3 =	sadd.s32 s3, s5;
	[dreg:$0x0] =	wrdreg $0x0  }
0xa8: {  	s5 =	sshll.u32 s28, $0x1;
	[dreg:$0x2] =	wrdreg s3  }
0xa9: {  	[dreg:$0x3] =	wrdreg s5  }
0xaa: {  	[dreg:$0x4] =	wrdreg $0xC0  }
0xab: {  	_ =	task [dreg:s7], $0x5FFFF  }
0xac: {  	[dreg:$0x1] =	wrdreg $0xFFFFFFFF  }
0xad: {  	[dreg:$0x0] =	wrdreg $0x60  }
0xae: {  	[dreg:$0x2] =	wrdreg s2  }
0xaf: {  	[dreg:$0x3] =	wrdreg s24  }
0xb0: {  	[dreg:$0x4] =	wrdreg $0xA8000  }
0xb1: {  	[dreg:$0x5] =	wrdreg $0x9  }
0xb2: {  	_ =	task.clear_ibuf [dreg:s7], $0x6FFFF;
	_ =	strace $0x9000004C  }
0xb3: {  	s29 =	simm.s32 $0x9;
	_ =	strace $0x8000004E  }
0xb4: {  	_ =	swait.ge [sflag:s29], $0x1  }
0xb5: {  	[sflag:s29] =	ssyncadd.s32 $0xFFFFFFFF  }
0xb6: {  	_ =	strace $0x9000004E  }
0xb7: {  	_ =	sfence  }
0xb8: {  	s30 =	sld [smem:$0x0];
	_ =	sdelay $0x2  }
0xb9: {  	s31 =	sshll.u32 s1, $0xD;
	s1 =	sshrl.u32 s1, $0x2  }
0xba: {  	s3 =	sand.u32 $0x4000, s31;
	s1 =	sadd.s32 s1, s30  }
0xbb: {  	s0 =	sor.u32 s3, s0;
	s1 =	sshll.u32 s1, $0x11  }
0xbc: {  	s0 =	sor.u32 s1, s0  }
0xbd: {  	s0 =	sadd.s32 $0x8F2B, s0  }
0xbe: {  	[sflag:s0] =	ssyncadd.remote.s32 $0x1  }
0xbf: {  	_ =	sfence.sel $0xFFFF  }
0xc0: {  	[dreg:$0x0] =	wrdreg $0xFFFFFFFF;
	(pc) =	sbr.abs _section_cstart, $3  }
0xc1: {  	[dreg:$0x1] =	wrdreg $0xFFFFFFFF  }
0xc2: {  	_ =	task.clear_ibuf [dreg:s7], $0x2FFFF;
	_ =	strace $0x9FFFFFFF  }
0xc3: {  	(tm) =	ssettm $0x7FFFFFFF  }
tec
execute0_lowered:
.L_overlay_start_1:
0x0: {  	(tag) =	ssettag $0x1  }
0x1: {  	s1 =	rddreg [dreg:$0x0]  }
0x2: {  	s6 =	rddreg [dreg:$0x1]  }
0x3: {  	s2 =	rddreg [dreg:$0x2]  }
0x4: {  	s3 =	srdreg.scid;
	s0 =	rddreg [dreg:$0x3];
	s4 =	simm.s32 $0x0  }
0x5: {  	s17 =	simm.s32 $0x3;
	s18 =	simm.s32 $0x6800;
	s19 =	simm.s32 $0x1400  }
0x6: {  	s20 =	simm.s32 $0x80;
	s21 =	simm.s32 $0x1;
	s22 =	simm.s32 $0x2  }
0x7: {  	s23 =	simm.s32 $0x1380;
	s24 =	simm.s32 $0x2700;
	s5 =	sand.u32 $0x1, s3  }
0x8: {  	s25 =	simm.s32 $0x2780;
	s3 =	stileid.u32;
	s7 =	smul.u32 $0x13C000, s5  }
0x9: {  	[smem:$0x7FF] =	sst s4;
	s12 =	sadd.s32 $0x8400, s6;
	s8 =	smul.u32 $0x13C00, s3  }
0xa: {  	s13 =	sadd.s32 $0x12400, s6;
	s29 =	smul.u32 $0x4F000, s3;
	s9 =	sshll.u32 s3, $0x1  }
0xb: {  	_ =	strace $0x8000004D;
	s10 =	ssub.s32 $0x2, s5;
	s9 =	sor.u32 s5, s9  }
0xc: {  	s31 =	sshrl.u32 s10, $0x1;
	s7 =	sadd.s32 s8, s7;
	s30 =	sshrl.u32 s29, $0x2  }
0xd: {  	s9 =	smul.u32 $0x2800, s9;
	s15 =	ssub.s32 s10, s31;
	s7 =	sshrl.u32 s7, $0x3  }
0xe: {  	s5 =	sadd.s32 s30, s2;
	s15 =	smax.u32 s15, $0x1;
	s14 =	sadd.s32 s7, s6  }
0xf: {  	s6 =	sadd.s32 $0x4000, s5;
	s7 =	sadd.s32 $0x8000, s5;
	s11 =	sshrl.u32 s9, $0x3  }
0x10: {  	s8 =	sadd.s32 $0xC000, s5;
	s9 =	sadd.s32 $0x10000, s5;
	s10 =	sadd.s32 s12, s11  }
0x11: {  	s16 =	sadd.s32 $0x280, s11;
	s11 =	sadd.s32 s13, s11;
	s14 =	sadd.s32 $0xBA400, s14  }
0x12: {  	v0 =	vimm.f32 $0.0e+00;
	s12 =	sadd.s32 s12, s16;
	s13 =	sadd.s32 s13, s16;
	s16 =	simm.s32 $0x2800  }
.LBB2_1:
0x13: {  	s26 =	simm.s32 $0x0;
	s28 =	simm.s32 $0x200  }
.LBB2_2:
0x14: {  	p0 =	sne.s32 s28, $0xFE00;
	[tilespmem:s26+$0x6870] =	vst v0  }
0x15: {  	[tilespmem:s26+$0x2800] =	vst v0  }
0x16: {  	[tilespmem:s26+$0x6800] =	vst v0  }
0x17: {  	[tilespmem:s26+$0x2810] =	vst v0  }
0x18: {  	[tilespmem:s26+$0x6810] =	vst v0  }
0x19: {  	[tilespmem:s26+$0x2820] =	vst v0  }
0x1a: {  	[tilespmem:s26+$0x6820] =	vst v0  }
0x1b: {  	[tilespmem:s26+$0x2830] =	vst v0  }
0x1c: {  	[tilespmem:s26+$0x6830] =	vst v0  }
0x1d: {  	[tilespmem:s26+$0x2840] =	vst v0  }
0x1e: {  	[tilespmem:s26+$0x6840] =	vst v0  }
.Ltmp0:
0x1f: {  	[tilespmem:s26+$0x2850] =	vst v0;
	(pc) =	sbr.rel @p0 .LBB2_2-.Ltmp0, $4  }
0x20: {  	[tilespmem:s26+$0x6850] =	vst v0  }
0x21: {  	[tilespmem:s26+$0x2860] =	vst v0  }
0x22: {  	[tilespmem:s26+$0x6860] =	vst v0  }
0x23: {  	[tilespmem:s26+$0x2870] =	vst v0;
	s26 =	sshra.s32 s28, $0x2;
	s28 =	sadd.s32 $0x200, s28  }
0x24: {  	[tilespmem:s26+$0x6870] =	vst v0  }
0x25: {  	[tilespmem:s26+$0x2800] =	vst v0  }
0x26: {  	[tilespmem:s26+$0x6800] =	vst v0  }
0x27: {  	[tilespmem:s26+$0x2810] =	vst v0  }
0x28: {  	[tilespmem:s26+$0x6810] =	vst v0  }
0x29: {  	[tilespmem:s26+$0x2820] =	vst v0  }
0x2a: {  	[tilespmem:s26+$0x6820] =	vst v0  }
0x2b: {  	[tilespmem:s26+$0x2830] =	vst v0  }
0x2c: {  	[tilespmem:s26+$0x6830] =	vst v0  }
0x2d: {  	[tilespmem:s26+$0x2840] =	vst v0  }
0x2e: {  	[tilespmem:s26+$0x6840] =	vst v0  }
0x2f: {  	[tilespmem:s26+$0x2850] =	vst v0  }
0x30: {  	[tilespmem:s26+$0x6850] =	vst v0  }
0x31: {  	[tilespmem:s26+$0x2860] =	vst v0  }
0x32: {  	[tilespmem:s26+$0x6860] =	vst v0  }
0x33: {  	[tilespmem:s26+$0x2870] =	vst v0  }
0x34: {  	[spmem:s5] =	stream.linear.scatter [tilespmem:s16], [sflag:$0x3], $0x4000, $0x38;
	[tilespmem:$0x1E400] =	vst v63  }
0x35: {  	_ =	swait.ge [sflag:s17], $0x4000  }
0x36: {  	[sflag:s17] =	ssyncset.done $0x0  }
0x37: {  	[sflag:s17] =	ssyncadd.s32 $0xFFFFC000  }
0x38: {  	[spmem:s6] =	stream.linear.scatter [tilespmem:s18], [sflag:$0x3], $0x4000, $0x38;
	[tilespmem:$0x1E400] =	vst v63  }
0x39: {  	_ =	swait.ge [sflag:s17], $0x4000  }
0x3a: {  	[sflag:s17] =	ssyncset.done $0x0  }
0x3b: {  	[sflag:s17] =	ssyncadd.s32 $0xFFFFC000  }
0x3c: {  	[spmem:s7] =	stream.linear.scatter [tilespmem:s16], [sflag:$0x3], $0x4000, $0x38;
	[tilespmem:$0x1E400] =	vst v63  }
0x3d: {  	_ =	swait.ge [sflag:s17], $0x4000  }
0x3e: {  	[sflag:s17] =	ssyncset.done $0x0  }
0x3f: {  	[sflag:s17] =	ssyncadd.s32 $0xFFFFC000  }
0x40: {  	[spmem:s8] =	stream.linear.scatter [tilespmem:s18], [sflag:$0x3], $0x4000, $0x38;
	[tilespmem:$0x1E400] =	vst v63  }
0x41: {  	_ =	swait.ge [sflag:s17], $0x4000  }
0x42: {  	[sflag:s17] =	ssyncset.done $0x0  }
0x43: {  	[sflag:s17] =	ssyncadd.s32 $0xFFFFC000  }
0x44: {  	[spmem:s9] =	stream.linear.scatter [tilespmem:s16], [sflag:$0x3], $0x3C00, $0x38;
	[tilespmem:$0x1E400] =	vst v63  }
0x45: {  	_ =	swait.ge [sflag:s17], $0x3C00  }
0x46: {  	[sflag:s17] =	ssyncset.done $0x0  }
0x47: {  	[sflag:s17] =	ssyncadd.s32 $0xFFFFC400  }
0x48: {  	s30 =	simm.s32 $0x0;
	[bflag:$0x0] =	sbarrier.arrive $0xFFFF  }
0x49: {  	[tilespmem:s30], [sflag:$0x3] =	stream.linear.gather [hbm4b:s10+s30], $0x1400, $0x38;
	[tilespmem:$0x1E400] =	vst v63  }
0x4a: {  	_ =	swait.ge [sflag:s17], $0x1400  }
0x4b: {  	[sflag:s17] =	ssyncset.done $0x0  }
0x4c: {  	[sflag:s17] =	ssyncadd.s32 $0xFFFFEC00  }
0x4d: {  	[tilespmem:s19], [sflag:$0x3] =	stream.linear.gather [hbm4b:s11+s30], $0x1400, $0x38;
	[tilespmem:$0x1E400] =	vst v63  }
0x4e: {  	_ =	swait.ge [sflag:s17], $0x1400  }
0x4f: {  	[sflag:s17] =	ssyncset.done $0x0  }
0x50: {  	[sflag:s17] =	ssyncadd.s32 $0xFFFFEC00  }
0x51: {  	[tilespmem:s16], [sflag:$0x1] =	stream.indirect.gather [hbm4b:s1+s20], $0x80, s30, s20, $0xb8;
	[tilespmem:$0x1E400] =	vst v63  }
0x52: {  	s31 =	simm.s32 $0x80  }
0x53: {  	[tilespmem:s18], [sflag:$0x2] =	stream.indirect.gather [hbm4b:s1+s20], $0x80, s31, s20, $0xb8;
	[tilespmem:$0x1E400] =	vst v63  }
0x54: {  	_ =	swait.ge [sflag:s21], $0x4000  }
0x55: {  	[sflag:s21] =	ssyncset.done $0x0  }
0x56: {  	s29 =	simm.s32 $0x1400;
	[sflag:s21] =	ssyncadd.s32 $0xFFFFC000  }
0x57: {  	[spmem:s2] =	stream.indirect.scatter.add.f32 [tilespmem:s16], [sflag:$0x3], $0x80, s29, s20, $0xb8;
	[tilespmem:$0x1E400] =	vst v63  }
0x58: {  	_ =	swait.ge [sflag:s17], $0x4000  }
0x59: {  	[sflag:s17] =	ssyncset.done $0x0  }
0x5a: {  	s30 =	simm.s32 $0x100;
	[sflag:s17] =	ssyncadd.s32 $0xFFFFC000  }
0x5b: {  	[tilespmem:s16], [sflag:$0x1] =	stream.indirect.gather [hbm4b:s1+s20], $0x80, s30, s20, $0xb8;
	[tilespmem:$0x1E400] =	vst v63  }
0x5c: {  	_ =	swait.ge [sflag:s22], $0x4000  }
0x5d: {  	[sflag:s22] =	ssyncset.done $0x0  }
0x5e: {  	s31 =	simm.s32 $0x1480;
	[sflag:s22] =	ssyncadd.s32 $0xFFFFC000  }
0x5f: {  	[spmem:s2] =	stream.indirect.scatter.add.f32 [tilespmem:s18], [sflag:$0x3], $0x80, s31, s20, $0xb8;
	[tilespmem:$0x1E400] =	vst v63  }
0x60: {  	_ =	swait.ge [sflag:s17], $0x4000  }
0x61: {  	s28 =	simm.s32 $0x800;
	s26 =	simm.s32 $0x100;
	[sflag:s17] =	ssyncset.done $0x0  }
.LBB2_4:
0x62: {  	s29 =	sadd.s32 $0x80, s26  }
0x63: {  	[sflag:s17] =	ssyncadd.s32 $0xFFFFC000;
	s30 =	smov.u32 s28;
	s31 =	sadd.s32 $0x400, s28  }
0x64: {  	[tilespmem:s18], [sflag:$0x2] =	stream.indirect.gather [hbm4b:s1+s20], $0x80, s29, s20, $0xb8;
	[tilespmem:$0x1E400] =	vst v63  }
0x65: {  	p0 =	sne.s32 s28, $0x4800;
	_ =	swait.ge [sflag:s21], $0x4000  }
0x66: {  	[sflag:s21] =	ssyncset.done $0x0  }
0x67: {  	s28 =	sadd.s32 $0x1400, s26;
	[sflag:s21] =	ssyncadd.s32 $0xFFFFC000  }
0x68: {  	[spmem:s2] =	stream.indirect.scatter.add.f32 [tilespmem:s16], [sflag:$0x3], $0x80, s28, s20, $0xb8;
	[tilespmem:$0x1E400] =	vst v63  }
0x69: {  	_ =	swait.ge [sflag:s17], $0x4000  }
0x6a: {  	[sflag:s17] =	ssyncset.done $0x0  }
0x6b: {  	s28 =	sadd.s32 $0x100, s26;
	[sflag:s17] =	ssyncadd.s32 $0xFFFFC000  }
0x6c: {  	[tilespmem:s16], [sflag:$0x1] =	stream.indirect.gather [hbm4b:s1+s20], $0x80, s28, s20, $0xb8;
	[tilespmem:$0x1E400] =	vst v63  }
0x6d: {  	_ =	swait.ge [sflag:s22], $0x4000  }
.Ltmp1:
0x6e: {  	[sflag:s22] =	ssyncset.done $0x0;
	(pc) =	sbr.rel @p0 .LBB2_4-.Ltmp1, $4  }
0x6f: {  	s26 =	sadd.s32 $0x1480, s26;
	[sflag:s22] =	ssyncadd.s32 $0xFFFFC000  }
0x70: {  	[spmem:s2] =	stream.indirect.scatter.add.f32 [tilespmem:s18], [sflag:$0x3], $0x80, s26, s20, $0xb8;
	[tilespmem:$0x1E400] =	vst v63  }
0x71: {  	_ =	swait.ge [sflag:s17], $0x4000  }
0x72: {  	s28 =	smov.u32 s31;
	s26 =	sshra.s32 s30, $0x2;
	[sflag:s17] =	ssyncset.done $0x0  }
0x73: {  	s28 =	sadd.s32 $0x80, s26;
	[sflag:s17] =	ssyncadd.s32 $0xFFFFC000  }
0x74: {  	[tilespmem:s18], [sflag:$0x2] =	stream.indirect.gather [hbm4b:s1+s20], $0x80, s28, s20, $0xb8;
	[tilespmem:$0x1E400] =	vst v63  }
0x75: {  	_ =	swait.ge [sflag:s21], $0x4000  }
0x76: {  	[sflag:s21] =	ssyncset.done $0x0  }
0x77: {  	s28 =	sadd.s32 $0x1400, s26;
	[sflag:s21] =	ssyncadd.s32 $0xFFFFC000  }
0x78: {  	[spmem:s2] =	stream.indirect.scatter.add.f32 [tilespmem:s16], [sflag:$0x3], $0x80, s28, s20, $0xb8;
	[tilespmem:$0x1E400] =	vst v63  }
0x79: {  	_ =	swait.ge [sflag:s17], $0x4000  }
0x7a: {  	[sflag:s17] =	ssyncset.done $0x0  }
0x7b: {  	s28 =	sadd.s32 $0x100, s26;
	[sflag:s17] =	ssyncadd.s32 $0xFFFFC000  }
0x7c: {  	[tilespmem:s16], [sflag:$0x1] =	stream.indirect.gather [hbm4b:s1+s20], $0x80, s28, s20, $0xb8;
	[tilespmem:$0x1E400] =	vst v63  }
0x7d: {  	_ =	swait.ge [sflag:s22], $0x4000  }
0x7e: {  	[sflag:s22] =	ssyncset.done $0x0  }
0x7f: {  	s29 =	sadd.s32 $0x1480, s26;
	[sflag:s22] =	ssyncadd.s32 $0xFFFFC000  }
0x80: {  	[spmem:s2] =	stream.indirect.scatter.add.f32 [tilespmem:s18], [sflag:$0x3], $0x80, s29, s20, $0xb8;
	[tilespmem:$0x1E400] =	vst v63  }
0x81: {  	_ =	swait.ge [sflag:s17], $0x4000  }
0x82: {  	[sflag:s17] =	ssyncset.done $0x0  }
0x83: {  	[sflag:s17] =	ssyncadd.s32 $0xFFFFC000  }
0x84: {  	[tilespmem:s18], [sflag:$0x2] =	stream.indirect.gather [hbm4b:s1+s20], $0x80, s23, s20, $0xb8;
	[tilespmem:$0x1E400] =	vst v63  }
0x85: {  	_ =	swait.ge [sflag:s21], $0x4000  }
0x86: {  	[sflag:s21] =	ssyncset.done $0x0  }
0x87: {  	[sflag:s21] =	ssyncadd.s32 $0xFFFFC000  }
0x88: {  	[spmem:s2] =	stream.indirect.scatter.add.f32 [tilespmem:s16], [sflag:$0x3], $0x80, s24, s20, $0xb8;
	[tilespmem:$0x1E400] =	vst v63  }
0x89: {  	_ =	swait.ge [sflag:s17], $0x4000  }
0x8a: {  	[sflag:s17] =	ssyncset.done $0x0  }
0x8b: {  	[sflag:s17] =	ssyncadd.s32 $0xFFFFC000  }
0x8c: {  	_ =	swait.ge [sflag:s22], $0x4000  }
0x8d: {  	[sflag:s22] =	ssyncset.done $0x0  }
0x8e: {  	[sflag:s22] =	ssyncadd.s32 $0xFFFFC000  }
0x8f: {  	[spmem:s2] =	stream.indirect.scatter.add.f32 [tilespmem:s18], [sflag:$0x3], $0x80, s25, s20, $0xb8;
	[tilespmem:$0x1E400] =	vst v63  }
0x90: {  	_ =	swait.ge [sflag:s17], $0x4000  }
0x91: {  	[sflag:s17] =	ssyncset.done $0x0  }
0x92: {  	s30 =	simm.s32 $0x0;
	[sflag:s17] =	ssyncadd.s32 $0xFFFFC000  }
0x93: {  	[tilespmem:s30], [sflag:$0x3] =	stream.linear.gather [hbm4b:s12+s30], $0x1400, $0x38;
	[tilespmem:$0x1E400] =	vst v63  }
0x94: {  	_ =	swait.ge [sflag:s17], $0x1400  }
0x95: {  	[sflag:s17] =	ssyncset.done $0x0  }
0x96: {  	[sflag:s17] =	ssyncadd.s32 $0xFFFFEC00  }
0x97: {  	[tilespmem:s19], [sflag:$0x3] =	stream.linear.gather [hbm4b:s13+s30], $0x1400, $0x38;
	[tilespmem:$0x1E400] =	vst v63  }
0x98: {  	_ =	swait.ge [sflag:s17], $0x1400  }
0x99: {  	[sflag:s17] =	ssyncset.done $0x0  }
0x9a: {  	[sflag:s17] =	ssyncadd.s32 $0xFFFFEC00  }
0x9b: {  	[tilespmem:s16], [sflag:$0x1] =	stream.indirect.gather [hbm4b:s1+s20], $0x80, s30, s20, $0xb8;
	[tilespmem:$0x1E400] =	vst v63  }
0x9c: {  	s31 =	simm.s32 $0x80  }
0x9d: {  	[tilespmem:s18], [sflag:$0x2] =	stream.indirect.gather [hbm4b:s1+s20], $0x80, s31, s20, $0xb8;
	[tilespmem:$0x1E400] =	vst v63  }
0x9e: {  	_ =	swait.ge [sflag:s21], $0x4000  }
0x9f: {  	[sflag:s21] =	ssyncset.done $0x0  }
0xa0: {  	s29 =	simm.s32 $0x1400;
	[sflag:s21] =	ssyncadd.s32 $0xFFFFC000  }
0xa1: {  	[spmem:s2] =	stream.indirect.scatter.add.f32 [tilespmem:s16], [sflag:$0x3], $0x80, s29, s20, $0xb8;
	[tilespmem:$0x1E400] =	vst v63  }
0xa2: {  	_ =	swait.ge [sflag:s17], $0x4000  }
0xa3: {  	[sflag:s17] =	ssyncset.done $0x0  }
0xa4: {  	s30 =	simm.s32 $0x100;
	[sflag:s17] =	ssyncadd.s32 $0xFFFFC000  }
0xa5: {  	[tilespmem:s16], [sflag:$0x1] =	stream.indirect.gather [hbm4b:s1+s20], $0x80, s30, s20, $0xb8;
	[tilespmem:$0x1E400] =	vst v63  }
0xa6: {  	_ =	swait.ge [sflag:s22], $0x4000  }
0xa7: {  	[sflag:s22] =	ssyncset.done $0x0  }
0xa8: {  	s31 =	simm.s32 $0x1480;
	[sflag:s22] =	ssyncadd.s32 $0xFFFFC000  }
0xa9: {  	[spmem:s2] =	stream.indirect.scatter.add.f32 [tilespmem:s18], [sflag:$0x3], $0x80, s31, s20, $0xb8;
	[tilespmem:$0x1E400] =	vst v63  }
0xaa: {  	_ =	swait.ge [sflag:s17], $0x4000  }
0xab: {  	s26 =	simm.s32 $0x100;
	s28 =	simm.s32 $0x800;
	[sflag:s17] =	ssyncset.done $0x0  }
.LBB2_6:
0xac: {  	s29 =	sadd.s32 $0x80, s26  }
0xad: {  	[sflag:s17] =	ssyncadd.s32 $0xFFFFC000;
	s30 =	smov.u32 s28;
	s31 =	sadd.s32 $0x400, s28  }
0xae: {  	[tilespmem:s18], [sflag:$0x2] =	stream.indirect.gather [hbm4b:s1+s20], $0x80, s29, s20, $0xb8;
	[tilespmem:$0x1E400] =	vst v63  }
0xaf: {  	p0 =	sne.s32 s28, $0x4800;
	_ =	swait.ge [sflag:s21], $0x4000  }
0xb0: {  	[sflag:s21] =	ssyncset.done $0x0  }
0xb1: {  	s28 =	sadd.s32 $0x1400, s26;
	[sflag:s21] =	ssyncadd.s32 $0xFFFFC000  }
0xb2: {  	[spmem:s2] =	stream.indirect.scatter.add.f32 [tilespmem:s16], [sflag:$0x3], $0x80, s28, s20, $0xb8;
	[tilespmem:$0x1E400] =	vst v63  }
0xb3: {  	_ =	swait.ge [sflag:s17], $0x4000  }
0xb4: {  	[sflag:s17] =	ssyncset.done $0x0  }
0xb5: {  	s28 =	sadd.s32 $0x100, s26;
	[sflag:s17] =	ssyncadd.s32 $0xFFFFC000  }
0xb6: {  	[tilespmem:s16], [sflag:$0x1] =	stream.indirect.gather [hbm4b:s1+s20], $0x80, s28, s20, $0xb8;
	[tilespmem:$0x1E400] =	vst v63  }
0xb7: {  	_ =	swait.ge [sflag:s22], $0x4000  }
.Ltmp2:
0xb8: {  	[sflag:s22] =	ssyncset.done $0x0;
	(pc) =	sbr.rel @p0 .LBB2_6-.Ltmp2, $4  }
0xb9: {  	s26 =	sadd.s32 $0x1480, s26;
	[sflag:s22] =	ssyncadd.s32 $0xFFFFC000  }
0xba: {  	[spmem:s2] =	stream.indirect.scatter.add.f32 [tilespmem:s18], [sflag:$0x3], $0x80, s26, s20, $0xb8;
	[tilespmem:$0x1E400] =	vst v63  }
0xbb: {  	_ =	swait.ge [sflag:s17], $0x4000  }
0xbc: {  	s28 =	smov.u32 s31;
	s26 =	sshra.s32 s30, $0x2;
	[sflag:s17] =	ssyncset.done $0x0  }
0xbd: {  	s28 =	sadd.s32 $0x80, s26;
	[sflag:s17] =	ssyncadd.s32 $0xFFFFC000  }
0xbe: {  	[tilespmem:s18], [sflag:$0x2] =	stream.indirect.gather [hbm4b:s1+s20], $0x80, s28, s20, $0xb8;
	[tilespmem:$0x1E400] =	vst v63  }
0xbf: {  	_ =	swait.ge [sflag:s21], $0x4000  }
0xc0: {  	[sflag:s21] =	ssyncset.done $0x0  }
0xc1: {  	s30 =	sadd.s32 $0x1400, s26;
	[sflag:s21] =	ssyncadd.s32 $0xFFFFC000  }
0xc2: {  	[spmem:s2] =	stream.indirect.scatter.add.f32 [tilespmem:s16], [sflag:$0x3], $0x80, s30, s20, $0xb8;
	[tilespmem:$0x1E400] =	vst v63  }
0xc3: {  	_ =	swait.ge [sflag:s17], $0x4000  }
0xc4: {  	[sflag:s17] =	ssyncset.done $0x0  }
0xc5: {  	s31 =	sadd.s32 $0x100, s26;
	[sflag:s17] =	ssyncadd.s32 $0xFFFFC000  }
0xc6: {  	[tilespmem:s16], [sflag:$0x1] =	stream.indirect.gather [hbm4b:s1+s20], $0x80, s31, s20, $0xb8;
	[tilespmem:$0x1E400] =	vst v63  }
0xc7: {  	_ =	swait.ge [sflag:s22], $0x4000  }
0xc8: {  	[sflag:s22] =	ssyncset.done $0x0  }
0xc9: {  	s29 =	sadd.s32 $0x1480, s26;
	[sflag:s22] =	ssyncadd.s32 $0xFFFFC000  }
0xca: {  	[spmem:s2] =	stream.indirect.scatter.add.f32 [tilespmem:s18], [sflag:$0x3], $0x80, s29, s20, $0xb8;
	[tilespmem:$0x1E400] =	vst v63  }
0xcb: {  	_ =	swait.ge [sflag:s17], $0x4000  }
0xcc: {  	[sflag:s17] =	ssyncset.done $0x0  }
0xcd: {  	[sflag:s17] =	ssyncadd.s32 $0xFFFFC000  }
0xce: {  	[tilespmem:s18], [sflag:$0x2] =	stream.indirect.gather [hbm4b:s1+s20], $0x80, s23, s20, $0xb8;
	[tilespmem:$0x1E400] =	vst v63  }
0xcf: {  	_ =	swait.ge [sflag:s21], $0x4000  }
0xd0: {  	[sflag:s21] =	ssyncset.done $0x0  }
0xd1: {  	[sflag:s21] =	ssyncadd.s32 $0xFFFFC000  }
0xd2: {  	[spmem:s2] =	stream.indirect.scatter.add.f32 [tilespmem:s16], [sflag:$0x3], $0x80, s24, s20, $0xb8;
	[tilespmem:$0x1E400] =	vst v63  }
0xd3: {  	_ =	swait.ge [sflag:s17], $0x4000  }
0xd4: {  	[sflag:s17] =	ssyncset.done $0x0  }
0xd5: {  	[sflag:s17] =	ssyncadd.s32 $0xFFFFC000  }
0xd6: {  	_ =	swait.ge [sflag:s22], $0x4000  }
0xd7: {  	[sflag:s22] =	ssyncset.done $0x0  }
0xd8: {  	[sflag:s22] =	ssyncadd.s32 $0xFFFFC000  }
0xd9: {  	[spmem:s2] =	stream.indirect.scatter.add.f32 [tilespmem:s18], [sflag:$0x3], $0x80, s25, s20, $0xb8;
	[tilespmem:$0x1E400] =	vst v63  }
0xda: {  	_ =	swait.ge [sflag:s17], $0x4000  }
0xdb: {  	s4 =	sadd.s32 $0x1, s4;
	s30 =	sshll.u32 s3, $0x6;
	[sflag:s17] =	ssyncset.done $0x0  }
0xdc: {  	p0 =	sne.s32 s4, s15;
	s26 =	sor.u32 $0x1C03, s30;
	[sflag:s17] =	ssyncadd.s32 $0xFFFFC000  }
.Ltmp3:
0xdd: {  	s31 =	sshrl.u32 s5, $0x3;
	[bflag:$0x0] =	sbarrier.arrive $0xFFFF;
	(pc) =	sbr.rel @p0 .LBB2_1-.Ltmp3, $4  }
0xde: {  	[hbm:s14], [sflag:s26] =	dma.local [spmem:s31], $0x2780  }
0xdf: {  	_ =	swait.ge [sflag:s17], $0x2780  }
0xe0: {  	[sflag:s17] =	ssyncset.done $0x0  }
0xe1: {  	[sflag:s17] =	ssyncadd.s32 $0xFFFFD880  }
0xe2: {  	_ =	sfence.sel $0x180000  }
0xe3: {  	[bflag:$0x0] =	sbarrier.arrive $0xFFFF  }
0xe4: {  	p0 =	sne.s32 s3, $0x0;
	_ =	strace $0x9000004D  }
0xe5: {  	s0 =	sadd.s32 @!p0 $0x100000, s0;
	[bflag:$0x2] =	sbarrier.arrive $0xFFFF  }
0xe6: {  	[sflag:s0] =	ssyncadd.tile.s32 @!p0 $0x1;
	_ =	shalt  }
.Lfunc_end2:
_tile_overlayer_lowered:
.L_overlay_start_2:
0xe7: {  	(tag) =	ssettag $0x2  }
0xe8: {  	s0 =	rddreg [dreg:$0x0];
	s2 =	stileid.u32  }
0xe9: {  	s1 =	rddreg [dreg:$0x1];
	p0 =	sne.s32 s2, $0x0  }
0xea: {  	s3 =	rddreg [dreg:$0x2];
	[bflag:$0x3] =	sbarrier.arrive $0xFFFF;
	s2 =	simm.s32 @!p0 $0x1C03  }
0xeb: {  	[timem:s3], [sflag:s2] =	dma.local @!p0 [hbm:s0], s1  }
0xec: {  	s0 =	simm.s32 @!p0 $0x3  }
0xed: {  	_ =	swait.ge @!p0 [sflag:s0], s1  }
0xee: {  	s1 =	ssub.s32 @!p0 $0x0, s1;
	[sflag:s0] =	ssyncset.done @!p0 $0x0  }
0xef: {  	[sflag:s0] =	ssyncadd.s32 @!p0 s1  }
0xf0: {  	[bflag:$0x3] =	sbarrier.arrive $0xFFFF  }
0xf1: {  	_ =	shalt  }

// kernel: kernel.21.cloned.1.call-start
scs
__scs_entry_jumppad:
0x0: {  	(pc) =	sbr.rel $0x88, $3  }
0x1: {  	(tag) =	ssettag $0x0;
	lr =	simm.s32 $0x1  }
0x2: {  	[smem:$0x3F77] =	sst lr;
	_ =	strace $0xD0000000  }
0x3: {  	_ = 	snop  }
0x4: {  	_ = 	snop  }
0x5: {  	_ = 	snop  }
0x6: {  	_ = 	snop  }
0x7: {  	_ = 	snop  }
__scs_overlays_trampoline_lowered:
0x8: {  	[smem:$0x3F86] =	sst s0  }
0x9: {  	[smem:$0x3F87] =	sst s1  }
0xa: {  	[smem:$0x3F88] =	sst s2  }
0xb: {  	[smem:$0x3F89] =	sst s3  }
0xc: {  	[smem:$0x3F8A] =	sst s4  }
0xd: {  	[smem:$0x3F8B] =	sst s5  }
0xe: {  	[smem:$0x3F8C] =	sst s6  }
0xf: {  	[smem:$0x3F8D] =	sst s7  }
0x10: {  	[smem:$0x3F8E] =	sst s8  }
0x11: {  	[smem:$0x3F8F] =	sst s9;
	s0 =	simm.s32 @!p0 $0x0  }
0x12: {  	s1 =	sld [smem:$0x3F75];
	s0 =	simm.s32 @p0 $0x1  }
0x13: {  	[smem:$0x3F90] =	sst s0;
	s0 =	simm.s32 @!p1 $0x0  }
0x14: {  	s2 =	sld [smem:$0x3F74];
	s0 =	simm.s32 @p1 $0x1  }
0x15: {  	[smem:$0x3F91] =	sst s0;
	s0 =	simm.s32 @!p2 $0x0  }
0x16: {  	s3 =	sld [smem:$0x3FDB];
	s0 =	simm.s32 @p2 $0x1  }
0x17: {  	s4 =	simm.s32 $0x1BF5;
	[smem:$0x3F93] =	sst s0  }
0x18: {  	s0 =	sld [smem:$0x3F76];
	_ =	swait.ge [sflag:s4], $0x0  }
0x19: {  	s7 =	sld [smem:$0x3F77]  }
0x1a: {  	s8 =	sadd.s32 $0xFFFFE003, lr  }
0x1b: {  	s9 =	sadd.s32 $0xFFFFFEF7, lr;
	s5 =	simm.s32 $0xFFFFFFFF;
	p2 =	slt.u32 s8, $0xFFFFF086  }
0x1c: {  	p1 =	slt.u32 s9, $0xF7A;
	s5 =	simm.s32 @!p2 $0x0  }
0x1d: {  	s5 =	simm.s32 @p1 $0x1;
	p0 =	seq.s32 s7, s2  }
0x1e: {  	s7 =	smul.u32 @!p0 $0xF7A, s2;
	p2 =	seq.s32 @!p0 s5, $0x0  }
0x1f: {  	s9 =	smul.u32 $0xF7A, s1;
	s8 =	simm.s32 @!p0 $0x1BF5;
	p2 =	por !p2, p0  }
0x20: {  	[sflag:s8] =	ssyncset.s32 @!p0 $0xFFFFF086;
	s6 =	sadd.s32 @!p0 s3, s7;
	s7 =	simm.s32 @!p0 $0x108  }
0x21: {  	s3 =	sadd.s32 s3, s9;
	s6 =	sadd.s32 @!p0 $0x88, s6;
	s7 =	simm.s32 @p2 $0x1082  }
0x22: {  	[simem:s7], [sflag:s8] =	dma.local @!p0 [hbm:s6], $0xF7A  }
0x23: {  	s9 =	sor.u32 $0xD0000000, s2;
	s6 =	simm.s32 $0x108;
	_ =	swait.ge @!p0 [sflag:s8], $0x0  }
0x24: {  	s3 =	sadd.s32 $0x88, s3;
	s6 =	simm.s32 @!p1 $0x1082;
	[sflag:s4] =	ssyncset.s32 $0xFFFFF086  }
0x25: {  	[simem:s6], [sflag:s4] =	dma.local [hbm:s3], $0xF7A  }
0x26: {  	[smem:$0x3F77] =	sst s1;
	(tag) =	ssettag s2;
	_ =	strace s9  }
0x27: {  	s1 =	sld [smem:$0x3F87]  }
0x28: {  	s2 =	sld [smem:$0x3F88]  }
0x29: {  	s4 =	sld [smem:$0x3F8A]  }
0x2a: {  	p0 =	seq.s32 s5, $0x0;
	s5 =	sld [smem:$0x3F8B]  }
0x2b: {  	s6 =	sld [smem:$0x3F8C]  }
0x2c: {  	s7 =	sld [smem:$0x3F8D]  }
0x2d: {  	s3 =	simm.s32 $0x108;
	s8 =	sld [smem:$0x3F8E]  }
0x2e: {  	s3 =	simm.s32 @!p0 $0x1082;
	s9 =	sld [smem:$0x3F8F]  }
0x2f: {  	lr =	sadd.s32 s0, s3;
	s0 =	sld [smem:$0x3F86]  }
0x30: {  	s3 =	sld [smem:$0x3F89]  }
0x31: {  	[smem:$0x3F92] =	sst s10  }
0x32: {  	s10 =	sld [smem:$0x3F90];
	_ =	sdelay $0x3  }
0x33: {  	p0 =	seq.s32 s10, $0x1;
	s10 =	sld [smem:$0x3F92];
	_ =	sdelay $0x3  }
0x34: {  	[smem:$0x3F92] =	sst s10  }
0x35: {  	s10 =	sld [smem:$0x3F91];
	_ =	sdelay $0x3  }
0x36: {  	p1 =	seq.s32 s10, $0x1;
	s10 =	sld [smem:$0x3F92];
	_ =	sdelay $0x3  }
0x37: {  	[smem:$0x3F92] =	sst s10  }
0x38: {  	s10 =	sld [smem:$0x3F93]  }
0x39: {  	_ = 	snop;
	(pc) =	sbr.ind lr, $3  }
0x3a: {  	_ = 	snop  }
0x3b: {  	_ = 	snop  }
0x3c: {  	p2 =	seq.s32 s10, $0x1;
	s10 =	sld [smem:$0x3F92]  }
0x3d: {  	_ =	shalt  }
0x3e: {  	_ =	shalt  }
0x3f: {  	_ =	shalt  }
0x40: {  	_ =	shalt  }
0x41: {  	_ =	shalt  }
0x42: {  	_ =	shalt  }
0x43: {  	_ =	shalt  }
0x44: {  	_ =	shalt  }
0x45: {  	_ =	shalt  }
0x46: {  	_ =	shalt  }
0x47: {  	_ =	shalt  }
0x48: {  	_ =	shalt  }
0x49: {  	_ =	shalt  }
0x4a: {  	_ =	shalt  }
0x4b: {  	_ =	shalt  }
0x4c: {  	_ =	shalt  }
0x4d: {  	_ =	shalt  }
0x4e: {  	_ =	shalt  }
0x4f: {  	_ =	shalt  }
0x50: {  	_ =	shalt  }
0x51: {  	_ =	shalt  }
0x52: {  	_ =	shalt  }
0x53: {  	_ =	shalt  }
0x54: {  	_ =	shalt  }
0x55: {  	_ =	shalt  }
0x56: {  	_ =	shalt  }
0x57: {  	_ =	shalt  }
0x58: {  	_ =	shalt  }
0x59: {  	_ =	shalt  }
0x5a: {  	_ =	shalt  }
0x5b: {  	_ =	shalt  }
0x5c: {  	_ =	shalt  }
0x5d: {  	_ =	shalt  }
0x5e: {  	_ =	shalt  }
0x5f: {  	_ =	shalt  }
0x60: {  	_ =	shalt  }
0x61: {  	_ =	shalt  }
0x62: {  	_ =	shalt  }
0x63: {  	_ =	shalt  }
0x64: {  	_ =	shalt  }
0x65: {  	_ =	shalt  }
0x66: {  	_ =	shalt  }
0x67: {  	_ =	shalt  }
0x68: {  	_ =	shalt  }
0x69: {  	_ =	shalt  }
0x6a: {  	_ =	shalt  }
0x6b: {  	_ =	shalt  }
0x6c: {  	_ =	shalt  }
0x6d: {  	_ =	shalt  }
0x6e: {  	_ =	shalt  }
0x6f: {  	_ =	shalt  }
0x70: {  	_ =	shalt  }
0x71: {  	_ =	shalt  }
0x72: {  	_ =	shalt  }
0x73: {  	_ =	shalt  }
0x74: {  	_ =	shalt  }
0x75: {  	_ =	shalt  }
0x76: {  	_ =	shalt  }
0x77: {  	_ =	shalt  }
0x78: {  	_ =	shalt  }
0x79: {  	_ =	shalt  }
0x7a: {  	_ =	shalt  }
0x7b: {  	_ =	shalt  }
0x7c: {  	_ =	shalt  }
0x7d: {  	_ =	shalt  }
0x7e: {  	_ =	shalt  }
0x7f: {  	_ =	shalt  }
0x80: {  	_ =	shalt  }
0x81: {  	_ =	shalt  }
0x82: {  	_ =	shalt  }
0x83: {  	_ =	shalt  }
0x84: {  	_ =	shalt  }
0x85: {  	_ =	shalt  }
0x86: {  	_ =	shalt  }
0x87: {  	_ =	shalt  }
.Lfunc_end0:
.L_simem_size_0:
called_computation.3_lowered:
.L_overlay_start_0:
0x88: {  	s2 =	sld [smem:$0x3FD9]  }
0x89: {  	s3 =	sld [smem:$0x3FFE];
	_ =	sdelay $0x1  }
0x8a: {  	s1 =	srdreg.scid  }
0x8b: {  	s0 =	sand.u32 $0x1, s1  }
0x8c: {  	s17 =	sshll.u32 s0, $0xA;
	s2 =	sadd.s32 s3, s2  }
0x8d: {  	s2 =	sadd.s32 s2, s17  }
0x8e: {  	[smem:$0x3F9E] =	sst s2  }
0x8f: {  	_ = 	snop  }
0x90: {  	s2 =	sld [smem:$0x3FD0];
	(tm) =	ssettm $0x1  }
0x91: {  	s18 =	sld [smem:$0x3FFB];
	_ =	sdelay $0x3  }
0x92: {  	_ =	strace s18  }
0x93: {  	s3 =	sld [smem:$0x3FFC];
	_ =	sdelay $0x3  }
0x94: {  	_ =	strace s3  }
0x95: {  	s3 =	sld [smem:$0x3FFD];
	_ =	sdelay $0x3  }
0x96: {  	_ =	strace s3  }
0x97: {  	_ =	strace $0x8FFFFFFF  }
0x98: {  	s19 =	sld [smem:$0x3FDB];
	_ =	sdelay $0x1  }
0x99: {  	s4 =	simm.s32 $_scs_section_size  }
0x9a: {  	s5 =	simm.s32 $_size__tile_overlayer_lowered;
	s6 =	simm.s32 $_tile_overlayer_lowered  }
0x9b: {  	s22 =	simm.s32 $0x1BFF;
	s21 =	sshll.u32 s6, $0x1;
	s3 =	sadd.s32 s4, s19  }
0x9c: {  	s7 =	simm.s32 $0x0;
	s20 =	sshll.u32 s5, $0x1;
	s5 =	sadd.s32 s21, s3  }
0x9d: {  	[timem:s7], [sflag:s22] =	dma.local [hbm:s5], s20  }
0x9e: {  	_ =	swait.ge [sflag:s22], s20  }
0x9f: {  	s4 =	ssub.s32 $0x0, s20;
	[sflag:s22] =	ssyncset.done $0x0  }
0xa0: {  	[sflag:s22] =	ssyncadd.s32 s4;
	_ =	sdelay $0x1  }
0xa1: {  	s23 =	simm.s32 $0x1B8B  }
0xa2: {  	_ =	swait.ge [sflag:s23], $0x1  }
0xa3: {  	[sflag:s23] =	ssyncset.done $0x0  }
0xa4: {  	s25 =	simm.s32 $0x1B8E;
	s24 =	sld [smem:$0x3FFE];
	[sflag:s23] =	ssyncadd.s32 $0xFFFFFFFF  }
0xa5: {  	s26 =	simm.s32 $execute0_lowered;
	[smem:$0x3FD2] =	sst s25  }
0xa6: {  	s5 =	sshll.u32 s26, $0x1;
	_ =	strace $0x8000004F;
	[dreg:$0x1] =	wrdreg $0xFFFFFFFF  }
0xa7: {  	s28 =	simm.s32 $_size_execute0_lowered;
	s3 =	sadd.s32 s3, s5;
	[dreg:$0x0] =	wrdreg $0x0  }
0xa8: {  	s5 =	sshll.u32 s28, $0x1;
	[dreg:$0x2] =	wrdreg s3  }
0xa9: {  	[dreg:$0x3] =	wrdreg s5  }
0xaa: {  	[dreg:$0x4] =	wrdreg $0xC0  }
0xab: {  	_ =	task [dreg:s7], $0x5FFFF  }
0xac: {  	[dreg:$0x1] =	wrdreg $0xFFFFFFFF  }
0xad: {  	[dreg:$0x0] =	wrdreg $0x60  }
0xae: {  	[dreg:$0x2] =	wrdreg s2  }
0xaf: {  	[dreg:$0x3] =	wrdreg s24  }
0xb0: {  	[dreg:$0x4] =	wrdreg $0xA8000  }
0xb1: {  	[dreg:$0x5] =	wrdreg $0x9  }
0xb2: {  	_ =	task.clear_ibuf [dreg:s7], $0x6FFFF;
	_ =	strace $0x9000004F  }
0xb3: {  	s29 =	simm.s32 $0x9;
	_ =	strace $0x80000051  }
0xb4: {  	_ =	swait.ge [sflag:s29], $0x1  }
0xb5: {  	[sflag:s29] =	ssyncadd.s32 $0xFFFFFFFF  }
0xb6: {  	_ =	strace $0x90000051  }
0xb7: {  	_ =	sfence  }
0xb8: {  	s30 =	sld [smem:$0x0];
	_ =	sdelay $0x2  }
0xb9: {  	s31 =	sshll.u32 s1, $0xD;
	s1 =	sshrl.u32 s1, $0x2  }
0xba: {  	s3 =	sand.u32 $0x4000, s31;
	s1 =	sadd.s32 s1, s30  }
0xbb: {  	s0 =	sor.u32 s3, s0;
	s1 =	sshll.u32 s1, $0x11  }
0xbc: {  	s0 =	sor.u32 s1, s0  }
0xbd: {  	s0 =	sadd.s32 $0x8F2B, s0  }
0xbe: {  	[sflag:s0] =	ssyncadd.remote.s32 $0x1  }
0xbf: {  	_ =	sfence.sel $0xFFFF  }
0xc0: {  	[dreg:$0x0] =	wrdreg $0xFFFFFFFF;
	(pc) =	sbr.abs _section_cstart, $3  }
0xc1: {  	[dreg:$0x1] =	wrdreg $0xFFFFFFFF  }
0xc2: {  	_ =	task.clear_ibuf [dreg:s7], $0x2FFFF;
	_ =	strace $0x9FFFFFFF  }
0xc3: {  	(tm) =	ssettm $0x7FFFFFFF  }
tec
execute0_lowered:
.L_overlay_start_1:
0x0: {  	(tag) =	ssettag $0x1  }
0x1: {  	s1 =	rddreg [dreg:$0x0]  }
0x2: {  	s6 =	rddreg [dreg:$0x1]  }
0x3: {  	s2 =	rddreg [dreg:$0x2]  }
0x4: {  	s3 =	srdreg.scid;
	s0 =	rddreg [dreg:$0x3];
	s4 =	simm.s32 $0x0  }
0x5: {  	s17 =	simm.s32 $0x3;
	s18 =	simm.s32 $0x6800;
	s19 =	simm.s32 $0x1400  }
0x6: {  	s20 =	simm.s32 $0x80;
	s21 =	simm.s32 $0x1;
	s22 =	simm.s32 $0x2  }
0x7: {  	s23 =	simm.s32 $0x1380;
	s24 =	simm.s32 $0x2700;
	s5 =	sand.u32 $0x1, s3  }
0x8: {  	s25 =	simm.s32 $0x2780;
	s3 =	stileid.u32;
	s7 =	smul.u32 $0x13C000, s5  }
0x9: {  	[smem:$0x7FF] =	sst s4;
	s12 =	sadd.s32 $0x8400, s6;
	s8 =	smul.u32 $0x13C00, s3  }
0xa: {  	s13 =	sadd.s32 $0x12400, s6;
	s29 =	smul.u32 $0x4F000, s3;
	s9 =	sshll.u32 s3, $0x1  }
0xb: {  	_ =	strace $0x80000050;
	s10 =	ssub.s32 $0x2, s5;
	s9 =	sor.u32 s5, s9  }
0xc: {  	s31 =	sshrl.u32 s10, $0x1;
	s7 =	sadd.s32 s8, s7;
	s30 =	sshrl.u32 s29, $0x2  }
0xd: {  	s9 =	smul.u32 $0x2800, s9;
	s15 =	ssub.s32 s10, s31;
	s7 =	sshrl.u32 s7, $0x3  }
0xe: {  	s5 =	sadd.s32 s30, s2;
	s15 =	smax.u32 s15, $0x1;
	s14 =	sadd.s32 s7, s6  }
0xf: {  	s6 =	sadd.s32 $0x4000, s5;
	s7 =	sadd.s32 $0x8000, s5;
	s11 =	sshrl.u32 s9, $0x3  }
0x10: {  	s8 =	sadd.s32 $0xC000, s5;
	s9 =	sadd.s32 $0x10000, s5;
	s10 =	sadd.s32 s12, s11  }
0x11: {  	s16 =	sadd.s32 $0x280, s11;
	s11 =	sadd.s32 s13, s11;
	s14 =	sadd.s32 $0x109400, s14  }
0x12: {  	v0 =	vimm.f32 $0.0e+00;
	s12 =	sadd.s32 s12, s16;
	s13 =	sadd.s32 s13, s16;
	s16 =	simm.s32 $0x2800  }
.LBB2_1:
0x13: {  	s26 =	simm.s32 $0x0;
	s28 =	simm.s32 $0x200  }
.LBB2_2:
0x14: {  	p0 =	sne.s32 s28, $0xFE00;
	[tilespmem:s26+$0x6870] =	vst v0  }
0x15: {  	[tilespmem:s26+$0x2800] =	vst v0  }
0x16: {  	[tilespmem:s26+$0x6800] =	vst v0  }
0x17: {  	[tilespmem:s26+$0x2810] =	vst v0  }
0x18: {  	[tilespmem:s26+$0x6810] =	vst v0  }
0x19: {  	[tilespmem:s26+$0x2820] =	vst v0  }
0x1a: {  	[tilespmem:s26+$0x6820] =	vst v0  }
0x1b: {  	[tilespmem:s26+$0x2830] =	vst v0  }
0x1c: {  	[tilespmem:s26+$0x6830] =	vst v0  }
0x1d: {  	[tilespmem:s26+$0x2840] =	vst v0  }
0x1e: {  	[tilespmem:s26+$0x6840] =	vst v0  }
.Ltmp0:
0x1f: {  	[tilespmem:s26+$0x2850] =	vst v0;
	(pc) =	sbr.rel @p0 .LBB2_2-.Ltmp0, $4  }
0x20: {  	[tilespmem:s26+$0x6850] =	vst v0  }
0x21: {  	[tilespmem:s26+$0x2860] =	vst v0  }
0x22: {  	[tilespmem:s26+$0x6860] =	vst v0  }
0x23: {  	[tilespmem:s26+$0x2870] =	vst v0;
	s26 =	sshra.s32 s28, $0x2;
	s28 =	sadd.s32 $0x200, s28  }
0x24: {  	[tilespmem:s26+$0x6870] =	vst v0  }
0x25: {  	[tilespmem:s26+$0x2800] =	vst v0  }
0x26: {  	[tilespmem:s26+$0x6800] =	vst v0  }
0x27: {  	[tilespmem:s26+$0x2810] =	vst v0  }
0x28: {  	[tilespmem:s26+$0x6810] =	vst v0  }
0x29: {  	[tilespmem:s26+$0x2820] =	vst v0  }
0x2a: {  	[tilespmem:s26+$0x6820] =	vst v0  }
0x2b: {  	[tilespmem:s26+$0x2830] =	vst v0  }
0x2c: {  	[tilespmem:s26+$0x6830] =	vst v0  }
0x2d: {  	[tilespmem:s26+$0x2840] =	vst v0  }
0x2e: {  	[tilespmem:s26+$0x6840] =	vst v0  }
0x2f: {  	[tilespmem:s26+$0x2850] =	vst v0  }
0x30: {  	[tilespmem:s26+$0x6850] =	vst v0  }
0x31: {  	[tilespmem:s26+$0x2860] =	vst v0  }
0x32: {  	[tilespmem:s26+$0x6860] =	vst v0  }
0x33: {  	[tilespmem:s26+$0x2870] =	vst v0  }
0x34: {  	[spmem:s5] =	stream.linear.scatter [tilespmem:s16], [sflag:$0x3], $0x4000, $0x38;
	[tilespmem:$0x1E400] =	vst v63  }
0x35: {  	_ =	swait.ge [sflag:s17], $0x4000  }
0x36: {  	[sflag:s17] =	ssyncset.done $0x0  }
0x37: {  	[sflag:s17] =	ssyncadd.s32 $0xFFFFC000  }
0x38: {  	[spmem:s6] =	stream.linear.scatter [tilespmem:s18], [sflag:$0x3], $0x4000, $0x38;
	[tilespmem:$0x1E400] =	vst v63  }
0x39: {  	_ =	swait.ge [sflag:s17], $0x4000  }
0x3a: {  	[sflag:s17] =	ssyncset.done $0x0  }
0x3b: {  	[sflag:s17] =	ssyncadd.s32 $0xFFFFC000  }
0x3c: {  	[spmem:s7] =	stream.linear.scatter [tilespmem:s16], [sflag:$0x3], $0x4000, $0x38;
	[tilespmem:$0x1E400] =	vst v63  }
0x3d: {  	_ =	swait.ge [sflag:s17], $0x4000  }
0x3e: {  	[sflag:s17] =	ssyncset.done $0x0  }
0x3f: {  	[sflag:s17] =	ssyncadd.s32 $0xFFFFC000  }
0x40: {  	[spmem:s8] =	stream.linear.scatter [tilespmem:s18], [sflag:$0x3], $0x4000, $0x38;
	[tilespmem:$0x1E400] =	vst v63  }
0x41: {  	_ =	swait.ge [sflag:s17], $0x4000  }
0x42: {  	[sflag:s17] =	ssyncset.done $0x0  }
0x43: {  	[sflag:s17] =	ssyncadd.s32 $0xFFFFC000  }
0x44: {  	[spmem:s9] =	stream.linear.scatter [tilespmem:s16], [sflag:$0x3], $0x3C00, $0x38;
	[tilespmem:$0x1E400] =	vst v63  }
0x45: {  	_ =	swait.ge [sflag:s17], $0x3C00  }
0x46: {  	[sflag:s17] =	ssyncset.done $0x0  }
0x47: {  	[sflag:s17] =	ssyncadd.s32 $0xFFFFC400  }
0x48: {  	s30 =	simm.s32 $0x0;
	[bflag:$0x0] =	sbarrier.arrive $0xFFFF  }
0x49: {  	[tilespmem:s30], [sflag:$0x3] =	stream.linear.gather [hbm4b:s10+s30], $0x1400, $0x38;
	[tilespmem:$0x1E400] =	vst v63  }
0x4a: {  	_ =	swait.ge [sflag:s17], $0x1400  }
0x4b: {  	[sflag:s17] =	ssyncset.done $0x0  }
0x4c: {  	[sflag:s17] =	ssyncadd.s32 $0xFFFFEC00  }
0x4d: {  	[tilespmem:s19], [sflag:$0x3] =	stream.linear.gather [hbm4b:s11+s30], $0x1400, $0x38;
	[tilespmem:$0x1E400] =	vst v63  }
0x4e: {  	_ =	swait.ge [sflag:s17], $0x1400  }
0x4f: {  	[sflag:s17] =	ssyncset.done $0x0  }
0x50: {  	[sflag:s17] =	ssyncadd.s32 $0xFFFFEC00  }
0x51: {  	[tilespmem:s16], [sflag:$0x1] =	stream.indirect.gather [hbm4b:s1+s20], $0x80, s30, s20, $0xb8;
	[tilespmem:$0x1E400] =	vst v63  }
0x52: {  	s31 =	simm.s32 $0x80  }
0x53: {  	[tilespmem:s18], [sflag:$0x2] =	stream.indirect.gather [hbm4b:s1+s20], $0x80, s31, s20, $0xb8;
	[tilespmem:$0x1E400] =	vst v63  }
0x54: {  	_ =	swait.ge [sflag:s21], $0x4000  }
0x55: {  	[sflag:s21] =	ssyncset.done $0x0  }
0x56: {  	s29 =	simm.s32 $0x1400;
	[sflag:s21] =	ssyncadd.s32 $0xFFFFC000  }
0x57: {  	[spmem:s2] =	stream.indirect.scatter.add.f32 [tilespmem:s16], [sflag:$0x3], $0x80, s29, s20, $0xb8;
	[tilespmem:$0x1E400] =	vst v63  }
0x58: {  	_ =	swait.ge [sflag:s17], $0x4000  }
0x59: {  	[sflag:s17] =	ssyncset.done $0x0  }
0x5a: {  	s30 =	simm.s32 $0x100;
	[sflag:s17] =	ssyncadd.s32 $0xFFFFC000  }
0x5b: {  	[tilespmem:s16], [sflag:$0x1] =	stream.indirect.gather [hbm4b:s1+s20], $0x80, s30, s20, $0xb8;
	[tilespmem:$0x1E400] =	vst v63  }
0x5c: {  	_ =	swait.ge [sflag:s22], $0x4000  }
0x5d: {  	[sflag:s22] =	ssyncset.done $0x0  }
0x5e: {  	s31 =	simm.s32 $0x1480;
	[sflag:s22] =	ssyncadd.s32 $0xFFFFC000  }
0x5f: {  	[spmem:s2] =	stream.indirect.scatter.add.f32 [tilespmem:s18], [sflag:$0x3], $0x80, s31, s20, $0xb8;
	[tilespmem:$0x1E400] =	vst v63  }
0x60: {  	_ =	swait.ge [sflag:s17], $0x4000  }
0x61: {  	s28 =	simm.s32 $0x800;
	s26 =	simm.s32 $0x100;
	[sflag:s17] =	ssyncset.done $0x0  }
.LBB2_4:
0x62: {  	s29 =	sadd.s32 $0x80, s26  }
0x63: {  	[sflag:s17] =	ssyncadd.s32 $0xFFFFC000;
	s30 =	smov.u32 s28;
	s31 =	sadd.s32 $0x400, s28  }
0x64: {  	[tilespmem:s18], [sflag:$0x2] =	stream.indirect.gather [hbm4b:s1+s20], $0x80, s29, s20, $0xb8;
	[tilespmem:$0x1E400] =	vst v63  }
0x65: {  	p0 =	sne.s32 s28, $0x4800;
	_ =	swait.ge [sflag:s21], $0x4000  }
0x66: {  	[sflag:s21] =	ssyncset.done $0x0  }
0x67: {  	s28 =	sadd.s32 $0x1400, s26;
	[sflag:s21] =	ssyncadd.s32 $0xFFFFC000  }
0x68: {  	[spmem:s2] =	stream.indirect.scatter.add.f32 [tilespmem:s16], [sflag:$0x3], $0x80, s28, s20, $0xb8;
	[tilespmem:$0x1E400] =	vst v63  }
0x69: {  	_ =	swait.ge [sflag:s17], $0x4000  }
0x6a: {  	[sflag:s17] =	ssyncset.done $0x0  }
0x6b: {  	s28 =	sadd.s32 $0x100, s26;
	[sflag:s17] =	ssyncadd.s32 $0xFFFFC000  }
0x6c: {  	[tilespmem:s16], [sflag:$0x1] =	stream.indirect.gather [hbm4b:s1+s20], $0x80, s28, s20, $0xb8;
	[tilespmem:$0x1E400] =	vst v63  }
0x6d: {  	_ =	swait.ge [sflag:s22], $0x4000  }
.Ltmp1:
0x6e: {  	[sflag:s22] =	ssyncset.done $0x0;
	(pc) =	sbr.rel @p0 .LBB2_4-.Ltmp1, $4  }
0x6f: {  	s26 =	sadd.s32 $0x1480, s26;
	[sflag:s22] =	ssyncadd.s32 $0xFFFFC000  }
0x70: {  	[spmem:s2] =	stream.indirect.scatter.add.f32 [tilespmem:s18], [sflag:$0x3], $0x80, s26, s20, $0xb8;
	[tilespmem:$0x1E400] =	vst v63  }
0x71: {  	_ =	swait.ge [sflag:s17], $0x4000  }
0x72: {  	s28 =	smov.u32 s31;
	s26 =	sshra.s32 s30, $0x2;
	[sflag:s17] =	ssyncset.done $0x0  }
0x73: {  	s28 =	sadd.s32 $0x80, s26;
	[sflag:s17] =	ssyncadd.s32 $0xFFFFC000  }
0x74: {  	[tilespmem:s18], [sflag:$0x2] =	stream.indirect.gather [hbm4b:s1+s20], $0x80, s28, s20, $0xb8;
	[tilespmem:$0x1E400] =	vst v63  }
0x75: {  	_ =	swait.ge [sflag:s21], $0x4000  }
0x76: {  	[sflag:s21] =	ssyncset.done $0x0  }
0x77: {  	s28 =	sadd.s32 $0x1400, s26;
	[sflag:s21] =	ssyncadd.s32 $0xFFFFC000  }
0x78: {  	[spmem:s2] =	stream.indirect.scatter.add.f32 [tilespmem:s16], [sflag:$0x3], $0x80, s28, s20, $0xb8;
	[tilespmem:$0x1E400] =	vst v63  }
0x79: {  	_ =	swait.ge [sflag:s17], $0x4000  }
0x7a: {  	[sflag:s17] =	ssyncset.done $0x0  }
0x7b: {  	s28 =	sadd.s32 $0x100, s26;
	[sflag:s17] =	ssyncadd.s32 $0xFFFFC000  }
0x7c: {  	[tilespmem:s16], [sflag:$0x1] =	stream.indirect.gather [hbm4b:s1+s20], $0x80, s28, s20, $0xb8;
	[tilespmem:$0x1E400] =	vst v63  }
0x7d: {  	_ =	swait.ge [sflag:s22], $0x4000  }
0x7e: {  	[sflag:s22] =	ssyncset.done $0x0  }
0x7f: {  	s29 =	sadd.s32 $0x1480, s26;
	[sflag:s22] =	ssyncadd.s32 $0xFFFFC000  }
0x80: {  	[spmem:s2] =	stream.indirect.scatter.add.f32 [tilespmem:s18], [sflag:$0x3], $0x80, s29, s20, $0xb8;
	[tilespmem:$0x1E400] =	vst v63  }
0x81: {  	_ =	swait.ge [sflag:s17], $0x4000  }
0x82: {  	[sflag:s17] =	ssyncset.done $0x0  }
0x83: {  	[sflag:s17] =	ssyncadd.s32 $0xFFFFC000  }
0x84: {  	[tilespmem:s18], [sflag:$0x2] =	stream.indirect.gather [hbm4b:s1+s20], $0x80, s23, s20, $0xb8;
	[tilespmem:$0x1E400] =	vst v63  }
0x85: {  	_ =	swait.ge [sflag:s21], $0x4000  }
0x86: {  	[sflag:s21] =	ssyncset.done $0x0  }
0x87: {  	[sflag:s21] =	ssyncadd.s32 $0xFFFFC000  }
0x88: {  	[spmem:s2] =	stream.indirect.scatter.add.f32 [tilespmem:s16], [sflag:$0x3], $0x80, s24, s20, $0xb8;
	[tilespmem:$0x1E400] =	vst v63  }
0x89: {  	_ =	swait.ge [sflag:s17], $0x4000  }
0x8a: {  	[sflag:s17] =	ssyncset.done $0x0  }
0x8b: {  	[sflag:s17] =	ssyncadd.s32 $0xFFFFC000  }
0x8c: {  	_ =	swait.ge [sflag:s22], $0x4000  }
0x8d: {  	[sflag:s22] =	ssyncset.done $0x0  }
0x8e: {  	[sflag:s22] =	ssyncadd.s32 $0xFFFFC000  }
0x8f: {  	[spmem:s2] =	stream.indirect.scatter.add.f32 [tilespmem:s18], [sflag:$0x3], $0x80, s25, s20, $0xb8;
	[tilespmem:$0x1E400] =	vst v63  }
0x90: {  	_ =	swait.ge [sflag:s17], $0x4000  }
0x91: {  	[sflag:s17] =	ssyncset.done $0x0  }
0x92: {  	s30 =	simm.s32 $0x0;
	[sflag:s17] =	ssyncadd.s32 $0xFFFFC000  }
0x93: {  	[tilespmem:s30], [sflag:$0x3] =	stream.linear.gather [hbm4b:s12+s30], $0x1400, $0x38;
	[tilespmem:$0x1E400] =	vst v63  }
0x94: {  	_ =	swait.ge [sflag:s17], $0x1400  }
0x95: {  	[sflag:s17] =	ssyncset.done $0x0  }
0x96: {  	[sflag:s17] =	ssyncadd.s32 $0xFFFFEC00  }
0x97: {  	[tilespmem:s19], [sflag:$0x3] =	stream.linear.gather [hbm4b:s13+s30], $0x1400, $0x38;
	[tilespmem:$0x1E400] =	vst v63  }
0x98: {  	_ =	swait.ge [sflag:s17], $0x1400  }
0x99: {  	[sflag:s17] =	ssyncset.done $0x0  }
0x9a: {  	[sflag:s17] =	ssyncadd.s32 $0xFFFFEC00  }
0x9b: {  	[tilespmem:s16], [sflag:$0x1] =	stream.indirect.gather [hbm4b:s1+s20], $0x80, s30, s20, $0xb8;
	[tilespmem:$0x1E400] =	vst v63  }
0x9c: {  	s31 =	simm.s32 $0x80  }
0x9d: {  	[tilespmem:s18], [sflag:$0x2] =	stream.indirect.gather [hbm4b:s1+s20], $0x80, s31, s20, $0xb8;
	[tilespmem:$0x1E400] =	vst v63  }
0x9e: {  	_ =	swait.ge [sflag:s21], $0x4000  }
0x9f: {  	[sflag:s21] =	ssyncset.done $0x0  }
0xa0: {  	s29 =	simm.s32 $0x1400;
	[sflag:s21] =	ssyncadd.s32 $0xFFFFC000  }
0xa1: {  	[spmem:s2] =	stream.indirect.scatter.add.f32 [tilespmem:s16], [sflag:$0x3], $0x80, s29, s20, $0xb8;
	[tilespmem:$0x1E400] =	vst v63  }
0xa2: {  	_ =	swait.ge [sflag:s17], $0x4000  }
0xa3: {  	[sflag:s17] =	ssyncset.done $0x0  }
0xa4: {  	s30 =	simm.s32 $0x100;
	[sflag:s17] =	ssyncadd.s32 $0xFFFFC000  }
0xa5: {  	[tilespmem:s16], [sflag:$0x1] =	stream.indirect.gather [hbm4b:s1+s20], $0x80, s30, s20, $0xb8;
	[tilespmem:$0x1E400] =	vst v63  }
0xa6: {  	_ =	swait.ge [sflag:s22], $0x4000  }
0xa7: {  	[sflag:s22] =	ssyncset.done $0x0  }
0xa8: {  	s31 =	simm.s32 $0x1480;
	[sflag:s22] =	ssyncadd.s32 $0xFFFFC000  }
0xa9: {  	[spmem:s2] =	stream.indirect.scatter.add.f32 [tilespmem:s18], [sflag:$0x3], $0x80, s31, s20, $0xb8;
	[tilespmem:$0x1E400] =	vst v63  }
0xaa: {  	_ =	swait.ge [sflag:s17], $0x4000  }
0xab: {  	s26 =	simm.s32 $0x100;
	s28 =	simm.s32 $0x800;
	[sflag:s17] =	ssyncset.done $0x0  }
.LBB2_6:
0xac: {  	s29 =	sadd.s32 $0x80, s26  }
0xad: {  	[sflag:s17] =	ssyncadd.s32 $0xFFFFC000;
	s30 =	smov.u32 s28;
	s31 =	sadd.s32 $0x400, s28  }
0xae: {  	[tilespmem:s18], [sflag:$0x2] =	stream.indirect.gather [hbm4b:s1+s20], $0x80, s29, s20, $0xb8;
	[tilespmem:$0x1E400] =	vst v63  }
0xaf: {  	p0 =	sne.s32 s28, $0x4800;
	_ =	swait.ge [sflag:s21], $0x4000  }
0xb0: {  	[sflag:s21] =	ssyncset.done $0x0  }
0xb1: {  	s28 =	sadd.s32 $0x1400, s26;
	[sflag:s21] =	ssyncadd.s32 $0xFFFFC000  }
0xb2: {  	[spmem:s2] =	stream.indirect.scatter.add.f32 [tilespmem:s16], [sflag:$0x3], $0x80, s28, s20, $0xb8;
	[tilespmem:$0x1E400] =	vst v63  }
0xb3: {  	_ =	swait.ge [sflag:s17], $0x4000  }
0xb4: {  	[sflag:s17] =	ssyncset.done $0x0  }
0xb5: {  	s28 =	sadd.s32 $0x100, s26;
	[sflag:s17] =	ssyncadd.s32 $0xFFFFC000  }
0xb6: {  	[tilespmem:s16], [sflag:$0x1] =	stream.indirect.gather [hbm4b:s1+s20], $0x80, s28, s20, $0xb8;
	[tilespmem:$0x1E400] =	vst v63  }
0xb7: {  	_ =	swait.ge [sflag:s22], $0x4000  }
.Ltmp2:
0xb8: {  	[sflag:s22] =	ssyncset.done $0x0;
	(pc) =	sbr.rel @p0 .LBB2_6-.Ltmp2, $4  }
0xb9: {  	s26 =	sadd.s32 $0x1480, s26;
	[sflag:s22] =	ssyncadd.s32 $0xFFFFC000  }
0xba: {  	[spmem:s2] =	stream.indirect.scatter.add.f32 [tilespmem:s18], [sflag:$0x3], $0x80, s26, s20, $0xb8;
	[tilespmem:$0x1E400] =	vst v63  }
0xbb: {  	_ =	swait.ge [sflag:s17], $0x4000  }
0xbc: {  	s28 =	smov.u32 s31;
	s26 =	sshra.s32 s30, $0x2;
	[sflag:s17] =	ssyncset.done $0x0  }
0xbd: {  	s28 =	sadd.s32 $0x80, s26;
	[sflag:s17] =	ssyncadd.s32 $0xFFFFC000  }
0xbe: {  	[tilespmem:s18], [sflag:$0x2] =	stream.indirect.gather [hbm4b:s1+s20], $0x80, s28, s20, $0xb8;
	[tilespmem:$0x1E400] =	vst v63  }
0xbf: {  	_ =	swait.ge [sflag:s21], $0x4000  }
0xc0: {  	[sflag:s21] =	ssyncset.done $0x0  }
0xc1: {  	s30 =	sadd.s32 $0x1400, s26;
	[sflag:s21] =	ssyncadd.s32 $0xFFFFC000  }
0xc2: {  	[spmem:s2] =	stream.indirect.scatter.add.f32 [tilespmem:s16], [sflag:$0x3], $0x80, s30, s20, $0xb8;
	[tilespmem:$0x1E400] =	vst v63  }
0xc3: {  	_ =	swait.ge [sflag:s17], $0x4000  }
0xc4: {  	[sflag:s17] =	ssyncset.done $0x0  }
0xc5: {  	s31 =	sadd.s32 $0x100, s26;
	[sflag:s17] =	ssyncadd.s32 $0xFFFFC000  }
0xc6: {  	[tilespmem:s16], [sflag:$0x1] =	stream.indirect.gather [hbm4b:s1+s20], $0x80, s31, s20, $0xb8;
	[tilespmem:$0x1E400] =	vst v63  }
0xc7: {  	_ =	swait.ge [sflag:s22], $0x4000  }
0xc8: {  	[sflag:s22] =	ssyncset.done $0x0  }
0xc9: {  	s29 =	sadd.s32 $0x1480, s26;
	[sflag:s22] =	ssyncadd.s32 $0xFFFFC000  }
0xca: {  	[spmem:s2] =	stream.indirect.scatter.add.f32 [tilespmem:s18], [sflag:$0x3], $0x80, s29, s20, $0xb8;
	[tilespmem:$0x1E400] =	vst v63  }
0xcb: {  	_ =	swait.ge [sflag:s17], $0x4000  }
0xcc: {  	[sflag:s17] =	ssyncset.done $0x0  }
0xcd: {  	[sflag:s17] =	ssyncadd.s32 $0xFFFFC000  }
0xce: {  	[tilespmem:s18], [sflag:$0x2] =	stream.indirect.gather [hbm4b:s1+s20], $0x80, s23, s20, $0xb8;
	[tilespmem:$0x1E400] =	vst v63  }
0xcf: {  	_ =	swait.ge [sflag:s21], $0x4000  }
0xd0: {  	[sflag:s21] =	ssyncset.done $0x0  }
0xd1: {  	[sflag:s21] =	ssyncadd.s32 $0xFFFFC000  }
0xd2: {  	[spmem:s2] =	stream.indirect.scatter.add.f32 [tilespmem:s16], [sflag:$0x3], $0x80, s24, s20, $0xb8;
	[tilespmem:$0x1E400] =	vst v63  }
0xd3: {  	_ =	swait.ge [sflag:s17], $0x4000  }
0xd4: {  	[sflag:s17] =	ssyncset.done $0x0  }
0xd5: {  	[sflag:s17] =	ssyncadd.s32 $0xFFFFC000  }
0xd6: {  	_ =	swait.ge [sflag:s22], $0x4000  }
0xd7: {  	[sflag:s22] =	ssyncset.done $0x0  }
0xd8: {  	[sflag:s22] =	ssyncadd.s32 $0xFFFFC000  }
0xd9: {  	[spmem:s2] =	stream.indirect.scatter.add.f32 [tilespmem:s18], [sflag:$0x3], $0x80, s25, s20, $0xb8;
	[tilespmem:$0x1E400] =	vst v63  }
0xda: {  	_ =	swait.ge [sflag:s17], $0x4000  }
0xdb: {  	s4 =	sadd.s32 $0x1, s4;
	s30 =	sshll.u32 s3, $0x6;
	[sflag:s17] =	ssyncset.done $0x0  }
0xdc: {  	p0 =	sne.s32 s4, s15;
	s26 =	sor.u32 $0x1C03, s30;
	[sflag:s17] =	ssyncadd.s32 $0xFFFFC000  }
.Ltmp3:
0xdd: {  	s31 =	sshrl.u32 s5, $0x3;
	[bflag:$0x0] =	sbarrier.arrive $0xFFFF;
	(pc) =	sbr.rel @p0 .LBB2_1-.Ltmp3, $4  }
0xde: {  	[hbm:s14], [sflag:s26] =	dma.local [spmem:s31], $0x2780  }
0xdf: {  	_ =	swait.ge [sflag:s17], $0x2780  }
0xe0: {  	[sflag:s17] =	ssyncset.done $0x0  }
0xe1: {  	[sflag:s17] =	ssyncadd.s32 $0xFFFFD880  }
0xe2: {  	_ =	sfence.sel $0x180000  }
0xe3: {  	[bflag:$0x0] =	sbarrier.arrive $0xFFFF  }
0xe4: {  	p0 =	sne.s32 s3, $0x0;
	_ =	strace $0x90000050  }
0xe5: {  	s0 =	sadd.s32 @!p0 $0x100000, s0;
	[bflag:$0x2] =	sbarrier.arrive $0xFFFF  }
0xe6: {  	[sflag:s0] =	ssyncadd.tile.s32 @!p0 $0x1;
	_ =	shalt  }
.Lfunc_end2:
_tile_overlayer_lowered:
.L_overlay_start_2:
0xe7: {  	(tag) =	ssettag $0x2  }
0xe8: {  	s0 =	rddreg [dreg:$0x0];
	s2 =	stileid.u32  }
0xe9: {  	s1 =	rddreg [dreg:$0x1];
	p0 =	sne.s32 s2, $0x0  }
0xea: {  	s3 =	rddreg [dreg:$0x2];
	[bflag:$0x3] =	sbarrier.arrive $0xFFFF;
	s2 =	simm.s32 @!p0 $0x1C03  }
0xeb: {  	[timem:s3], [sflag:s2] =	dma.local @!p0 [hbm:s0], s1  }
0xec: {  	s0 =	simm.s32 @!p0 $0x3  }
0xed: {  	_ =	swait.ge @!p0 [sflag:s0], s1  }
0xee: {  	s1 =	ssub.s32 @!p0 $0x0, s1;
	[sflag:s0] =	ssyncset.done @!p0 $0x0  }
0xef: {  	[sflag:s0] =	ssyncadd.s32 @!p0 s1  }
0xf0: {  	[bflag:$0x3] =	sbarrier.arrive $0xFFFF  }
0xf1: {  	_ =	shalt  }

</sc_bundles>
